<compile_context>
chip_gen: v7x
topology: tpu7x:2x2x1
jax: 0.10.2.dev20260603
libtpu: 0.0.44.dev20260713+nightly
codegen_flags: <defaults>
</compile_context>

<pallas_src>
import jax
import jax.numpy as jnp
from jax import lax
from jax.experimental import pallas as pl
from jax.experimental.pallas import tpu as pltpu
from jax.experimental.pallas import tpu_sc as plsc

LANES = 16
NW = 32
SHIFT = 13
SROWS = 1 << SHIFT
CAP = 48


def _sc_pool(ids_m, tok_emb):
    B, TPAD = ids_m.shape
    V, D = tok_emb.shape
    BPW = B // NW
    NCH = TPAD // LANES
    ND = D // LANES
    NPASS = -(-V // SROWS)
    LAST = V - SROWS

    def body(ids_hbm, table_hbm, out_hbm,
             ids_v, bkt_v, rows_v, acc_v, cnt_v, counts_s, stab,
             sem0, sem1, sem2):
        sems = (sem0, sem1, sem2)
        sid = lax.axis_index("s")
        wid = sid * 2 + lax.axis_index("c")
        base = wid * BPW
        pltpu.sync_copy(ids_hbm.at[pl.ds(base, BPW)], ids_v)

        dummy = jnp.full((LANES,), SROWS, dtype=jnp.int32)
        zero16 = jnp.zeros((LANES,), jnp.float32)
        ones = jnp.ones((LANES,), jnp.int32)
        iota = lax.iota(jnp.int32, LANES)
        gdn = lax.GatherDimensionNumbers(
            offset_dims=(), collapsed_slice_dims=(0,), start_index_map=(0,))

        def fill(i, carry):
            bkt_v[pl.ds(i * LANES, LANES)] = dummy
            return carry
        lax.fori_loop(0, (BPW * NPASS * CAP) // LANES, fill, 0)

        def clr(r, carry):
            for k in range(ND):
                acc_v[r, pl.ds(k * LANES, LANES)] = zero16
            return carry
        lax.fori_loop(0, BPW, clr, 0)

        for k in range(ND):
            rows_v[0, pl.ds(k * LANES, LANES)] = zero16

        @pl.when(sid == 0)
        def _():
            pltpu.sync_copy(rows_v.at[pl.ds(0, 1)], stab.at[pl.ds(SROWS, 1)])

        def route_row(r, carry):
            rbase = jnp.broadcast_to(r * (NPASS * CAP), (LANES,))
            cnt_v[pl.ds(0, LANES)] = jnp.zeros((LANES,), jnp.int32)

            def route_chunk(j, carry2):
                ids = ids_v[r, pl.ds(j * LANES, LANES)]
                am = ids >= 0
                s = jnp.where(am, jnp.right_shift(ids, SHIFT), NPASS)
                rel = ids - jnp.minimum(jnp.left_shift(s, SHIFT), LAST)
                rank, _last = plsc.scan_count(s, mask=am)
                cnt = cnt_v[pl.ds(0, LANES)]
                c_of_s = lax.gather(
                    cnt, s.reshape(LANES, 1), gdn, (1,),
                    mode=lax.GatherScatterMode.PROMISE_IN_BOUNDS)
                sbase = rbase + s * CAP
                pos = sbase + c_of_s + rank - 1
                pos = jnp.minimum(pos, sbase + (CAP - 1))
                plsc.store_scatter(bkt_v, [pos], rel, mask=am)
                plsc.addupdate_scatter(cnt_v, [s], ones, mask=am)
                return carry2

            lax.fori_loop(0, NCH, route_chunk, 0)
            cnt = cnt_v[pl.ds(0, LANES)]
            for p in range(NPASS):
                counts_s[r * NPASS + p] = cnt[p]
            return carry

        lax.fori_loop(0, BPW, route_row, 0)

        SLICE = SROWS // LANES
        def do_pass(p, carry):
            start = jnp.minimum(p * SROWS, LAST)
            plsc.subcore_barrier()
            pltpu.sync_copy(
                table_hbm.at[pl.ds(start + sid * SLICE, SLICE)],
                stab.at[pl.ds(sid * SLICE, SLICE)])
            plsc.subcore_barrier()

            def fire0(r, band):
                bb = r * (NPASS * CAP) + p * CAP
                pltpu.async_copy(
                    stab.at[bkt_v.at[pl.ds(bb, LANES)]],
                    rows_v.at[pl.ds(band * LANES, LANES)], sems[band])

            def drain(band):
                pltpu.make_async_copy(
                    table_hbm.at[pl.ds(0, LANES)],
                    rows_v.at[pl.ds(band * LANES, LANES)],
                    sems[band]).wait()

            def accum_band(band, acc):
                for t in range(LANES):
                    acc = tuple(
                        acc[kk] + rows_v[band * LANES + t,
                                         pl.ds(kk * LANES, LANES)]
                        for kk in range(ND))
                return acc

            def rest_chunks(r, acc):
                k = counts_s[r * NPASS + p]
                nck = jnp.right_shift(k + (LANES - 1), 4)
                bb = r * (NPASS * CAP) + p * CAP

                def chunk(c, a):
                    pltpu.async_copy(
                        stab.at[bkt_v.at[pl.ds(bb + c * LANES, LANES)]],
                        rows_v.at[pl.ds(2 * LANES, LANES)], sems[2])
                    drain(2)
                    return accum_band(2, a)

                return lax.fori_loop(1, nck, chunk, acc)

            fire0(0, 0)

            def pair(i, carry2):
                for half in (0, 1):
                    r = 2 * i + half
                    if half == 0:
                        fire0(r + 1, 1)
                    else:
                        @pl.when(i < BPW // 2 - 1)
                        def _():
                            fire0(r + 1, 0)
                    drain(half)
                    acc = tuple(acc_v[r, pl.ds(kk * LANES, LANES)]
                                for kk in range(ND))
                    acc = accum_band(half, acc)
                    acc = rest_chunks(r, acc)
                    for kk in range(ND):
                        acc_v[r, pl.ds(kk * LANES, LANES)] = acc[kk]
                return carry2

            lax.fori_loop(0, BPW // 2, pair, 0)
            return carry

        lax.fori_loop(0, NPASS, do_pass, 0)
        pltpu.sync_copy(acc_v, out_hbm.at[pl.ds(base, BPW)])

    mesh = plsc.VectorSubcoreMesh(core_axis_name="c", subcore_axis_name="s")
    f = pl.kernel(
        body,
        out_type=jax.ShapeDtypeStruct((B, D), jnp.float32),
        mesh=mesh,
        compiler_params=pltpu.CompilerParams(needs_layout_passes=False),
        scratch_types=[
            pltpu.VMEM((BPW, TPAD), jnp.int32),
            pltpu.VMEM((BPW * NPASS * CAP,), jnp.int32),
            pltpu.VMEM((3 * LANES, D), jnp.float32),
            pltpu.VMEM((BPW, D), jnp.float32),
            pltpu.VMEM((LANES,), jnp.int32),
            pltpu.SMEM((BPW * NPASS,), jnp.int32),
            pltpu.VMEM_SHARED((SROWS + 1, D), jnp.float32),
            pltpu.SemaphoreType.DMA,
            pltpu.SemaphoreType.DMA,
            pltpu.SemaphoreType.DMA,
        ],
    )
    return f(ids_m, tok_emb)


def _tc_pos(mask, pos):
    B = mask.shape[0]
    D = pos.shape[1]

    def body(mask_ref, pos_ref, posacc_ref, cnt_ref):
        mf = mask_ref[...].astype(jnp.float32)
        cnt_ref[...] = jnp.sum(mf, axis=1, keepdims=True)
        posacc_ref[...] = lax.dot_general(
            mf, pos_ref[...], (((1,), (0,)), ((), ())),
            preferred_element_type=jnp.float32)

    return pl.pallas_call(
        body,
        out_shape=(jax.ShapeDtypeStruct((B, D), jnp.float32),
                   jax.ShapeDtypeStruct((B, 1), jnp.float32)),
    )(mask, pos)


def _tc_finish(acc, posacc, cnt, gamma, beta, W, bias):
    B, D = acc.shape
    NCLS = W.shape[0]

    def body(acc_ref, posacc_ref, cnt_ref, gamma_ref, beta_ref,
             w_ref, bias_ref, out_ref):
        cnt = cnt_ref[...]
        pooled = (acc_ref[...] + posacc_ref[...]) / jnp.maximum(cnt, 1.0)
        mu = jnp.mean(pooled, axis=1, keepdims=True)
        var = jnp.mean((pooled - mu) ** 2, axis=1, keepdims=True)
        h = (pooled - mu) * lax.rsqrt(var + 1e-5) * gamma_ref[...] + beta_ref[...]
        out_ref[...] = lax.dot_general(
            h, w_ref[...], (((1,), (1,)), ((), ())),
            preferred_element_type=jnp.float32) + bias_ref[...]

    return pl.pallas_call(
        body,
        out_shape=jax.ShapeDtypeStruct((B, NCLS), jnp.float32),
    )(acc, posacc, cnt, gamma, beta, W, bias)


def kernel(input_ids, attention_mask, tok_emb, pos_emb, gamma, beta, W, b):
    B, T = input_ids.shape
    D = tok_emb.shape[1]
    NCLS = W.shape[0]
    tpad = ((T + LANES - 1) // LANES) * LANES

    ids_m = jnp.where(attention_mask != 0, input_ids, -1)
    ids_m = jnp.pad(ids_m, ((0, 0), (0, tpad - T)), constant_values=-1)

    posacc, cnt = _tc_pos(attention_mask, pos_emb[:T])
    acc = _sc_pool(ids_m, tok_emb)
    logits = _tc_finish(
        acc, posacc, cnt,
        gamma.reshape(1, D), beta.reshape(1, D), W, b.reshape(1, NCLS))
    return logits

# --- scband reference (transcript-rebuilt; emitter-appended) ---
"""Pipeline reference for scband-mean-pool-71244917506705 (READ-ONLY COPY).

The authoritative reference and input builder live on the scoring server;
editing this copy changes nothing except your own understanding.
"""

import jax, jax.numpy as jnp
import numpy as np

VOCAB = 100000
MAX_LEN = 512
D_MODEL = 128
NUM_CLASSES = 100
B = 1024
T = 200

def setup_inputs(seed: int = 0) -> dict:
    key = jax.random.key(seed)
    ks = jax.random.split(key, 8)
    input_ids = jax.random.randint(ks[0], (B, T), 0, VOCAB, dtype=jnp.int64 if jax.config.jax_enable_x64 else jnp.int32).astype(jnp.int32)
    attention_mask = jax.random.randint(ks[1], (B, T), 0, 2).astype(jnp.int32)
    tok_emb = jax.random.normal(ks[2], (VOCAB, D_MODEL), dtype=jnp.float32) * 0.02
    pos_emb = jax.random.normal(ks[3], (MAX_LEN, D_MODEL), dtype=jnp.float32) * 0.02
    gamma = jnp.ones((D_MODEL,), dtype=jnp.float32)
    beta = jnp.zeros((D_MODEL,), dtype=jnp.float32)
    W = jax.random.normal(ks[4], (NUM_CLASSES, D_MODEL), dtype=jnp.float32) * (1.0 / np.sqrt(D_MODEL))
    b = jnp.zeros((NUM_CLASSES,), dtype=jnp.float32)
    return {"input_ids": input_ids, "attention_mask": attention_mask, "tok_emb": tok_emb,
            "pos_emb": pos_emb, "gamma": gamma, "beta": beta, "W": W, "b": b}

def reference(input_ids, attention_mask, tok_emb, pos_emb, gamma, beta, W, b):
    Bc, Tc = input_ids.shape
    pos = jnp.arange(Tc)
    x = jnp.take(tok_emb, input_ids, axis=0) + jnp.take(pos_emb, pos, axis=0)[None, :, :]
    # dropout is identity in eval mode
    m = attention_mask.astype(x.dtype)[:, :, None]
    pooled = (x * m).sum(axis=1) / jnp.clip(m.sum(axis=1), 1.0, None)
    mu = pooled.mean(axis=-1, keepdims=True)
    var = ((pooled - mu) ** 2).mean(axis=-1, keepdims=True)
    h = (pooled - mu) / jnp.sqrt(var + 1e-5) * gamma + beta
    logits = h @ W.T + b
    return logits

if __name__ == "__main__":
    import jax
    _d = setup_inputs()
    print(jax.jit(kernel)(*tuple(_d.values())))

</pallas_src>

<mosaic_0001>
#map = affine_map<(d0, d1) -> (0, 0)>
module attributes {stable_mosaic.version = 14 : i64} {
  func.func @body(%arg0: i32, %arg1: i32, %arg2: memref<1024x208xi32, #tpu.memory_space<hbm>>, %arg3: memref<100000x128xf32, #tpu.memory_space<hbm>>, %arg4: memref<1024x128xf32, #tpu.memory_space<hbm>>, %arg5: memref<32x208xi32, #tpu.memory_space<vmem>>, %arg6: memref<19968xi32, #tpu.memory_space<vmem>>, %arg7: memref<48x128xf32, #tpu.memory_space<vmem>>, %arg8: memref<32x128xf32, #tpu.memory_space<vmem>>, %arg9: memref<16xi32, #tpu.memory_space<vmem>>, %arg10: memref<416xi32, #tpu.memory_space<smem>>, %arg11: memref<8193x128xf32, #tpu.memory_space<vmem_shared>>, %arg12: memref<!tpu.dma_semaphore, #tpu.memory_space<semaphore_mem>>, %arg13: memref<!tpu.dma_semaphore, #tpu.memory_space<semaphore_mem>>, %arg14: memref<!tpu.dma_semaphore, #tpu.memory_space<semaphore_mem>>) attributes {dimension_semantics = [#tpu.dimension_semantics<core_parallel>, #tpu.dimension_semantics<subcore_parallel>], iteration_bounds = array<i64: 2, 16>, scalar_prefetch = 0 : i64, scratch_operands = 10 : i64, tpu.core_type = #tpu.core_type<sc_vector_subcore>, window_params = [{transform_indices = #map}, {transform_indices = #map}, {transform_indices = #map}]} {
    %mul3A = arith.constant 2 : i32
    %mul3A_0 = arith.muli %arg1, %mul3A : i32
    %add3A = arith.addi %mul3A_0, %arg0 : i32
    %mul3A_1 = arith.constant 32 : i32
    %mul3A_2 = arith.muli %add3A, %mul3A_1 : i32
    "tpu.region"() ({
      %run_scoped3A = tpu.sem_alloc : memref<!tpu.dma_semaphore, #tpu.memory_space<semaphore_mem>>
      %dma_start3A = arith.constant 0 : i32
      %dma_start3A_64 = tpu.memref_slice %arg2[%mul3A_2, %dma_start3A] : memref<1024x208xi32, #tpu.memory_space<hbm>> -> memref<32x208xi32, #tpu.memory_space<hbm>>
      %dma_start3A_65 = arith.constant 0 : i32
      %dma_start3A_66 = tpu.memref_slice %arg2[%mul3A_2, %dma_start3A_65] : memref<1024x208xi32, #tpu.memory_space<hbm>> -> memref<32x208xi32, #tpu.memory_space<hbm>>
      tpu.enqueue_dma source(%dma_start3A_66 : memref<32x208xi32, #tpu.memory_space<hbm>>) target(%arg5 : memref<32x208xi32, #tpu.memory_space<vmem>>) target_semaphore(%run_scoped3A : memref<!tpu.dma_semaphore, #tpu.memory_space<semaphore_mem>>)
      %dma_wait3A = arith.constant 0 : i32
      %dma_wait3A_67 = tpu.memref_slice %arg2[%mul3A_2, %dma_wait3A] : memref<1024x208xi32, #tpu.memory_space<hbm>> -> memref<32x208xi32, #tpu.memory_space<hbm>>
      %dma_wait3A_68 = arith.constant 0 : i32
      %dma_wait3A_69 = tpu.memref_slice %arg2[%mul3A_2, %dma_wait3A_68] : memref<1024x208xi32, #tpu.memory_space<hbm>> -> memref<32x208xi32, #tpu.memory_space<hbm>>
      tpu.wait_dma2 semaphore(%run_scoped3A : memref<!tpu.dma_semaphore, #tpu.memory_space<semaphore_mem>>) src(%dma_wait3A_69 : memref<32x208xi32, #tpu.memory_space<hbm>>) dst(%arg5 : memref<32x208xi32, #tpu.memory_space<vmem>>)
      tpu.yield
    }) : () -> ()
    %broadcast_in_dim3A = arith.constant 8192 : i32
    %broadcast_in_dim3A_3 = vector.broadcast %broadcast_in_dim3A : i32 to vector<16xi32>
    %broadcast_in_dim3A_4 = arith.constant 0.000000e+00 : f32
    %broadcast_in_dim3A_5 = vector.broadcast %broadcast_in_dim3A_4 : f32 to vector<16xf32>
    %broadcast_in_dim3A_6 = arith.constant 1 : i32
    %broadcast_in_dim3A_7 = vector.broadcast %broadcast_in_dim3A_6 : i32 to vector<16xi32>
    %iota3A = tpu.iota {dimensions = array<i32: 0>} : vector<16xi32>
    %scan3A = arith.constant 0 : i32
    %scan3A_8 = arith.constant 0 : i32
    %scan3A_9 = arith.constant 1248 : i32
    %scan3A_10 = arith.addi %scan3A_8, %scan3A_9 : i32
    %scan3A_11 = arith.constant 1 : i32
    scf.for %scan3A_64 = %scan3A_8 to %scan3A_10 step %scan3A_11  : i32 {
      %mul3A_65 = arith.constant 16 : i32
      %mul3A_66 = arith.muli %scan3A_64, %mul3A_65 : i32
      %swap3A_67 = arith.index_cast %mul3A_66 : i32 to index
      %swap3A_68 = tpu.vector_load %arg6[%swap3A_67] {strides = array<i32>} : memref<19968xi32, #tpu.memory_space<vmem>>, vector<16xi32>,
      tpu.vector_store %arg6[%swap3A_67], %broadcast_in_dim3A_3 {strides = array<i32>} : memref<19968xi32, #tpu.memory_space<vmem>>, vector<16xi32>,
    }
    %scan3A_12 = arith.constant 1248 : i32
    %scan3A_13 = arith.constant 0 : i32
    %scan3A_14 = arith.constant 0 : i32
    %scan3A_15 = arith.constant 32 : i32
    %scan3A_16 = arith.addi %scan3A_14, %scan3A_15 : i32
    %scan3A_17 = arith.constant 1 : i32
    scf.for %scan3A_64 = %scan3A_14 to %scan3A_16 step %scan3A_17  : i32 {
      %swap3A_65 = arith.index_cast %scan3A_64 : i32 to index
      %swap3A_66 = arith.constant 0 : index
      %swap3A_67 = tpu.vector_load %arg8[%swap3A_65, %swap3A_66] {strides = array<i32>} : memref<32x128xf32, #tpu.memory_space<vmem>>, vector<16xf32>,
      tpu.vector_store %arg8[%swap3A_65, %swap3A_66], %broadcast_in_dim3A_5 {strides = array<i32>} : memref<32x128xf32, #tpu.memory_space<vmem>>, vector<16xf32>,
      %swap3A_68 = arith.index_cast %scan3A_64 : i32 to index
      %swap3A_69 = arith.constant 16 : index
      %swap3A_70 = tpu.vector_load %arg8[%swap3A_68, %swap3A_69] {strides = array<i32>} : memref<32x128xf32, #tpu.memory_space<vmem>>, vector<16xf32>,
      tpu.vector_store %arg8[%swap3A_68, %swap3A_69], %broadcast_in_dim3A_5 {strides = array<i32>} : memref<32x128xf32, #tpu.memory_space<vmem>>, vector<16xf32>,
      %swap3A_71 = arith.index_cast %scan3A_64 : i32 to index
      %swap3A_72 = arith.constant 32 : index
      %swap3A_73 = tpu.vector_load %arg8[%swap3A_71, %swap3A_72] {strides = array<i32>} : memref<32x128xf32, #tpu.memory_space<vmem>>, vector<16xf32>,
      tpu.vector_store %arg8[%swap3A_71, %swap3A_72], %broadcast_in_dim3A_5 {strides = array<i32>} : memref<32x128xf32, #tpu.memory_space<vmem>>, vector<16xf32>,
      %swap3A_74 = arith.index_cast %scan3A_64 : i32 to index
      %swap3A_75 = arith.constant 48 : index
      %swap3A_76 = tpu.vector_load %arg8[%swap3A_74, %swap3A_75] {strides = array<i32>} : memref<32x128xf32, #tpu.memory_space<vmem>>, vector<16xf32>,
      tpu.vector_store %arg8[%swap3A_74, %swap3A_75], %broadcast_in_dim3A_5 {strides = array<i32>} : memref<32x128xf32, #tpu.memory_space<vmem>>, vector<16xf32>,
      %swap3A_77 = arith.index_cast %scan3A_64 : i32 to index
      %swap3A_78 = arith.constant 64 : index
      %swap3A_79 = tpu.vector_load %arg8[%swap3A_77, %swap3A_78] {strides = array<i32>} : memref<32x128xf32, #tpu.memory_space<vmem>>, vector<16xf32>,
      tpu.vector_store %arg8[%swap3A_77, %swap3A_78], %broadcast_in_dim3A_5 {strides = array<i32>} : memref<32x128xf32, #tpu.memory_space<vmem>>, vector<16xf32>,
      %swap3A_80 = arith.index_cast %scan3A_64 : i32 to index
      %swap3A_81 = arith.constant 80 : index
      %swap3A_82 = tpu.vector_load %arg8[%swap3A_80, %swap3A_81] {strides = array<i32>} : memref<32x128xf32, #tpu.memory_space<vmem>>, vector<16xf32>,
      tpu.vector_store %arg8[%swap3A_80, %swap3A_81], %broadcast_in_dim3A_5 {strides = array<i32>} : memref<32x128xf32, #tpu.memory_space<vmem>>, vector<16xf32>,
      %swap3A_83 = arith.index_cast %scan3A_64 : i32 to index
      %swap3A_84 = arith.constant 96 : index
      %swap3A_85 = tpu.vector_load %arg8[%swap3A_83, %swap3A_84] {strides = array<i32>} : memref<32x128xf32, #tpu.memory_space<vmem>>, vector<16xf32>,
      tpu.vector_store %arg8[%swap3A_83, %swap3A_84], %broadcast_in_dim3A_5 {strides = array<i32>} : memref<32x128xf32, #tpu.memory_space<vmem>>, vector<16xf32>,
      %swap3A_86 = arith.index_cast %scan3A_64 : i32 to index
      %swap3A_87 = arith.constant 112 : index
      %swap3A_88 = tpu.vector_load %arg8[%swap3A_86, %swap3A_87] {strides = array<i32>} : memref<32x128xf32, #tpu.memory_space<vmem>>, vector<16xf32>,
      tpu.vector_store %arg8[%swap3A_86, %swap3A_87], %broadcast_in_dim3A_5 {strides = array<i32>} : memref<32x128xf32, #tpu.memory_space<vmem>>, vector<16xf32>,
    }
    %scan3A_18 = arith.constant 32 : i32
    %swap3A = arith.constant 0 : i32
    %swap3A_19 = arith.index_cast %swap3A : i32 to index
    %swap3A_20 = arith.constant 0 : index
    %swap3A_21 = tpu.vector_load %arg7[%swap3A_19, %swap3A_20] {strides = array<i32>} : memref<48x128xf32, #tpu.memory_space<vmem>>, vector<16xf32>,
    tpu.vector_store %arg7[%swap3A_19, %swap3A_20], %broadcast_in_dim3A_5 {strides = array<i32>} : memref<48x128xf32, #tpu.memory_space<vmem>>, vector<16xf32>,
    %swap3A_22 = arith.constant 0 : i32
    %swap3A_23 = arith.index_cast %swap3A_22 : i32 to index
    %swap3A_24 = arith.constant 16 : index
    %swap3A_25 = tpu.vector_load %arg7[%swap3A_23, %swap3A_24] {strides = array<i32>} : memref<48x128xf32, #tpu.memory_space<vmem>>, vector<16xf32>,
    tpu.vector_store %arg7[%swap3A_23, %swap3A_24], %broadcast_in_dim3A_5 {strides = array<i32>} : memref<48x128xf32, #tpu.memory_space<vmem>>, vector<16xf32>,
    %swap3A_26 = arith.constant 0 : i32
    %swap3A_27 = arith.index_cast %swap3A_26 : i32 to index
    %swap3A_28 = arith.constant 32 : index
    %swap3A_29 = tpu.vector_load %arg7[%swap3A_27, %swap3A_28] {strides = array<i32>} : memref<48x128xf32, #tpu.memory_space<vmem>>, vector<16xf32>,
    tpu.vector_store %arg7[%swap3A_27, %swap3A_28], %broadcast_in_dim3A_5 {strides = array<i32>} : memref<48x128xf32, #tpu.memory_space<vmem>>, vector<16xf32>,
    %swap3A_30 = arith.constant 0 : i32
    %swap3A_31 = arith.index_cast %swap3A_30 : i32 to index
    %swap3A_32 = arith.constant 48 : index
    %swap3A_33 = tpu.vector_load %arg7[%swap3A_31, %swap3A_32] {strides = array<i32>} : memref<48x128xf32, #tpu.memory_space<vmem>>, vector<16xf32>,
    tpu.vector_store %arg7[%swap3A_31, %swap3A_32], %broadcast_in_dim3A_5 {strides = array<i32>} : memref<48x128xf32, #tpu.memory_space<vmem>>, vector<16xf32>,
    %swap3A_34 = arith.constant 0 : i32
    %swap3A_35 = arith.index_cast %swap3A_34 : i32 to index
    %swap3A_36 = arith.constant 64 : index
    %swap3A_37 = tpu.vector_load %arg7[%swap3A_35, %swap3A_36] {strides = array<i32>} : memref<48x128xf32, #tpu.memory_space<vmem>>, vector<16xf32>,
    tpu.vector_store %arg7[%swap3A_35, %swap3A_36], %broadcast_in_dim3A_5 {strides = array<i32>} : memref<48x128xf32, #tpu.memory_space<vmem>>, vector<16xf32>,
    %swap3A_38 = arith.constant 0 : i32
    %swap3A_39 = arith.index_cast %swap3A_38 : i32 to index
    %swap3A_40 = arith.constant 80 : index
    %swap3A_41 = tpu.vector_load %arg7[%swap3A_39, %swap3A_40] {strides = array<i32>} : memref<48x128xf32, #tpu.memory_space<vmem>>, vector<16xf32>,
    tpu.vector_store %arg7[%swap3A_39, %swap3A_40], %broadcast_in_dim3A_5 {strides = array<i32>} : memref<48x128xf32, #tpu.memory_space<vmem>>, vector<16xf32>,
    %swap3A_42 = arith.constant 0 : i32
    %swap3A_43 = arith.index_cast %swap3A_42 : i32 to index
    %swap3A_44 = arith.constant 96 : index
    %swap3A_45 = tpu.vector_load %arg7[%swap3A_43, %swap3A_44] {strides = array<i32>} : memref<48x128xf32, #tpu.memory_space<vmem>>, vector<16xf32>,
    tpu.vector_store %arg7[%swap3A_43, %swap3A_44], %broadcast_in_dim3A_5 {strides = array<i32>} : memref<48x128xf32, #tpu.memory_space<vmem>>, vector<16xf32>,
    %swap3A_46 = arith.constant 0 : i32
    %swap3A_47 = arith.index_cast %swap3A_46 : i32 to index
    %swap3A_48 = arith.constant 112 : index
    %swap3A_49 = tpu.vector_load %arg7[%swap3A_47, %swap3A_48] {strides = array<i32>} : memref<48x128xf32, #tpu.memory_space<vmem>>, vector<16xf32>,
    tpu.vector_store %arg7[%swap3A_47, %swap3A_48], %broadcast_in_dim3A_5 {strides = array<i32>} : memref<48x128xf32, #tpu.memory_space<vmem>>, vector<16xf32>,
    %eq3A = arith.constant 0 : i32
    %eq3A_50 = arith.cmpi eq, %arg1, %eq3A : i32
    %convert_element_type3A = arith.extui %eq3A_50 : i1 to i32
    %cond3A = arith.constant 0 : i32
    %cond3A_51 = arith.cmpi ne, %convert_element_type3A, %cond3A : i32
    scf.if %cond3A_51 {
      "tpu.region"() ({
        %run_scoped3A = tpu.sem_alloc : memref<!tpu.dma_semaphore, #tpu.memory_space<semaphore_mem>>
        %dma_start3A = arith.constant 0 : i32
        %dma_start3A_64 = arith.constant 0 : i32
        %dma_start3A_65 = tpu.memref_slice %arg7[%dma_start3A, %dma_start3A_64] : memref<48x128xf32, #tpu.memory_space<vmem>> -> memref<1x128xf32, #tpu.memory_space<vmem>>
        %dma_start3A_66 = arith.constant 8192 : i32
        %dma_start3A_67 = arith.constant 0 : i32
        %dma_start3A_68 = tpu.memref_slice %arg11[%dma_start3A_66, %dma_start3A_67] : memref<8193x128xf32, #tpu.memory_space<vmem_shared>> -> memref<1x128xf32, #tpu.memory_space<vmem_shared>>
        %dma_start3A_69 = arith.constant 8192 : i32
        %dma_start3A_70 = arith.constant 0 : i32
        %dma_start3A_71 = tpu.memref_slice %arg11[%dma_start3A_69, %dma_start3A_70] : memref<8193x128xf32, #tpu.memory_space<vmem_shared>> -> memref<1x128xf32, #tpu.memory_space<vmem_shared>>
        %dma_start3A_72 = arith.constant 0 : i32
        %dma_start3A_73 = arith.constant 0 : i32
        %dma_start3A_74 = tpu.memref_slice %arg7[%dma_start3A_72, %dma_start3A_73] : memref<48x128xf32, #tpu.memory_space<vmem>> -> memref<1x128xf32, #tpu.memory_space<vmem>>
        tpu.enqueue_dma source(%dma_start3A_74 : memref<1x128xf32, #tpu.memory_space<vmem>>) target(%dma_start3A_71 : memref<1x128xf32, #tpu.memory_space<vmem_shared>>) target_semaphore(%run_scoped3A : memref<!tpu.dma_semaphore, #tpu.memory_space<semaphore_mem>>)
        %dma_wait3A = arith.constant 0 : i32
        %dma_wait3A_75 = arith.constant 0 : i32
        %dma_wait3A_76 = tpu.memref_slice %arg7[%dma_wait3A, %dma_wait3A_75] : memref<48x128xf32, #tpu.memory_space<vmem>> -> memref<1x128xf32, #tpu.memory_space<vmem>>
        %dma_wait3A_77 = arith.constant 8192 : i32
        %dma_wait3A_78 = arith.constant 0 : i32
        %dma_wait3A_79 = tpu.memref_slice %arg11[%dma_wait3A_77, %dma_wait3A_78] : memref<8193x128xf32, #tpu.memory_space<vmem_shared>> -> memref<1x128xf32, #tpu.memory_space<vmem_shared>>
        %dma_wait3A_80 = arith.constant 8192 : i32
        %dma_wait3A_81 = arith.constant 0 : i32
        %dma_wait3A_82 = tpu.memref_slice %arg11[%dma_wait3A_80, %dma_wait3A_81] : memref<8193x128xf32, #tpu.memory_space<vmem_shared>> -> memref<1x128xf32, #tpu.memory_space<vmem_shared>>
        %dma_wait3A_83 = arith.constant 0 : i32
        %dma_wait3A_84 = arith.constant 0 : i32
        %dma_wait3A_85 = tpu.memref_slice %arg7[%dma_wait3A_83, %dma_wait3A_84] : memref<48x128xf32, #tpu.memory_space<vmem>> -> memref<1x128xf32, #tpu.memory_space<vmem>>
        tpu.wait_dma2 semaphore(%run_scoped3A : memref<!tpu.dma_semaphore, #tpu.memory_space<semaphore_mem>>) src(%dma_wait3A_85 : memref<1x128xf32, #tpu.memory_space<vmem>>) dst(%dma_wait3A_82 : memref<1x128xf32, #tpu.memory_space<vmem_shared>>)
        tpu.yield
      }) : () -> ()
    } else {
    }
    %scan3A_52 = arith.constant 0 : i32
    %scan3A_53 = arith.constant 0 : i32
    %scan3A_54 = arith.constant 32 : i32
    %scan3A_55 = arith.addi %scan3A_53, %scan3A_54 : i32
    %scan3A_56 = arith.constant 1 : i32
    scf.for %scan3A_64 = %scan3A_53 to %scan3A_55 step %scan3A_56  : i32 {
      %mul3A_65 = arith.constant 624 : i32
      %mul3A_66 = arith.muli %scan3A_64, %mul3A_65 : i32
      %broadcast_in_dim3A_67 = vector.broadcast %mul3A_66 : i32 to vector<16xi32>
      %broadcast_in_dim3A_68 = arith.constant 0 : i32
      %broadcast_in_dim3A_69 = vector.broadcast %broadcast_in_dim3A_68 : i32 to vector<16xi32>
      %swap3A_70 = arith.constant 0 : index
      %swap3A_71 = tpu.vector_load %arg9[%swap3A_70] {strides = array<i32>} : memref<16xi32, #tpu.memory_space<vmem>>, vector<16xi32>,
      tpu.vector_store %arg9[%swap3A_70], %broadcast_in_dim3A_69 {strides = array<i32>} : memref<16xi32, #tpu.memory_space<vmem>>, vector<16xi32>,
      %scan3A_72 = arith.constant 0 : i32
      %scan3A_73 = arith.constant 0 : i32
      %scan3A_74 = arith.constant 13 : i32
      %scan3A_75 = arith.addi %scan3A_73, %scan3A_74 : i32
      %scan3A_76 = arith.constant 1 : i32
      scf.for %scan3A_181 = %scan3A_73 to %scan3A_75 step %scan3A_76  : i32 {
        %mul3A_182 = arith.constant 16 : i32
        %mul3A_183 = arith.muli %scan3A_181, %mul3A_182 : i32
        %get3A_184 = arith.index_cast %scan3A_64 : i32 to index
        %get3A_185 = arith.index_cast %mul3A_183 : i32 to index
        %get3A_186 = tpu.vector_load %arg5[%get3A_184, %get3A_185] {strides = array<i32>} : memref<32x208xi32, #tpu.memory_space<vmem>>, vector<16xi32>,
        %ge3A = arith.constant 0 : i32
        %ge3A_187 = vector.broadcast %ge3A : i32 to vector<16xi32>
        %ge3A_188 = arith.cmpi sge, %get3A_186, %ge3A_187 : vector<16xi32>
        %shift_right_arithmetic3A = arith.constant 13 : i32
        %shift_right_arithmetic3A_189 = vector.broadcast %shift_right_arithmetic3A : i32 to vector<16xi32>
        %shift_right_arithmetic3A_190 = arith.shrsi %get3A_186, %shift_right_arithmetic3A_189 : vector<16xi32>
        %jit3A = arith.constant 13 : i32
        %broadcast_in_dim3A_191 = vector.broadcast %jit3A : i32 to vector<16xi32>
        %select_n3A = arith.select %ge3A_188, %shift_right_arithmetic3A_190, %broadcast_in_dim3A_191 : vector<16xi1>, vector<16xi32>
        %shift_left3A = arith.constant 13 : i32
        %shift_left3A_192 = vector.broadcast %shift_left3A : i32 to vector<16xi32>
        %shift_left3A_193 = arith.shli %select_n3A, %shift_left3A_192 : vector<16xi32>
        %min3A = arith.constant 91808 : i32
        %min3A_194 = vector.broadcast %min3A : i32 to vector<16xi32>
        %min3A_195 = arith.minsi %shift_left3A_193, %min3A_194 : vector<16xi32>
        %sub3A = arith.subi %get3A_186, %min3A_195 : vector<16xi32>
        %unique3A, %unique3A_196 = tpu.scan_count mask(%ge3A_188 : vector<16xi1>) value(%select_n3A : vector<16xi32>) : vector<16xi1>, vector<16xi32>
        %get3A_197 = arith.constant 0 : index
        %get3A_198 = tpu.vector_load %arg9[%get3A_197] {strides = array<i32>} : memref<16xi32, #tpu.memory_space<vmem>>, vector<16xi32>,
        %reshape3A = vector.shape_cast %select_n3A : vector<16xi32> to vector<16x1xi32>
        %gather3A = vector.shape_cast %reshape3A : vector<16x1xi32> to vector<16xi32>
        %gather3A_199 = tpu.dynamic_gather %get3A_198[%gather3A] in [0] : vector<16xi32>, vector<16xi32> -> vector<16xi32>
        %mul3A_200 = arith.constant 48 : i32
        %mul3A_201 = vector.broadcast %mul3A_200 : i32 to vector<16xi32>
        %mul3A_202 = arith.muli %select_n3A, %mul3A_201 : vector<16xi32>
        %add3A_203 = arith.addi %broadcast_in_dim3A_67, %mul3A_202 : vector<16xi32>
        %add3A_204 = arith.addi %add3A_203, %gather3A_199 : vector<16xi32>
        %add3A_205 = arith.addi %add3A_204, %unique3A_196 : vector<16xi32>
        %sub3A_206 = arith.constant 1 : i32
        %sub3A_207 = vector.broadcast %sub3A_206 : i32 to vector<16xi32>
        %sub3A_208 = arith.subi %add3A_205, %sub3A_207 : vector<16xi32>
        %add3A_209 = arith.constant 47 : i32
        %add3A_210 = vector.broadcast %add3A_209 : i32 to vector<16xi32>
        %add3A_211 = arith.addi %add3A_203, %add3A_210 : vector<16xi32>
        %min3A_212 = arith.minsi %sub3A_208, %add3A_211 : vector<16xi32>
        tpu.vector_store_idx %arg6[%min3A_212], %sub3A masked %ge3A_188 : memref<19968xi32, #tpu.memory_space<vmem>>[vector<16xi32>], vector<16xi32>, vector<16xi1>
        tpu.vector_store_idx %arg9[%select_n3A], %broadcast_in_dim3A_7 masked %ge3A_188 {add = true} : memref<16xi32, #tpu.memory_space<vmem>>[vector<16xi32>], vector<16xi32>, vector<16xi1>
      }
      %scan3A_77 = arith.constant 13 : i32
      %get3A = arith.constant 0 : index
      %get3A_78 = tpu.vector_load %arg9[%get3A] {strides = array<i32>} : memref<16xi32, #tpu.memory_space<vmem>>, vector<16xi32>,
      %slice3A = vector.extract_strided_slice %get3A_78 {offsets = [0], sizes = [1], strides = [1]} : vector<16xi32> to vector<1xi32>
      %squeeze3A = vector.extract %slice3A[0] : i32 from vector<1xi32>
      %mul3A_79 = arith.constant 13 : i32
      %mul3A_80 = arith.muli %scan3A_64, %mul3A_79 : i32
      %add3A_81 = arith.constant 0 : i32
      %add3A_82 = arith.addi %mul3A_80, %add3A_81 : i32
      %swap3A_83 = arith.index_cast %add3A_82 : i32 to index
      %swap3A_84 = memref.load %arg10[%swap3A_83] : memref<416xi32, #tpu.memory_space<smem>>
      memref.store %squeeze3A, %arg10[%swap3A_83] : memref<416xi32, #tpu.memory_space<smem>>
      %slice3A_85 = vector.extract_strided_slice %get3A_78 {offsets = [1], sizes = [1], strides = [1]} : vector<16xi32> to vector<1xi32>
      %squeeze3A_86 = vector.extract %slice3A_85[0] : i32 from vector<1xi32>
      %mul3A_87 = arith.constant 13 : i32
      %mul3A_88 = arith.muli %scan3A_64, %mul3A_87 : i32
      %add3A_89 = arith.constant 1 : i32
      %add3A_90 = arith.addi %mul3A_88, %add3A_89 : i32
      %swap3A_91 = arith.index_cast %add3A_90 : i32 to index
      %swap3A_92 = memref.load %arg10[%swap3A_91] : memref<416xi32, #tpu.memory_space<smem>>
      memref.store %squeeze3A_86, %arg10[%swap3A_91] : memref<416xi32, #tpu.memory_space<smem>>
      %slice3A_93 = vector.extract_strided_slice %get3A_78 {offsets = [2], sizes = [1], strides = [1]} : vector<16xi32> to vector<1xi32>
      %squeeze3A_94 = vector.extract %slice3A_93[0] : i32 from vector<1xi32>
      %mul3A_95 = arith.constant 13 : i32
      %mul3A_96 = arith.muli %scan3A_64, %mul3A_95 : i32
      %add3A_97 = arith.constant 2 : i32
      %add3A_98 = arith.addi %mul3A_96, %add3A_97 : i32
      %swap3A_99 = arith.index_cast %add3A_98 : i32 to index
      %swap3A_100 = memref.load %arg10[%swap3A_99] : memref<416xi32, #tpu.memory_space<smem>>
      memref.store %squeeze3A_94, %arg10[%swap3A_99] : memref<416xi32, #tpu.memory_space<smem>>
      %slice3A_101 = vector.extract_strided_slice %get3A_78 {offsets = [3], sizes = [1], strides = [1]} : vector<16xi32> to vector<1xi32>
      %squeeze3A_102 = vector.extract %slice3A_101[0] : i32 from vector<1xi32>
      %mul3A_103 = arith.constant 13 : i32
      %mul3A_104 = arith.muli %scan3A_64, %mul3A_103 : i32
      %add3A_105 = arith.constant 3 : i32
      %add3A_106 = arith.addi %mul3A_104, %add3A_105 : i32
      %swap3A_107 = arith.index_cast %add3A_106 : i32 to index
      %swap3A_108 = memref.load %arg10[%swap3A_107] : memref<416xi32, #tpu.memory_space<smem>>
      memref.store %squeeze3A_102, %arg10[%swap3A_107] : memref<416xi32, #tpu.memory_space<smem>>
      %slice3A_109 = vector.extract_strided_slice %get3A_78 {offsets = [4], sizes = [1], strides = [1]} : vector<16xi32> to vector<1xi32>
      %squeeze3A_110 = vector.extract %slice3A_109[0] : i32 from vector<1xi32>
      %mul3A_111 = arith.constant 13 : i32
      %mul3A_112 = arith.muli %scan3A_64, %mul3A_111 : i32
      %add3A_113 = arith.constant 4 : i32
      %add3A_114 = arith.addi %mul3A_112, %add3A_113 : i32
      %swap3A_115 = arith.index_cast %add3A_114 : i32 to index
      %swap3A_116 = memref.load %arg10[%swap3A_115] : memref<416xi32, #tpu.memory_space<smem>>
      memref.store %squeeze3A_110, %arg10[%swap3A_115] : memref<416xi32, #tpu.memory_space<smem>>
      %slice3A_117 = vector.extract_strided_slice %get3A_78 {offsets = [5], sizes = [1], strides = [1]} : vector<16xi32> to vector<1xi32>
      %squeeze3A_118 = vector.extract %slice3A_117[0] : i32 from vector<1xi32>
      %mul3A_119 = arith.constant 13 : i32
      %mul3A_120 = arith.muli %scan3A_64, %mul3A_119 : i32
      %add3A_121 = arith.constant 5 : i32
      %add3A_122 = arith.addi %mul3A_120, %add3A_121 : i32
      %swap3A_123 = arith.index_cast %add3A_122 : i32 to index
      %swap3A_124 = memref.load %arg10[%swap3A_123] : memref<416xi32, #tpu.memory_space<smem>>
      memref.store %squeeze3A_118, %arg10[%swap3A_123] : memref<416xi32, #tpu.memory_space<smem>>
      %slice3A_125 = vector.extract_strided_slice %get3A_78 {offsets = [6], sizes = [1], strides = [1]} : vector<16xi32> to vector<1xi32>
      %squeeze3A_126 = vector.extract %slice3A_125[0] : i32 from vector<1xi32>
      %mul3A_127 = arith.constant 13 : i32
      %mul3A_128 = arith.muli %scan3A_64, %mul3A_127 : i32
      %add3A_129 = arith.constant 6 : i32
      %add3A_130 = arith.addi %mul3A_128, %add3A_129 : i32
      %swap3A_131 = arith.index_cast %add3A_130 : i32 to index
      %swap3A_132 = memref.load %arg10[%swap3A_131] : memref<416xi32, #tpu.memory_space<smem>>
      memref.store %squeeze3A_126, %arg10[%swap3A_131] : memref<416xi32, #tpu.memory_space<smem>>
      %slice3A_133 = vector.extract_strided_slice %get3A_78 {offsets = [7], sizes = [1], strides = [1]} : vector<16xi32> to vector<1xi32>
      %squeeze3A_134 = vector.extract %slice3A_133[0] : i32 from vector<1xi32>
      %mul3A_135 = arith.constant 13 : i32
      %mul3A_136 = arith.muli %scan3A_64, %mul3A_135 : i32
      %add3A_137 = arith.constant 7 : i32
      %add3A_138 = arith.addi %mul3A_136, %add3A_137 : i32
      %swap3A_139 = arith.index_cast %add3A_138 : i32 to index
      %swap3A_140 = memref.load %arg10[%swap3A_139] : memref<416xi32, #tpu.memory_space<smem>>
      memref.store %squeeze3A_134, %arg10[%swap3A_139] : memref<416xi32, #tpu.memory_space<smem>>
      %slice3A_141 = vector.extract_strided_slice %get3A_78 {offsets = [8], sizes = [1], strides = [1]} : vector<16xi32> to vector<1xi32>
      %squeeze3A_142 = vector.extract %slice3A_141[0] : i32 from vector<1xi32>
      %mul3A_143 = arith.constant 13 : i32
      %mul3A_144 = arith.muli %scan3A_64, %mul3A_143 : i32
      %add3A_145 = arith.constant 8 : i32
      %add3A_146 = arith.addi %mul3A_144, %add3A_145 : i32
      %swap3A_147 = arith.index_cast %add3A_146 : i32 to index
      %swap3A_148 = memref.load %arg10[%swap3A_147] : memref<416xi32, #tpu.memory_space<smem>>
      memref.store %squeeze3A_142, %arg10[%swap3A_147] : memref<416xi32, #tpu.memory_space<smem>>
      %slice3A_149 = vector.extract_strided_slice %get3A_78 {offsets = [9], sizes = [1], strides = [1]} : vector<16xi32> to vector<1xi32>
      %squeeze3A_150 = vector.extract %slice3A_149[0] : i32 from vector<1xi32>
      %mul3A_151 = arith.constant 13 : i32
      %mul3A_152 = arith.muli %scan3A_64, %mul3A_151 : i32
      %add3A_153 = arith.constant 9 : i32
      %add3A_154 = arith.addi %mul3A_152, %add3A_153 : i32
      %swap3A_155 = arith.index_cast %add3A_154 : i32 to index
      %swap3A_156 = memref.load %arg10[%swap3A_155] : memref<416xi32, #tpu.memory_space<smem>>
      memref.store %squeeze3A_150, %arg10[%swap3A_155] : memref<416xi32, #tpu.memory_space<smem>>
      %slice3A_157 = vector.extract_strided_slice %get3A_78 {offsets = [10], sizes = [1], strides = [1]} : vector<16xi32> to vector<1xi32>
      %squeeze3A_158 = vector.extract %slice3A_157[0] : i32 from vector<1xi32>
      %mul3A_159 = arith.constant 13 : i32
      %mul3A_160 = arith.muli %scan3A_64, %mul3A_159 : i32
      %add3A_161 = arith.constant 10 : i32
      %add3A_162 = arith.addi %mul3A_160, %add3A_161 : i32
      %swap3A_163 = arith.index_cast %add3A_162 : i32 to index
      %swap3A_164 = memref.load %arg10[%swap3A_163] : memref<416xi32, #tpu.memory_space<smem>>
      memref.store %squeeze3A_158, %arg10[%swap3A_163] : memref<416xi32, #tpu.memory_space<smem>>
      %slice3A_165 = vector.extract_strided_slice %get3A_78 {offsets = [11], sizes = [1], strides = [1]} : vector<16xi32> to vector<1xi32>
      %squeeze3A_166 = vector.extract %slice3A_165[0] : i32 from vector<1xi32>
      %mul3A_167 = arith.constant 13 : i32
      %mul3A_168 = arith.muli %scan3A_64, %mul3A_167 : i32
      %add3A_169 = arith.constant 11 : i32
      %add3A_170 = arith.addi %mul3A_168, %add3A_169 : i32
      %swap3A_171 = arith.index_cast %add3A_170 : i32 to index
      %swap3A_172 = memref.load %arg10[%swap3A_171] : memref<416xi32, #tpu.memory_space<smem>>
      memref.store %squeeze3A_166, %arg10[%swap3A_171] : memref<416xi32, #tpu.memory_space<smem>>
      %slice3A_173 = vector.extract_strided_slice %get3A_78 {offsets = [12], sizes = [1], strides = [1]} : vector<16xi32> to vector<1xi32>
      %squeeze3A_174 = vector.extract %slice3A_173[0] : i32 from vector<1xi32>
      %mul3A_175 = arith.constant 13 : i32
      %mul3A_176 = arith.muli %scan3A_64, %mul3A_175 : i32
      %add3A_177 = arith.constant 12 : i32
      %add3A_178 = arith.addi %mul3A_176, %add3A_177 : i32
      %swap3A_179 = arith.index_cast %add3A_178 : i32 to index
      %swap3A_180 = memref.load %arg10[%swap3A_179] : memref<416xi32, #tpu.memory_space<smem>>
      memref.store %squeeze3A_174, %arg10[%swap3A_179] : memref<416xi32, #tpu.memory_space<smem>>
    }
    %scan3A_57 = arith.constant 32 : i32
    %scan3A_58 = arith.constant 0 : i32
    %scan3A_59 = arith.constant 0 : i32
    %scan3A_60 = arith.constant 13 : i32
    %scan3A_61 = arith.addi %scan3A_59, %scan3A_60 : i32
    %scan3A_62 = arith.constant 1 : i32
    scf.for %scan3A_64 = %scan3A_59 to %scan3A_61 step %scan3A_62  : i32 {
      %mul3A_65 = arith.constant 8192 : i32
      %mul3A_66 = arith.muli %scan3A_64, %mul3A_65 : i32
      %min3A = arith.constant 91808 : i32
      %min3A_67 = arith.minsi %mul3A_66, %min3A : i32
      %barrier3A = arith.constant 0 : index
      tpu.barrier barrier_id(%barrier3A)
      %mul3A_68 = arith.constant 512 : i32
      %mul3A_69 = arith.muli %arg1, %mul3A_68 : i32
      %add3A_70 = arith.addi %min3A_67, %mul3A_69 : i32
      %mul3A_71 = arith.constant 512 : i32
      %mul3A_72 = arith.muli %arg1, %mul3A_71 : i32
      "tpu.region"() ({
        %run_scoped3A = tpu.sem_alloc : memref<!tpu.dma_semaphore, #tpu.memory_space<semaphore_mem>>
        %dma_start3A_90 = arith.constant 0 : i32
        %dma_start3A_91 = tpu.memref_slice %arg11[%mul3A_72, %dma_start3A_90] : memref<8193x128xf32, #tpu.memory_space<vmem_shared>> -> memref<512x128xf32, #tpu.memory_space<vmem_shared>>
        %dma_start3A_92 = arith.constant 0 : i32
        %dma_start3A_93 = tpu.memref_slice %arg3[%add3A_70, %dma_start3A_92] : memref<100000x128xf32, #tpu.memory_space<hbm>> -> memref<512x128xf32, #tpu.memory_space<hbm>>
        tpu.enqueue_dma source(%dma_start3A_93 : memref<512x128xf32, #tpu.memory_space<hbm>>) target(%dma_start3A_91 : memref<512x128xf32, #tpu.memory_space<vmem_shared>>) target_semaphore(%run_scoped3A : memref<!tpu.dma_semaphore, #tpu.memory_space<semaphore_mem>>)
        %dma_wait3A = arith.constant 0 : i32
        %dma_wait3A_94 = tpu.memref_slice %arg11[%mul3A_72, %dma_wait3A] : memref<8193x128xf32, #tpu.memory_space<vmem_shared>> -> memref<512x128xf32, #tpu.memory_space<vmem_shared>>
        %dma_wait3A_95 = arith.constant 0 : i32
        %dma_wait3A_96 = tpu.memref_slice %arg3[%add3A_70, %dma_wait3A_95] : memref<100000x128xf32, #tpu.memory_space<hbm>> -> memref<512x128xf32, #tpu.memory_space<hbm>>
        tpu.wait_dma2 semaphore(%run_scoped3A : memref<!tpu.dma_semaphore, #tpu.memory_space<semaphore_mem>>) src(%dma_wait3A_96 : memref<512x128xf32, #tpu.memory_space<hbm>>) dst(%dma_wait3A_94 : memref<512x128xf32, #tpu.memory_space<vmem_shared>>)
        tpu.yield
      }) : () -> ()
      %barrier3A_73 = arith.constant 0 : index
      tpu.barrier barrier_id(%barrier3A_73)
      %mul3A_74 = arith.constant 48 : i32
      %mul3A_75 = arith.muli %scan3A_64, %mul3A_74 : i32
      %add3A_76 = arith.constant 0 : i32
      %add3A_77 = arith.addi %add3A_76, %mul3A_75 : i32
      %dma_start3A = arith.constant 0 : i32
      %dma_start3A_78 = arith.constant 0 : i32
      %dma_start3A_79 = tpu.memref_slice %arg7[%dma_start3A, %dma_start3A_78] : memref<48x128xf32, #tpu.memory_space<vmem>> -> memref<16x128xf32, #tpu.memory_space<vmem>>
      %dma_start3A_80 = tpu.memref_slice %arg6[%add3A_77] : memref<19968xi32, #tpu.memory_space<vmem>> -> memref<16xi32, #tpu.memory_space<vmem>>
      %dma_start3A_81 = arith.constant 0 : i32
      %dma_start3A_82 = arith.constant 0 : i32
      %dma_start3A_83 = tpu.memref_slice %arg11[%dma_start3A_81, %dma_start3A_82] : memref<8193x128xf32, #tpu.memory_space<vmem_shared>> -> memref<8193x128xf32, #tpu.memory_space<vmem_shared>>
      tpu.enqueue_indirect_dma source(%dma_start3A_83 : memref<8193x128xf32, #tpu.memory_space<vmem_shared>>) target(%dma_start3A_79 : memref<16x128xf32, #tpu.memory_space<vmem>>) offsets(%dma_start3A_80 : memref<16xi32, #tpu.memory_space<vmem>>) semaphore(%arg12 : memref<!tpu.dma_semaphore, #tpu.memory_space<semaphore_mem>>)
      %scan3A_84 = arith.constant 0 : i32
      %scan3A_85 = arith.constant 0 : i32
      %scan3A_86 = arith.constant 16 : i32
      %scan3A_87 = arith.addi %scan3A_85, %scan3A_86 : i32
      %scan3A_88 = arith.constant 1 : i32
      scf.for %scan3A_90 = %scan3A_85 to %scan3A_87 step %scan3A_88  : i32 {
        %mul3A_91 = arith.constant 2 : i32
        %mul3A_92 = arith.muli %mul3A_91, %scan3A_90 : i32
        %add3A_93 = arith.constant 0 : i32
        %add3A_94 = arith.addi %mul3A_92, %add3A_93 : i32
        %add3A_95 = arith.constant 1 : i32
        %add3A_96 = arith.addi %add3A_94, %add3A_95 : i32
        %mul3A_97 = arith.constant 624 : i32
        %mul3A_98 = arith.muli %add3A_96, %mul3A_97 : i32
        %mul3A_99 = arith.constant 48 : i32
        %mul3A_100 = arith.muli %scan3A_64, %mul3A_99 : i32
        %add3A_101 = arith.addi %mul3A_98, %mul3A_100 : i32
        %dma_start3A_102 = arith.constant 16 : i32
        %dma_start3A_103 = arith.constant 0 : i32
        %dma_start3A_104 = tpu.memref_slice %arg7[%dma_start3A_102, %dma_start3A_103] : memref<48x128xf32, #tpu.memory_space<vmem>> -> memref<16x128xf32, #tpu.memory_space<vmem>>
        %dma_start3A_105 = tpu.memref_slice %arg6[%add3A_101] : memref<19968xi32, #tpu.memory_space<vmem>> -> memref<16xi32, #tpu.memory_space<vmem>>
        %dma_start3A_106 = arith.constant 0 : i32
        %dma_start3A_107 = arith.constant 0 : i32
        %dma_start3A_108 = tpu.memref_slice %arg11[%dma_start3A_106, %dma_start3A_107] : memref<8193x128xf32, #tpu.memory_space<vmem_shared>> -> memref<8193x128xf32, #tpu.memory_space<vmem_shared>>
        tpu.enqueue_indirect_dma source(%dma_start3A_108 : memref<8193x128xf32, #tpu.memory_space<vmem_shared>>) target(%dma_start3A_104 : memref<16x128xf32, #tpu.memory_space<vmem>>) offsets(%dma_start3A_105 : memref<16xi32, #tpu.memory_space<vmem>>) semaphore(%arg13 : memref<!tpu.dma_semaphore, #tpu.memory_space<semaphore_mem>>)
        %dma_wait3A = arith.constant 0 : i32
        %dma_wait3A_109 = arith.constant 0 : i32
        %dma_wait3A_110 = tpu.memref_slice %arg7[%dma_wait3A, %dma_wait3A_109] : memref<48x128xf32, #tpu.memory_space<vmem>> -> memref<16x128xf32, #tpu.memory_space<vmem>>
        %dma_wait3A_111 = arith.constant 0 : i32
        %dma_wait3A_112 = arith.constant 0 : i32
        %dma_wait3A_113 = tpu.memref_slice %arg3[%dma_wait3A_111, %dma_wait3A_112] : memref<100000x128xf32, #tpu.memory_space<hbm>> -> memref<16x128xf32, #tpu.memory_space<hbm>>
        %dma_wait3A_114 = arith.constant 0 : i32
        %dma_wait3A_115 = arith.constant 0 : i32
        %dma_wait3A_116 = tpu.memref_slice %arg7[%dma_wait3A_114, %dma_wait3A_115] : memref<48x128xf32, #tpu.memory_space<vmem>> -> memref<16x128xf32, #tpu.memory_space<vmem>>
        %dma_wait3A_117 = arith.constant 0 : i32
        %dma_wait3A_118 = arith.constant 0 : i32
        %dma_wait3A_119 = tpu.memref_slice %arg3[%dma_wait3A_117, %dma_wait3A_118] : memref<100000x128xf32, #tpu.memory_space<hbm>> -> memref<16x128xf32, #tpu.memory_space<hbm>>
        tpu.wait_dma2 semaphore(%arg12 : memref<!tpu.dma_semaphore, #tpu.memory_space<semaphore_mem>>) src(%dma_wait3A_119 : memref<16x128xf32, #tpu.memory_space<hbm>>) dst(%dma_wait3A_116 : memref<16x128xf32, #tpu.memory_space<vmem>>)
        %get3A = arith.index_cast %add3A_94 : i32 to index
        %get3A_120 = arith.constant 0 : index
        %get3A_121 = tpu.vector_load %arg8[%get3A, %get3A_120] {strides = array<i32>} : memref<32x128xf32, #tpu.memory_space<vmem>>, vector<16xf32>,
        %get3A_122 = arith.index_cast %add3A_94 : i32 to index
        %get3A_123 = arith.constant 16 : index
        %get3A_124 = tpu.vector_load %arg8[%get3A_122, %get3A_123] {strides = array<i32>} : memref<32x128xf32, #tpu.memory_space<vmem>>, vector<16xf32>,
        %get3A_125 = arith.index_cast %add3A_94 : i32 to index
        %get3A_126 = arith.constant 32 : index
        %get3A_127 = tpu.vector_load %arg8[%get3A_125, %get3A_126] {strides = array<i32>} : memref<32x128xf32, #tpu.memory_space<vmem>>, vector<16xf32>,
        %get3A_128 = arith.index_cast %add3A_94 : i32 to index
        %get3A_129 = arith.constant 48 : index
        %get3A_130 = tpu.vector_load %arg8[%get3A_128, %get3A_129] {strides = array<i32>} : memref<32x128xf32, #tpu.memory_space<vmem>>, vector<16xf32>,
        %get3A_131 = arith.index_cast %add3A_94 : i32 to index
        %get3A_132 = arith.constant 64 : index
        %get3A_133 = tpu.vector_load %arg8[%get3A_131, %get3A_132] {strides = array<i32>} : memref<32x128xf32, #tpu.memory_space<vmem>>, vector<16xf32>,
        %get3A_134 = arith.index_cast %add3A_94 : i32 to index
        %get3A_135 = arith.constant 80 : index
        %get3A_136 = tpu.vector_load %arg8[%get3A_134, %get3A_135] {strides = array<i32>} : memref<32x128xf32, #tpu.memory_space<vmem>>, vector<16xf32>,
        %get3A_137 = arith.index_cast %add3A_94 : i32 to index
        %get3A_138 = arith.constant 96 : index
        %get3A_139 = tpu.vector_load %arg8[%get3A_137, %get3A_138] {strides = array<i32>} : memref<32x128xf32, #tpu.memory_space<vmem>>, vector<16xf32>,
        %get3A_140 = arith.index_cast %add3A_94 : i32 to index
        %get3A_141 = arith.constant 112 : index
        %get3A_142 = tpu.vector_load %arg8[%get3A_140, %get3A_141] {strides = array<i32>} : memref<32x128xf32, #tpu.memory_space<vmem>>, vector<16xf32>,
        %get3A_143 = arith.constant 0 : i32
        %get3A_144 = arith.index_cast %get3A_143 : i32 to index
        %get3A_145 = arith.constant 0 : index
        %get3A_146 = tpu.vector_load %arg7[%get3A_144, %get3A_145] {strides = array<i32>} : memref<48x128xf32, #tpu.memory_space<vmem>>, vector<16xf32>,
        %add3A_147 = arith.addf %get3A_121, %get3A_146 : vector<16xf32>
        %get3A_148 = arith.constant 0 : i32
        %get3A_149 = arith.index_cast %get3A_148 : i32 to index
        %get3A_150 = arith.constant 16 : index
        %get3A_151 = tpu.vector_load %arg7[%get3A_149, %get3A_150] {strides = array<i32>} : memref<48x128xf32, #tpu.memory_space<vmem>>, vector<16xf32>,
        %add3A_152 = arith.addf %get3A_124, %get3A_151 : vector<16xf32>
        %get3A_153 = arith.constant 0 : i32
        %get3A_154 = arith.index_cast %get3A_153 : i32 to index
        %get3A_155 = arith.constant 32 : index
        %get3A_156 = tpu.vector_load %arg7[%get3A_154, %get3A_155] {strides = array<i32>} : memref<48x128xf32, #tpu.memory_space<vmem>>, vector<16xf32>,
        %add3A_157 = arith.addf %get3A_127, %get3A_156 : vector<16xf32>
        %get3A_158 = arith.constant 0 : i32
        %get3A_159 = arith.index_cast %get3A_158 : i32 to index
        %get3A_160 = arith.constant 48 : index
        %get3A_161 = tpu.vector_load %arg7[%get3A_159, %get3A_160] {strides = array<i32>} : memref<48x128xf32, #tpu.memory_space<vmem>>, vector<16xf32>,
        %add3A_162 = arith.addf %get3A_130, %get3A_161 : vector<16xf32>
        %get3A_163 = arith.constant 0 : i32
        %get3A_164 = arith.index_cast %get3A_163 : i32 to index
        %get3A_165 = arith.constant 64 : index
        %get3A_166 = tpu.vector_load %arg7[%get3A_164, %get3A_165] {strides = array<i32>} : memref<48x128xf32, #tpu.memory_space<vmem>>, vector<16xf32>,
        %add3A_167 = arith.addf %get3A_133, %get3A_166 : vector<16xf32>
        %get3A_168 = arith.constant 0 : i32
        %get3A_169 = arith.index_cast %get3A_168 : i32 to index
        %get3A_170 = arith.constant 80 : index
        %get3A_171 = tpu.vector_load %arg7[%get3A_169, %get3A_170] {strides = array<i32>} : memref<48x128xf32, #tpu.memory_space<vmem>>, vector<16xf32>,
        %add3A_172 = arith.addf %get3A_136, %get3A_171 : vector<16xf32>
        %get3A_173 = arith.constant 0 : i32
        %get3A_174 = arith.index_cast %get3A_173 : i32 to index
        %get3A_175 = arith.constant 96 : index
        %get3A_176 = tpu.vector_load %arg7[%get3A_174, %get3A_175] {strides = array<i32>} : memref<48x128xf32, #tpu.memory_space<vmem>>, vector<16xf32>,
        %add3A_177 = arith.addf %get3A_139, %get3A_176 : vector<16xf32>
        %get3A_178 = arith.constant 0 : i32
        %get3A_179 = arith.index_cast %get3A_178 : i32 to index
        %get3A_180 = arith.constant 112 : index
        %get3A_181 = tpu.vector_load %arg7[%get3A_179, %get3A_180] {strides = array<i32>} : memref<48x128xf32, #tpu.memory_space<vmem>>, vector<16xf32>,
        %add3A_182 = arith.addf %get3A_142, %get3A_181 : vector<16xf32>
        %get3A_183 = arith.constant 1 : i32
        %get3A_184 = arith.index_cast %get3A_183 : i32 to index
        %get3A_185 = arith.constant 0 : index
        %get3A_186 = tpu.vector_load %arg7[%get3A_184, %get3A_185] {strides = array<i32>} : memref<48x128xf32, #tpu.memory_space<vmem>>, vector<16xf32>,
        %add3A_187 = arith.addf %add3A_147, %get3A_186 : vector<16xf32>
        %get3A_188 = arith.constant 1 : i32
        %get3A_189 = arith.index_cast %get3A_188 : i32 to index
        %get3A_190 = arith.constant 16 : index
        %get3A_191 = tpu.vector_load %arg7[%get3A_189, %get3A_190] {strides = array<i32>} : memref<48x128xf32, #tpu.memory_space<vmem>>, vector<16xf32>,
        %add3A_192 = arith.addf %add3A_152, %get3A_191 : vector<16xf32>
        %get3A_193 = arith.constant 1 : i32
        %get3A_194 = arith.index_cast %get3A_193 : i32 to index
        %get3A_195 = arith.constant 32 : index
        %get3A_196 = tpu.vector_load %arg7[%get3A_194, %get3A_195] {strides = array<i32>} : memref<48x128xf32, #tpu.memory_space<vmem>>, vector<16xf32>,
        %add3A_197 = arith.addf %add3A_157, %get3A_196 : vector<16xf32>
        %get3A_198 = arith.constant 1 : i32
        %get3A_199 = arith.index_cast %get3A_198 : i32 to index
        %get3A_200 = arith.constant 48 : index
        %get3A_201 = tpu.vector_load %arg7[%get3A_199, %get3A_200] {strides = array<i32>} : memref<48x128xf32, #tpu.memory_space<vmem>>, vector<16xf32>,
        %add3A_202 = arith.addf %add3A_162, %get3A_201 : vector<16xf32>
        %get3A_203 = arith.constant 1 : i32
        %get3A_204 = arith.index_cast %get3A_203 : i32 to index
        %get3A_205 = arith.constant 64 : index
        %get3A_206 = tpu.vector_load %arg7[%get3A_204, %get3A_205] {strides = array<i32>} : memref<48x128xf32, #tpu.memory_space<vmem>>, vector<16xf32>,
        %add3A_207 = arith.addf %add3A_167, %get3A_206 : vector<16xf32>
        %get3A_208 = arith.constant 1 : i32
        %get3A_209 = arith.index_cast %get3A_208 : i32 to index
        %get3A_210 = arith.constant 80 : index
        %get3A_211 = tpu.vector_load %arg7[%get3A_209, %get3A_210] {strides = array<i32>} : memref<48x128xf32, #tpu.memory_space<vmem>>, vector<16xf32>,
        %add3A_212 = arith.addf %add3A_172, %get3A_211 : vector<16xf32>
        %get3A_213 = arith.constant 1 : i32
        %get3A_214 = arith.index_cast %get3A_213 : i32 to index
        %get3A_215 = arith.constant 96 : index
        %get3A_216 = tpu.vector_load %arg7[%get3A_214, %get3A_215] {strides = array<i32>} : memref<48x128xf32, #tpu.memory_space<vmem>>, vector<16xf32>,
        %add3A_217 = arith.addf %add3A_177, %get3A_216 : vector<16xf32>
        %get3A_218 = arith.constant 1 : i32
        %get3A_219 = arith.index_cast %get3A_218 : i32 to index
        %get3A_220 = arith.constant 112 : index
        %get3A_221 = tpu.vector_load %arg7[%get3A_219, %get3A_220] {strides = array<i32>} : memref<48x128xf32, #tpu.memory_space<vmem>>, vector<16xf32>,
        %add3A_222 = arith.addf %add3A_182, %get3A_221 : vector<16xf32>
        %get3A_223 = arith.constant 2 : i32
        %get3A_224 = arith.index_cast %get3A_223 : i32 to index
        %get3A_225 = arith.constant 0 : index
        %get3A_226 = tpu.vector_load %arg7[%get3A_224, %get3A_225] {strides = array<i32>} : memref<48x128xf32, #tpu.memory_space<vmem>>, vector<16xf32>,
        %add3A_227 = arith.addf %add3A_187, %get3A_226 : vector<16xf32>
        %get3A_228 = arith.constant 2 : i32
        %get3A_229 = arith.index_cast %get3A_228 : i32 to index
        %get3A_230 = arith.constant 16 : index
        %get3A_231 = tpu.vector_load %arg7[%get3A_229, %get3A_230] {strides = array<i32>} : memref<48x128xf32, #tpu.memory_space<vmem>>, vector<16xf32>,
        %add3A_232 = arith.addf %add3A_192, %get3A_231 : vector<16xf32>
        %get3A_233 = arith.constant 2 : i32
        %get3A_234 = arith.index_cast %get3A_233 : i32 to index
        %get3A_235 = arith.constant 32 : index
        %get3A_236 = tpu.vector_load %arg7[%get3A_234, %get3A_235] {strides = array<i32>} : memref<48x128xf32, #tpu.memory_space<vmem>>, vector<16xf32>,
        %add3A_237 = arith.addf %add3A_197, %get3A_236 : vector<16xf32>
        %get3A_238 = arith.constant 2 : i32
        %get3A_239 = arith.index_cast %get3A_238 : i32 to index
        %get3A_240 = arith.constant 48 : index
        %get3A_241 = tpu.vector_load %arg7[%get3A_239, %get3A_240] {strides = array<i32>} : memref<48x128xf32, #tpu.memory_space<vmem>>, vector<16xf32>,
        %add3A_242 = arith.addf %add3A_202, %get3A_241 : vector<16xf32>
        %get3A_243 = arith.constant 2 : i32
        %get3A_244 = arith.index_cast %get3A_243 : i32 to index
        %get3A_245 = arith.constant 64 : index
        %get3A_246 = tpu.vector_load %arg7[%get3A_244, %get3A_245] {strides = array<i32>} : memref<48x128xf32, #tpu.memory_space<vmem>>, vector<16xf32>,
        %add3A_247 = arith.addf %add3A_207, %get3A_246 : vector<16xf32>
        %get3A_248 = arith.constant 2 : i32
        %get3A_249 = arith.index_cast %get3A_248 : i32 to index
        %get3A_250 = arith.constant 80 : index
        %get3A_251 = tpu.vector_load %arg7[%get3A_249, %get3A_250] {strides = array<i32>} : memref<48x128xf32, #tpu.memory_space<vmem>>, vector<16xf32>,
        %add3A_252 = arith.addf %add3A_212, %get3A_251 : vector<16xf32>
        %get3A_253 = arith.constant 2 : i32
        %get3A_254 = arith.index_cast %get3A_253 : i32 to index
        %get3A_255 = arith.constant 96 : index
        %get3A_256 = tpu.vector_load %arg7[%get3A_254, %get3A_255] {strides = array<i32>} : memref<48x128xf32, #tpu.memory_space<vmem>>, vector<16xf32>,
        %add3A_257 = arith.addf %add3A_217, %get3A_256 : vector<16xf32>
        %get3A_258 = arith.constant 2 : i32
        %get3A_259 = arith.index_cast %get3A_258 : i32 to index
        %get3A_260 = arith.constant 112 : index
        %get3A_261 = tpu.vector_load %arg7[%get3A_259, %get3A_260] {strides = array<i32>} : memref<48x128xf32, #tpu.memory_space<vmem>>, vector<16xf32>,
        %add3A_262 = arith.addf %add3A_222, %get3A_261 : vector<16xf32>
        %get3A_263 = arith.constant 3 : i32
        %get3A_264 = arith.index_cast %get3A_263 : i32 to index
        %get3A_265 = arith.constant 0 : index
        %get3A_266 = tpu.vector_load %arg7[%get3A_264, %get3A_265] {strides = array<i32>} : memref<48x128xf32, #tpu.memory_space<vmem>>, vector<16xf32>,
        %add3A_267 = arith.addf %add3A_227, %get3A_266 : vector<16xf32>
        %get3A_268 = arith.constant 3 : i32
        %get3A_269 = arith.index_cast %get3A_268 : i32 to index
        %get3A_270 = arith.constant 16 : index
        %get3A_271 = tpu.vector_load %arg7[%get3A_269, %get3A_270] {strides = array<i32>} : memref<48x128xf32, #tpu.memory_space<vmem>>, vector<16xf32>,
        %add3A_272 = arith.addf %add3A_232, %get3A_271 : vector<16xf32>
        %get3A_273 = arith.constant 3 : i32
        %get3A_274 = arith.index_cast %get3A_273 : i32 to index
        %get3A_275 = arith.constant 32 : index
        %get3A_276 = tpu.vector_load %arg7[%get3A_274, %get3A_275] {strides = array<i32>} : memref<48x128xf32, #tpu.memory_space<vmem>>, vector<16xf32>,
        %add3A_277 = arith.addf %add3A_237, %get3A_276 : vector<16xf32>
        %get3A_278 = arith.constant 3 : i32
        %get3A_279 = arith.index_cast %get3A_278 : i32 to index
        %get3A_280 = arith.constant 48 : index
        %get3A_281 = tpu.vector_load %arg7[%get3A_279, %get3A_280] {strides = array<i32>} : memref<48x128xf32, #tpu.memory_space<vmem>>, vector<16xf32>,
        %add3A_282 = arith.addf %add3A_242, %get3A_281 : vector<16xf32>
        %get3A_283 = arith.constant 3 : i32
        %get3A_284 = arith.index_cast %get3A_283 : i32 to index
        %get3A_285 = arith.constant 64 : index
        %get3A_286 = tpu.vector_load %arg7[%get3A_284, %get3A_285] {strides = array<i32>} : memref<48x128xf32, #tpu.memory_space<vmem>>, vector<16xf32>,
        %add3A_287 = arith.addf %add3A_247, %get3A_286 : vector<16xf32>
        %get3A_288 = arith.constant 3 : i32
        %get3A_289 = arith.index_cast %get3A_288 : i32 to index
        %get3A_290 = arith.constant 80 : index
        %get3A_291 = tpu.vector_load %arg7[%get3A_289, %get3A_290] {strides = array<i32>} : memref<48x128xf32, #tpu.memory_space<vmem>>, vector<16xf32>,
        %add3A_292 = arith.addf %add3A_252, %get3A_291 : vector<16xf32>
        %get3A_293 = arith.constant 3 : i32
        %get3A_294 = arith.index_cast %get3A_293 : i32 to index
        %get3A_295 = arith.constant 96 : index
        %get3A_296 = tpu.vector_load %arg7[%get3A_294, %get3A_295] {strides = array<i32>} : memref<48x128xf32, #tpu.memory_space<vmem>>, vector<16xf32>,
        %add3A_297 = arith.addf %add3A_257, %get3A_296 : vector<16xf32>
        %get3A_298 = arith.constant 3 : i32
        %get3A_299 = arith.index_cast %get3A_298 : i32 to index
        %get3A_300 = arith.constant 112 : index
        %get3A_301 = tpu.vector_load %arg7[%get3A_299, %get3A_300] {strides = array<i32>} : memref<48x128xf32, #tpu.memory_space<vmem>>, vector<16xf32>,
        %add3A_302 = arith.addf %add3A_262, %get3A_301 : vector<16xf32>
        %get3A_303 = arith.constant 4 : i32
        %get3A_304 = arith.index_cast %get3A_303 : i32 to index
        %get3A_305 = arith.constant 0 : index
        %get3A_306 = tpu.vector_load %arg7[%get3A_304, %get3A_305] {strides = array<i32>} : memref<48x128xf32, #tpu.memory_space<vmem>>, vector<16xf32>,
        %add3A_307 = arith.addf %add3A_267, %get3A_306 : vector<16xf32>
        %get3A_308 = arith.constant 4 : i32
        %get3A_309 = arith.index_cast %get3A_308 : i32 to index
        %get3A_310 = arith.constant 16 : index
        %get3A_311 = tpu.vector_load %arg7[%get3A_309, %get3A_310] {strides = array<i32>} : memref<48x128xf32, #tpu.memory_space<vmem>>, vector<16xf32>,
        %add3A_312 = arith.addf %add3A_272, %get3A_311 : vector<16xf32>
        %get3A_313 = arith.constant 4 : i32
        %get3A_314 = arith.index_cast %get3A_313 : i32 to index
        %get3A_315 = arith.constant 32 : index
        %get3A_316 = tpu.vector_load %arg7[%get3A_314, %get3A_315] {strides = array<i32>} : memref<48x128xf32, #tpu.memory_space<vmem>>, vector<16xf32>,
        %add3A_317 = arith.addf %add3A_277, %get3A_316 : vector<16xf32>
        %get3A_318 = arith.constant 4 : i32
        %get3A_319 = arith.index_cast %get3A_318 : i32 to index
        %get3A_320 = arith.constant 48 : index
        %get3A_321 = tpu.vector_load %arg7[%get3A_319, %get3A_320] {strides = array<i32>} : memref<48x128xf32, #tpu.memory_space<vmem>>, vector<16xf32>,
        %add3A_322 = arith.addf %add3A_282, %get3A_321 : vector<16xf32>
        %get3A_323 = arith.constant 4 : i32
        %get3A_324 = arith.index_cast %get3A_323 : i32 to index
        %get3A_325 = arith.constant 64 : index
        %get3A_326 = tpu.vector_load %arg7[%get3A_324, %get3A_325] {strides = array<i32>} : memref<48x128xf32, #tpu.memory_space<vmem>>, vector<16xf32>,
        %add3A_327 = arith.addf %add3A_287, %get3A_326 : vector<16xf32>
        %get3A_328 = arith.constant 4 : i32
        %get3A_329 = arith.index_cast %get3A_328 : i32 to index
        %get3A_330 = arith.constant 80 : index
        %get3A_331 = tpu.vector_load %arg7[%get3A_329, %get3A_330] {strides = array<i32>} : memref<48x128xf32, #tpu.memory_space<vmem>>, vector<16xf32>,
        %add3A_332 = arith.addf %add3A_292, %get3A_331 : vector<16xf32>
        %get3A_333 = arith.constant 4 : i32
        %get3A_334 = arith.index_cast %get3A_333 : i32 to index
        %get3A_335 = arith.constant 96 : index
        %get3A_336 = tpu.vector_load %arg7[%get3A_334, %get3A_335] {strides = array<i32>} : memref<48x128xf32, #tpu.memory_space<vmem>>, vector<16xf32>,
        %add3A_337 = arith.addf %add3A_297, %get3A_336 : vector<16xf32>
        %get3A_338 = arith.constant 4 : i32
        %get3A_339 = arith.index_cast %get3A_338 : i32 to index
        %get3A_340 = arith.constant 112 : index
        %get3A_341 = tpu.vector_load %arg7[%get3A_339, %get3A_340] {strides = array<i32>} : memref<48x128xf32, #tpu.memory_space<vmem>>, vector<16xf32>,
        %add3A_342 = arith.addf %add3A_302, %get3A_341 : vector<16xf32>
        %get3A_343 = arith.constant 5 : i32
        %get3A_344 = arith.index_cast %get3A_343 : i32 to index
        %get3A_345 = arith.constant 0 : index
        %get3A_346 = tpu.vector_load %arg7[%get3A_344, %get3A_345] {strides = array<i32>} : memref<48x128xf32, #tpu.memory_space<vmem>>, vector<16xf32>,
        %add3A_347 = arith.addf %add3A_307, %get3A_346 : vector<16xf32>
        %get3A_348 = arith.constant 5 : i32
        %get3A_349 = arith.index_cast %get3A_348 : i32 to index
        %get3A_350 = arith.constant 16 : index
        %get3A_351 = tpu.vector_load %arg7[%get3A_349, %get3A_350] {strides = array<i32>} : memref<48x128xf32, #tpu.memory_space<vmem>>, vector<16xf32>,
        %add3A_352 = arith.addf %add3A_312, %get3A_351 : vector<16xf32>
        %get3A_353 = arith.constant 5 : i32
        %get3A_354 = arith.index_cast %get3A_353 : i32 to index
        %get3A_355 = arith.constant 32 : index
        %get3A_356 = tpu.vector_load %arg7[%get3A_354, %get3A_355] {strides = array<i32>} : memref<48x128xf32, #tpu.memory_space<vmem>>, vector<16xf32>,
        %add3A_357 = arith.addf %add3A_317, %get3A_356 : vector<16xf32>
        %get3A_358 = arith.constant 5 : i32
        %get3A_359 = arith.index_cast %get3A_358 : i32 to index
        %get3A_360 = arith.constant 48 : index
        %get3A_361 = tpu.vector_load %arg7[%get3A_359, %get3A_360] {strides = array<i32>} : memref<48x128xf32, #tpu.memory_space<vmem>>, vector<16xf32>,
        %add3A_362 = arith.addf %add3A_322, %get3A_361 : vector<16xf32>
        %get3A_363 = arith.constant 5 : i32
        %get3A_364 = arith.index_cast %get3A_363 : i32 to index
        %get3A_365 = arith.constant 64 : index
        %get3A_366 = tpu.vector_load %arg7[%get3A_364, %get3A_365] {strides = array<i32>} : memref<48x128xf32, #tpu.memory_space<vmem>>, vector<16xf32>,
        %add3A_367 = arith.addf %add3A_327, %get3A_366 : vector<16xf32>
        %get3A_368 = arith.constant 5 : i32
        %get3A_369 = arith.index_cast %get3A_368 : i32 to index
        %get3A_370 = arith.constant 80 : index
        %get3A_371 = tpu.vector_load %arg7[%get3A_369, %get3A_370] {strides = array<i32>} : memref<48x128xf32, #tpu.memory_space<vmem>>, vector<16xf32>,
        %add3A_372 = arith.addf %add3A_332, %get3A_371 : vector<16xf32>
        %get3A_373 = arith.constant 5 : i32
        %get3A_374 = arith.index_cast %get3A_373 : i32 to index
        %get3A_375 = arith.constant 96 : index
        %get3A_376 = tpu.vector_load %arg7[%get3A_374, %get3A_375] {strides = array<i32>} : memref<48x128xf32, #tpu.memory_space<vmem>>, vector<16xf32>,
        %add3A_377 = arith.addf %add3A_337, %get3A_376 : vector<16xf32>
        %get3A_378 = arith.constant 5 : i32
        %get3A_379 = arith.index_cast %get3A_378 : i32 to index
        %get3A_380 = arith.constant 112 : index
        %get3A_381 = tpu.vector_load %arg7[%get3A_379, %get3A_380] {strides = array<i32>} : memref<48x128xf32, #tpu.memory_space<vmem>>, vector<16xf32>,
        %add3A_382 = arith.addf %add3A_342, %get3A_381 : vector<16xf32>
        %get3A_383 = arith.constant 6 : i32
        %get3A_384 = arith.index_cast %get3A_383 : i32 to index
        %get3A_385 = arith.constant 0 : index
        %get3A_386 = tpu.vector_load %arg7[%get3A_384, %get3A_385] {strides = array<i32>} : memref<48x128xf32, #tpu.memory_space<vmem>>, vector<16xf32>,
        %add3A_387 = arith.addf %add3A_347, %get3A_386 : vector<16xf32>
        %get3A_388 = arith.constant 6 : i32
        %get3A_389 = arith.index_cast %get3A_388 : i32 to index
        %get3A_390 = arith.constant 16 : index
        %get3A_391 = tpu.vector_load %arg7[%get3A_389, %get3A_390] {strides = array<i32>} : memref<48x128xf32, #tpu.memory_space<vmem>>, vector<16xf32>,
        %add3A_392 = arith.addf %add3A_352, %get3A_391 : vector<16xf32>
        %get3A_393 = arith.constant 6 : i32
        %get3A_394 = arith.index_cast %get3A_393 : i32 to index
        %get3A_395 = arith.constant 32 : index
        %get3A_396 = tpu.vector_load %arg7[%get3A_394, %get3A_395] {strides = array<i32>} : memref<48x128xf32, #tpu.memory_space<vmem>>, vector<16xf32>,
        %add3A_397 = arith.addf %add3A_357, %get3A_396 : vector<16xf32>
        %get3A_398 = arith.constant 6 : i32
        %get3A_399 = arith.index_cast %get3A_398 : i32 to index
        %get3A_400 = arith.constant 48 : index
        %get3A_401 = tpu.vector_load %arg7[%get3A_399, %get3A_400] {strides = array<i32>} : memref<48x128xf32, #tpu.memory_space<vmem>>, vector<16xf32>,
        %add3A_402 = arith.addf %add3A_362, %get3A_401 : vector<16xf32>
        %get3A_403 = arith.constant 6 : i32
        %get3A_404 = arith.index_cast %get3A_403 : i32 to index
        %get3A_405 = arith.constant 64 : index
        %get3A_406 = tpu.vector_load %arg7[%get3A_404, %get3A_405] {strides = array<i32>} : memref<48x128xf32, #tpu.memory_space<vmem>>, vector<16xf32>,
        %add3A_407 = arith.addf %add3A_367, %get3A_406 : vector<16xf32>
        %get3A_408 = arith.constant 6 : i32
        %get3A_409 = arith.index_cast %get3A_408 : i32 to index
        %get3A_410 = arith.constant 80 : index
        %get3A_411 = tpu.vector_load %arg7[%get3A_409, %get3A_410] {strides = array<i32>} : memref<48x128xf32, #tpu.memory_space<vmem>>, vector<16xf32>,
        %add3A_412 = arith.addf %add3A_372, %get3A_411 : vector<16xf32>
        %get3A_413 = arith.constant 6 : i32
        %get3A_414 = arith.index_cast %get3A_413 : i32 to index
        %get3A_415 = arith.constant 96 : index
        %get3A_416 = tpu.vector_load %arg7[%get3A_414, %get3A_415] {strides = array<i32>} : memref<48x128xf32, #tpu.memory_space<vmem>>, vector<16xf32>,
        %add3A_417 = arith.addf %add3A_377, %get3A_416 : vector<16xf32>
        %get3A_418 = arith.constant 6 : i32
        %get3A_419 = arith.index_cast %get3A_418 : i32 to index
        %get3A_420 = arith.constant 112 : index
        %get3A_421 = tpu.vector_load %arg7[%get3A_419, %get3A_420] {strides = array<i32>} : memref<48x128xf32, #tpu.memory_space<vmem>>, vector<16xf32>,
        %add3A_422 = arith.addf %add3A_382, %get3A_421 : vector<16xf32>
        %get3A_423 = arith.constant 7 : i32
        %get3A_424 = arith.index_cast %get3A_423 : i32 to index
        %get3A_425 = arith.constant 0 : index
        %get3A_426 = tpu.vector_load %arg7[%get3A_424, %get3A_425] {strides = array<i32>} : memref<48x128xf32, #tpu.memory_space<vmem>>, vector<16xf32>,
        %add3A_427 = arith.addf %add3A_387, %get3A_426 : vector<16xf32>
        %get3A_428 = arith.constant 7 : i32
        %get3A_429 = arith.index_cast %get3A_428 : i32 to index
        %get3A_430 = arith.constant 16 : index
        %get3A_431 = tpu.vector_load %arg7[%get3A_429, %get3A_430] {strides = array<i32>} : memref<48x128xf32, #tpu.memory_space<vmem>>, vector<16xf32>,
        %add3A_432 = arith.addf %add3A_392, %get3A_431 : vector<16xf32>
        %get3A_433 = arith.constant 7 : i32
        %get3A_434 = arith.index_cast %get3A_433 : i32 to index
        %get3A_435 = arith.constant 32 : index
        %get3A_436 = tpu.vector_load %arg7[%get3A_434, %get3A_435] {strides = array<i32>} : memref<48x128xf32, #tpu.memory_space<vmem>>, vector<16xf32>,
        %add3A_437 = arith.addf %add3A_397, %get3A_436 : vector<16xf32>
        %get3A_438 = arith.constant 7 : i32
        %get3A_439 = arith.index_cast %get3A_438 : i32 to index
        %get3A_440 = arith.constant 48 : index
        %get3A_441 = tpu.vector_load %arg7[%get3A_439, %get3A_440] {strides = array<i32>} : memref<48x128xf32, #tpu.memory_space<vmem>>, vector<16xf32>,
        %add3A_442 = arith.addf %add3A_402, %get3A_441 : vector<16xf32>
        %get3A_443 = arith.constant 7 : i32
        %get3A_444 = arith.index_cast %get3A_443 : i32 to index
        %get3A_445 = arith.constant 64 : index
        %get3A_446 = tpu.vector_load %arg7[%get3A_444, %get3A_445] {strides = array<i32>} : memref<48x128xf32, #tpu.memory_space<vmem>>, vector<16xf32>,
        %add3A_447 = arith.addf %add3A_407, %get3A_446 : vector<16xf32>
        %get3A_448 = arith.constant 7 : i32
        %get3A_449 = arith.index_cast %get3A_448 : i32 to index
        %get3A_450 = arith.constant 80 : index
        %get3A_451 = tpu.vector_load %arg7[%get3A_449, %get3A_450] {strides = array<i32>} : memref<48x128xf32, #tpu.memory_space<vmem>>, vector<16xf32>,
        %add3A_452 = arith.addf %add3A_412, %get3A_451 : vector<16xf32>
        %get3A_453 = arith.constant 7 : i32
        %get3A_454 = arith.index_cast %get3A_453 : i32 to index
        %get3A_455 = arith.constant 96 : index
        %get3A_456 = tpu.vector_load %arg7[%get3A_454, %get3A_455] {strides = array<i32>} : memref<48x128xf32, #tpu.memory_space<vmem>>, vector<16xf32>,
        %add3A_457 = arith.addf %add3A_417, %get3A_456 : vector<16xf32>
        %get3A_458 = arith.constant 7 : i32
        %get3A_459 = arith.index_cast %get3A_458 : i32 to index
        %get3A_460 = arith.constant 112 : index
        %get3A_461 = tpu.vector_load %arg7[%get3A_459, %get3A_460] {strides = array<i32>} : memref<48x128xf32, #tpu.memory_space<vmem>>, vector<16xf32>,
        %add3A_462 = arith.addf %add3A_422, %get3A_461 : vector<16xf32>
        %get3A_463 = arith.constant 8 : i32
        %get3A_464 = arith.index_cast %get3A_463 : i32 to index
        %get3A_465 = arith.constant 0 : index
        %get3A_466 = tpu.vector_load %arg7[%get3A_464, %get3A_465] {strides = array<i32>} : memref<48x128xf32, #tpu.memory_space<vmem>>, vector<16xf32>,
        %add3A_467 = arith.addf %add3A_427, %get3A_466 : vector<16xf32>
        %get3A_468 = arith.constant 8 : i32
        %get3A_469 = arith.index_cast %get3A_468 : i32 to index
        %get3A_470 = arith.constant 16 : index
        %get3A_471 = tpu.vector_load %arg7[%get3A_469, %get3A_470] {strides = array<i32>} : memref<48x128xf32, #tpu.memory_space<vmem>>, vector<16xf32>,
        %add3A_472 = arith.addf %add3A_432, %get3A_471 : vector<16xf32>
        %get3A_473 = arith.constant 8 : i32
        %get3A_474 = arith.index_cast %get3A_473 : i32 to index
        %get3A_475 = arith.constant 32 : index
        %get3A_476 = tpu.vector_load %arg7[%get3A_474, %get3A_475] {strides = array<i32>} : memref<48x128xf32, #tpu.memory_space<vmem>>, vector<16xf32>,
        %add3A_477 = arith.addf %add3A_437, %get3A_476 : vector<16xf32>
        %get3A_478 = arith.constant 8 : i32
        %get3A_479 = arith.index_cast %get3A_478 : i32 to index
        %get3A_480 = arith.constant 48 : index
        %get3A_481 = tpu.vector_load %arg7[%get3A_479, %get3A_480] {strides = array<i32>} : memref<48x128xf32, #tpu.memory_space<vmem>>, vector<16xf32>,
        %add3A_482 = arith.addf %add3A_442, %get3A_481 : vector<16xf32>
        %get3A_483 = arith.constant 8 : i32
        %get3A_484 = arith.index_cast %get3A_483 : i32 to index
        %get3A_485 = arith.constant 64 : index
        %get3A_486 = tpu.vector_load %arg7[%get3A_484, %get3A_485] {strides = array<i32>} : memref<48x128xf32, #tpu.memory_space<vmem>>, vector<16xf32>,
        %add3A_487 = arith.addf %add3A_447, %get3A_486 : vector<16xf32>
        %get3A_488 = arith.constant 8 : i32
        %get3A_489 = arith.index_cast %get3A_488 : i32 to index
        %get3A_490 = arith.constant 80 : index
        %get3A_491 = tpu.vector_load %arg7[%get3A_489, %get3A_490] {strides = array<i32>} : memref<48x128xf32, #tpu.memory_space<vmem>>, vector<16xf32>,
        %add3A_492 = arith.addf %add3A_452, %get3A_491 : vector<16xf32>
        %get3A_493 = arith.constant 8 : i32
        %get3A_494 = arith.index_cast %get3A_493 : i32 to index
        %get3A_495 = arith.constant 96 : index
        %get3A_496 = tpu.vector_load %arg7[%get3A_494, %get3A_495] {strides = array<i32>} : memref<48x128xf32, #tpu.memory_space<vmem>>, vector<16xf32>,
        %add3A_497 = arith.addf %add3A_457, %get3A_496 : vector<16xf32>
        %get3A_498 = arith.constant 8 : i32
        %get3A_499 = arith.index_cast %get3A_498 : i32 to index
        %get3A_500 = arith.constant 112 : index
        %get3A_501 = tpu.vector_load %arg7[%get3A_499, %get3A_500] {strides = array<i32>} : memref<48x128xf32, #tpu.memory_space<vmem>>, vector<16xf32>,
        %add3A_502 = arith.addf %add3A_462, %get3A_501 : vector<16xf32>
        %get3A_503 = arith.constant 9 : i32
        %get3A_504 = arith.index_cast %get3A_503 : i32 to index
        %get3A_505 = arith.constant 0 : index
        %get3A_506 = tpu.vector_load %arg7[%get3A_504, %get3A_505] {strides = array<i32>} : memref<48x128xf32, #tpu.memory_space<vmem>>, vector<16xf32>,
        %add3A_507 = arith.addf %add3A_467, %get3A_506 : vector<16xf32>
        %get3A_508 = arith.constant 9 : i32
        %get3A_509 = arith.index_cast %get3A_508 : i32 to index
        %get3A_510 = arith.constant 16 : index
        %get3A_511 = tpu.vector_load %arg7[%get3A_509, %get3A_510] {strides = array<i32>} : memref<48x128xf32, #tpu.memory_space<vmem>>, vector<16xf32>,
        %add3A_512 = arith.addf %add3A_472, %get3A_511 : vector<16xf32>
        %get3A_513 = arith.constant 9 : i32
        %get3A_514 = arith.index_cast %get3A_513 : i32 to index
        %get3A_515 = arith.constant 32 : index
        %get3A_516 = tpu.vector_load %arg7[%get3A_514, %get3A_515] {strides = array<i32>} : memref<48x128xf32, #tpu.memory_space<vmem>>, vector<16xf32>,
        %add3A_517 = arith.addf %add3A_477, %get3A_516 : vector<16xf32>
        %get3A_518 = arith.constant 9 : i32
        %get3A_519 = arith.index_cast %get3A_518 : i32 to index
        %get3A_520 = arith.constant 48 : index
        %get3A_521 = tpu.vector_load %arg7[%get3A_519, %get3A_520] {strides = array<i32>} : memref<48x128xf32, #tpu.memory_space<vmem>>, vector<16xf32>,
        %add3A_522 = arith.addf %add3A_482, %get3A_521 : vector<16xf32>
        %get3A_523 = arith.constant 9 : i32
        %get3A_524 = arith.index_cast %get3A_523 : i32 to index
        %get3A_525 = arith.constant 64 : index
        %get3A_526 = tpu.vector_load %arg7[%get3A_524, %get3A_525] {strides = array<i32>} : memref<48x128xf32, #tpu.memory_space<vmem>>, vector<16xf32>,
        %add3A_527 = arith.addf %add3A_487, %get3A_526 : vector<16xf32>
        %get3A_528 = arith.constant 9 : i32
        %get3A_529 = arith.index_cast %get3A_528 : i32 to index
        %get3A_530 = arith.constant 80 : index
        %get3A_531 = tpu.vector_load %arg7[%get3A_529, %get3A_530] {strides = array<i32>} : memref<48x128xf32, #tpu.memory_space<vmem>>, vector<16xf32>,
        %add3A_532 = arith.addf %add3A_492, %get3A_531 : vector<16xf32>
        %get3A_533 = arith.constant 9 : i32
        %get3A_534 = arith.index_cast %get3A_533 : i32 to index
        %get3A_535 = arith.constant 96 : index
        %get3A_536 = tpu.vector_load %arg7[%get3A_534, %get3A_535] {strides = array<i32>} : memref<48x128xf32, #tpu.memory_space<vmem>>, vector<16xf32>,
        %add3A_537 = arith.addf %add3A_497, %get3A_536 : vector<16xf32>
        %get3A_538 = arith.constant 9 : i32
        %get3A_539 = arith.index_cast %get3A_538 : i32 to index
        %get3A_540 = arith.constant 112 : index
        %get3A_541 = tpu.vector_load %arg7[%get3A_539, %get3A_540] {strides = array<i32>} : memref<48x128xf32, #tpu.memory_space<vmem>>, vector<16xf32>,
        %add3A_542 = arith.addf %add3A_502, %get3A_541 : vector<16xf32>
        %get3A_543 = arith.constant 10 : i32
        %get3A_544 = arith.index_cast %get3A_543 : i32 to index
        %get3A_545 = arith.constant 0 : index
        %get3A_546 = tpu.vector_load %arg7[%get3A_544, %get3A_545] {strides = array<i32>} : memref<48x128xf32, #tpu.memory_space<vmem>>, vector<16xf32>,
        %add3A_547 = arith.addf %add3A_507, %get3A_546 : vector<16xf32>
        %get3A_548 = arith.constant 10 : i32
        %get3A_549 = arith.index_cast %get3A_548 : i32 to index
        %get3A_550 = arith.constant 16 : index
        %get3A_551 = tpu.vector_load %arg7[%get3A_549, %get3A_550] {strides = array<i32>} : memref<48x128xf32, #tpu.memory_space<vmem>>, vector<16xf32>,
        %add3A_552 = arith.addf %add3A_512, %get3A_551 : vector<16xf32>
        %get3A_553 = arith.constant 10 : i32
        %get3A_554 = arith.index_cast %get3A_553 : i32 to index
        %get3A_555 = arith.constant 32 : index
        %get3A_556 = tpu.vector_load %arg7[%get3A_554, %get3A_555] {strides = array<i32>} : memref<48x128xf32, #tpu.memory_space<vmem>>, vector<16xf32>,
        %add3A_557 = arith.addf %add3A_517, %get3A_556 : vector<16xf32>
        %get3A_558 = arith.constant 10 : i32
        %get3A_559 = arith.index_cast %get3A_558 : i32 to index
        %get3A_560 = arith.constant 48 : index
        %get3A_561 = tpu.vector_load %arg7[%get3A_559, %get3A_560] {strides = array<i32>} : memref<48x128xf32, #tpu.memory_space<vmem>>, vector<16xf32>,
        %add3A_562 = arith.addf %add3A_522, %get3A_561 : vector<16xf32>
        %get3A_563 = arith.constant 10 : i32
        %get3A_564 = arith.index_cast %get3A_563 : i32 to index
        %get3A_565 = arith.constant 64 : index
        %get3A_566 = tpu.vector_load %arg7[%get3A_564, %get3A_565] {strides = array<i32>} : memref<48x128xf32, #tpu.memory_space<vmem>>, vector<16xf32>,
        %add3A_567 = arith.addf %add3A_527, %get3A_566 : vector<16xf32>
        %get3A_568 = arith.constant 10 : i32
        %get3A_569 = arith.index_cast %get3A_568 : i32 to index
        %get3A_570 = arith.constant 80 : index
        %get3A_571 = tpu.vector_load %arg7[%get3A_569, %get3A_570] {strides = array<i32>} : memref<48x128xf32, #tpu.memory_space<vmem>>, vector<16xf32>,
        %add3A_572 = arith.addf %add3A_532, %get3A_571 : vector<16xf32>
        %get3A_573 = arith.constant 10 : i32
        %get3A_574 = arith.index_cast %get3A_573 : i32 to index
        %get3A_575 = arith.constant 96 : index
        %get3A_576 = tpu.vector_load %arg7[%get3A_574, %get3A_575] {strides = array<i32>} : memref<48x128xf32, #tpu.memory_space<vmem>>, vector<16xf32>,
        %add3A_577 = arith.addf %add3A_537, %get3A_576 : vector<16xf32>
        %get3A_578 = arith.constant 10 : i32
        %get3A_579 = arith.index_cast %get3A_578 : i32 to index
        %get3A_580 = arith.constant 112 : index
        %get3A_581 = tpu.vector_load %arg7[%get3A_579, %get3A_580] {strides = array<i32>} : memref<48x128xf32, #tpu.memory_space<vmem>>, vector<16xf32>,
        %add3A_582 = arith.addf %add3A_542, %get3A_581 : vector<16xf32>
        %get3A_583 = arith.constant 11 : i32
        %get3A_584 = arith.index_cast %get3A_583 : i32 to index
        %get3A_585 = arith.constant 0 : index
        %get3A_586 = tpu.vector_load %arg7[%get3A_584, %get3A_585] {strides = array<i32>} : memref<48x128xf32, #tpu.memory_space<vmem>>, vector<16xf32>,
        %add3A_587 = arith.addf %add3A_547, %get3A_586 : vector<16xf32>
        %get3A_588 = arith.constant 11 : i32
        %get3A_589 = arith.index_cast %get3A_588 : i32 to index
        %get3A_590 = arith.constant 16 : index
        %get3A_591 = tpu.vector_load %arg7[%get3A_589, %get3A_590] {strides = array<i32>} : memref<48x128xf32, #tpu.memory_space<vmem>>, vector<16xf32>,
        %add3A_592 = arith.addf %add3A_552, %get3A_591 : vector<16xf32>
        %get3A_593 = arith.constant 11 : i32
        %get3A_594 = arith.index_cast %get3A_593 : i32 to index
        %get3A_595 = arith.constant 32 : index
        %get3A_596 = tpu.vector_load %arg7[%get3A_594, %get3A_595] {strides = array<i32>} : memref<48x128xf32, #tpu.memory_space<vmem>>, vector<16xf32>,
        %add3A_597 = arith.addf %add3A_557, %get3A_596 : vector<16xf32>
        %get3A_598 = arith.constant 11 : i32
        %get3A_599 = arith.index_cast %get3A_598 : i32 to index
        %get3A_600 = arith.constant 48 : index
        %get3A_601 = tpu.vector_load %arg7[%get3A_599, %get3A_600] {strides = array<i32>} : memref<48x128xf32, #tpu.memory_space<vmem>>, vector<16xf32>,
        %add3A_602 = arith.addf %add3A_562, %get3A_601 : vector<16xf32>
        %get3A_603 = arith.constant 11 : i32
        %get3A_604 = arith.index_cast %get3A_603 : i32 to index
        %get3A_605 = arith.constant 64 : index
        %get3A_606 = tpu.vector_load %arg7[%get3A_604, %get3A_605] {strides = array<i32>} : memref<48x128xf32, #tpu.memory_space<vmem>>, vector<16xf32>,
        %add3A_607 = arith.addf %add3A_567, %get3A_606 : vector<16xf32>
        %get3A_608 = arith.constant 11 : i32
        %get3A_609 = arith.index_cast %get3A_608 : i32 to index
        %get3A_610 = arith.constant 80 : index
        %get3A_611 = tpu.vector_load %arg7[%get3A_609, %get3A_610] {strides = array<i32>} : memref<48x128xf32, #tpu.memory_space<vmem>>, vector<16xf32>,
        %add3A_612 = arith.addf %add3A_572, %get3A_611 : vector<16xf32>
        %get3A_613 = arith.constant 11 : i32
        %get3A_614 = arith.index_cast %get3A_613 : i32 to index
        %get3A_615 = arith.constant 96 : index
        %get3A_616 = tpu.vector_load %arg7[%get3A_614, %get3A_615] {strides = array<i32>} : memref<48x128xf32, #tpu.memory_space<vmem>>, vector<16xf32>,
        %add3A_617 = arith.addf %add3A_577, %get3A_616 : vector<16xf32>
        %get3A_618 = arith.constant 11 : i32
        %get3A_619 = arith.index_cast %get3A_618 : i32 to index
        %get3A_620 = arith.constant 112 : index
        %get3A_621 = tpu.vector_load %arg7[%get3A_619, %get3A_620] {strides = array<i32>} : memref<48x128xf32, #tpu.memory_space<vmem>>, vector<16xf32>,
        %add3A_622 = arith.addf %add3A_582, %get3A_621 : vector<16xf32>
        %get3A_623 = arith.constant 12 : i32
        %get3A_624 = arith.index_cast %get3A_623 : i32 to index
        %get3A_625 = arith.constant 0 : index
        %get3A_626 = tpu.vector_load %arg7[%get3A_624, %get3A_625] {strides = array<i32>} : memref<48x128xf32, #tpu.memory_space<vmem>>, vector<16xf32>,
        %add3A_627 = arith.addf %add3A_587, %get3A_626 : vector<16xf32>
        %get3A_628 = arith.constant 12 : i32
        %get3A_629 = arith.index_cast %get3A_628 : i32 to index
        %get3A_630 = arith.constant 16 : index
        %get3A_631 = tpu.vector_load %arg7[%get3A_629, %get3A_630] {strides = array<i32>} : memref<48x128xf32, #tpu.memory_space<vmem>>, vector<16xf32>,
        %add3A_632 = arith.addf %add3A_592, %get3A_631 : vector<16xf32>
        %get3A_633 = arith.constant 12 : i32
        %get3A_634 = arith.index_cast %get3A_633 : i32 to index
        %get3A_635 = arith.constant 32 : index
        %get3A_636 = tpu.vector_load %arg7[%get3A_634, %get3A_635] {strides = array<i32>} : memref<48x128xf32, #tpu.memory_space<vmem>>, vector<16xf32>,
        %add3A_637 = arith.addf %add3A_597, %get3A_636 : vector<16xf32>
        %get3A_638 = arith.constant 12 : i32
        %get3A_639 = arith.index_cast %get3A_638 : i32 to index
        %get3A_640 = arith.constant 48 : index
        %get3A_641 = tpu.vector_load %arg7[%get3A_639, %get3A_640] {strides = array<i32>} : memref<48x128xf32, #tpu.memory_space<vmem>>, vector<16xf32>,
        %add3A_642 = arith.addf %add3A_602, %get3A_641 : vector<16xf32>
        %get3A_643 = arith.constant 12 : i32
        %get3A_644 = arith.index_cast %get3A_643 : i32 to index
        %get3A_645 = arith.constant 64 : index
        %get3A_646 = tpu.vector_load %arg7[%get3A_644, %get3A_645] {strides = array<i32>} : memref<48x128xf32, #tpu.memory_space<vmem>>, vector<16xf32>,
        %add3A_647 = arith.addf %add3A_607, %get3A_646 : vector<16xf32>
        %get3A_648 = arith.constant 12 : i32
        %get3A_649 = arith.index_cast %get3A_648 : i32 to index
        %get3A_650 = arith.constant 80 : index
        %get3A_651 = tpu.vector_load %arg7[%get3A_649, %get3A_650] {strides = array<i32>} : memref<48x128xf32, #tpu.memory_space<vmem>>, vector<16xf32>,
        %add3A_652 = arith.addf %add3A_612, %get3A_651 : vector<16xf32>
        %get3A_653 = arith.constant 12 : i32
        %get3A_654 = arith.index_cast %get3A_653 : i32 to index
        %get3A_655 = arith.constant 96 : index
        %get3A_656 = tpu.vector_load %arg7[%get3A_654, %get3A_655] {strides = array<i32>} : memref<48x128xf32, #tpu.memory_space<vmem>>, vector<16xf32>,
        %add3A_657 = arith.addf %add3A_617, %get3A_656 : vector<16xf32>
        %get3A_658 = arith.constant 12 : i32
        %get3A_659 = arith.index_cast %get3A_658 : i32 to index
        %get3A_660 = arith.constant 112 : index
        %get3A_661 = tpu.vector_load %arg7[%get3A_659, %get3A_660] {strides = array<i32>} : memref<48x128xf32, #tpu.memory_space<vmem>>, vector<16xf32>,
        %add3A_662 = arith.addf %add3A_622, %get3A_661 : vector<16xf32>
        %get3A_663 = arith.constant 13 : i32
        %get3A_664 = arith.index_cast %get3A_663 : i32 to index
        %get3A_665 = arith.constant 0 : index
        %get3A_666 = tpu.vector_load %arg7[%get3A_664, %get3A_665] {strides = array<i32>} : memref<48x128xf32, #tpu.memory_space<vmem>>, vector<16xf32>,
        %add3A_667 = arith.addf %add3A_627, %get3A_666 : vector<16xf32>
        %get3A_668 = arith.constant 13 : i32
        %get3A_669 = arith.index_cast %get3A_668 : i32 to index
        %get3A_670 = arith.constant 16 : index
        %get3A_671 = tpu.vector_load %arg7[%get3A_669, %get3A_670] {strides = array<i32>} : memref<48x128xf32, #tpu.memory_space<vmem>>, vector<16xf32>,
        %add3A_672 = arith.addf %add3A_632, %get3A_671 : vector<16xf32>
        %get3A_673 = arith.constant 13 : i32
        %get3A_674 = arith.index_cast %get3A_673 : i32 to index
        %get3A_675 = arith.constant 32 : index
        %get3A_676 = tpu.vector_load %arg7[%get3A_674, %get3A_675] {strides = array<i32>} : memref<48x128xf32, #tpu.memory_space<vmem>>, vector<16xf32>,
        %add3A_677 = arith.addf %add3A_637, %get3A_676 : vector<16xf32>
        %get3A_678 = arith.constant 13 : i32
        %get3A_679 = arith.index_cast %get3A_678 : i32 to index
        %get3A_680 = arith.constant 48 : index
        %get3A_681 = tpu.vector_load %arg7[%get3A_679, %get3A_680] {strides = array<i32>} : memref<48x128xf32, #tpu.memory_space<vmem>>, vector<16xf32>,
        %add3A_682 = arith.addf %add3A_642, %get3A_681 : vector<16xf32>
        %get3A_683 = arith.constant 13 : i32
        %get3A_684 = arith.index_cast %get3A_683 : i32 to index
        %get3A_685 = arith.constant 64 : index
        %get3A_686 = tpu.vector_load %arg7[%get3A_684, %get3A_685] {strides = array<i32>} : memref<48x128xf32, #tpu.memory_space<vmem>>, vector<16xf32>,
        %add3A_687 = arith.addf %add3A_647, %get3A_686 : vector<16xf32>
        %get3A_688 = arith.constant 13 : i32
        %get3A_689 = arith.index_cast %get3A_688 : i32 to index
        %get3A_690 = arith.constant 80 : index
        %get3A_691 = tpu.vector_load %arg7[%get3A_689, %get3A_690] {strides = array<i32>} : memref<48x128xf32, #tpu.memory_space<vmem>>, vector<16xf32>,
        %add3A_692 = arith.addf %add3A_652, %get3A_691 : vector<16xf32>
        %get3A_693 = arith.constant 13 : i32
        %get3A_694 = arith.index_cast %get3A_693 : i32 to index
        %get3A_695 = arith.constant 96 : index
        %get3A_696 = tpu.vector_load %arg7[%get3A_694, %get3A_695] {strides = array<i32>} : memref<48x128xf32, #tpu.memory_space<vmem>>, vector<16xf32>,
        %add3A_697 = arith.addf %add3A_657, %get3A_696 : vector<16xf32>
        %get3A_698 = arith.constant 13 : i32
        %get3A_699 = arith.index_cast %get3A_698 : i32 to index
        %get3A_700 = arith.constant 112 : index
        %get3A_701 = tpu.vector_load %arg7[%get3A_699, %get3A_700] {strides = array<i32>} : memref<48x128xf32, #tpu.memory_space<vmem>>, vector<16xf32>,
        %add3A_702 = arith.addf %add3A_662, %get3A_701 : vector<16xf32>
        %get3A_703 = arith.constant 14 : i32
        %get3A_704 = arith.index_cast %get3A_703 : i32 to index
        %get3A_705 = arith.constant 0 : index
        %get3A_706 = tpu.vector_load %arg7[%get3A_704, %get3A_705] {strides = array<i32>} : memref<48x128xf32, #tpu.memory_space<vmem>>, vector<16xf32>,
        %add3A_707 = arith.addf %add3A_667, %get3A_706 : vector<16xf32>
        %get3A_708 = arith.constant 14 : i32
        %get3A_709 = arith.index_cast %get3A_708 : i32 to index
        %get3A_710 = arith.constant 16 : index
        %get3A_711 = tpu.vector_load %arg7[%get3A_709, %get3A_710] {strides = array<i32>} : memref<48x128xf32, #tpu.memory_space<vmem>>, vector<16xf32>,
        %add3A_712 = arith.addf %add3A_672, %get3A_711 : vector<16xf32>
        %get3A_713 = arith.constant 14 : i32
        %get3A_714 = arith.index_cast %get3A_713 : i32 to index
        %get3A_715 = arith.constant 32 : index
        %get3A_716 = tpu.vector_load %arg7[%get3A_714, %get3A_715] {strides = array<i32>} : memref<48x128xf32, #tpu.memory_space<vmem>>, vector<16xf32>,
        %add3A_717 = arith.addf %add3A_677, %get3A_716 : vector<16xf32>
        %get3A_718 = arith.constant 14 : i32
        %get3A_719 = arith.index_cast %get3A_718 : i32 to index
        %get3A_720 = arith.constant 48 : index
        %get3A_721 = tpu.vector_load %arg7[%get3A_719, %get3A_720] {strides = array<i32>} : memref<48x128xf32, #tpu.memory_space<vmem>>, vector<16xf32>,
        %add3A_722 = arith.addf %add3A_682, %get3A_721 : vector<16xf32>
        %get3A_723 = arith.constant 14 : i32
        %get3A_724 = arith.index_cast %get3A_723 : i32 to index
        %get3A_725 = arith.constant 64 : index
        %get3A_726 = tpu.vector_load %arg7[%get3A_724, %get3A_725] {strides = array<i32>} : memref<48x128xf32, #tpu.memory_space<vmem>>, vector<16xf32>,
        %add3A_727 = arith.addf %add3A_687, %get3A_726 : vector<16xf32>
        %get3A_728 = arith.constant 14 : i32
        %get3A_729 = arith.index_cast %get3A_728 : i32 to index
        %get3A_730 = arith.constant 80 : index
        %get3A_731 = tpu.vector_load %arg7[%get3A_729, %get3A_730] {strides = array<i32>} : memref<48x128xf32, #tpu.memory_space<vmem>>, vector<16xf32>,
        %add3A_732 = arith.addf %add3A_692, %get3A_731 : vector<16xf32>
        %get3A_733 = arith.constant 14 : i32
        %get3A_734 = arith.index_cast %get3A_733 : i32 to index
        %get3A_735 = arith.constant 96 : index
        %get3A_736 = tpu.vector_load %arg7[%get3A_734, %get3A_735] {strides = array<i32>} : memref<48x128xf32, #tpu.memory_space<vmem>>, vector<16xf32>,
        %add3A_737 = arith.addf %add3A_697, %get3A_736 : vector<16xf32>
        %get3A_738 = arith.constant 14 : i32
        %get3A_739 = arith.index_cast %get3A_738 : i32 to index
        %get3A_740 = arith.constant 112 : index
        %get3A_741 = tpu.vector_load %arg7[%get3A_739, %get3A_740] {strides = array<i32>} : memref<48x128xf32, #tpu.memory_space<vmem>>, vector<16xf32>,
        %add3A_742 = arith.addf %add3A_702, %get3A_741 : vector<16xf32>
        %get3A_743 = arith.constant 15 : i32
        %get3A_744 = arith.index_cast %get3A_743 : i32 to index
        %get3A_745 = arith.constant 0 : index
        %get3A_746 = tpu.vector_load %arg7[%get3A_744, %get3A_745] {strides = array<i32>} : memref<48x128xf32, #tpu.memory_space<vmem>>, vector<16xf32>,
        %add3A_747 = arith.addf %add3A_707, %get3A_746 : vector<16xf32>
        %get3A_748 = arith.constant 15 : i32
        %get3A_749 = arith.index_cast %get3A_748 : i32 to index
        %get3A_750 = arith.constant 16 : index
        %get3A_751 = tpu.vector_load %arg7[%get3A_749, %get3A_750] {strides = array<i32>} : memref<48x128xf32, #tpu.memory_space<vmem>>, vector<16xf32>,
        %add3A_752 = arith.addf %add3A_712, %get3A_751 : vector<16xf32>
        %get3A_753 = arith.constant 15 : i32
        %get3A_754 = arith.index_cast %get3A_753 : i32 to index
        %get3A_755 = arith.constant 32 : index
        %get3A_756 = tpu.vector_load %arg7[%get3A_754, %get3A_755] {strides = array<i32>} : memref<48x128xf32, #tpu.memory_space<vmem>>, vector<16xf32>,
        %add3A_757 = arith.addf %add3A_717, %get3A_756 : vector<16xf32>
        %get3A_758 = arith.constant 15 : i32
        %get3A_759 = arith.index_cast %get3A_758 : i32 to index
        %get3A_760 = arith.constant 48 : index
        %get3A_761 = tpu.vector_load %arg7[%get3A_759, %get3A_760] {strides = array<i32>} : memref<48x128xf32, #tpu.memory_space<vmem>>, vector<16xf32>,
        %add3A_762 = arith.addf %add3A_722, %get3A_761 : vector<16xf32>
        %get3A_763 = arith.constant 15 : i32
        %get3A_764 = arith.index_cast %get3A_763 : i32 to index
        %get3A_765 = arith.constant 64 : index
        %get3A_766 = tpu.vector_load %arg7[%get3A_764, %get3A_765] {strides = array<i32>} : memref<48x128xf32, #tpu.memory_space<vmem>>, vector<16xf32>,
        %add3A_767 = arith.addf %add3A_727, %get3A_766 : vector<16xf32>
        %get3A_768 = arith.constant 15 : i32
        %get3A_769 = arith.index_cast %get3A_768 : i32 to index
        %get3A_770 = arith.constant 80 : index
        %get3A_771 = tpu.vector_load %arg7[%get3A_769, %get3A_770] {strides = array<i32>} : memref<48x128xf32, #tpu.memory_space<vmem>>, vector<16xf32>,
        %add3A_772 = arith.addf %add3A_732, %get3A_771 : vector<16xf32>
        %get3A_773 = arith.constant 15 : i32
        %get3A_774 = arith.index_cast %get3A_773 : i32 to index
        %get3A_775 = arith.constant 96 : index
        %get3A_776 = tpu.vector_load %arg7[%get3A_774, %get3A_775] {strides = array<i32>} : memref<48x128xf32, #tpu.memory_space<vmem>>, vector<16xf32>,
        %add3A_777 = arith.addf %add3A_737, %get3A_776 : vector<16xf32>
        %get3A_778 = arith.constant 15 : i32
        %get3A_779 = arith.index_cast %get3A_778 : i32 to index
        %get3A_780 = arith.constant 112 : index
        %get3A_781 = tpu.vector_load %arg7[%get3A_779, %get3A_780] {strides = array<i32>} : memref<48x128xf32, #tpu.memory_space<vmem>>, vector<16xf32>,
        %add3A_782 = arith.addf %add3A_742, %get3A_781 : vector<16xf32>
        %mul3A_783 = arith.constant 13 : i32
        %mul3A_784 = arith.muli %add3A_94, %mul3A_783 : i32
        %add3A_785 = arith.addi %mul3A_784, %scan3A_64 : i32
        %get3A_786 = arith.index_cast %add3A_785 : i32 to index
        %get3A_787 = memref.load %arg10[%get3A_786] : memref<416xi32, #tpu.memory_space<smem>>
        %add3A_788 = arith.constant 15 : i32
        %add3A_789 = arith.addi %get3A_787, %add3A_788 : i32
        %shift_right_arithmetic3A = arith.constant 4 : i32
        %shift_right_arithmetic3A_790 = arith.shrsi %add3A_789, %shift_right_arithmetic3A : i32
        %mul3A_791 = arith.constant 624 : i32
        %mul3A_792 = arith.muli %add3A_94, %mul3A_791 : i32
        %mul3A_793 = arith.constant 48 : i32
        %mul3A_794 = arith.muli %scan3A_64, %mul3A_793 : i32
        %add3A_795 = arith.addi %mul3A_792, %mul3A_794 : i32
        %while3A = arith.constant 1 : i32
        %while3A_796 = arith.subi %shift_right_arithmetic3A_790, %while3A : i32
        %while3A_797 = arith.addi %while3A, %while3A_796 : i32
        %while3A_798 = arith.constant 1 : i32
        %while3A_799 = arith.divsi %while3A_796, %while3A_798 : i32
        %while3A_800 = arith.muli %while3A_799, %while3A_798 : i32
        %while3A_801 = arith.addi %while3A, %while3A_800 : i32
        %while3A_802 = arith.constant 1 : i32
        %while3A_803:8 = scf.for %while3A_1563 = %while3A to %while3A_801 step %while3A_802 iter_args(%while3A_1564 = %add3A_747, %while3A_1565 = %add3A_752, %while3A_1566 = %add3A_757, %while3A_1567 = %add3A_762, %while3A_1568 = %add3A_767, %while3A_1569 = %add3A_772, %while3A_1570 = %add3A_777, %while3A_1571 = %add3A_782) -> (vector<16xf32>, vector<16xf32>, vector<16xf32>, vector<16xf32>, vector<16xf32>, vector<16xf32>, vector<16xf32>, vector<16xf32>)  : i32 {
          %mul3A_1572 = arith.constant 16 : i32
          %mul3A_1573 = arith.muli %while3A_1563, %mul3A_1572 : i32
          %add3A_1574 = arith.addi %add3A_795, %mul3A_1573 : i32
          %dma_start3A_1575 = arith.constant 32 : i32
          %dma_start3A_1576 = arith.constant 0 : i32
          %dma_start3A_1577 = tpu.memref_slice %arg7[%dma_start3A_1575, %dma_start3A_1576] : memref<48x128xf32, #tpu.memory_space<vmem>> -> memref<16x128xf32, #tpu.memory_space<vmem>>
          %dma_start3A_1578 = tpu.memref_slice %arg6[%add3A_1574] : memref<19968xi32, #tpu.memory_space<vmem>> -> memref<16xi32, #tpu.memory_space<vmem>>
          %dma_start3A_1579 = arith.constant 0 : i32
          %dma_start3A_1580 = arith.constant 0 : i32
          %dma_start3A_1581 = tpu.memref_slice %arg11[%dma_start3A_1579, %dma_start3A_1580] : memref<8193x128xf32, #tpu.memory_space<vmem_shared>> -> memref<8193x128xf32, #tpu.memory_space<vmem_shared>>
          tpu.enqueue_indirect_dma source(%dma_start3A_1581 : memref<8193x128xf32, #tpu.memory_space<vmem_shared>>) target(%dma_start3A_1577 : memref<16x128xf32, #tpu.memory_space<vmem>>) offsets(%dma_start3A_1578 : memref<16xi32, #tpu.memory_space<vmem>>) semaphore(%arg14 : memref<!tpu.dma_semaphore, #tpu.memory_space<semaphore_mem>>)
          %dma_wait3A_1582 = arith.constant 32 : i32
          %dma_wait3A_1583 = arith.constant 0 : i32
          %dma_wait3A_1584 = tpu.memref_slice %arg7[%dma_wait3A_1582, %dma_wait3A_1583] : memref<48x128xf32, #tpu.memory_space<vmem>> -> memref<16x128xf32, #tpu.memory_space<vmem>>
          %dma_wait3A_1585 = arith.constant 0 : i32
          %dma_wait3A_1586 = arith.constant 0 : i32
          %dma_wait3A_1587 = tpu.memref_slice %arg3[%dma_wait3A_1585, %dma_wait3A_1586] : memref<100000x128xf32, #tpu.memory_space<hbm>> -> memref<16x128xf32, #tpu.memory_space<hbm>>
          %dma_wait3A_1588 = arith.constant 32 : i32
          %dma_wait3A_1589 = arith.constant 0 : i32
          %dma_wait3A_1590 = tpu.memref_slice %arg7[%dma_wait3A_1588, %dma_wait3A_1589] : memref<48x128xf32, #tpu.memory_space<vmem>> -> memref<16x128xf32, #tpu.memory_space<vmem>>
          %dma_wait3A_1591 = arith.constant 0 : i32
          %dma_wait3A_1592 = arith.constant 0 : i32
          %dma_wait3A_1593 = tpu.memref_slice %arg3[%dma_wait3A_1591, %dma_wait3A_1592] : memref<100000x128xf32, #tpu.memory_space<hbm>> -> memref<16x128xf32, #tpu.memory_space<hbm>>
          tpu.wait_dma2 semaphore(%arg14 : memref<!tpu.dma_semaphore, #tpu.memory_space<semaphore_mem>>) src(%dma_wait3A_1593 : memref<16x128xf32, #tpu.memory_space<hbm>>) dst(%dma_wait3A_1590 : memref<16x128xf32, #tpu.memory_space<vmem>>)
          %get3A_1594 = arith.constant 32 : i32
          %get3A_1595 = arith.index_cast %get3A_1594 : i32 to index
          %get3A_1596 = arith.constant 0 : index
          %get3A_1597 = tpu.vector_load %arg7[%get3A_1595, %get3A_1596] {strides = array<i32>} : memref<48x128xf32, #tpu.memory_space<vmem>>, vector<16xf32>,
          %add3A_1598 = arith.addf %while3A_1564, %get3A_1597 : vector<16xf32>
          %get3A_1599 = arith.constant 32 : i32
          %get3A_1600 = arith.index_cast %get3A_1599 : i32 to index
          %get3A_1601 = arith.constant 16 : index
          %get3A_1602 = tpu.vector_load %arg7[%get3A_1600, %get3A_1601] {strides = array<i32>} : memref<48x128xf32, #tpu.memory_space<vmem>>, vector<16xf32>,
          %add3A_1603 = arith.addf %while3A_1565, %get3A_1602 : vector<16xf32>
          %get3A_1604 = arith.constant 32 : i32
          %get3A_1605 = arith.index_cast %get3A_1604 : i32 to index
          %get3A_1606 = arith.constant 32 : index
          %get3A_1607 = tpu.vector_load %arg7[%get3A_1605, %get3A_1606] {strides = array<i32>} : memref<48x128xf32, #tpu.memory_space<vmem>>, vector<16xf32>,
          %add3A_1608 = arith.addf %while3A_1566, %get3A_1607 : vector<16xf32>
          %get3A_1609 = arith.constant 32 : i32
          %get3A_1610 = arith.index_cast %get3A_1609 : i32 to index
          %get3A_1611 = arith.constant 48 : index
          %get3A_1612 = tpu.vector_load %arg7[%get3A_1610, %get3A_1611] {strides = array<i32>} : memref<48x128xf32, #tpu.memory_space<vmem>>, vector<16xf32>,
          %add3A_1613 = arith.addf %while3A_1567, %get3A_1612 : vector<16xf32>
          %get3A_1614 = arith.constant 32 : i32
          %get3A_1615 = arith.index_cast %get3A_1614 : i32 to index
          %get3A_1616 = arith.constant 64 : index
          %get3A_1617 = tpu.vector_load %arg7[%get3A_1615, %get3A_1616] {strides = array<i32>} : memref<48x128xf32, #tpu.memory_space<vmem>>, vector<16xf32>,
          %add3A_1618 = arith.addf %while3A_1568, %get3A_1617 : vector<16xf32>
          %get3A_1619 = arith.constant 32 : i32
          %get3A_1620 = arith.index_cast %get3A_1619 : i32 to index
          %get3A_1621 = arith.constant 80 : index
          %get3A_1622 = tpu.vector_load %arg7[%get3A_1620, %get3A_1621] {strides = array<i32>} : memref<48x128xf32, #tpu.memory_space<vmem>>, vector<16xf32>,
          %add3A_1623 = arith.addf %while3A_1569, %get3A_1622 : vector<16xf32>
          %get3A_1624 = arith.constant 32 : i32
          %get3A_1625 = arith.index_cast %get3A_1624 : i32 to index
          %get3A_1626 = arith.constant 96 : index
          %get3A_1627 = tpu.vector_load %arg7[%get3A_1625, %get3A_1626] {strides = array<i32>} : memref<48x128xf32, #tpu.memory_space<vmem>>, vector<16xf32>,
          %add3A_1628 = arith.addf %while3A_1570, %get3A_1627 : vector<16xf32>
          %get3A_1629 = arith.constant 32 : i32
          %get3A_1630 = arith.index_cast %get3A_1629 : i32 to index
          %get3A_1631 = arith.constant 112 : index
          %get3A_1632 = tpu.vector_load %arg7[%get3A_1630, %get3A_1631] {strides = array<i32>} : memref<48x128xf32, #tpu.memory_space<vmem>>, vector<16xf32>,
          %add3A_1633 = arith.addf %while3A_1571, %get3A_1632 : vector<16xf32>
          %get3A_1634 = arith.constant 33 : i32
          %get3A_1635 = arith.index_cast %get3A_1634 : i32 to index
          %get3A_1636 = arith.constant 0 : index
          %get3A_1637 = tpu.vector_load %arg7[%get3A_1635, %get3A_1636] {strides = array<i32>} : memref<48x128xf32, #tpu.memory_space<vmem>>, vector<16xf32>,
          %add3A_1638 = arith.addf %add3A_1598, %get3A_1637 : vector<16xf32>
          %get3A_1639 = arith.constant 33 : i32
          %get3A_1640 = arith.index_cast %get3A_1639 : i32 to index
          %get3A_1641 = arith.constant 16 : index
          %get3A_1642 = tpu.vector_load %arg7[%get3A_1640, %get3A_1641] {strides = array<i32>} : memref<48x128xf32, #tpu.memory_space<vmem>>, vector<16xf32>,
          %add3A_1643 = arith.addf %add3A_1603, %get3A_1642 : vector<16xf32>
          %get3A_1644 = arith.constant 33 : i32
          %get3A_1645 = arith.index_cast %get3A_1644 : i32 to index
          %get3A_1646 = arith.constant 32 : index
          %get3A_1647 = tpu.vector_load %arg7[%get3A_1645, %get3A_1646] {strides = array<i32>} : memref<48x128xf32, #tpu.memory_space<vmem>>, vector<16xf32>,
          %add3A_1648 = arith.addf %add3A_1608, %get3A_1647 : vector<16xf32>
          %get3A_1649 = arith.constant 33 : i32
          %get3A_1650 = arith.index_cast %get3A_1649 : i32 to index
          %get3A_1651 = arith.constant 48 : index
          %get3A_1652 = tpu.vector_load %arg7[%get3A_1650, %get3A_1651] {strides = array<i32>} : memref<48x128xf32, #tpu.memory_space<vmem>>, vector<16xf32>,
          %add3A_1653 = arith.addf %add3A_1613, %get3A_1652 : vector<16xf32>
          %get3A_1654 = arith.constant 33 : i32
          %get3A_1655 = arith.index_cast %get3A_1654 : i32 to index
          %get3A_1656 = arith.constant 64 : index
          %get3A_1657 = tpu.vector_load %arg7[%get3A_1655, %get3A_1656] {strides = array<i32>} : memref<48x128xf32, #tpu.memory_space<vmem>>, vector<16xf32>,
          %add3A_1658 = arith.addf %add3A_1618, %get3A_1657 : vector<16xf32>
          %get3A_1659 = arith.constant 33 : i32
          %get3A_1660 = arith.index_cast %get3A_1659 : i32 to index
          %get3A_1661 = arith.constant 80 : index
          %get3A_1662 = tpu.vector_load %arg7[%get3A_1660, %get3A_1661] {strides = array<i32>} : memref<48x128xf32, #tpu.memory_space<vmem>>, vector<16xf32>,
          %add3A_1663 = arith.addf %add3A_1623, %get3A_1662 : vector<16xf32>
          %get3A_1664 = arith.constant 33 : i32
          %get3A_1665 = arith.index_cast %get3A_1664 : i32 to index
          %get3A_1666 = arith.constant 96 : index
          %get3A_1667 = tpu.vector_load %arg7[%get3A_1665, %get3A_1666] {strides = array<i32>} : memref<48x128xf32, #tpu.memory_space<vmem>>, vector<16xf32>,
          %add3A_1668 = arith.addf %add3A_1628, %get3A_1667 : vector<16xf32>
          %get3A_1669 = arith.constant 33 : i32
          %get3A_1670 = arith.index_cast %get3A_1669 : i32 to index
          %get3A_1671 = arith.constant 112 : index
          %get3A_1672 = tpu.vector_load %arg7[%get3A_1670, %get3A_1671] {strides = array<i32>} : memref<48x128xf32, #tpu.memory_space<vmem>>, vector<16xf32>,
          %add3A_1673 = arith.addf %add3A_1633, %get3A_1672 : vector<16xf32>
          %get3A_1674 = arith.constant 34 : i32
          %get3A_1675 = arith.index_cast %get3A_1674 : i32 to index
          %get3A_1676 = arith.constant 0 : index
          %get3A_1677 = tpu.vector_load %arg7[%get3A_1675, %get3A_1676] {strides = array<i32>} : memref<48x128xf32, #tpu.memory_space<vmem>>, vector<16xf32>,
          %add3A_1678 = arith.addf %add3A_1638, %get3A_1677 : vector<16xf32>
          %get3A_1679 = arith.constant 34 : i32
          %get3A_1680 = arith.index_cast %get3A_1679 : i32 to index
          %get3A_1681 = arith.constant 16 : index
          %get3A_1682 = tpu.vector_load %arg7[%get3A_1680, %get3A_1681] {strides = array<i32>} : memref<48x128xf32, #tpu.memory_space<vmem>>, vector<16xf32>,
          %add3A_1683 = arith.addf %add3A_1643, %get3A_1682 : vector<16xf32>
          %get3A_1684 = arith.constant 34 : i32
          %get3A_1685 = arith.index_cast %get3A_1684 : i32 to index
          %get3A_1686 = arith.constant 32 : index
          %get3A_1687 = tpu.vector_load %arg7[%get3A_1685, %get3A_1686] {strides = array<i32>} : memref<48x128xf32, #tpu.memory_space<vmem>>, vector<16xf32>,
          %add3A_1688 = arith.addf %add3A_1648, %get3A_1687 : vector<16xf32>
          %get3A_1689 = arith.constant 34 : i32
          %get3A_1690 = arith.index_cast %get3A_1689 : i32 to index
          %get3A_1691 = arith.constant 48 : index
          %get3A_1692 = tpu.vector_load %arg7[%get3A_1690, %get3A_1691] {strides = array<i32>} : memref<48x128xf32, #tpu.memory_space<vmem>>, vector<16xf32>,
          %add3A_1693 = arith.addf %add3A_1653, %get3A_1692 : vector<16xf32>
          %get3A_1694 = arith.constant 34 : i32
          %get3A_1695 = arith.index_cast %get3A_1694 : i32 to index
          %get3A_1696 = arith.constant 64 : index
          %get3A_1697 = tpu.vector_load %arg7[%get3A_1695, %get3A_1696] {strides = array<i32>} : memref<48x128xf32, #tpu.memory_space<vmem>>, vector<16xf32>,
          %add3A_1698 = arith.addf %add3A_1658, %get3A_1697 : vector<16xf32>
          %get3A_1699 = arith.constant 34 : i32
          %get3A_1700 = arith.index_cast %get3A_1699 : i32 to index
          %get3A_1701 = arith.constant 80 : index
          %get3A_1702 = tpu.vector_load %arg7[%get3A_1700, %get3A_1701] {strides = array<i32>} : memref<48x128xf32, #tpu.memory_space<vmem>>, vector<16xf32>,
          %add3A_1703 = arith.addf %add3A_1663, %get3A_1702 : vector<16xf32>
          %get3A_1704 = arith.constant 34 : i32
          %get3A_1705 = arith.index_cast %get3A_1704 : i32 to index
          %get3A_1706 = arith.constant 96 : index
          %get3A_1707 = tpu.vector_load %arg7[%get3A_1705, %get3A_1706] {strides = array<i32>} : memref<48x128xf32, #tpu.memory_space<vmem>>, vector<16xf32>,
          %add3A_1708 = arith.addf %add3A_1668, %get3A_1707 : vector<16xf32>
          %get3A_1709 = arith.constant 34 : i32
          %get3A_1710 = arith.index_cast %get3A_1709 : i32 to index
          %get3A_1711 = arith.constant 112 : index
          %get3A_1712 = tpu.vector_load %arg7[%get3A_1710, %get3A_1711] {strides = array<i32>} : memref<48x128xf32, #tpu.memory_space<vmem>>, vector<16xf32>,
          %add3A_1713 = arith.addf %add3A_1673, %get3A_1712 : vector<16xf32>
          %get3A_1714 = arith.constant 35 : i32
          %get3A_1715 = arith.index_cast %get3A_1714 : i32 to index
          %get3A_1716 = arith.constant 0 : index
          %get3A_1717 = tpu.vector_load %arg7[%get3A_1715, %get3A_1716] {strides = array<i32>} : memref<48x128xf32, #tpu.memory_space<vmem>>, vector<16xf32>,
          %add3A_1718 = arith.addf %add3A_1678, %get3A_1717 : vector<16xf32>
          %get3A_1719 = arith.constant 35 : i32
          %get3A_1720 = arith.index_cast %get3A_1719 : i32 to index
          %get3A_1721 = arith.constant 16 : index
          %get3A_1722 = tpu.vector_load %arg7[%get3A_1720, %get3A_1721] {strides = array<i32>} : memref<48x128xf32, #tpu.memory_space<vmem>>, vector<16xf32>,
          %add3A_1723 = arith.addf %add3A_1683, %get3A_1722 : vector<16xf32>
          %get3A_1724 = arith.constant 35 : i32
          %get3A_1725 = arith.index_cast %get3A_1724 : i32 to index
          %get3A_1726 = arith.constant 32 : index
          %get3A_1727 = tpu.vector_load %arg7[%get3A_1725, %get3A_1726] {strides = array<i32>} : memref<48x128xf32, #tpu.memory_space<vmem>>, vector<16xf32>,
          %add3A_1728 = arith.addf %add3A_1688, %get3A_1727 : vector<16xf32>
          %get3A_1729 = arith.constant 35 : i32
          %get3A_1730 = arith.index_cast %get3A_1729 : i32 to index
          %get3A_1731 = arith.constant 48 : index
          %get3A_1732 = tpu.vector_load %arg7[%get3A_1730, %get3A_1731] {strides = array<i32>} : memref<48x128xf32, #tpu.memory_space<vmem>>, vector<16xf32>,
          %add3A_1733 = arith.addf %add3A_1693, %get3A_1732 : vector<16xf32>
          %get3A_1734 = arith.constant 35 : i32
          %get3A_1735 = arith.index_cast %get3A_1734 : i32 to index
          %get3A_1736 = arith.constant 64 : index
          %get3A_1737 = tpu.vector_load %arg7[%get3A_1735, %get3A_1736] {strides = array<i32>} : memref<48x128xf32, #tpu.memory_space<vmem>>, vector<16xf32>,
          %add3A_1738 = arith.addf %add3A_1698, %get3A_1737 : vector<16xf32>
          %get3A_1739 = arith.constant 35 : i32
          %get3A_1740 = arith.index_cast %get3A_1739 : i32 to index
          %get3A_1741 = arith.constant 80 : index
          %get3A_1742 = tpu.vector_load %arg7[%get3A_1740, %get3A_1741] {strides = array<i32>} : memref<48x128xf32, #tpu.memory_space<vmem>>, vector<16xf32>,
          %add3A_1743 = arith.addf %add3A_1703, %get3A_1742 : vector<16xf32>
          %get3A_1744 = arith.constant 35 : i32
          %get3A_1745 = arith.index_cast %get3A_1744 : i32 to index
          %get3A_1746 = arith.constant 96 : index
          %get3A_1747 = tpu.vector_load %arg7[%get3A_1745, %get3A_1746] {strides = array<i32>} : memref<48x128xf32, #tpu.memory_space<vmem>>, vector<16xf32>,
          %add3A_1748 = arith.addf %add3A_1708, %get3A_1747 : vector<16xf32>
          %get3A_1749 = arith.constant 35 : i32
          %get3A_1750 = arith.index_cast %get3A_1749 : i32 to index
          %get3A_1751 = arith.constant 112 : index
          %get3A_1752 = tpu.vector_load %arg7[%get3A_1750, %get3A_1751] {strides = array<i32>} : memref<48x128xf32, #tpu.memory_space<vmem>>, vector<16xf32>,
          %add3A_1753 = arith.addf %add3A_1713, %get3A_1752 : vector<16xf32>
          %get3A_1754 = arith.constant 36 : i32
          %get3A_1755 = arith.index_cast %get3A_1754 : i32 to index
          %get3A_1756 = arith.constant 0 : index
          %get3A_1757 = tpu.vector_load %arg7[%get3A_1755, %get3A_1756] {strides = array<i32>} : memref<48x128xf32, #tpu.memory_space<vmem>>, vector<16xf32>,
          %add3A_1758 = arith.addf %add3A_1718, %get3A_1757 : vector<16xf32>
          %get3A_1759 = arith.constant 36 : i32
          %get3A_1760 = arith.index_cast %get3A_1759 : i32 to index
          %get3A_1761 = arith.constant 16 : index
          %get3A_1762 = tpu.vector_load %arg7[%get3A_1760, %get3A_1761] {strides = array<i32>} : memref<48x128xf32, #tpu.memory_space<vmem>>, vector<16xf32>,
          %add3A_1763 = arith.addf %add3A_1723, %get3A_1762 : vector<16xf32>
          %get3A_1764 = arith.constant 36 : i32
          %get3A_1765 = arith.index_cast %get3A_1764 : i32 to index
          %get3A_1766 = arith.constant 32 : index
          %get3A_1767 = tpu.vector_load %arg7[%get3A_1765, %get3A_1766] {strides = array<i32>} : memref<48x128xf32, #tpu.memory_space<vmem>>, vector<16xf32>,
          %add3A_1768 = arith.addf %add3A_1728, %get3A_1767 : vector<16xf32>
          %get3A_1769 = arith.constant 36 : i32
          %get3A_1770 = arith.index_cast %get3A_1769 : i32 to index
          %get3A_1771 = arith.constant 48 : index
          %get3A_1772 = tpu.vector_load %arg7[%get3A_1770, %get3A_1771] {strides = array<i32>} : memref<48x128xf32, #tpu.memory_space<vmem>>, vector<16xf32>,
          %add3A_1773 = arith.addf %add3A_1733, %get3A_1772 : vector<16xf32>
          %get3A_1774 = arith.constant 36 : i32
          %get3A_1775 = arith.index_cast %get3A_1774 : i32 to index
          %get3A_1776 = arith.constant 64 : index
          %get3A_1777 = tpu.vector_load %arg7[%get3A_1775, %get3A_1776] {strides = array<i32>} : memref<48x128xf32, #tpu.memory_space<vmem>>, vector<16xf32>,
          %add3A_1778 = arith.addf %add3A_1738, %get3A_1777 : vector<16xf32>
          %get3A_1779 = arith.constant 36 : i32
          %get3A_1780 = arith.index_cast %get3A_1779 : i32 to index
          %get3A_1781 = arith.constant 80 : index
          %get3A_1782 = tpu.vector_load %arg7[%get3A_1780, %get3A_1781] {strides = array<i32>} : memref<48x128xf32, #tpu.memory_space<vmem>>, vector<16xf32>,
          %add3A_1783 = arith.addf %add3A_1743, %get3A_1782 : vector<16xf32>
          %get3A_1784 = arith.constant 36 : i32
          %get3A_1785 = arith.index_cast %get3A_1784 : i32 to index
          %get3A_1786 = arith.constant 96 : index
          %get3A_1787 = tpu.vector_load %arg7[%get3A_1785, %get3A_1786] {strides = array<i32>} : memref<48x128xf32, #tpu.memory_space<vmem>>, vector<16xf32>,
          %add3A_1788 = arith.addf %add3A_1748, %get3A_1787 : vector<16xf32>
          %get3A_1789 = arith.constant 36 : i32
          %get3A_1790 = arith.index_cast %get3A_1789 : i32 to index
          %get3A_1791 = arith.constant 112 : index
          %get3A_1792 = tpu.vector_load %arg7[%get3A_1790, %get3A_1791] {strides = array<i32>} : memref<48x128xf32, #tpu.memory_space<vmem>>, vector<16xf32>,
          %add3A_1793 = arith.addf %add3A_1753, %get3A_1792 : vector<16xf32>
          %get3A_1794 = arith.constant 37 : i32
          %get3A_1795 = arith.index_cast %get3A_1794 : i32 to index
          %get3A_1796 = arith.constant 0 : index
          %get3A_1797 = tpu.vector_load %arg7[%get3A_1795, %get3A_1796] {strides = array<i32>} : memref<48x128xf32, #tpu.memory_space<vmem>>, vector<16xf32>,
          %add3A_1798 = arith.addf %add3A_1758, %get3A_1797 : vector<16xf32>
          %get3A_1799 = arith.constant 37 : i32
          %get3A_1800 = arith.index_cast %get3A_1799 : i32 to index
          %get3A_1801 = arith.constant 16 : index
          %get3A_1802 = tpu.vector_load %arg7[%get3A_1800, %get3A_1801] {strides = array<i32>} : memref<48x128xf32, #tpu.memory_space<vmem>>, vector<16xf32>,
          %add3A_1803 = arith.addf %add3A_1763, %get3A_1802 : vector<16xf32>
          %get3A_1804 = arith.constant 37 : i32
          %get3A_1805 = arith.index_cast %get3A_1804 : i32 to index
          %get3A_1806 = arith.constant 32 : index
          %get3A_1807 = tpu.vector_load %arg7[%get3A_1805, %get3A_1806] {strides = array<i32>} : memref<48x128xf32, #tpu.memory_space<vmem>>, vector<16xf32>,
          %add3A_1808 = arith.addf %add3A_1768, %get3A_1807 : vector<16xf32>
          %get3A_1809 = arith.constant 37 : i32
          %get3A_1810 = arith.index_cast %get3A_1809 : i32 to index
          %get3A_1811 = arith.constant 48 : index
          %get3A_1812 = tpu.vector_load %arg7[%get3A_1810, %get3A_1811] {strides = array<i32>} : memref<48x128xf32, #tpu.memory_space<vmem>>, vector<16xf32>,
          %add3A_1813 = arith.addf %add3A_1773, %get3A_1812 : vector<16xf32>
          %get3A_1814 = arith.constant 37 : i32
          %get3A_1815 = arith.index_cast %get3A_1814 : i32 to index
          %get3A_1816 = arith.constant 64 : index
          %get3A_1817 = tpu.vector_load %arg7[%get3A_1815, %get3A_1816] {strides = array<i32>} : memref<48x128xf32, #tpu.memory_space<vmem>>, vector<16xf32>,
          %add3A_1818 = arith.addf %add3A_1778, %get3A_1817 : vector<16xf32>
          %get3A_1819 = arith.constant 37 : i32
          %get3A_1820 = arith.index_cast %get3A_1819 : i32 to index
          %get3A_1821 = arith.constant 80 : index
          %get3A_1822 = tpu.vector_load %arg7[%get3A_1820, %get3A_1821] {strides = array<i32>} : memref<48x128xf32, #tpu.memory_space<vmem>>, vector<16xf32>,
          %add3A_1823 = arith.addf %add3A_1783, %get3A_1822 : vector<16xf32>
          %get3A_1824 = arith.constant 37 : i32
          %get3A_1825 = arith.index_cast %get3A_1824 : i32 to index
          %get3A_1826 = arith.constant 96 : index
          %get3A_1827 = tpu.vector_load %arg7[%get3A_1825, %get3A_1826] {strides = array<i32>} : memref<48x128xf32, #tpu.memory_space<vmem>>, vector<16xf32>,
          %add3A_1828 = arith.addf %add3A_1788, %get3A_1827 : vector<16xf32>
          %get3A_1829 = arith.constant 37 : i32
          %get3A_1830 = arith.index_cast %get3A_1829 : i32 to index
          %get3A_1831 = arith.constant 112 : index
          %get3A_1832 = tpu.vector_load %arg7[%get3A_1830, %get3A_1831] {strides = array<i32>} : memref<48x128xf32, #tpu.memory_space<vmem>>, vector<16xf32>,
          %add3A_1833 = arith.addf %add3A_1793, %get3A_1832 : vector<16xf32>
          %get3A_1834 = arith.constant 38 : i32
          %get3A_1835 = arith.index_cast %get3A_1834 : i32 to index
          %get3A_1836 = arith.constant 0 : index
          %get3A_1837 = tpu.vector_load %arg7[%get3A_1835, %get3A_1836] {strides = array<i32>} : memref<48x128xf32, #tpu.memory_space<vmem>>, vector<16xf32>,
          %add3A_1838 = arith.addf %add3A_1798, %get3A_1837 : vector<16xf32>
          %get3A_1839 = arith.constant 38 : i32
          %get3A_1840 = arith.index_cast %get3A_1839 : i32 to index
          %get3A_1841 = arith.constant 16 : index
          %get3A_1842 = tpu.vector_load %arg7[%get3A_1840, %get3A_1841] {strides = array<i32>} : memref<48x128xf32, #tpu.memory_space<vmem>>, vector<16xf32>,
          %add3A_1843 = arith.addf %add3A_1803, %get3A_1842 : vector<16xf32>
          %get3A_1844 = arith.constant 38 : i32
          %get3A_1845 = arith.index_cast %get3A_1844 : i32 to index
          %get3A_1846 = arith.constant 32 : index
          %get3A_1847 = tpu.vector_load %arg7[%get3A_1845, %get3A_1846] {strides = array<i32>} : memref<48x128xf32, #tpu.memory_space<vmem>>, vector<16xf32>,
          %add3A_1848 = arith.addf %add3A_1808, %get3A_1847 : vector<16xf32>
          %get3A_1849 = arith.constant 38 : i32
          %get3A_1850 = arith.index_cast %get3A_1849 : i32 to index
          %get3A_1851 = arith.constant 48 : index
          %get3A_1852 = tpu.vector_load %arg7[%get3A_1850, %get3A_1851] {strides = array<i32>} : memref<48x128xf32, #tpu.memory_space<vmem>>, vector<16xf32>,
          %add3A_1853 = arith.addf %add3A_1813, %get3A_1852 : vector<16xf32>
          %get3A_1854 = arith.constant 38 : i32
          %get3A_1855 = arith.index_cast %get3A_1854 : i32 to index
          %get3A_1856 = arith.constant 64 : index
          %get3A_1857 = tpu.vector_load %arg7[%get3A_1855, %get3A_1856] {strides = array<i32>} : memref<48x128xf32, #tpu.memory_space<vmem>>, vector<16xf32>,
          %add3A_1858 = arith.addf %add3A_1818, %get3A_1857 : vector<16xf32>
          %get3A_1859 = arith.constant 38 : i32
          %get3A_1860 = arith.index_cast %get3A_1859 : i32 to index
          %get3A_1861 = arith.constant 80 : index
          %get3A_1862 = tpu.vector_load %arg7[%get3A_1860, %get3A_1861] {strides = array<i32>} : memref<48x128xf32, #tpu.memory_space<vmem>>, vector<16xf32>,
          %add3A_1863 = arith.addf %add3A_1823, %get3A_1862 : vector<16xf32>
          %get3A_1864 = arith.constant 38 : i32
          %get3A_1865 = arith.index_cast %get3A_1864 : i32 to index
          %get3A_1866 = arith.constant 96 : index
          %get3A_1867 = tpu.vector_load %arg7[%get3A_1865, %get3A_1866] {strides = array<i32>} : memref<48x128xf32, #tpu.memory_space<vmem>>, vector<16xf32>,
          %add3A_1868 = arith.addf %add3A_1828, %get3A_1867 : vector<16xf32>
          %get3A_1869 = arith.constant 38 : i32
          %get3A_1870 = arith.index_cast %get3A_1869 : i32 to index
          %get3A_1871 = arith.constant 112 : index
          %get3A_1872 = tpu.vector_load %arg7[%get3A_1870, %get3A_1871] {strides = array<i32>} : memref<48x128xf32, #tpu.memory_space<vmem>>, vector<16xf32>,
          %add3A_1873 = arith.addf %add3A_1833, %get3A_1872 : vector<16xf32>
          %get3A_1874 = arith.constant 39 : i32
          %get3A_1875 = arith.index_cast %get3A_1874 : i32 to index
          %get3A_1876 = arith.constant 0 : index
          %get3A_1877 = tpu.vector_load %arg7[%get3A_1875, %get3A_1876] {strides = array<i32>} : memref<48x128xf32, #tpu.memory_space<vmem>>, vector<16xf32>,
          %add3A_1878 = arith.addf %add3A_1838, %get3A_1877 : vector<16xf32>
          %get3A_1879 = arith.constant 39 : i32
          %get3A_1880 = arith.index_cast %get3A_1879 : i32 to index
          %get3A_1881 = arith.constant 16 : index
          %get3A_1882 = tpu.vector_load %arg7[%get3A_1880, %get3A_1881] {strides = array<i32>} : memref<48x128xf32, #tpu.memory_space<vmem>>, vector<16xf32>,
          %add3A_1883 = arith.addf %add3A_1843, %get3A_1882 : vector<16xf32>
          %get3A_1884 = arith.constant 39 : i32
          %get3A_1885 = arith.index_cast %get3A_1884 : i32 to index
          %get3A_1886 = arith.constant 32 : index
          %get3A_1887 = tpu.vector_load %arg7[%get3A_1885, %get3A_1886] {strides = array<i32>} : memref<48x128xf32, #tpu.memory_space<vmem>>, vector<16xf32>,
          %add3A_1888 = arith.addf %add3A_1848, %get3A_1887 : vector<16xf32>
          %get3A_1889 = arith.constant 39 : i32
          %get3A_1890 = arith.index_cast %get3A_1889 : i32 to index
          %get3A_1891 = arith.constant 48 : index
          %get3A_1892 = tpu.vector_load %arg7[%get3A_1890, %get3A_1891] {strides = array<i32>} : memref<48x128xf32, #tpu.memory_space<vmem>>, vector<16xf32>,
          %add3A_1893 = arith.addf %add3A_1853, %get3A_1892 : vector<16xf32>
          %get3A_1894 = arith.constant 39 : i32
          %get3A_1895 = arith.index_cast %get3A_1894 : i32 to index
          %get3A_1896 = arith.constant 64 : index
          %get3A_1897 = tpu.vector_load %arg7[%get3A_1895, %get3A_1896] {strides = array<i32>} : memref<48x128xf32, #tpu.memory_space<vmem>>, vector<16xf32>,
          %add3A_1898 = arith.addf %add3A_1858, %get3A_1897 : vector<16xf32>
          %get3A_1899 = arith.constant 39 : i32
          %get3A_1900 = arith.index_cast %get3A_1899 : i32 to index
          %get3A_1901 = arith.constant 80 : index
          %get3A_1902 = tpu.vector_load %arg7[%get3A_1900, %get3A_1901] {strides = array<i32>} : memref<48x128xf32, #tpu.memory_space<vmem>>, vector<16xf32>,
          %add3A_1903 = arith.addf %add3A_1863, %get3A_1902 : vector<16xf32>
          %get3A_1904 = arith.constant 39 : i32
          %get3A_1905 = arith.index_cast %get3A_1904 : i32 to index
          %get3A_1906 = arith.constant 96 : index
          %get3A_1907 = tpu.vector_load %arg7[%get3A_1905, %get3A_1906] {strides = array<i32>} : memref<48x128xf32, #tpu.memory_space<vmem>>, vector<16xf32>,
          %add3A_1908 = arith.addf %add3A_1868, %get3A_1907 : vector<16xf32>
          %get3A_1909 = arith.constant 39 : i32
          %get3A_1910 = arith.index_cast %get3A_1909 : i32 to index
          %get3A_1911 = arith.constant 112 : index
          %get3A_1912 = tpu.vector_load %arg7[%get3A_1910, %get3A_1911] {strides = array<i32>} : memref<48x128xf32, #tpu.memory_space<vmem>>, vector<16xf32>,
          %add3A_1913 = arith.addf %add3A_1873, %get3A_1912 : vector<16xf32>
          %get3A_1914 = arith.constant 40 : i32
          %get3A_1915 = arith.index_cast %get3A_1914 : i32 to index
          %get3A_1916 = arith.constant 0 : index
          %get3A_1917 = tpu.vector_load %arg7[%get3A_1915, %get3A_1916] {strides = array<i32>} : memref<48x128xf32, #tpu.memory_space<vmem>>, vector<16xf32>,
          %add3A_1918 = arith.addf %add3A_1878, %get3A_1917 : vector<16xf32>
          %get3A_1919 = arith.constant 40 : i32
          %get3A_1920 = arith.index_cast %get3A_1919 : i32 to index
          %get3A_1921 = arith.constant 16 : index
          %get3A_1922 = tpu.vector_load %arg7[%get3A_1920, %get3A_1921] {strides = array<i32>} : memref<48x128xf32, #tpu.memory_space<vmem>>, vector<16xf32>,
          %add3A_1923 = arith.addf %add3A_1883, %get3A_1922 : vector<16xf32>
          %get3A_1924 = arith.constant 40 : i32
          %get3A_1925 = arith.index_cast %get3A_1924 : i32 to index
          %get3A_1926 = arith.constant 32 : index
          %get3A_1927 = tpu.vector_load %arg7[%get3A_1925, %get3A_1926] {strides = array<i32>} : memref<48x128xf32, #tpu.memory_space<vmem>>, vector<16xf32>,
          %add3A_1928 = arith.addf %add3A_1888, %get3A_1927 : vector<16xf32>
          %get3A_1929 = arith.constant 40 : i32
          %get3A_1930 = arith.index_cast %get3A_1929 : i32 to index
          %get3A_1931 = arith.constant 48 : index
          %get3A_1932 = tpu.vector_load %arg7[%get3A_1930, %get3A_1931] {strides = array<i32>} : memref<48x128xf32, #tpu.memory_space<vmem>>, vector<16xf32>,
          %add3A_1933 = arith.addf %add3A_1893, %get3A_1932 : vector<16xf32>
          %get3A_1934 = arith.constant 40 : i32
          %get3A_1935 = arith.index_cast %get3A_1934 : i32 to index
          %get3A_1936 = arith.constant 64 : index
          %get3A_1937 = tpu.vector_load %arg7[%get3A_1935, %get3A_1936] {strides = array<i32>} : memref<48x128xf32, #tpu.memory_space<vmem>>, vector<16xf32>,
          %add3A_1938 = arith.addf %add3A_1898, %get3A_1937 : vector<16xf32>
          %get3A_1939 = arith.constant 40 : i32
          %get3A_1940 = arith.index_cast %get3A_1939 : i32 to index
          %get3A_1941 = arith.constant 80 : index
          %get3A_1942 = tpu.vector_load %arg7[%get3A_1940, %get3A_1941] {strides = array<i32>} : memref<48x128xf32, #tpu.memory_space<vmem>>, vector<16xf32>,
          %add3A_1943 = arith.addf %add3A_1903, %get3A_1942 : vector<16xf32>
          %get3A_1944 = arith.constant 40 : i32
          %get3A_1945 = arith.index_cast %get3A_1944 : i32 to index
          %get3A_1946 = arith.constant 96 : index
          %get3A_1947 = tpu.vector_load %arg7[%get3A_1945, %get3A_1946] {strides = array<i32>} : memref<48x128xf32, #tpu.memory_space<vmem>>, vector<16xf32>,
          %add3A_1948 = arith.addf %add3A_1908, %get3A_1947 : vector<16xf32>
          %get3A_1949 = arith.constant 40 : i32
          %get3A_1950 = arith.index_cast %get3A_1949 : i32 to index
          %get3A_1951 = arith.constant 112 : index
          %get3A_1952 = tpu.vector_load %arg7[%get3A_1950, %get3A_1951] {strides = array<i32>} : memref<48x128xf32, #tpu.memory_space<vmem>>, vector<16xf32>,
          %add3A_1953 = arith.addf %add3A_1913, %get3A_1952 : vector<16xf32>
          %get3A_1954 = arith.constant 41 : i32
          %get3A_1955 = arith.index_cast %get3A_1954 : i32 to index
          %get3A_1956 = arith.constant 0 : index
          %get3A_1957 = tpu.vector_load %arg7[%get3A_1955, %get3A_1956] {strides = array<i32>} : memref<48x128xf32, #tpu.memory_space<vmem>>, vector<16xf32>,
          %add3A_1958 = arith.addf %add3A_1918, %get3A_1957 : vector<16xf32>
          %get3A_1959 = arith.constant 41 : i32
          %get3A_1960 = arith.index_cast %get3A_1959 : i32 to index
          %get3A_1961 = arith.constant 16 : index
          %get3A_1962 = tpu.vector_load %arg7[%get3A_1960, %get3A_1961] {strides = array<i32>} : memref<48x128xf32, #tpu.memory_space<vmem>>, vector<16xf32>,
          %add3A_1963 = arith.addf %add3A_1923, %get3A_1962 : vector<16xf32>
          %get3A_1964 = arith.constant 41 : i32
          %get3A_1965 = arith.index_cast %get3A_1964 : i32 to index
          %get3A_1966 = arith.constant 32 : index
          %get3A_1967 = tpu.vector_load %arg7[%get3A_1965, %get3A_1966] {strides = array<i32>} : memref<48x128xf32, #tpu.memory_space<vmem>>, vector<16xf32>,
          %add3A_1968 = arith.addf %add3A_1928, %get3A_1967 : vector<16xf32>
          %get3A_1969 = arith.constant 41 : i32
          %get3A_1970 = arith.index_cast %get3A_1969 : i32 to index
          %get3A_1971 = arith.constant 48 : index
          %get3A_1972 = tpu.vector_load %arg7[%get3A_1970, %get3A_1971] {strides = array<i32>} : memref<48x128xf32, #tpu.memory_space<vmem>>, vector<16xf32>,
          %add3A_1973 = arith.addf %add3A_1933, %get3A_1972 : vector<16xf32>
          %get3A_1974 = arith.constant 41 : i32
          %get3A_1975 = arith.index_cast %get3A_1974 : i32 to index
          %get3A_1976 = arith.constant 64 : index
          %get3A_1977 = tpu.vector_load %arg7[%get3A_1975, %get3A_1976] {strides = array<i32>} : memref<48x128xf32, #tpu.memory_space<vmem>>, vector<16xf32>,
          %add3A_1978 = arith.addf %add3A_1938, %get3A_1977 : vector<16xf32>
          %get3A_1979 = arith.constant 41 : i32
          %get3A_1980 = arith.index_cast %get3A_1979 : i32 to index
          %get3A_1981 = arith.constant 80 : index
          %get3A_1982 = tpu.vector_load %arg7[%get3A_1980, %get3A_1981] {strides = array<i32>} : memref<48x128xf32, #tpu.memory_space<vmem>>, vector<16xf32>,
          %add3A_1983 = arith.addf %add3A_1943, %get3A_1982 : vector<16xf32>
          %get3A_1984 = arith.constant 41 : i32
          %get3A_1985 = arith.index_cast %get3A_1984 : i32 to index
          %get3A_1986 = arith.constant 96 : index
          %get3A_1987 = tpu.vector_load %arg7[%get3A_1985, %get3A_1986] {strides = array<i32>} : memref<48x128xf32, #tpu.memory_space<vmem>>, vector<16xf32>,
          %add3A_1988 = arith.addf %add3A_1948, %get3A_1987 : vector<16xf32>
          %get3A_1989 = arith.constant 41 : i32
          %get3A_1990 = arith.index_cast %get3A_1989 : i32 to index
          %get3A_1991 = arith.constant 112 : index
          %get3A_1992 = tpu.vector_load %arg7[%get3A_1990, %get3A_1991] {strides = array<i32>} : memref<48x128xf32, #tpu.memory_space<vmem>>, vector<16xf32>,
          %add3A_1993 = arith.addf %add3A_1953, %get3A_1992 : vector<16xf32>
          %get3A_1994 = arith.constant 42 : i32
          %get3A_1995 = arith.index_cast %get3A_1994 : i32 to index
          %get3A_1996 = arith.constant 0 : index
          %get3A_1997 = tpu.vector_load %arg7[%get3A_1995, %get3A_1996] {strides = array<i32>} : memref<48x128xf32, #tpu.memory_space<vmem>>, vector<16xf32>,
          %add3A_1998 = arith.addf %add3A_1958, %get3A_1997 : vector<16xf32>
          %get3A_1999 = arith.constant 42 : i32
          %get3A_2000 = arith.index_cast %get3A_1999 : i32 to index
          %get3A_2001 = arith.constant 16 : index
          %get3A_2002 = tpu.vector_load %arg7[%get3A_2000, %get3A_2001] {strides = array<i32>} : memref<48x128xf32, #tpu.memory_space<vmem>>, vector<16xf32>,
          %add3A_2003 = arith.addf %add3A_1963, %get3A_2002 : vector<16xf32>
          %get3A_2004 = arith.constant 42 : i32
          %get3A_2005 = arith.index_cast %get3A_2004 : i32 to index
          %get3A_2006 = arith.constant 32 : index
          %get3A_2007 = tpu.vector_load %arg7[%get3A_2005, %get3A_2006] {strides = array<i32>} : memref<48x128xf32, #tpu.memory_space<vmem>>, vector<16xf32>,
          %add3A_2008 = arith.addf %add3A_1968, %get3A_2007 : vector<16xf32>
          %get3A_2009 = arith.constant 42 : i32
          %get3A_2010 = arith.index_cast %get3A_2009 : i32 to index
          %get3A_2011 = arith.constant 48 : index
          %get3A_2012 = tpu.vector_load %arg7[%get3A_2010, %get3A_2011] {strides = array<i32>} : memref<48x128xf32, #tpu.memory_space<vmem>>, vector<16xf32>,
          %add3A_2013 = arith.addf %add3A_1973, %get3A_2012 : vector<16xf32>
          %get3A_2014 = arith.constant 42 : i32
          %get3A_2015 = arith.index_cast %get3A_2014 : i32 to index
          %get3A_2016 = arith.constant 64 : index
          %get3A_2017 = tpu.vector_load %arg7[%get3A_2015, %get3A_2016] {strides = array<i32>} : memref<48x128xf32, #tpu.memory_space<vmem>>, vector<16xf32>,
          %add3A_2018 = arith.addf %add3A_1978, %get3A_2017 : vector<16xf32>
          %get3A_2019 = arith.constant 42 : i32
          %get3A_2020 = arith.index_cast %get3A_2019 : i32 to index
          %get3A_2021 = arith.constant 80 : index
          %get3A_2022 = tpu.vector_load %arg7[%get3A_2020, %get3A_2021] {strides = array<i32>} : memref<48x128xf32, #tpu.memory_space<vmem>>, vector<16xf32>,
          %add3A_2023 = arith.addf %add3A_1983, %get3A_2022 : vector<16xf32>
          %get3A_2024 = arith.constant 42 : i32
          %get3A_2025 = arith.index_cast %get3A_2024 : i32 to index
          %get3A_2026 = arith.constant 96 : index
          %get3A_2027 = tpu.vector_load %arg7[%get3A_2025, %get3A_2026] {strides = array<i32>} : memref<48x128xf32, #tpu.memory_space<vmem>>, vector<16xf32>,
          %add3A_2028 = arith.addf %add3A_1988, %get3A_2027 : vector<16xf32>
          %get3A_2029 = arith.constant 42 : i32
          %get3A_2030 = arith.index_cast %get3A_2029 : i32 to index
          %get3A_2031 = arith.constant 112 : index
          %get3A_2032 = tpu.vector_load %arg7[%get3A_2030, %get3A_2031] {strides = array<i32>} : memref<48x128xf32, #tpu.memory_space<vmem>>, vector<16xf32>,
          %add3A_2033 = arith.addf %add3A_1993, %get3A_2032 : vector<16xf32>
          %get3A_2034 = arith.constant 43 : i32
          %get3A_2035 = arith.index_cast %get3A_2034 : i32 to index
          %get3A_2036 = arith.constant 0 : index
          %get3A_2037 = tpu.vector_load %arg7[%get3A_2035, %get3A_2036] {strides = array<i32>} : memref<48x128xf32, #tpu.memory_space<vmem>>, vector<16xf32>,
          %add3A_2038 = arith.addf %add3A_1998, %get3A_2037 : vector<16xf32>
          %get3A_2039 = arith.constant 43 : i32
          %get3A_2040 = arith.index_cast %get3A_2039 : i32 to index
          %get3A_2041 = arith.constant 16 : index
          %get3A_2042 = tpu.vector_load %arg7[%get3A_2040, %get3A_2041] {strides = array<i32>} : memref<48x128xf32, #tpu.memory_space<vmem>>, vector<16xf32>,
          %add3A_2043 = arith.addf %add3A_2003, %get3A_2042 : vector<16xf32>
          %get3A_2044 = arith.constant 43 : i32
          %get3A_2045 = arith.index_cast %get3A_2044 : i32 to index
          %get3A_2046 = arith.constant 32 : index
          %get3A_2047 = tpu.vector_load %arg7[%get3A_2045, %get3A_2046] {strides = array<i32>} : memref<48x128xf32, #tpu.memory_space<vmem>>, vector<16xf32>,
          %add3A_2048 = arith.addf %add3A_2008, %get3A_2047 : vector<16xf32>
          %get3A_2049 = arith.constant 43 : i32
          %get3A_2050 = arith.index_cast %get3A_2049 : i32 to index
          %get3A_2051 = arith.constant 48 : index
          %get3A_2052 = tpu.vector_load %arg7[%get3A_2050, %get3A_2051] {strides = array<i32>} : memref<48x128xf32, #tpu.memory_space<vmem>>, vector<16xf32>,
          %add3A_2053 = arith.addf %add3A_2013, %get3A_2052 : vector<16xf32>
          %get3A_2054 = arith.constant 43 : i32
          %get3A_2055 = arith.index_cast %get3A_2054 : i32 to index
          %get3A_2056 = arith.constant 64 : index
          %get3A_2057 = tpu.vector_load %arg7[%get3A_2055, %get3A_2056] {strides = array<i32>} : memref<48x128xf32, #tpu.memory_space<vmem>>, vector<16xf32>,
          %add3A_2058 = arith.addf %add3A_2018, %get3A_2057 : vector<16xf32>
          %get3A_2059 = arith.constant 43 : i32
          %get3A_2060 = arith.index_cast %get3A_2059 : i32 to index
          %get3A_2061 = arith.constant 80 : index
          %get3A_2062 = tpu.vector_load %arg7[%get3A_2060, %get3A_2061] {strides = array<i32>} : memref<48x128xf32, #tpu.memory_space<vmem>>, vector<16xf32>,
          %add3A_2063 = arith.addf %add3A_2023, %get3A_2062 : vector<16xf32>
          %get3A_2064 = arith.constant 43 : i32
          %get3A_2065 = arith.index_cast %get3A_2064 : i32 to index
          %get3A_2066 = arith.constant 96 : index
          %get3A_2067 = tpu.vector_load %arg7[%get3A_2065, %get3A_2066] {strides = array<i32>} : memref<48x128xf32, #tpu.memory_space<vmem>>, vector<16xf32>,
          %add3A_2068 = arith.addf %add3A_2028, %get3A_2067 : vector<16xf32>
          %get3A_2069 = arith.constant 43 : i32
          %get3A_2070 = arith.index_cast %get3A_2069 : i32 to index
          %get3A_2071 = arith.constant 112 : index
          %get3A_2072 = tpu.vector_load %arg7[%get3A_2070, %get3A_2071] {strides = array<i32>} : memref<48x128xf32, #tpu.memory_space<vmem>>, vector<16xf32>,
          %add3A_2073 = arith.addf %add3A_2033, %get3A_2072 : vector<16xf32>
          %get3A_2074 = arith.constant 44 : i32
          %get3A_2075 = arith.index_cast %get3A_2074 : i32 to index
          %get3A_2076 = arith.constant 0 : index
          %get3A_2077 = tpu.vector_load %arg7[%get3A_2075, %get3A_2076] {strides = array<i32>} : memref<48x128xf32, #tpu.memory_space<vmem>>, vector<16xf32>,
          %add3A_2078 = arith.addf %add3A_2038, %get3A_2077 : vector<16xf32>
          %get3A_2079 = arith.constant 44 : i32
          %get3A_2080 = arith.index_cast %get3A_2079 : i32 to index
          %get3A_2081 = arith.constant 16 : index
          %get3A_2082 = tpu.vector_load %arg7[%get3A_2080, %get3A_2081] {strides = array<i32>} : memref<48x128xf32, #tpu.memory_space<vmem>>, vector<16xf32>,
          %add3A_2083 = arith.addf %add3A_2043, %get3A_2082 : vector<16xf32>
          %get3A_2084 = arith.constant 44 : i32
          %get3A_2085 = arith.index_cast %get3A_2084 : i32 to index
          %get3A_2086 = arith.constant 32 : index
          %get3A_2087 = tpu.vector_load %arg7[%get3A_2085, %get3A_2086] {strides = array<i32>} : memref<48x128xf32, #tpu.memory_space<vmem>>, vector<16xf32>,
          %add3A_2088 = arith.addf %add3A_2048, %get3A_2087 : vector<16xf32>
          %get3A_2089 = arith.constant 44 : i32
          %get3A_2090 = arith.index_cast %get3A_2089 : i32 to index
          %get3A_2091 = arith.constant 48 : index
          %get3A_2092 = tpu.vector_load %arg7[%get3A_2090, %get3A_2091] {strides = array<i32>} : memref<48x128xf32, #tpu.memory_space<vmem>>, vector<16xf32>,
          %add3A_2093 = arith.addf %add3A_2053, %get3A_2092 : vector<16xf32>
          %get3A_2094 = arith.constant 44 : i32
          %get3A_2095 = arith.index_cast %get3A_2094 : i32 to index
          %get3A_2096 = arith.constant 64 : index
          %get3A_2097 = tpu.vector_load %arg7[%get3A_2095, %get3A_2096] {strides = array<i32>} : memref<48x128xf32, #tpu.memory_space<vmem>>, vector<16xf32>,
          %add3A_2098 = arith.addf %add3A_2058, %get3A_2097 : vector<16xf32>
          %get3A_2099 = arith.constant 44 : i32
          %get3A_2100 = arith.index_cast %get3A_2099 : i32 to index
          %get3A_2101 = arith.constant 80 : index
          %get3A_2102 = tpu.vector_load %arg7[%get3A_2100, %get3A_2101] {strides = array<i32>} : memref<48x128xf32, #tpu.memory_space<vmem>>, vector<16xf32>,
          %add3A_2103 = arith.addf %add3A_2063, %get3A_2102 : vector<16xf32>
          %get3A_2104 = arith.constant 44 : i32
          %get3A_2105 = arith.index_cast %get3A_2104 : i32 to index
          %get3A_2106 = arith.constant 96 : index
          %get3A_2107 = tpu.vector_load %arg7[%get3A_2105, %get3A_2106] {strides = array<i32>} : memref<48x128xf32, #tpu.memory_space<vmem>>, vector<16xf32>,
          %add3A_2108 = arith.addf %add3A_2068, %get3A_2107 : vector<16xf32>
          %get3A_2109 = arith.constant 44 : i32
          %get3A_2110 = arith.index_cast %get3A_2109 : i32 to index
          %get3A_2111 = arith.constant 112 : index
          %get3A_2112 = tpu.vector_load %arg7[%get3A_2110, %get3A_2111] {strides = array<i32>} : memref<48x128xf32, #tpu.memory_space<vmem>>, vector<16xf32>,
          %add3A_2113 = arith.addf %add3A_2073, %get3A_2112 : vector<16xf32>
          %get3A_2114 = arith.constant 45 : i32
          %get3A_2115 = arith.index_cast %get3A_2114 : i32 to index
          %get3A_2116 = arith.constant 0 : index
          %get3A_2117 = tpu.vector_load %arg7[%get3A_2115, %get3A_2116] {strides = array<i32>} : memref<48x128xf32, #tpu.memory_space<vmem>>, vector<16xf32>,
          %add3A_2118 = arith.addf %add3A_2078, %get3A_2117 : vector<16xf32>
          %get3A_2119 = arith.constant 45 : i32
          %get3A_2120 = arith.index_cast %get3A_2119 : i32 to index
          %get3A_2121 = arith.constant 16 : index
          %get3A_2122 = tpu.vector_load %arg7[%get3A_2120, %get3A_2121] {strides = array<i32>} : memref<48x128xf32, #tpu.memory_space<vmem>>, vector<16xf32>,
          %add3A_2123 = arith.addf %add3A_2083, %get3A_2122 : vector<16xf32>
          %get3A_2124 = arith.constant 45 : i32
          %get3A_2125 = arith.index_cast %get3A_2124 : i32 to index
          %get3A_2126 = arith.constant 32 : index
          %get3A_2127 = tpu.vector_load %arg7[%get3A_2125, %get3A_2126] {strides = array<i32>} : memref<48x128xf32, #tpu.memory_space<vmem>>, vector<16xf32>,
          %add3A_2128 = arith.addf %add3A_2088, %get3A_2127 : vector<16xf32>
          %get3A_2129 = arith.constant 45 : i32
          %get3A_2130 = arith.index_cast %get3A_2129 : i32 to index
          %get3A_2131 = arith.constant 48 : index
          %get3A_2132 = tpu.vector_load %arg7[%get3A_2130, %get3A_2131] {strides = array<i32>} : memref<48x128xf32, #tpu.memory_space<vmem>>, vector<16xf32>,
          %add3A_2133 = arith.addf %add3A_2093, %get3A_2132 : vector<16xf32>
          %get3A_2134 = arith.constant 45 : i32
          %get3A_2135 = arith.index_cast %get3A_2134 : i32 to index
          %get3A_2136 = arith.constant 64 : index
          %get3A_2137 = tpu.vector_load %arg7[%get3A_2135, %get3A_2136] {strides = array<i32>} : memref<48x128xf32, #tpu.memory_space<vmem>>, vector<16xf32>,
          %add3A_2138 = arith.addf %add3A_2098, %get3A_2137 : vector<16xf32>
          %get3A_2139 = arith.constant 45 : i32
          %get3A_2140 = arith.index_cast %get3A_2139 : i32 to index
          %get3A_2141 = arith.constant 80 : index
          %get3A_2142 = tpu.vector_load %arg7[%get3A_2140, %get3A_2141] {strides = array<i32>} : memref<48x128xf32, #tpu.memory_space<vmem>>, vector<16xf32>,
          %add3A_2143 = arith.addf %add3A_2103, %get3A_2142 : vector<16xf32>
          %get3A_2144 = arith.constant 45 : i32
          %get3A_2145 = arith.index_cast %get3A_2144 : i32 to index
          %get3A_2146 = arith.constant 96 : index
          %get3A_2147 = tpu.vector_load %arg7[%get3A_2145, %get3A_2146] {strides = array<i32>} : memref<48x128xf32, #tpu.memory_space<vmem>>, vector<16xf32>,
          %add3A_2148 = arith.addf %add3A_2108, %get3A_2147 : vector<16xf32>
          %get3A_2149 = arith.constant 45 : i32
          %get3A_2150 = arith.index_cast %get3A_2149 : i32 to index
          %get3A_2151 = arith.constant 112 : index
          %get3A_2152 = tpu.vector_load %arg7[%get3A_2150, %get3A_2151] {strides = array<i32>} : memref<48x128xf32, #tpu.memory_space<vmem>>, vector<16xf32>,
          %add3A_2153 = arith.addf %add3A_2113, %get3A_2152 : vector<16xf32>
          %get3A_2154 = arith.constant 46 : i32
          %get3A_2155 = arith.index_cast %get3A_2154 : i32 to index
          %get3A_2156 = arith.constant 0 : index
          %get3A_2157 = tpu.vector_load %arg7[%get3A_2155, %get3A_2156] {strides = array<i32>} : memref<48x128xf32, #tpu.memory_space<vmem>>, vector<16xf32>,
          %add3A_2158 = arith.addf %add3A_2118, %get3A_2157 : vector<16xf32>
          %get3A_2159 = arith.constant 46 : i32
          %get3A_2160 = arith.index_cast %get3A_2159 : i32 to index
          %get3A_2161 = arith.constant 16 : index
          %get3A_2162 = tpu.vector_load %arg7[%get3A_2160, %get3A_2161] {strides = array<i32>} : memref<48x128xf32, #tpu.memory_space<vmem>>, vector<16xf32>,
          %add3A_2163 = arith.addf %add3A_2123, %get3A_2162 : vector<16xf32>
          %get3A_2164 = arith.constant 46 : i32
          %get3A_2165 = arith.index_cast %get3A_2164 : i32 to index
          %get3A_2166 = arith.constant 32 : index
          %get3A_2167 = tpu.vector_load %arg7[%get3A_2165, %get3A_2166] {strides = array<i32>} : memref<48x128xf32, #tpu.memory_space<vmem>>, vector<16xf32>,
          %add3A_2168 = arith.addf %add3A_2128, %get3A_2167 : vector<16xf32>
          %get3A_2169 = arith.constant 46 : i32
          %get3A_2170 = arith.index_cast %get3A_2169 : i32 to index
          %get3A_2171 = arith.constant 48 : index
          %get3A_2172 = tpu.vector_load %arg7[%get3A_2170, %get3A_2171] {strides = array<i32>} : memref<48x128xf32, #tpu.memory_space<vmem>>, vector<16xf32>,
          %add3A_2173 = arith.addf %add3A_2133, %get3A_2172 : vector<16xf32>
          %get3A_2174 = arith.constant 46 : i32
          %get3A_2175 = arith.index_cast %get3A_2174 : i32 to index
          %get3A_2176 = arith.constant 64 : index
          %get3A_2177 = tpu.vector_load %arg7[%get3A_2175, %get3A_2176] {strides = array<i32>} : memref<48x128xf32, #tpu.memory_space<vmem>>, vector<16xf32>,
          %add3A_2178 = arith.addf %add3A_2138, %get3A_2177 : vector<16xf32>
          %get3A_2179 = arith.constant 46 : i32
          %get3A_2180 = arith.index_cast %get3A_2179 : i32 to index
          %get3A_2181 = arith.constant 80 : index
          %get3A_2182 = tpu.vector_load %arg7[%get3A_2180, %get3A_2181] {strides = array<i32>} : memref<48x128xf32, #tpu.memory_space<vmem>>, vector<16xf32>,
          %add3A_2183 = arith.addf %add3A_2143, %get3A_2182 : vector<16xf32>
          %get3A_2184 = arith.constant 46 : i32
          %get3A_2185 = arith.index_cast %get3A_2184 : i32 to index
          %get3A_2186 = arith.constant 96 : index
          %get3A_2187 = tpu.vector_load %arg7[%get3A_2185, %get3A_2186] {strides = array<i32>} : memref<48x128xf32, #tpu.memory_space<vmem>>, vector<16xf32>,
          %add3A_2188 = arith.addf %add3A_2148, %get3A_2187 : vector<16xf32>
          %get3A_2189 = arith.constant 46 : i32
          %get3A_2190 = arith.index_cast %get3A_2189 : i32 to index
          %get3A_2191 = arith.constant 112 : index
          %get3A_2192 = tpu.vector_load %arg7[%get3A_2190, %get3A_2191] {strides = array<i32>} : memref<48x128xf32, #tpu.memory_space<vmem>>, vector<16xf32>,
          %add3A_2193 = arith.addf %add3A_2153, %get3A_2192 : vector<16xf32>
          %get3A_2194 = arith.constant 47 : i32
          %get3A_2195 = arith.index_cast %get3A_2194 : i32 to index
          %get3A_2196 = arith.constant 0 : index
          %get3A_2197 = tpu.vector_load %arg7[%get3A_2195, %get3A_2196] {strides = array<i32>} : memref<48x128xf32, #tpu.memory_space<vmem>>, vector<16xf32>,
          %add3A_2198 = arith.addf %add3A_2158, %get3A_2197 : vector<16xf32>
          %get3A_2199 = arith.constant 47 : i32
          %get3A_2200 = arith.index_cast %get3A_2199 : i32 to index
          %get3A_2201 = arith.constant 16 : index
          %get3A_2202 = tpu.vector_load %arg7[%get3A_2200, %get3A_2201] {strides = array<i32>} : memref<48x128xf32, #tpu.memory_space<vmem>>, vector<16xf32>,
          %add3A_2203 = arith.addf %add3A_2163, %get3A_2202 : vector<16xf32>
          %get3A_2204 = arith.constant 47 : i32
          %get3A_2205 = arith.index_cast %get3A_2204 : i32 to index
          %get3A_2206 = arith.constant 32 : index
          %get3A_2207 = tpu.vector_load %arg7[%get3A_2205, %get3A_2206] {strides = array<i32>} : memref<48x128xf32, #tpu.memory_space<vmem>>, vector<16xf32>,
          %add3A_2208 = arith.addf %add3A_2168, %get3A_2207 : vector<16xf32>
          %get3A_2209 = arith.constant 47 : i32
          %get3A_2210 = arith.index_cast %get3A_2209 : i32 to index
          %get3A_2211 = arith.constant 48 : index
          %get3A_2212 = tpu.vector_load %arg7[%get3A_2210, %get3A_2211] {strides = array<i32>} : memref<48x128xf32, #tpu.memory_space<vmem>>, vector<16xf32>,
          %add3A_2213 = arith.addf %add3A_2173, %get3A_2212 : vector<16xf32>
          %get3A_2214 = arith.constant 47 : i32
          %get3A_2215 = arith.index_cast %get3A_2214 : i32 to index
          %get3A_2216 = arith.constant 64 : index
          %get3A_2217 = tpu.vector_load %arg7[%get3A_2215, %get3A_2216] {strides = array<i32>} : memref<48x128xf32, #tpu.memory_space<vmem>>, vector<16xf32>,
          %add3A_2218 = arith.addf %add3A_2178, %get3A_2217 : vector<16xf32>
          %get3A_2219 = arith.constant 47 : i32
          %get3A_2220 = arith.index_cast %get3A_2219 : i32 to index
          %get3A_2221 = arith.constant 80 : index
          %get3A_2222 = tpu.vector_load %arg7[%get3A_2220, %get3A_2221] {strides = array<i32>} : memref<48x128xf32, #tpu.memory_space<vmem>>, vector<16xf32>,
          %add3A_2223 = arith.addf %add3A_2183, %get3A_2222 : vector<16xf32>
          %get3A_2224 = arith.constant 47 : i32
          %get3A_2225 = arith.index_cast %get3A_2224 : i32 to index
          %get3A_2226 = arith.constant 96 : index
          %get3A_2227 = tpu.vector_load %arg7[%get3A_2225, %get3A_2226] {strides = array<i32>} : memref<48x128xf32, #tpu.memory_space<vmem>>, vector<16xf32>,
          %add3A_2228 = arith.addf %add3A_2188, %get3A_2227 : vector<16xf32>
          %get3A_2229 = arith.constant 47 : i32
          %get3A_2230 = arith.index_cast %get3A_2229 : i32 to index
          %get3A_2231 = arith.constant 112 : index
          %get3A_2232 = tpu.vector_load %arg7[%get3A_2230, %get3A_2231] {strides = array<i32>} : memref<48x128xf32, #tpu.memory_space<vmem>>, vector<16xf32>,
          %add3A_2233 = arith.addf %add3A_2193, %get3A_2232 : vector<16xf32>
          scf.yield %add3A_2198, %add3A_2203, %add3A_2208, %add3A_2213, %add3A_2218, %add3A_2223, %add3A_2228, %add3A_2233 : vector<16xf32>, vector<16xf32>, vector<16xf32>, vector<16xf32>, vector<16xf32>, vector<16xf32>, vector<16xf32>, vector<16xf32>
        }
        %while3A_804 = arith.constant 1 : i32
        %while3A_805:8 = scf.for %while3A_1563 = %while3A_801 to %while3A_797 step %while3A_804 iter_args(%while3A_1564 = %while3A_803#0, %while3A_1565 = %while3A_803#1, %while3A_1566 = %while3A_803#2, %while3A_1567 = %while3A_803#3, %while3A_1568 = %while3A_803#4, %while3A_1569 = %while3A_803#5, %while3A_1570 = %while3A_803#6, %while3A_1571 = %while3A_803#7) -> (vector<16xf32>, vector<16xf32>, vector<16xf32>, vector<16xf32>, vector<16xf32>, vector<16xf32>, vector<16xf32>, vector<16xf32>)  : i32 {
          %mul3A_1572 = arith.constant 16 : i32
          %mul3A_1573 = arith.muli %while3A_1563, %mul3A_1572 : i32
          %add3A_1574 = arith.addi %add3A_795, %mul3A_1573 : i32
          %dma_start3A_1575 = arith.constant 32 : i32
          %dma_start3A_1576 = arith.constant 0 : i32
          %dma_start3A_1577 = tpu.memref_slice %arg7[%dma_start3A_1575, %dma_start3A_1576] : memref<48x128xf32, #tpu.memory_space<vmem>> -> memref<16x128xf32, #tpu.memory_space<vmem>>
          %dma_start3A_1578 = tpu.memref_slice %arg6[%add3A_1574] : memref<19968xi32, #tpu.memory_space<vmem>> -> memref<16xi32, #tpu.memory_space<vmem>>
          %dma_start3A_1579 = arith.constant 0 : i32
          %dma_start3A_1580 = arith.constant 0 : i32
          %dma_start3A_1581 = tpu.memref_slice %arg11[%dma_start3A_1579, %dma_start3A_1580] : memref<8193x128xf32, #tpu.memory_space<vmem_shared>> -> memref<8193x128xf32, #tpu.memory_space<vmem_shared>>
          tpu.enqueue_indirect_dma source(%dma_start3A_1581 : memref<8193x128xf32, #tpu.memory_space<vmem_shared>>) target(%dma_start3A_1577 : memref<16x128xf32, #tpu.memory_space<vmem>>) offsets(%dma_start3A_1578 : memref<16xi32, #tpu.memory_space<vmem>>) semaphore(%arg14 : memref<!tpu.dma_semaphore, #tpu.memory_space<semaphore_mem>>)
          %dma_wait3A_1582 = arith.constant 32 : i32
          %dma_wait3A_1583 = arith.constant 0 : i32
          %dma_wait3A_1584 = tpu.memref_slice %arg7[%dma_wait3A_1582, %dma_wait3A_1583] : memref<48x128xf32, #tpu.memory_space<vmem>> -> memref<16x128xf32, #tpu.memory_space<vmem>>
          %dma_wait3A_1585 = arith.constant 0 : i32
          %dma_wait3A_1586 = arith.constant 0 : i32
          %dma_wait3A_1587 = tpu.memref_slice %arg3[%dma_wait3A_1585, %dma_wait3A_1586] : memref<100000x128xf32, #tpu.memory_space<hbm>> -> memref<16x128xf32, #tpu.memory_space<hbm>>
          %dma_wait3A_1588 = arith.constant 32 : i32
          %dma_wait3A_1589 = arith.constant 0 : i32
          %dma_wait3A_1590 = tpu.memref_slice %arg7[%dma_wait3A_1588, %dma_wait3A_1589] : memref<48x128xf32, #tpu.memory_space<vmem>> -> memref<16x128xf32, #tpu.memory_space<vmem>>
          %dma_wait3A_1591 = arith.constant 0 : i32
          %dma_wait3A_1592 = arith.constant 0 : i32
          %dma_wait3A_1593 = tpu.memref_slice %arg3[%dma_wait3A_1591, %dma_wait3A_1592] : memref<100000x128xf32, #tpu.memory_space<hbm>> -> memref<16x128xf32, #tpu.memory_space<hbm>>
          tpu.wait_dma2 semaphore(%arg14 : memref<!tpu.dma_semaphore, #tpu.memory_space<semaphore_mem>>) src(%dma_wait3A_1593 : memref<16x128xf32, #tpu.memory_space<hbm>>) dst(%dma_wait3A_1590 : memref<16x128xf32, #tpu.memory_space<vmem>>)
          %get3A_1594 = arith.constant 32 : i32
          %get3A_1595 = arith.index_cast %get3A_1594 : i32 to index
          %get3A_1596 = arith.constant 0 : index
          %get3A_1597 = tpu.vector_load %arg7[%get3A_1595, %get3A_1596] {strides = array<i32>} : memref<48x128xf32, #tpu.memory_space<vmem>>, vector<16xf32>,
          %add3A_1598 = arith.addf %while3A_1564, %get3A_1597 : vector<16xf32>
          %get3A_1599 = arith.constant 32 : i32
          %get3A_1600 = arith.index_cast %get3A_1599 : i32 to index
          %get3A_1601 = arith.constant 16 : index
          %get3A_1602 = tpu.vector_load %arg7[%get3A_1600, %get3A_1601] {strides = array<i32>} : memref<48x128xf32, #tpu.memory_space<vmem>>, vector<16xf32>,
          %add3A_1603 = arith.addf %while3A_1565, %get3A_1602 : vector<16xf32>
          %get3A_1604 = arith.constant 32 : i32
          %get3A_1605 = arith.index_cast %get3A_1604 : i32 to index
          %get3A_1606 = arith.constant 32 : index
          %get3A_1607 = tpu.vector_load %arg7[%get3A_1605, %get3A_1606] {strides = array<i32>} : memref<48x128xf32, #tpu.memory_space<vmem>>, vector<16xf32>,
          %add3A_1608 = arith.addf %while3A_1566, %get3A_1607 : vector<16xf32>
          %get3A_1609 = arith.constant 32 : i32
          %get3A_1610 = arith.index_cast %get3A_1609 : i32 to index
          %get3A_1611 = arith.constant 48 : index
          %get3A_1612 = tpu.vector_load %arg7[%get3A_1610, %get3A_1611] {strides = array<i32>} : memref<48x128xf32, #tpu.memory_space<vmem>>, vector<16xf32>,
          %add3A_1613 = arith.addf %while3A_1567, %get3A_1612 : vector<16xf32>
          %get3A_1614 = arith.constant 32 : i32
          %get3A_1615 = arith.index_cast %get3A_1614 : i32 to index
          %get3A_1616 = arith.constant 64 : index
          %get3A_1617 = tpu.vector_load %arg7[%get3A_1615, %get3A_1616] {strides = array<i32>} : memref<48x128xf32, #tpu.memory_space<vmem>>, vector<16xf32>,
          %add3A_1618 = arith.addf %while3A_1568, %get3A_1617 : vector<16xf32>
          %get3A_1619 = arith.constant 32 : i32
          %get3A_1620 = arith.index_cast %get3A_1619 : i32 to index
          %get3A_1621 = arith.constant 80 : index
          %get3A_1622 = tpu.vector_load %arg7[%get3A_1620, %get3A_1621] {strides = array<i32>} : memref<48x128xf32, #tpu.memory_space<vmem>>, vector<16xf32>,
          %add3A_1623 = arith.addf %while3A_1569, %get3A_1622 : vector<16xf32>
          %get3A_1624 = arith.constant 32 : i32
          %get3A_1625 = arith.index_cast %get3A_1624 : i32 to index
          %get3A_1626 = arith.constant 96 : index
          %get3A_1627 = tpu.vector_load %arg7[%get3A_1625, %get3A_1626] {strides = array<i32>} : memref<48x128xf32, #tpu.memory_space<vmem>>, vector<16xf32>,
          %add3A_1628 = arith.addf %while3A_1570, %get3A_1627 : vector<16xf32>
          %get3A_1629 = arith.constant 32 : i32
          %get3A_1630 = arith.index_cast %get3A_1629 : i32 to index
          %get3A_1631 = arith.constant 112 : index
          %get3A_1632 = tpu.vector_load %arg7[%get3A_1630, %get3A_1631] {strides = array<i32>} : memref<48x128xf32, #tpu.memory_space<vmem>>, vector<16xf32>,
          %add3A_1633 = arith.addf %while3A_1571, %get3A_1632 : vector<16xf32>
          %get3A_1634 = arith.constant 33 : i32
          %get3A_1635 = arith.index_cast %get3A_1634 : i32 to index
          %get3A_1636 = arith.constant 0 : index
          %get3A_1637 = tpu.vector_load %arg7[%get3A_1635, %get3A_1636] {strides = array<i32>} : memref<48x128xf32, #tpu.memory_space<vmem>>, vector<16xf32>,
          %add3A_1638 = arith.addf %add3A_1598, %get3A_1637 : vector<16xf32>
          %get3A_1639 = arith.constant 33 : i32
          %get3A_1640 = arith.index_cast %get3A_1639 : i32 to index
          %get3A_1641 = arith.constant 16 : index
          %get3A_1642 = tpu.vector_load %arg7[%get3A_1640, %get3A_1641] {strides = array<i32>} : memref<48x128xf32, #tpu.memory_space<vmem>>, vector<16xf32>,
          %add3A_1643 = arith.addf %add3A_1603, %get3A_1642 : vector<16xf32>
          %get3A_1644 = arith.constant 33 : i32
          %get3A_1645 = arith.index_cast %get3A_1644 : i32 to index
          %get3A_1646 = arith.constant 32 : index
          %get3A_1647 = tpu.vector_load %arg7[%get3A_1645, %get3A_1646] {strides = array<i32>} : memref<48x128xf32, #tpu.memory_space<vmem>>, vector<16xf32>,
          %add3A_1648 = arith.addf %add3A_1608, %get3A_1647 : vector<16xf32>
          %get3A_1649 = arith.constant 33 : i32
          %get3A_1650 = arith.index_cast %get3A_1649 : i32 to index
          %get3A_1651 = arith.constant 48 : index
          %get3A_1652 = tpu.vector_load %arg7[%get3A_1650, %get3A_1651] {strides = array<i32>} : memref<48x128xf32, #tpu.memory_space<vmem>>, vector<16xf32>,
          %add3A_1653 = arith.addf %add3A_1613, %get3A_1652 : vector<16xf32>
          %get3A_1654 = arith.constant 33 : i32
          %get3A_1655 = arith.index_cast %get3A_1654 : i32 to index
          %get3A_1656 = arith.constant 64 : index
          %get3A_1657 = tpu.vector_load %arg7[%get3A_1655, %get3A_1656] {strides = array<i32>} : memref<48x128xf32, #tpu.memory_space<vmem>>, vector<16xf32>,
          %add3A_1658 = arith.addf %add3A_1618, %get3A_1657 : vector<16xf32>
          %get3A_1659 = arith.constant 33 : i32
          %get3A_1660 = arith.index_cast %get3A_1659 : i32 to index
          %get3A_1661 = arith.constant 80 : index
          %get3A_1662 = tpu.vector_load %arg7[%get3A_1660, %get3A_1661] {strides = array<i32>} : memref<48x128xf32, #tpu.memory_space<vmem>>, vector<16xf32>,
          %add3A_1663 = arith.addf %add3A_1623, %get3A_1662 : vector<16xf32>
          %get3A_1664 = arith.constant 33 : i32
          %get3A_1665 = arith.index_cast %get3A_1664 : i32 to index
          %get3A_1666 = arith.constant 96 : index
          %get3A_1667 = tpu.vector_load %arg7[%get3A_1665, %get3A_1666] {strides = array<i32>} : memref<48x128xf32, #tpu.memory_space<vmem>>, vector<16xf32>,
          %add3A_1668 = arith.addf %add3A_1628, %get3A_1667 : vector<16xf32>
          %get3A_1669 = arith.constant 33 : i32
          %get3A_1670 = arith.index_cast %get3A_1669 : i32 to index
          %get3A_1671 = arith.constant 112 : index
          %get3A_1672 = tpu.vector_load %arg7[%get3A_1670, %get3A_1671] {strides = array<i32>} : memref<48x128xf32, #tpu.memory_space<vmem>>, vector<16xf32>,
          %add3A_1673 = arith.addf %add3A_1633, %get3A_1672 : vector<16xf32>
          %get3A_1674 = arith.constant 34 : i32
          %get3A_1675 = arith.index_cast %get3A_1674 : i32 to index
          %get3A_1676 = arith.constant 0 : index
          %get3A_1677 = tpu.vector_load %arg7[%get3A_1675, %get3A_1676] {strides = array<i32>} : memref<48x128xf32, #tpu.memory_space<vmem>>, vector<16xf32>,
          %add3A_1678 = arith.addf %add3A_1638, %get3A_1677 : vector<16xf32>
          %get3A_1679 = arith.constant 34 : i32
          %get3A_1680 = arith.index_cast %get3A_1679 : i32 to index
          %get3A_1681 = arith.constant 16 : index
          %get3A_1682 = tpu.vector_load %arg7[%get3A_1680, %get3A_1681] {strides = array<i32>} : memref<48x128xf32, #tpu.memory_space<vmem>>, vector<16xf32>,
          %add3A_1683 = arith.addf %add3A_1643, %get3A_1682 : vector<16xf32>
          %get3A_1684 = arith.constant 34 : i32
          %get3A_1685 = arith.index_cast %get3A_1684 : i32 to index
          %get3A_1686 = arith.constant 32 : index
          %get3A_1687 = tpu.vector_load %arg7[%get3A_1685, %get3A_1686] {strides = array<i32>} : memref<48x128xf32, #tpu.memory_space<vmem>>, vector<16xf32>,
          %add3A_1688 = arith.addf %add3A_1648, %get3A_1687 : vector<16xf32>
          %get3A_1689 = arith.constant 34 : i32
          %get3A_1690 = arith.index_cast %get3A_1689 : i32 to index
          %get3A_1691 = arith.constant 48 : index
          %get3A_1692 = tpu.vector_load %arg7[%get3A_1690, %get3A_1691] {strides = array<i32>} : memref<48x128xf32, #tpu.memory_space<vmem>>, vector<16xf32>,
          %add3A_1693 = arith.addf %add3A_1653, %get3A_1692 : vector<16xf32>
          %get3A_1694 = arith.constant 34 : i32
          %get3A_1695 = arith.index_cast %get3A_1694 : i32 to index
          %get3A_1696 = arith.constant 64 : index
          %get3A_1697 = tpu.vector_load %arg7[%get3A_1695, %get3A_1696] {strides = array<i32>} : memref<48x128xf32, #tpu.memory_space<vmem>>, vector<16xf32>,
          %add3A_1698 = arith.addf %add3A_1658, %get3A_1697 : vector<16xf32>
          %get3A_1699 = arith.constant 34 : i32
          %get3A_1700 = arith.index_cast %get3A_1699 : i32 to index
          %get3A_1701 = arith.constant 80 : index
          %get3A_1702 = tpu.vector_load %arg7[%get3A_1700, %get3A_1701] {strides = array<i32>} : memref<48x128xf32, #tpu.memory_space<vmem>>, vector<16xf32>,
          %add3A_1703 = arith.addf %add3A_1663, %get3A_1702 : vector<16xf32>
          %get3A_1704 = arith.constant 34 : i32
          %get3A_1705 = arith.index_cast %get3A_1704 : i32 to index
          %get3A_1706 = arith.constant 96 : index
          %get3A_1707 = tpu.vector_load %arg7[%get3A_1705, %get3A_1706] {strides = array<i32>} : memref<48x128xf32, #tpu.memory_space<vmem>>, vector<16xf32>,
          %add3A_1708 = arith.addf %add3A_1668, %get3A_1707 : vector<16xf32>
          %get3A_1709 = arith.constant 34 : i32
          %get3A_1710 = arith.index_cast %get3A_1709 : i32 to index
          %get3A_1711 = arith.constant 112 : index
          %get3A_1712 = tpu.vector_load %arg7[%get3A_1710, %get3A_1711] {strides = array<i32>} : memref<48x128xf32, #tpu.memory_space<vmem>>, vector<16xf32>,
          %add3A_1713 = arith.addf %add3A_1673, %get3A_1712 : vector<16xf32>
          %get3A_1714 = arith.constant 35 : i32
          %get3A_1715 = arith.index_cast %get3A_1714 : i32 to index
          %get3A_1716 = arith.constant 0 : index
          %get3A_1717 = tpu.vector_load %arg7[%get3A_1715, %get3A_1716] {strides = array<i32>} : memref<48x128xf32, #tpu.memory_space<vmem>>, vector<16xf32>,
          %add3A_1718 = arith.addf %add3A_1678, %get3A_1717 : vector<16xf32>
          %get3A_1719 = arith.constant 35 : i32
          %get3A_1720 = arith.index_cast %get3A_1719 : i32 to index
          %get3A_1721 = arith.constant 16 : index
          %get3A_1722 = tpu.vector_load %arg7[%get3A_1720, %get3A_1721] {strides = array<i32>} : memref<48x128xf32, #tpu.memory_space<vmem>>, vector<16xf32>,
          %add3A_1723 = arith.addf %add3A_1683, %get3A_1722 : vector<16xf32>
          %get3A_1724 = arith.constant 35 : i32
          %get3A_1725 = arith.index_cast %get3A_1724 : i32 to index
          %get3A_1726 = arith.constant 32 : index
          %get3A_1727 = tpu.vector_load %arg7[%get3A_1725, %get3A_1726] {strides = array<i32>} : memref<48x128xf32, #tpu.memory_space<vmem>>, vector<16xf32>,
          %add3A_1728 = arith.addf %add3A_1688, %get3A_1727 : vector<16xf32>
          %get3A_1729 = arith.constant 35 : i32
          %get3A_1730 = arith.index_cast %get3A_1729 : i32 to index
          %get3A_1731 = arith.constant 48 : index
          %get3A_1732 = tpu.vector_load %arg7[%get3A_1730, %get3A_1731] {strides = array<i32>} : memref<48x128xf32, #tpu.memory_space<vmem>>, vector<16xf32>,
          %add3A_1733 = arith.addf %add3A_1693, %get3A_1732 : vector<16xf32>
          %get3A_1734 = arith.constant 35 : i32
          %get3A_1735 = arith.index_cast %get3A_1734 : i32 to index
          %get3A_1736 = arith.constant 64 : index
          %get3A_1737 = tpu.vector_load %arg7[%get3A_1735, %get3A_1736] {strides = array<i32>} : memref<48x128xf32, #tpu.memory_space<vmem>>, vector<16xf32>,
          %add3A_1738 = arith.addf %add3A_1698, %get3A_1737 : vector<16xf32>
          %get3A_1739 = arith.constant 35 : i32
          %get3A_1740 = arith.index_cast %get3A_1739 : i32 to index
          %get3A_1741 = arith.constant 80 : index
          %get3A_1742 = tpu.vector_load %arg7[%get3A_1740, %get3A_1741] {strides = array<i32>} : memref<48x128xf32, #tpu.memory_space<vmem>>, vector<16xf32>,
          %add3A_1743 = arith.addf %add3A_1703, %get3A_1742 : vector<16xf32>
          %get3A_1744 = arith.constant 35 : i32
          %get3A_1745 = arith.index_cast %get3A_1744 : i32 to index
          %get3A_1746 = arith.constant 96 : index
          %get3A_1747 = tpu.vector_load %arg7[%get3A_1745, %get3A_1746] {strides = array<i32>} : memref<48x128xf32, #tpu.memory_space<vmem>>, vector<16xf32>,
          %add3A_1748 = arith.addf %add3A_1708, %get3A_1747 : vector<16xf32>
          %get3A_1749 = arith.constant 35 : i32
          %get3A_1750 = arith.index_cast %get3A_1749 : i32 to index
          %get3A_1751 = arith.constant 112 : index
          %get3A_1752 = tpu.vector_load %arg7[%get3A_1750, %get3A_1751] {strides = array<i32>} : memref<48x128xf32, #tpu.memory_space<vmem>>, vector<16xf32>,
          %add3A_1753 = arith.addf %add3A_1713, %get3A_1752 : vector<16xf32>
          %get3A_1754 = arith.constant 36 : i32
          %get3A_1755 = arith.index_cast %get3A_1754 : i32 to index
          %get3A_1756 = arith.constant 0 : index
          %get3A_1757 = tpu.vector_load %arg7[%get3A_1755, %get3A_1756] {strides = array<i32>} : memref<48x128xf32, #tpu.memory_space<vmem>>, vector<16xf32>,
          %add3A_1758 = arith.addf %add3A_1718, %get3A_1757 : vector<16xf32>
          %get3A_1759 = arith.constant 36 : i32
          %get3A_1760 = arith.index_cast %get3A_1759 : i32 to index
          %get3A_1761 = arith.constant 16 : index
          %get3A_1762 = tpu.vector_load %arg7[%get3A_1760, %get3A_1761] {strides = array<i32>} : memref<48x128xf32, #tpu.memory_space<vmem>>, vector<16xf32>,
          %add3A_1763 = arith.addf %add3A_1723, %get3A_1762 : vector<16xf32>
          %get3A_1764 = arith.constant 36 : i32
          %get3A_1765 = arith.index_cast %get3A_1764 : i32 to index
          %get3A_1766 = arith.constant 32 : index
          %get3A_1767 = tpu.vector_load %arg7[%get3A_1765, %get3A_1766] {strides = array<i32>} : memref<48x128xf32, #tpu.memory_space<vmem>>, vector<16xf32>,
          %add3A_1768 = arith.addf %add3A_1728, %get3A_1767 : vector<16xf32>
          %get3A_1769 = arith.constant 36 : i32
          %get3A_1770 = arith.index_cast %get3A_1769 : i32 to index
          %get3A_1771 = arith.constant 48 : index
          %get3A_1772 = tpu.vector_load %arg7[%get3A_1770, %get3A_1771] {strides = array<i32>} : memref<48x128xf32, #tpu.memory_space<vmem>>, vector<16xf32>,
          %add3A_1773 = arith.addf %add3A_1733, %get3A_1772 : vector<16xf32>
          %get3A_1774 = arith.constant 36 : i32
          %get3A_1775 = arith.index_cast %get3A_1774 : i32 to index
          %get3A_1776 = arith.constant 64 : index
          %get3A_1777 = tpu.vector_load %arg7[%get3A_1775, %get3A_1776] {strides = array<i32>} : memref<48x128xf32, #tpu.memory_space<vmem>>, vector<16xf32>,
          %add3A_1778 = arith.addf %add3A_1738, %get3A_1777 : vector<16xf32>
          %get3A_1779 = arith.constant 36 : i32
          %get3A_1780 = arith.index_cast %get3A_1779 : i32 to index
          %get3A_1781 = arith.constant 80 : index
          %get3A_1782 = tpu.vector_load %arg7[%get3A_1780, %get3A_1781] {strides = array<i32>} : memref<48x128xf32, #tpu.memory_space<vmem>>, vector<16xf32>,
          %add3A_1783 = arith.addf %add3A_1743, %get3A_1782 : vector<16xf32>
          %get3A_1784 = arith.constant 36 : i32
          %get3A_1785 = arith.index_cast %get3A_1784 : i32 to index
          %get3A_1786 = arith.constant 96 : index
          %get3A_1787 = tpu.vector_load %arg7[%get3A_1785, %get3A_1786] {strides = array<i32>} : memref<48x128xf32, #tpu.memory_space<vmem>>, vector<16xf32>,
          %add3A_1788 = arith.addf %add3A_1748, %get3A_1787 : vector<16xf32>
          %get3A_1789 = arith.constant 36 : i32
          %get3A_1790 = arith.index_cast %get3A_1789 : i32 to index
          %get3A_1791 = arith.constant 112 : index
          %get3A_1792 = tpu.vector_load %arg7[%get3A_1790, %get3A_1791] {strides = array<i32>} : memref<48x128xf32, #tpu.memory_space<vmem>>, vector<16xf32>,
          %add3A_1793 = arith.addf %add3A_1753, %get3A_1792 : vector<16xf32>
          %get3A_1794 = arith.constant 37 : i32
          %get3A_1795 = arith.index_cast %get3A_1794 : i32 to index
          %get3A_1796 = arith.constant 0 : index
          %get3A_1797 = tpu.vector_load %arg7[%get3A_1795, %get3A_1796] {strides = array<i32>} : memref<48x128xf32, #tpu.memory_space<vmem>>, vector<16xf32>,
          %add3A_1798 = arith.addf %add3A_1758, %get3A_1797 : vector<16xf32>
          %get3A_1799 = arith.constant 37 : i32
          %get3A_1800 = arith.index_cast %get3A_1799 : i32 to index
          %get3A_1801 = arith.constant 16 : index
          %get3A_1802 = tpu.vector_load %arg7[%get3A_1800, %get3A_1801] {strides = array<i32>} : memref<48x128xf32, #tpu.memory_space<vmem>>, vector<16xf32>,
          %add3A_1803 = arith.addf %add3A_1763, %get3A_1802 : vector<16xf32>
          %get3A_1804 = arith.constant 37 : i32
          %get3A_1805 = arith.index_cast %get3A_1804 : i32 to index
          %get3A_1806 = arith.constant 32 : index
          %get3A_1807 = tpu.vector_load %arg7[%get3A_1805, %get3A_1806] {strides = array<i32>} : memref<48x128xf32, #tpu.memory_space<vmem>>, vector<16xf32>,
          %add3A_1808 = arith.addf %add3A_1768, %get3A_1807 : vector<16xf32>
          %get3A_1809 = arith.constant 37 : i32
          %get3A_1810 = arith.index_cast %get3A_1809 : i32 to index
          %get3A_1811 = arith.constant 48 : index
          %get3A_1812 = tpu.vector_load %arg7[%get3A_1810, %get3A_1811] {strides = array<i32>} : memref<48x128xf32, #tpu.memory_space<vmem>>, vector<16xf32>,
          %add3A_1813 = arith.addf %add3A_1773, %get3A_1812 : vector<16xf32>
          %get3A_1814 = arith.constant 37 : i32
          %get3A_1815 = arith.index_cast %get3A_1814 : i32 to index
          %get3A_1816 = arith.constant 64 : index
          %get3A_1817 = tpu.vector_load %arg7[%get3A_1815, %get3A_1816] {strides = array<i32>} : memref<48x128xf32, #tpu.memory_space<vmem>>, vector<16xf32>,
          %add3A_1818 = arith.addf %add3A_1778, %get3A_1817 : vector<16xf32>
          %get3A_1819 = arith.constant 37 : i32
          %get3A_1820 = arith.index_cast %get3A_1819 : i32 to index
          %get3A_1821 = arith.constant 80 : index
          %get3A_1822 = tpu.vector_load %arg7[%get3A_1820, %get3A_1821] {strides = array<i32>} : memref<48x128xf32, #tpu.memory_space<vmem>>, vector<16xf32>,
          %add3A_1823 = arith.addf %add3A_1783, %get3A_1822 : vector<16xf32>
          %get3A_1824 = arith.constant 37 : i32
          %get3A_1825 = arith.index_cast %get3A_1824 : i32 to index
          %get3A_1826 = arith.constant 96 : index
          %get3A_1827 = tpu.vector_load %arg7[%get3A_1825, %get3A_1826] {strides = array<i32>} : memref<48x128xf32, #tpu.memory_space<vmem>>, vector<16xf32>,
          %add3A_1828 = arith.addf %add3A_1788, %get3A_1827 : vector<16xf32>
          %get3A_1829 = arith.constant 37 : i32
          %get3A_1830 = arith.index_cast %get3A_1829 : i32 to index
          %get3A_1831 = arith.constant 112 : index
          %get3A_1832 = tpu.vector_load %arg7[%get3A_1830, %get3A_1831] {strides = array<i32>} : memref<48x128xf32, #tpu.memory_space<vmem>>, vector<16xf32>,
          %add3A_1833 = arith.addf %add3A_1793, %get3A_1832 : vector<16xf32>
          %get3A_1834 = arith.constant 38 : i32
          %get3A_1835 = arith.index_cast %get3A_1834 : i32 to index
          %get3A_1836 = arith.constant 0 : index
          %get3A_1837 = tpu.vector_load %arg7[%get3A_1835, %get3A_1836] {strides = array<i32>} : memref<48x128xf32, #tpu.memory_space<vmem>>, vector<16xf32>,
          %add3A_1838 = arith.addf %add3A_1798, %get3A_1837 : vector<16xf32>
          %get3A_1839 = arith.constant 38 : i32
          %get3A_1840 = arith.index_cast %get3A_1839 : i32 to index
          %get3A_1841 = arith.constant 16 : index
          %get3A_1842 = tpu.vector_load %arg7[%get3A_1840, %get3A_1841] {strides = array<i32>} : memref<48x128xf32, #tpu.memory_space<vmem>>, vector<16xf32>,
          %add3A_1843 = arith.addf %add3A_1803, %get3A_1842 : vector<16xf32>
          %get3A_1844 = arith.constant 38 : i32
          %get3A_1845 = arith.index_cast %get3A_1844 : i32 to index
          %get3A_1846 = arith.constant 32 : index
          %get3A_1847 = tpu.vector_load %arg7[%get3A_1845, %get3A_1846] {strides = array<i32>} : memref<48x128xf32, #tpu.memory_space<vmem>>, vector<16xf32>,
          %add3A_1848 = arith.addf %add3A_1808, %get3A_1847 : vector<16xf32>
          %get3A_1849 = arith.constant 38 : i32
          %get3A_1850 = arith.index_cast %get3A_1849 : i32 to index
          %get3A_1851 = arith.constant 48 : index
          %get3A_1852 = tpu.vector_load %arg7[%get3A_1850, %get3A_1851] {strides = array<i32>} : memref<48x128xf32, #tpu.memory_space<vmem>>, vector<16xf32>,
          %add3A_1853 = arith.addf %add3A_1813, %get3A_1852 : vector<16xf32>
          %get3A_1854 = arith.constant 38 : i32
          %get3A_1855 = arith.index_cast %get3A_1854 : i32 to index
          %get3A_1856 = arith.constant 64 : index
          %get3A_1857 = tpu.vector_load %arg7[%get3A_1855, %get3A_1856] {strides = array<i32>} : memref<48x128xf32, #tpu.memory_space<vmem>>, vector<16xf32>,
          %add3A_1858 = arith.addf %add3A_1818, %get3A_1857 : vector<16xf32>
          %get3A_1859 = arith.constant 38 : i32
          %get3A_1860 = arith.index_cast %get3A_1859 : i32 to index
          %get3A_1861 = arith.constant 80 : index
          %get3A_1862 = tpu.vector_load %arg7[%get3A_1860, %get3A_1861] {strides = array<i32>} : memref<48x128xf32, #tpu.memory_space<vmem>>, vector<16xf32>,
          %add3A_1863 = arith.addf %add3A_1823, %get3A_1862 : vector<16xf32>
          %get3A_1864 = arith.constant 38 : i32
          %get3A_1865 = arith.index_cast %get3A_1864 : i32 to index
          %get3A_1866 = arith.constant 96 : index
          %get3A_1867 = tpu.vector_load %arg7[%get3A_1865, %get3A_1866] {strides = array<i32>} : memref<48x128xf32, #tpu.memory_space<vmem>>, vector<16xf32>,
          %add3A_1868 = arith.addf %add3A_1828, %get3A_1867 : vector<16xf32>
          %get3A_1869 = arith.constant 38 : i32
          %get3A_1870 = arith.index_cast %get3A_1869 : i32 to index
          %get3A_1871 = arith.constant 112 : index
          %get3A_1872 = tpu.vector_load %arg7[%get3A_1870, %get3A_1871] {strides = array<i32>} : memref<48x128xf32, #tpu.memory_space<vmem>>, vector<16xf32>,
          %add3A_1873 = arith.addf %add3A_1833, %get3A_1872 : vector<16xf32>
          %get3A_1874 = arith.constant 39 : i32
          %get3A_1875 = arith.index_cast %get3A_1874 : i32 to index
          %get3A_1876 = arith.constant 0 : index
          %get3A_1877 = tpu.vector_load %arg7[%get3A_1875, %get3A_1876] {strides = array<i32>} : memref<48x128xf32, #tpu.memory_space<vmem>>, vector<16xf32>,
          %add3A_1878 = arith.addf %add3A_1838, %get3A_1877 : vector<16xf32>
          %get3A_1879 = arith.constant 39 : i32
          %get3A_1880 = arith.index_cast %get3A_1879 : i32 to index
          %get3A_1881 = arith.constant 16 : index
          %get3A_1882 = tpu.vector_load %arg7[%get3A_1880, %get3A_1881] {strides = array<i32>} : memref<48x128xf32, #tpu.memory_space<vmem>>, vector<16xf32>,
          %add3A_1883 = arith.addf %add3A_1843, %get3A_1882 : vector<16xf32>
          %get3A_1884 = arith.constant 39 : i32
          %get3A_1885 = arith.index_cast %get3A_1884 : i32 to index
          %get3A_1886 = arith.constant 32 : index
          %get3A_1887 = tpu.vector_load %arg7[%get3A_1885, %get3A_1886] {strides = array<i32>} : memref<48x128xf32, #tpu.memory_space<vmem>>, vector<16xf32>,
          %add3A_1888 = arith.addf %add3A_1848, %get3A_1887 : vector<16xf32>
          %get3A_1889 = arith.constant 39 : i32
          %get3A_1890 = arith.index_cast %get3A_1889 : i32 to index
          %get3A_1891 = arith.constant 48 : index
          %get3A_1892 = tpu.vector_load %arg7[%get3A_1890, %get3A_1891] {strides = array<i32>} : memref<48x128xf32, #tpu.memory_space<vmem>>, vector<16xf32>,
          %add3A_1893 = arith.addf %add3A_1853, %get3A_1892 : vector<16xf32>
          %get3A_1894 = arith.constant 39 : i32
          %get3A_1895 = arith.index_cast %get3A_1894 : i32 to index
          %get3A_1896 = arith.constant 64 : index
          %get3A_1897 = tpu.vector_load %arg7[%get3A_1895, %get3A_1896] {strides = array<i32>} : memref<48x128xf32, #tpu.memory_space<vmem>>, vector<16xf32>,
          %add3A_1898 = arith.addf %add3A_1858, %get3A_1897 : vector<16xf32>
          %get3A_1899 = arith.constant 39 : i32
          %get3A_1900 = arith.index_cast %get3A_1899 : i32 to index
          %get3A_1901 = arith.constant 80 : index
          %get3A_1902 = tpu.vector_load %arg7[%get3A_1900, %get3A_1901] {strides = array<i32>} : memref<48x128xf32, #tpu.memory_space<vmem>>, vector<16xf32>,
          %add3A_1903 = arith.addf %add3A_1863, %get3A_1902 : vector<16xf32>
          %get3A_1904 = arith.constant 39 : i32
          %get3A_1905 = arith.index_cast %get3A_1904 : i32 to index
          %get3A_1906 = arith.constant 96 : index
          %get3A_1907 = tpu.vector_load %arg7[%get3A_1905, %get3A_1906] {strides = array<i32>} : memref<48x128xf32, #tpu.memory_space<vmem>>, vector<16xf32>,
          %add3A_1908 = arith.addf %add3A_1868, %get3A_1907 : vector<16xf32>
          %get3A_1909 = arith.constant 39 : i32
          %get3A_1910 = arith.index_cast %get3A_1909 : i32 to index
          %get3A_1911 = arith.constant 112 : index
          %get3A_1912 = tpu.vector_load %arg7[%get3A_1910, %get3A_1911] {strides = array<i32>} : memref<48x128xf32, #tpu.memory_space<vmem>>, vector<16xf32>,
          %add3A_1913 = arith.addf %add3A_1873, %get3A_1912 : vector<16xf32>
          %get3A_1914 = arith.constant 40 : i32
          %get3A_1915 = arith.index_cast %get3A_1914 : i32 to index
          %get3A_1916 = arith.constant 0 : index
          %get3A_1917 = tpu.vector_load %arg7[%get3A_1915, %get3A_1916] {strides = array<i32>} : memref<48x128xf32, #tpu.memory_space<vmem>>, vector<16xf32>,
          %add3A_1918 = arith.addf %add3A_1878, %get3A_1917 : vector<16xf32>
          %get3A_1919 = arith.constant 40 : i32
          %get3A_1920 = arith.index_cast %get3A_1919 : i32 to index
          %get3A_1921 = arith.constant 16 : index
          %get3A_1922 = tpu.vector_load %arg7[%get3A_1920, %get3A_1921] {strides = array<i32>} : memref<48x128xf32, #tpu.memory_space<vmem>>, vector<16xf32>,
          %add3A_1923 = arith.addf %add3A_1883, %get3A_1922 : vector<16xf32>
          %get3A_1924 = arith.constant 40 : i32
          %get3A_1925 = arith.index_cast %get3A_1924 : i32 to index
          %get3A_1926 = arith.constant 32 : index
          %get3A_1927 = tpu.vector_load %arg7[%get3A_1925, %get3A_1926] {strides = array<i32>} : memref<48x128xf32, #tpu.memory_space<vmem>>, vector<16xf32>,
          %add3A_1928 = arith.addf %add3A_1888, %get3A_1927 : vector<16xf32>
          %get3A_1929 = arith.constant 40 : i32
          %get3A_1930 = arith.index_cast %get3A_1929 : i32 to index
          %get3A_1931 = arith.constant 48 : index
          %get3A_1932 = tpu.vector_load %arg7[%get3A_1930, %get3A_1931] {strides = array<i32>} : memref<48x128xf32, #tpu.memory_space<vmem>>, vector<16xf32>,
          %add3A_1933 = arith.addf %add3A_1893, %get3A_1932 : vector<16xf32>
          %get3A_1934 = arith.constant 40 : i32
          %get3A_1935 = arith.index_cast %get3A_1934 : i32 to index
          %get3A_1936 = arith.constant 64 : index
          %get3A_1937 = tpu.vector_load %arg7[%get3A_1935, %get3A_1936] {strides = array<i32>} : memref<48x128xf32, #tpu.memory_space<vmem>>, vector<16xf32>,
          %add3A_1938 = arith.addf %add3A_1898, %get3A_1937 : vector<16xf32>
          %get3A_1939 = arith.constant 40 : i32
          %get3A_1940 = arith.index_cast %get3A_1939 : i32 to index
          %get3A_1941 = arith.constant 80 : index
          %get3A_1942 = tpu.vector_load %arg7[%get3A_1940, %get3A_1941] {strides = array<i32>} : memref<48x128xf32, #tpu.memory_space<vmem>>, vector<16xf32>,
          %add3A_1943 = arith.addf %add3A_1903, %get3A_1942 : vector<16xf32>
          %get3A_1944 = arith.constant 40 : i32
          %get3A_1945 = arith.index_cast %get3A_1944 : i32 to index
          %get3A_1946 = arith.constant 96 : index
          %get3A_1947 = tpu.vector_load %arg7[%get3A_1945, %get3A_1946] {strides = array<i32>} : memref<48x128xf32, #tpu.memory_space<vmem>>, vector<16xf32>,
          %add3A_1948 = arith.addf %add3A_1908, %get3A_1947 : vector<16xf32>
          %get3A_1949 = arith.constant 40 : i32
          %get3A_1950 = arith.index_cast %get3A_1949 : i32 to index
          %get3A_1951 = arith.constant 112 : index
          %get3A_1952 = tpu.vector_load %arg7[%get3A_1950, %get3A_1951] {strides = array<i32>} : memref<48x128xf32, #tpu.memory_space<vmem>>, vector<16xf32>,
          %add3A_1953 = arith.addf %add3A_1913, %get3A_1952 : vector<16xf32>
          %get3A_1954 = arith.constant 41 : i32
          %get3A_1955 = arith.index_cast %get3A_1954 : i32 to index
          %get3A_1956 = arith.constant 0 : index
          %get3A_1957 = tpu.vector_load %arg7[%get3A_1955, %get3A_1956] {strides = array<i32>} : memref<48x128xf32, #tpu.memory_space<vmem>>, vector<16xf32>,
          %add3A_1958 = arith.addf %add3A_1918, %get3A_1957 : vector<16xf32>
          %get3A_1959 = arith.constant 41 : i32
          %get3A_1960 = arith.index_cast %get3A_1959 : i32 to index
          %get3A_1961 = arith.constant 16 : index
          %get3A_1962 = tpu.vector_load %arg7[%get3A_1960, %get3A_1961] {strides = array<i32>} : memref<48x128xf32, #tpu.memory_space<vmem>>, vector<16xf32>,
          %add3A_1963 = arith.addf %add3A_1923, %get3A_1962 : vector<16xf32>
          %get3A_1964 = arith.constant 41 : i32
          %get3A_1965 = arith.index_cast %get3A_1964 : i32 to index
          %get3A_1966 = arith.constant 32 : index
          %get3A_1967 = tpu.vector_load %arg7[%get3A_1965, %get3A_1966] {strides = array<i32>} : memref<48x128xf32, #tpu.memory_space<vmem>>, vector<16xf32>,
          %add3A_1968 = arith.addf %add3A_1928, %get3A_1967 : vector<16xf32>
          %get3A_1969 = arith.constant 41 : i32
          %get3A_1970 = arith.index_cast %get3A_1969 : i32 to index
          %get3A_1971 = arith.constant 48 : index
          %get3A_1972 = tpu.vector_load %arg7[%get3A_1970, %get3A_1971] {strides = array<i32>} : memref<48x128xf32, #tpu.memory_space<vmem>>, vector<16xf32>,
          %add3A_1973 = arith.addf %add3A_1933, %get3A_1972 : vector<16xf32>
          %get3A_1974 = arith.constant 41 : i32
          %get3A_1975 = arith.index_cast %get3A_1974 : i32 to index
          %get3A_1976 = arith.constant 64 : index
          %get3A_1977 = tpu.vector_load %arg7[%get3A_1975, %get3A_1976] {strides = array<i32>} : memref<48x128xf32, #tpu.memory_space<vmem>>, vector<16xf32>,
          %add3A_1978 = arith.addf %add3A_1938, %get3A_1977 : vector<16xf32>
          %get3A_1979 = arith.constant 41 : i32
          %get3A_1980 = arith.index_cast %get3A_1979 : i32 to index
          %get3A_1981 = arith.constant 80 : index
          %get3A_1982 = tpu.vector_load %arg7[%get3A_1980, %get3A_1981] {strides = array<i32>} : memref<48x128xf32, #tpu.memory_space<vmem>>, vector<16xf32>,
          %add3A_1983 = arith.addf %add3A_1943, %get3A_1982 : vector<16xf32>
          %get3A_1984 = arith.constant 41 : i32
          %get3A_1985 = arith.index_cast %get3A_1984 : i32 to index
          %get3A_1986 = arith.constant 96 : index
          %get3A_1987 = tpu.vector_load %arg7[%get3A_1985, %get3A_1986] {strides = array<i32>} : memref<48x128xf32, #tpu.memory_space<vmem>>, vector<16xf32>,
          %add3A_1988 = arith.addf %add3A_1948, %get3A_1987 : vector<16xf32>
          %get3A_1989 = arith.constant 41 : i32
          %get3A_1990 = arith.index_cast %get3A_1989 : i32 to index
          %get3A_1991 = arith.constant 112 : index
          %get3A_1992 = tpu.vector_load %arg7[%get3A_1990, %get3A_1991] {strides = array<i32>} : memref<48x128xf32, #tpu.memory_space<vmem>>, vector<16xf32>,
          %add3A_1993 = arith.addf %add3A_1953, %get3A_1992 : vector<16xf32>
          %get3A_1994 = arith.constant 42 : i32
          %get3A_1995 = arith.index_cast %get3A_1994 : i32 to index
          %get3A_1996 = arith.constant 0 : index
          %get3A_1997 = tpu.vector_load %arg7[%get3A_1995, %get3A_1996] {strides = array<i32>} : memref<48x128xf32, #tpu.memory_space<vmem>>, vector<16xf32>,
          %add3A_1998 = arith.addf %add3A_1958, %get3A_1997 : vector<16xf32>
          %get3A_1999 = arith.constant 42 : i32
          %get3A_2000 = arith.index_cast %get3A_1999 : i32 to index
          %get3A_2001 = arith.constant 16 : index
          %get3A_2002 = tpu.vector_load %arg7[%get3A_2000, %get3A_2001] {strides = array<i32>} : memref<48x128xf32, #tpu.memory_space<vmem>>, vector<16xf32>,
          %add3A_2003 = arith.addf %add3A_1963, %get3A_2002 : vector<16xf32>
          %get3A_2004 = arith.constant 42 : i32
          %get3A_2005 = arith.index_cast %get3A_2004 : i32 to index
          %get3A_2006 = arith.constant 32 : index
          %get3A_2007 = tpu.vector_load %arg7[%get3A_2005, %get3A_2006] {strides = array<i32>} : memref<48x128xf32, #tpu.memory_space<vmem>>, vector<16xf32>,
          %add3A_2008 = arith.addf %add3A_1968, %get3A_2007 : vector<16xf32>
          %get3A_2009 = arith.constant 42 : i32
          %get3A_2010 = arith.index_cast %get3A_2009 : i32 to index
          %get3A_2011 = arith.constant 48 : index
          %get3A_2012 = tpu.vector_load %arg7[%get3A_2010, %get3A_2011] {strides = array<i32>} : memref<48x128xf32, #tpu.memory_space<vmem>>, vector<16xf32>,
          %add3A_2013 = arith.addf %add3A_1973, %get3A_2012 : vector<16xf32>
          %get3A_2014 = arith.constant 42 : i32
          %get3A_2015 = arith.index_cast %get3A_2014 : i32 to index
          %get3A_2016 = arith.constant 64 : index
          %get3A_2017 = tpu.vector_load %arg7[%get3A_2015, %get3A_2016] {strides = array<i32>} : memref<48x128xf32, #tpu.memory_space<vmem>>, vector<16xf32>,
          %add3A_2018 = arith.addf %add3A_1978, %get3A_2017 : vector<16xf32>
          %get3A_2019 = arith.constant 42 : i32
          %get3A_2020 = arith.index_cast %get3A_2019 : i32 to index
          %get3A_2021 = arith.constant 80 : index
          %get3A_2022 = tpu.vector_load %arg7[%get3A_2020, %get3A_2021] {strides = array<i32>} : memref<48x128xf32, #tpu.memory_space<vmem>>, vector<16xf32>,
          %add3A_2023 = arith.addf %add3A_1983, %get3A_2022 : vector<16xf32>
          %get3A_2024 = arith.constant 42 : i32
          %get3A_2025 = arith.index_cast %get3A_2024 : i32 to index
          %get3A_2026 = arith.constant 96 : index
          %get3A_2027 = tpu.vector_load %arg7[%get3A_2025, %get3A_2026] {strides = array<i32>} : memref<48x128xf32, #tpu.memory_space<vmem>>, vector<16xf32>,
          %add3A_2028 = arith.addf %add3A_1988, %get3A_2027 : vector<16xf32>
          %get3A_2029 = arith.constant 42 : i32
          %get3A_2030 = arith.index_cast %get3A_2029 : i32 to index
          %get3A_2031 = arith.constant 112 : index
          %get3A_2032 = tpu.vector_load %arg7[%get3A_2030, %get3A_2031] {strides = array<i32>} : memref<48x128xf32, #tpu.memory_space<vmem>>, vector<16xf32>,
          %add3A_2033 = arith.addf %add3A_1993, %get3A_2032 : vector<16xf32>
          %get3A_2034 = arith.constant 43 : i32
          %get3A_2035 = arith.index_cast %get3A_2034 : i32 to index
          %get3A_2036 = arith.constant 0 : index
          %get3A_2037 = tpu.vector_load %arg7[%get3A_2035, %get3A_2036] {strides = array<i32>} : memref<48x128xf32, #tpu.memory_space<vmem>>, vector<16xf32>,
          %add3A_2038 = arith.addf %add3A_1998, %get3A_2037 : vector<16xf32>
          %get3A_2039 = arith.constant 43 : i32
          %get3A_2040 = arith.index_cast %get3A_2039 : i32 to index
          %get3A_2041 = arith.constant 16 : index
          %get3A_2042 = tpu.vector_load %arg7[%get3A_2040, %get3A_2041] {strides = array<i32>} : memref<48x128xf32, #tpu.memory_space<vmem>>, vector<16xf32>,
          %add3A_2043 = arith.addf %add3A_2003, %get3A_2042 : vector<16xf32>
          %get3A_2044 = arith.constant 43 : i32
          %get3A_2045 = arith.index_cast %get3A_2044 : i32 to index
          %get3A_2046 = arith.constant 32 : index
          %get3A_2047 = tpu.vector_load %arg7[%get3A_2045, %get3A_2046] {strides = array<i32>} : memref<48x128xf32, #tpu.memory_space<vmem>>, vector<16xf32>,
          %add3A_2048 = arith.addf %add3A_2008, %get3A_2047 : vector<16xf32>
          %get3A_2049 = arith.constant 43 : i32
          %get3A_2050 = arith.index_cast %get3A_2049 : i32 to index
          %get3A_2051 = arith.constant 48 : index
          %get3A_2052 = tpu.vector_load %arg7[%get3A_2050, %get3A_2051] {strides = array<i32>} : memref<48x128xf32, #tpu.memory_space<vmem>>, vector<16xf32>,
          %add3A_2053 = arith.addf %add3A_2013, %get3A_2052 : vector<16xf32>
          %get3A_2054 = arith.constant 43 : i32
          %get3A_2055 = arith.index_cast %get3A_2054 : i32 to index
          %get3A_2056 = arith.constant 64 : index
          %get3A_2057 = tpu.vector_load %arg7[%get3A_2055, %get3A_2056] {strides = array<i32>} : memref<48x128xf32, #tpu.memory_space<vmem>>, vector<16xf32>,
          %add3A_2058 = arith.addf %add3A_2018, %get3A_2057 : vector<16xf32>
          %get3A_2059 = arith.constant 43 : i32
          %get3A_2060 = arith.index_cast %get3A_2059 : i32 to index
          %get3A_2061 = arith.constant 80 : index
          %get3A_2062 = tpu.vector_load %arg7[%get3A_2060, %get3A_2061] {strides = array<i32>} : memref<48x128xf32, #tpu.memory_space<vmem>>, vector<16xf32>,
          %add3A_2063 = arith.addf %add3A_2023, %get3A_2062 : vector<16xf32>
          %get3A_2064 = arith.constant 43 : i32
          %get3A_2065 = arith.index_cast %get3A_2064 : i32 to index
          %get3A_2066 = arith.constant 96 : index
          %get3A_2067 = tpu.vector_load %arg7[%get3A_2065, %get3A_2066] {strides = array<i32>} : memref<48x128xf32, #tpu.memory_space<vmem>>, vector<16xf32>,
          %add3A_2068 = arith.addf %add3A_2028, %get3A_2067 : vector<16xf32>
          %get3A_2069 = arith.constant 43 : i32
          %get3A_2070 = arith.index_cast %get3A_2069 : i32 to index
          %get3A_2071 = arith.constant 112 : index
          %get3A_2072 = tpu.vector_load %arg7[%get3A_2070, %get3A_2071] {strides = array<i32>} : memref<48x128xf32, #tpu.memory_space<vmem>>, vector<16xf32>,
          %add3A_2073 = arith.addf %add3A_2033, %get3A_2072 : vector<16xf32>
          %get3A_2074 = arith.constant 44 : i32
          %get3A_2075 = arith.index_cast %get3A_2074 : i32 to index
          %get3A_2076 = arith.constant 0 : index
          %get3A_2077 = tpu.vector_load %arg7[%get3A_2075, %get3A_2076] {strides = array<i32>} : memref<48x128xf32, #tpu.memory_space<vmem>>, vector<16xf32>,
          %add3A_2078 = arith.addf %add3A_2038, %get3A_2077 : vector<16xf32>
          %get3A_2079 = arith.constant 44 : i32
          %get3A_2080 = arith.index_cast %get3A_2079 : i32 to index
          %get3A_2081 = arith.constant 16 : index
          %get3A_2082 = tpu.vector_load %arg7[%get3A_2080, %get3A_2081] {strides = array<i32>} : memref<48x128xf32, #tpu.memory_space<vmem>>, vector<16xf32>,
          %add3A_2083 = arith.addf %add3A_2043, %get3A_2082 : vector<16xf32>
          %get3A_2084 = arith.constant 44 : i32
          %get3A_2085 = arith.index_cast %get3A_2084 : i32 to index
          %get3A_2086 = arith.constant 32 : index
          %get3A_2087 = tpu.vector_load %arg7[%get3A_2085, %get3A_2086] {strides = array<i32>} : memref<48x128xf32, #tpu.memory_space<vmem>>, vector<16xf32>,
          %add3A_2088 = arith.addf %add3A_2048, %get3A_2087 : vector<16xf32>
          %get3A_2089 = arith.constant 44 : i32
          %get3A_2090 = arith.index_cast %get3A_2089 : i32 to index
          %get3A_2091 = arith.constant 48 : index
          %get3A_2092 = tpu.vector_load %arg7[%get3A_2090, %get3A_2091] {strides = array<i32>} : memref<48x128xf32, #tpu.memory_space<vmem>>, vector<16xf32>,
          %add3A_2093 = arith.addf %add3A_2053, %get3A_2092 : vector<16xf32>
          %get3A_2094 = arith.constant 44 : i32
          %get3A_2095 = arith.index_cast %get3A_2094 : i32 to index
          %get3A_2096 = arith.constant 64 : index
          %get3A_2097 = tpu.vector_load %arg7[%get3A_2095, %get3A_2096] {strides = array<i32>} : memref<48x128xf32, #tpu.memory_space<vmem>>, vector<16xf32>,
          %add3A_2098 = arith.addf %add3A_2058, %get3A_2097 : vector<16xf32>
          %get3A_2099 = arith.constant 44 : i32
          %get3A_2100 = arith.index_cast %get3A_2099 : i32 to index
          %get3A_2101 = arith.constant 80 : index
          %get3A_2102 = tpu.vector_load %arg7[%get3A_2100, %get3A_2101] {strides = array<i32>} : memref<48x128xf32, #tpu.memory_space<vmem>>, vector<16xf32>,
          %add3A_2103 = arith.addf %add3A_2063, %get3A_2102 : vector<16xf32>
          %get3A_2104 = arith.constant 44 : i32
          %get3A_2105 = arith.index_cast %get3A_2104 : i32 to index
          %get3A_2106 = arith.constant 96 : index
          %get3A_2107 = tpu.vector_load %arg7[%get3A_2105, %get3A_2106] {strides = array<i32>} : memref<48x128xf32, #tpu.memory_space<vmem>>, vector<16xf32>,
          %add3A_2108 = arith.addf %add3A_2068, %get3A_2107 : vector<16xf32>
          %get3A_2109 = arith.constant 44 : i32
          %get3A_2110 = arith.index_cast %get3A_2109 : i32 to index
          %get3A_2111 = arith.constant 112 : index
          %get3A_2112 = tpu.vector_load %arg7[%get3A_2110, %get3A_2111] {strides = array<i32>} : memref<48x128xf32, #tpu.memory_space<vmem>>, vector<16xf32>,
          %add3A_2113 = arith.addf %add3A_2073, %get3A_2112 : vector<16xf32>
          %get3A_2114 = arith.constant 45 : i32
          %get3A_2115 = arith.index_cast %get3A_2114 : i32 to index
          %get3A_2116 = arith.constant 0 : index
          %get3A_2117 = tpu.vector_load %arg7[%get3A_2115, %get3A_2116] {strides = array<i32>} : memref<48x128xf32, #tpu.memory_space<vmem>>, vector<16xf32>,
          %add3A_2118 = arith.addf %add3A_2078, %get3A_2117 : vector<16xf32>
          %get3A_2119 = arith.constant 45 : i32
          %get3A_2120 = arith.index_cast %get3A_2119 : i32 to index
          %get3A_2121 = arith.constant 16 : index
          %get3A_2122 = tpu.vector_load %arg7[%get3A_2120, %get3A_2121] {strides = array<i32>} : memref<48x128xf32, #tpu.memory_space<vmem>>, vector<16xf32>,
          %add3A_2123 = arith.addf %add3A_2083, %get3A_2122 : vector<16xf32>
          %get3A_2124 = arith.constant 45 : i32
          %get3A_2125 = arith.index_cast %get3A_2124 : i32 to index
          %get3A_2126 = arith.constant 32 : index
          %get3A_2127 = tpu.vector_load %arg7[%get3A_2125, %get3A_2126] {strides = array<i32>} : memref<48x128xf32, #tpu.memory_space<vmem>>, vector<16xf32>,
          %add3A_2128 = arith.addf %add3A_2088, %get3A_2127 : vector<16xf32>
          %get3A_2129 = arith.constant 45 : i32
          %get3A_2130 = arith.index_cast %get3A_2129 : i32 to index
          %get3A_2131 = arith.constant 48 : index
          %get3A_2132 = tpu.vector_load %arg7[%get3A_2130, %get3A_2131] {strides = array<i32>} : memref<48x128xf32, #tpu.memory_space<vmem>>, vector<16xf32>,
          %add3A_2133 = arith.addf %add3A_2093, %get3A_2132 : vector<16xf32>
          %get3A_2134 = arith.constant 45 : i32
          %get3A_2135 = arith.index_cast %get3A_2134 : i32 to index
          %get3A_2136 = arith.constant 64 : index
          %get3A_2137 = tpu.vector_load %arg7[%get3A_2135, %get3A_2136] {strides = array<i32>} : memref<48x128xf32, #tpu.memory_space<vmem>>, vector<16xf32>,
          %add3A_2138 = arith.addf %add3A_2098, %get3A_2137 : vector<16xf32>
          %get3A_2139 = arith.constant 45 : i32
          %get3A_2140 = arith.index_cast %get3A_2139 : i32 to index
          %get3A_2141 = arith.constant 80 : index
          %get3A_2142 = tpu.vector_load %arg7[%get3A_2140, %get3A_2141] {strides = array<i32>} : memref<48x128xf32, #tpu.memory_space<vmem>>, vector<16xf32>,
          %add3A_2143 = arith.addf %add3A_2103, %get3A_2142 : vector<16xf32>
          %get3A_2144 = arith.constant 45 : i32
          %get3A_2145 = arith.index_cast %get3A_2144 : i32 to index
          %get3A_2146 = arith.constant 96 : index
          %get3A_2147 = tpu.vector_load %arg7[%get3A_2145, %get3A_2146] {strides = array<i32>} : memref<48x128xf32, #tpu.memory_space<vmem>>, vector<16xf32>,
          %add3A_2148 = arith.addf %add3A_2108, %get3A_2147 : vector<16xf32>
          %get3A_2149 = arith.constant 45 : i32
          %get3A_2150 = arith.index_cast %get3A_2149 : i32 to index
          %get3A_2151 = arith.constant 112 : index
          %get3A_2152 = tpu.vector_load %arg7[%get3A_2150, %get3A_2151] {strides = array<i32>} : memref<48x128xf32, #tpu.memory_space<vmem>>, vector<16xf32>,
          %add3A_2153 = arith.addf %add3A_2113, %get3A_2152 : vector<16xf32>
          %get3A_2154 = arith.constant 46 : i32
          %get3A_2155 = arith.index_cast %get3A_2154 : i32 to index
          %get3A_2156 = arith.constant 0 : index
          %get3A_2157 = tpu.vector_load %arg7[%get3A_2155, %get3A_2156] {strides = array<i32>} : memref<48x128xf32, #tpu.memory_space<vmem>>, vector<16xf32>,
          %add3A_2158 = arith.addf %add3A_2118, %get3A_2157 : vector<16xf32>
          %get3A_2159 = arith.constant 46 : i32
          %get3A_2160 = arith.index_cast %get3A_2159 : i32 to index
          %get3A_2161 = arith.constant 16 : index
          %get3A_2162 = tpu.vector_load %arg7[%get3A_2160, %get3A_2161] {strides = array<i32>} : memref<48x128xf32, #tpu.memory_space<vmem>>, vector<16xf32>,
          %add3A_2163 = arith.addf %add3A_2123, %get3A_2162 : vector<16xf32>
          %get3A_2164 = arith.constant 46 : i32
          %get3A_2165 = arith.index_cast %get3A_2164 : i32 to index
          %get3A_2166 = arith.constant 32 : index
          %get3A_2167 = tpu.vector_load %arg7[%get3A_2165, %get3A_2166] {strides = array<i32>} : memref<48x128xf32, #tpu.memory_space<vmem>>, vector<16xf32>,
          %add3A_2168 = arith.addf %add3A_2128, %get3A_2167 : vector<16xf32>
          %get3A_2169 = arith.constant 46 : i32
          %get3A_2170 = arith.index_cast %get3A_2169 : i32 to index
          %get3A_2171 = arith.constant 48 : index
          %get3A_2172 = tpu.vector_load %arg7[%get3A_2170, %get3A_2171] {strides = array<i32>} : memref<48x128xf32, #tpu.memory_space<vmem>>, vector<16xf32>,
          %add3A_2173 = arith.addf %add3A_2133, %get3A_2172 : vector<16xf32>
          %get3A_2174 = arith.constant 46 : i32
          %get3A_2175 = arith.index_cast %get3A_2174 : i32 to index
          %get3A_2176 = arith.constant 64 : index
          %get3A_2177 = tpu.vector_load %arg7[%get3A_2175, %get3A_2176] {strides = array<i32>} : memref<48x128xf32, #tpu.memory_space<vmem>>, vector<16xf32>,
          %add3A_2178 = arith.addf %add3A_2138, %get3A_2177 : vector<16xf32>
          %get3A_2179 = arith.constant 46 : i32
          %get3A_2180 = arith.index_cast %get3A_2179 : i32 to index
          %get3A_2181 = arith.constant 80 : index
          %get3A_2182 = tpu.vector_load %arg7[%get3A_2180, %get3A_2181] {strides = array<i32>} : memref<48x128xf32, #tpu.memory_space<vmem>>, vector<16xf32>,
          %add3A_2183 = arith.addf %add3A_2143, %get3A_2182 : vector<16xf32>
          %get3A_2184 = arith.constant 46 : i32
          %get3A_2185 = arith.index_cast %get3A_2184 : i32 to index
          %get3A_2186 = arith.constant 96 : index
          %get3A_2187 = tpu.vector_load %arg7[%get3A_2185, %get3A_2186] {strides = array<i32>} : memref<48x128xf32, #tpu.memory_space<vmem>>, vector<16xf32>,
          %add3A_2188 = arith.addf %add3A_2148, %get3A_2187 : vector<16xf32>
          %get3A_2189 = arith.constant 46 : i32
          %get3A_2190 = arith.index_cast %get3A_2189 : i32 to index
          %get3A_2191 = arith.constant 112 : index
          %get3A_2192 = tpu.vector_load %arg7[%get3A_2190, %get3A_2191] {strides = array<i32>} : memref<48x128xf32, #tpu.memory_space<vmem>>, vector<16xf32>,
          %add3A_2193 = arith.addf %add3A_2153, %get3A_2192 : vector<16xf32>
          %get3A_2194 = arith.constant 47 : i32
          %get3A_2195 = arith.index_cast %get3A_2194 : i32 to index
          %get3A_2196 = arith.constant 0 : index
          %get3A_2197 = tpu.vector_load %arg7[%get3A_2195, %get3A_2196] {strides = array<i32>} : memref<48x128xf32, #tpu.memory_space<vmem>>, vector<16xf32>,
          %add3A_2198 = arith.addf %add3A_2158, %get3A_2197 : vector<16xf32>
          %get3A_2199 = arith.constant 47 : i32
          %get3A_2200 = arith.index_cast %get3A_2199 : i32 to index
          %get3A_2201 = arith.constant 16 : index
          %get3A_2202 = tpu.vector_load %arg7[%get3A_2200, %get3A_2201] {strides = array<i32>} : memref<48x128xf32, #tpu.memory_space<vmem>>, vector<16xf32>,
          %add3A_2203 = arith.addf %add3A_2163, %get3A_2202 : vector<16xf32>
          %get3A_2204 = arith.constant 47 : i32
          %get3A_2205 = arith.index_cast %get3A_2204 : i32 to index
          %get3A_2206 = arith.constant 32 : index
          %get3A_2207 = tpu.vector_load %arg7[%get3A_2205, %get3A_2206] {strides = array<i32>} : memref<48x128xf32, #tpu.memory_space<vmem>>, vector<16xf32>,
          %add3A_2208 = arith.addf %add3A_2168, %get3A_2207 : vector<16xf32>
          %get3A_2209 = arith.constant 47 : i32
          %get3A_2210 = arith.index_cast %get3A_2209 : i32 to index
          %get3A_2211 = arith.constant 48 : index
          %get3A_2212 = tpu.vector_load %arg7[%get3A_2210, %get3A_2211] {strides = array<i32>} : memref<48x128xf32, #tpu.memory_space<vmem>>, vector<16xf32>,
          %add3A_2213 = arith.addf %add3A_2173, %get3A_2212 : vector<16xf32>
          %get3A_2214 = arith.constant 47 : i32
          %get3A_2215 = arith.index_cast %get3A_2214 : i32 to index
          %get3A_2216 = arith.constant 64 : index
          %get3A_2217 = tpu.vector_load %arg7[%get3A_2215, %get3A_2216] {strides = array<i32>} : memref<48x128xf32, #tpu.memory_space<vmem>>, vector<16xf32>,
          %add3A_2218 = arith.addf %add3A_2178, %get3A_2217 : vector<16xf32>
          %get3A_2219 = arith.constant 47 : i32
          %get3A_2220 = arith.index_cast %get3A_2219 : i32 to index
          %get3A_2221 = arith.constant 80 : index
          %get3A_2222 = tpu.vector_load %arg7[%get3A_2220, %get3A_2221] {strides = array<i32>} : memref<48x128xf32, #tpu.memory_space<vmem>>, vector<16xf32>,
          %add3A_2223 = arith.addf %add3A_2183, %get3A_2222 : vector<16xf32>
          %get3A_2224 = arith.constant 47 : i32
          %get3A_2225 = arith.index_cast %get3A_2224 : i32 to index
          %get3A_2226 = arith.constant 96 : index
          %get3A_2227 = tpu.vector_load %arg7[%get3A_2225, %get3A_2226] {strides = array<i32>} : memref<48x128xf32, #tpu.memory_space<vmem>>, vector<16xf32>,
          %add3A_2228 = arith.addf %add3A_2188, %get3A_2227 : vector<16xf32>
          %get3A_2229 = arith.constant 47 : i32
          %get3A_2230 = arith.index_cast %get3A_2229 : i32 to index
          %get3A_2231 = arith.constant 112 : index
          %get3A_2232 = tpu.vector_load %arg7[%get3A_2230, %get3A_2231] {strides = array<i32>} : memref<48x128xf32, #tpu.memory_space<vmem>>, vector<16xf32>,
          %add3A_2233 = arith.addf %add3A_2193, %get3A_2232 : vector<16xf32>
          scf.yield %add3A_2198, %add3A_2203, %add3A_2208, %add3A_2213, %add3A_2218, %add3A_2223, %add3A_2228, %add3A_2233 : vector<16xf32>, vector<16xf32>, vector<16xf32>, vector<16xf32>, vector<16xf32>, vector<16xf32>, vector<16xf32>, vector<16xf32>
        }
        %swap3A_806 = arith.index_cast %add3A_94 : i32 to index
        %swap3A_807 = arith.constant 0 : index
        %swap3A_808 = tpu.vector_load %arg8[%swap3A_806, %swap3A_807] {strides = array<i32>} : memref<32x128xf32, #tpu.memory_space<vmem>>, vector<16xf32>,
        tpu.vector_store %arg8[%swap3A_806, %swap3A_807], %while3A_805#0 {strides = array<i32>} : memref<32x128xf32, #tpu.memory_space<vmem>>, vector<16xf32>,
        %swap3A_809 = arith.index_cast %add3A_94 : i32 to index
        %swap3A_810 = arith.constant 16 : index
        %swap3A_811 = tpu.vector_load %arg8[%swap3A_809, %swap3A_810] {strides = array<i32>} : memref<32x128xf32, #tpu.memory_space<vmem>>, vector<16xf32>,
        tpu.vector_store %arg8[%swap3A_809, %swap3A_810], %while3A_805#1 {strides = array<i32>} : memref<32x128xf32, #tpu.memory_space<vmem>>, vector<16xf32>,
        %swap3A_812 = arith.index_cast %add3A_94 : i32 to index
        %swap3A_813 = arith.constant 32 : index
        %swap3A_814 = tpu.vector_load %arg8[%swap3A_812, %swap3A_813] {strides = array<i32>} : memref<32x128xf32, #tpu.memory_space<vmem>>, vector<16xf32>,
        tpu.vector_store %arg8[%swap3A_812, %swap3A_813], %while3A_805#2 {strides = array<i32>} : memref<32x128xf32, #tpu.memory_space<vmem>>, vector<16xf32>,
        %swap3A_815 = arith.index_cast %add3A_94 : i32 to index
        %swap3A_816 = arith.constant 48 : index
        %swap3A_817 = tpu.vector_load %arg8[%swap3A_815, %swap3A_816] {strides = array<i32>} : memref<32x128xf32, #tpu.memory_space<vmem>>, vector<16xf32>,
        tpu.vector_store %arg8[%swap3A_815, %swap3A_816], %while3A_805#3 {strides = array<i32>} : memref<32x128xf32, #tpu.memory_space<vmem>>, vector<16xf32>,
        %swap3A_818 = arith.index_cast %add3A_94 : i32 to index
        %swap3A_819 = arith.constant 64 : index
        %swap3A_820 = tpu.vector_load %arg8[%swap3A_818, %swap3A_819] {strides = array<i32>} : memref<32x128xf32, #tpu.memory_space<vmem>>, vector<16xf32>,
        tpu.vector_store %arg8[%swap3A_818, %swap3A_819], %while3A_805#4 {strides = array<i32>} : memref<32x128xf32, #tpu.memory_space<vmem>>, vector<16xf32>,
        %swap3A_821 = arith.index_cast %add3A_94 : i32 to index
        %swap3A_822 = arith.constant 80 : index
        %swap3A_823 = tpu.vector_load %arg8[%swap3A_821, %swap3A_822] {strides = array<i32>} : memref<32x128xf32, #tpu.memory_space<vmem>>, vector<16xf32>,
        tpu.vector_store %arg8[%swap3A_821, %swap3A_822], %while3A_805#5 {strides = array<i32>} : memref<32x128xf32, #tpu.memory_space<vmem>>, vector<16xf32>,
        %swap3A_824 = arith.index_cast %add3A_94 : i32 to index
        %swap3A_825 = arith.constant 96 : index
        %swap3A_826 = tpu.vector_load %arg8[%swap3A_824, %swap3A_825] {strides = array<i32>} : memref<32x128xf32, #tpu.memory_space<vmem>>, vector<16xf32>,
        tpu.vector_store %arg8[%swap3A_824, %swap3A_825], %while3A_805#6 {strides = array<i32>} : memref<32x128xf32, #tpu.memory_space<vmem>>, vector<16xf32>,
        %swap3A_827 = arith.index_cast %add3A_94 : i32 to index
        %swap3A_828 = arith.constant 112 : index
        %swap3A_829 = tpu.vector_load %arg8[%swap3A_827, %swap3A_828] {strides = array<i32>} : memref<32x128xf32, #tpu.memory_space<vmem>>, vector<16xf32>,
        tpu.vector_store %arg8[%swap3A_827, %swap3A_828], %while3A_805#7 {strides = array<i32>} : memref<32x128xf32, #tpu.memory_space<vmem>>, vector<16xf32>,
        %mul3A_830 = arith.constant 2 : i32
        %mul3A_831 = arith.muli %mul3A_830, %scan3A_90 : i32
        %add3A_832 = arith.constant 1 : i32
        %add3A_833 = arith.addi %mul3A_831, %add3A_832 : i32
        %lt3A = arith.constant 15 : i32
        %lt3A_834 = arith.cmpi slt, %scan3A_90, %lt3A : i32
        %convert_element_type3A_835 = arith.extui %lt3A_834 : i1 to i32
        %cond3A_836 = arith.constant 0 : i32
        %cond3A_837 = arith.cmpi ne, %convert_element_type3A_835, %cond3A_836 : i32
        scf.if %cond3A_837 {
          %add3A_1563 = arith.constant 1 : i32
          %add3A_1564 = arith.addi %add3A_833, %add3A_1563 : i32
          %mul3A_1565 = arith.constant 624 : i32
          %mul3A_1566 = arith.muli %add3A_1564, %mul3A_1565 : i32
          %mul3A_1567 = arith.constant 48 : i32
          %mul3A_1568 = arith.muli %scan3A_64, %mul3A_1567 : i32
          %add3A_1569 = arith.addi %mul3A_1566, %mul3A_1568 : i32
          %dma_start3A_1570 = arith.constant 0 : i32
          %dma_start3A_1571 = arith.constant 0 : i32
          %dma_start3A_1572 = tpu.memref_slice %arg7[%dma_start3A_1570, %dma_start3A_1571] : memref<48x128xf32, #tpu.memory_space<vmem>> -> memref<16x128xf32, #tpu.memory_space<vmem>>
          %dma_start3A_1573 = tpu.memref_slice %arg6[%add3A_1569] : memref<19968xi32, #tpu.memory_space<vmem>> -> memref<16xi32, #tpu.memory_space<vmem>>
          %dma_start3A_1574 = arith.constant 0 : i32
          %dma_start3A_1575 = arith.constant 0 : i32
          %dma_start3A_1576 = tpu.memref_slice %arg11[%dma_start3A_1574, %dma_start3A_1575] : memref<8193x128xf32, #tpu.memory_space<vmem_shared>> -> memref<8193x128xf32, #tpu.memory_space<vmem_shared>>
          tpu.enqueue_indirect_dma source(%dma_start3A_1576 : memref<8193x128xf32, #tpu.memory_space<vmem_shared>>) target(%dma_start3A_1572 : memref<16x128xf32, #tpu.memory_space<vmem>>) offsets(%dma_start3A_1573 : memref<16xi32, #tpu.memory_space<vmem>>) semaphore(%arg12 : memref<!tpu.dma_semaphore, #tpu.memory_space<semaphore_mem>>)
        } else {
        }
        %dma_wait3A_838 = arith.constant 16 : i32
        %dma_wait3A_839 = arith.constant 0 : i32
        %dma_wait3A_840 = tpu.memref_slice %arg7[%dma_wait3A_838, %dma_wait3A_839] : memref<48x128xf32, #tpu.memory_space<vmem>> -> memref<16x128xf32, #tpu.memory_space<vmem>>
        %dma_wait3A_841 = arith.constant 0 : i32
        %dma_wait3A_842 = arith.constant 0 : i32
        %dma_wait3A_843 = tpu.memref_slice %arg3[%dma_wait3A_841, %dma_wait3A_842] : memref<100000x128xf32, #tpu.memory_space<hbm>> -> memref<16x128xf32, #tpu.memory_space<hbm>>
        %dma_wait3A_844 = arith.constant 16 : i32
        %dma_wait3A_845 = arith.constant 0 : i32
        %dma_wait3A_846 = tpu.memref_slice %arg7[%dma_wait3A_844, %dma_wait3A_845] : memref<48x128xf32, #tpu.memory_space<vmem>> -> memref<16x128xf32, #tpu.memory_space<vmem>>
        %dma_wait3A_847 = arith.constant 0 : i32
        %dma_wait3A_848 = arith.constant 0 : i32
        %dma_wait3A_849 = tpu.memref_slice %arg3[%dma_wait3A_847, %dma_wait3A_848] : memref<100000x128xf32, #tpu.memory_space<hbm>> -> memref<16x128xf32, #tpu.memory_space<hbm>>
        tpu.wait_dma2 semaphore(%arg13 : memref<!tpu.dma_semaphore, #tpu.memory_space<semaphore_mem>>) src(%dma_wait3A_849 : memref<16x128xf32, #tpu.memory_space<hbm>>) dst(%dma_wait3A_846 : memref<16x128xf32, #tpu.memory_space<vmem>>)
        %get3A_850 = arith.index_cast %add3A_833 : i32 to index
        %get3A_851 = arith.constant 0 : index
        %get3A_852 = tpu.vector_load %arg8[%get3A_850, %get3A_851] {strides = array<i32>} : memref<32x128xf32, #tpu.memory_space<vmem>>, vector<16xf32>,
        %get3A_853 = arith.index_cast %add3A_833 : i32 to index
        %get3A_854 = arith.constant 16 : index
        %get3A_855 = tpu.vector_load %arg8[%get3A_853, %get3A_854] {strides = array<i32>} : memref<32x128xf32, #tpu.memory_space<vmem>>, vector<16xf32>,
        %get3A_856 = arith.index_cast %add3A_833 : i32 to index
        %get3A_857 = arith.constant 32 : index
        %get3A_858 = tpu.vector_load %arg8[%get3A_856, %get3A_857] {strides = array<i32>} : memref<32x128xf32, #tpu.memory_space<vmem>>, vector<16xf32>,
        %get3A_859 = arith.index_cast %add3A_833 : i32 to index
        %get3A_860 = arith.constant 48 : index
        %get3A_861 = tpu.vector_load %arg8[%get3A_859, %get3A_860] {strides = array<i32>} : memref<32x128xf32, #tpu.memory_space<vmem>>, vector<16xf32>,
        %get3A_862 = arith.index_cast %add3A_833 : i32 to index
        %get3A_863 = arith.constant 64 : index
        %get3A_864 = tpu.vector_load %arg8[%get3A_862, %get3A_863] {strides = array<i32>} : memref<32x128xf32, #tpu.memory_space<vmem>>, vector<16xf32>,
        %get3A_865 = arith.index_cast %add3A_833 : i32 to index
        %get3A_866 = arith.constant 80 : index
        %get3A_867 = tpu.vector_load %arg8[%get3A_865, %get3A_866] {strides = array<i32>} : memref<32x128xf32, #tpu.memory_space<vmem>>, vector<16xf32>,
        %get3A_868 = arith.index_cast %add3A_833 : i32 to index
        %get3A_869 = arith.constant 96 : index
        %get3A_870 = tpu.vector_load %arg8[%get3A_868, %get3A_869] {strides = array<i32>} : memref<32x128xf32, #tpu.memory_space<vmem>>, vector<16xf32>,
        %get3A_871 = arith.index_cast %add3A_833 : i32 to index
        %get3A_872 = arith.constant 112 : index
        %get3A_873 = tpu.vector_load %arg8[%get3A_871, %get3A_872] {strides = array<i32>} : memref<32x128xf32, #tpu.memory_space<vmem>>, vector<16xf32>,
        %get3A_874 = arith.constant 16 : i32
        %get3A_875 = arith.index_cast %get3A_874 : i32 to index
        %get3A_876 = arith.constant 0 : index
        %get3A_877 = tpu.vector_load %arg7[%get3A_875, %get3A_876] {strides = array<i32>} : memref<48x128xf32, #tpu.memory_space<vmem>>, vector<16xf32>,
        %add3A_878 = arith.addf %get3A_852, %get3A_877 : vector<16xf32>
        %get3A_879 = arith.constant 16 : i32
        %get3A_880 = arith.index_cast %get3A_879 : i32 to index
        %get3A_881 = arith.constant 16 : index
        %get3A_882 = tpu.vector_load %arg7[%get3A_880, %get3A_881] {strides = array<i32>} : memref<48x128xf32, #tpu.memory_space<vmem>>, vector<16xf32>,
        %add3A_883 = arith.addf %get3A_855, %get3A_882 : vector<16xf32>
        %get3A_884 = arith.constant 16 : i32
        %get3A_885 = arith.index_cast %get3A_884 : i32 to index
        %get3A_886 = arith.constant 32 : index
        %get3A_887 = tpu.vector_load %arg7[%get3A_885, %get3A_886] {strides = array<i32>} : memref<48x128xf32, #tpu.memory_space<vmem>>, vector<16xf32>,
        %add3A_888 = arith.addf %get3A_858, %get3A_887 : vector<16xf32>
        %get3A_889 = arith.constant 16 : i32
        %get3A_890 = arith.index_cast %get3A_889 : i32 to index
        %get3A_891 = arith.constant 48 : index
        %get3A_892 = tpu.vector_load %arg7[%get3A_890, %get3A_891] {strides = array<i32>} : memref<48x128xf32, #tpu.memory_space<vmem>>, vector<16xf32>,
        %add3A_893 = arith.addf %get3A_861, %get3A_892 : vector<16xf32>
        %get3A_894 = arith.constant 16 : i32
        %get3A_895 = arith.index_cast %get3A_894 : i32 to index
        %get3A_896 = arith.constant 64 : index
        %get3A_897 = tpu.vector_load %arg7[%get3A_895, %get3A_896] {strides = array<i32>} : memref<48x128xf32, #tpu.memory_space<vmem>>, vector<16xf32>,
        %add3A_898 = arith.addf %get3A_864, %get3A_897 : vector<16xf32>
        %get3A_899 = arith.constant 16 : i32
        %get3A_900 = arith.index_cast %get3A_899 : i32 to index
        %get3A_901 = arith.constant 80 : index
        %get3A_902 = tpu.vector_load %arg7[%get3A_900, %get3A_901] {strides = array<i32>} : memref<48x128xf32, #tpu.memory_space<vmem>>, vector<16xf32>,
        %add3A_903 = arith.addf %get3A_867, %get3A_902 : vector<16xf32>
        %get3A_904 = arith.constant 16 : i32
        %get3A_905 = arith.index_cast %get3A_904 : i32 to index
        %get3A_906 = arith.constant 96 : index
        %get3A_907 = tpu.vector_load %arg7[%get3A_905, %get3A_906] {strides = array<i32>} : memref<48x128xf32, #tpu.memory_space<vmem>>, vector<16xf32>,
        %add3A_908 = arith.addf %get3A_870, %get3A_907 : vector<16xf32>
        %get3A_909 = arith.constant 16 : i32
        %get3A_910 = arith.index_cast %get3A_909 : i32 to index
        %get3A_911 = arith.constant 112 : index
        %get3A_912 = tpu.vector_load %arg7[%get3A_910, %get3A_911] {strides = array<i32>} : memref<48x128xf32, #tpu.memory_space<vmem>>, vector<16xf32>,
        %add3A_913 = arith.addf %get3A_873, %get3A_912 : vector<16xf32>
        %get3A_914 = arith.constant 17 : i32
        %get3A_915 = arith.index_cast %get3A_914 : i32 to index
        %get3A_916 = arith.constant 0 : index
        %get3A_917 = tpu.vector_load %arg7[%get3A_915, %get3A_916] {strides = array<i32>} : memref<48x128xf32, #tpu.memory_space<vmem>>, vector<16xf32>,
        %add3A_918 = arith.addf %add3A_878, %get3A_917 : vector<16xf32>
        %get3A_919 = arith.constant 17 : i32
        %get3A_920 = arith.index_cast %get3A_919 : i32 to index
        %get3A_921 = arith.constant 16 : index
        %get3A_922 = tpu.vector_load %arg7[%get3A_920, %get3A_921] {strides = array<i32>} : memref<48x128xf32, #tpu.memory_space<vmem>>, vector<16xf32>,
        %add3A_923 = arith.addf %add3A_883, %get3A_922 : vector<16xf32>
        %get3A_924 = arith.constant 17 : i32
        %get3A_925 = arith.index_cast %get3A_924 : i32 to index
        %get3A_926 = arith.constant 32 : index
        %get3A_927 = tpu.vector_load %arg7[%get3A_925, %get3A_926] {strides = array<i32>} : memref<48x128xf32, #tpu.memory_space<vmem>>, vector<16xf32>,
        %add3A_928 = arith.addf %add3A_888, %get3A_927 : vector<16xf32>
        %get3A_929 = arith.constant 17 : i32
        %get3A_930 = arith.index_cast %get3A_929 : i32 to index
        %get3A_931 = arith.constant 48 : index
        %get3A_932 = tpu.vector_load %arg7[%get3A_930, %get3A_931] {strides = array<i32>} : memref<48x128xf32, #tpu.memory_space<vmem>>, vector<16xf32>,
        %add3A_933 = arith.addf %add3A_893, %get3A_932 : vector<16xf32>
        %get3A_934 = arith.constant 17 : i32
        %get3A_935 = arith.index_cast %get3A_934 : i32 to index
        %get3A_936 = arith.constant 64 : index
        %get3A_937 = tpu.vector_load %arg7[%get3A_935, %get3A_936] {strides = array<i32>} : memref<48x128xf32, #tpu.memory_space<vmem>>, vector<16xf32>,
        %add3A_938 = arith.addf %add3A_898, %get3A_937 : vector<16xf32>
        %get3A_939 = arith.constant 17 : i32
        %get3A_940 = arith.index_cast %get3A_939 : i32 to index
        %get3A_941 = arith.constant 80 : index
        %get3A_942 = tpu.vector_load %arg7[%get3A_940, %get3A_941] {strides = array<i32>} : memref<48x128xf32, #tpu.memory_space<vmem>>, vector<16xf32>,
        %add3A_943 = arith.addf %add3A_903, %get3A_942 : vector<16xf32>
        %get3A_944 = arith.constant 17 : i32
        %get3A_945 = arith.index_cast %get3A_944 : i32 to index
        %get3A_946 = arith.constant 96 : index
        %get3A_947 = tpu.vector_load %arg7[%get3A_945, %get3A_946] {strides = array<i32>} : memref<48x128xf32, #tpu.memory_space<vmem>>, vector<16xf32>,
        %add3A_948 = arith.addf %add3A_908, %get3A_947 : vector<16xf32>
        %get3A_949 = arith.constant 17 : i32
        %get3A_950 = arith.index_cast %get3A_949 : i32 to index
        %get3A_951 = arith.constant 112 : index
        %get3A_952 = tpu.vector_load %arg7[%get3A_950, %get3A_951] {strides = array<i32>} : memref<48x128xf32, #tpu.memory_space<vmem>>, vector<16xf32>,
        %add3A_953 = arith.addf %add3A_913, %get3A_952 : vector<16xf32>
        %get3A_954 = arith.constant 18 : i32
        %get3A_955 = arith.index_cast %get3A_954 : i32 to index
        %get3A_956 = arith.constant 0 : index
        %get3A_957 = tpu.vector_load %arg7[%get3A_955, %get3A_956] {strides = array<i32>} : memref<48x128xf32, #tpu.memory_space<vmem>>, vector<16xf32>,
        %add3A_958 = arith.addf %add3A_918, %get3A_957 : vector<16xf32>
        %get3A_959 = arith.constant 18 : i32
        %get3A_960 = arith.index_cast %get3A_959 : i32 to index
        %get3A_961 = arith.constant 16 : index
        %get3A_962 = tpu.vector_load %arg7[%get3A_960, %get3A_961] {strides = array<i32>} : memref<48x128xf32, #tpu.memory_space<vmem>>, vector<16xf32>,
        %add3A_963 = arith.addf %add3A_923, %get3A_962 : vector<16xf32>
        %get3A_964 = arith.constant 18 : i32
        %get3A_965 = arith.index_cast %get3A_964 : i32 to index
        %get3A_966 = arith.constant 32 : index
        %get3A_967 = tpu.vector_load %arg7[%get3A_965, %get3A_966] {strides = array<i32>} : memref<48x128xf32, #tpu.memory_space<vmem>>, vector<16xf32>,
        %add3A_968 = arith.addf %add3A_928, %get3A_967 : vector<16xf32>
        %get3A_969 = arith.constant 18 : i32
        %get3A_970 = arith.index_cast %get3A_969 : i32 to index
        %get3A_971 = arith.constant 48 : index
        %get3A_972 = tpu.vector_load %arg7[%get3A_970, %get3A_971] {strides = array<i32>} : memref<48x128xf32, #tpu.memory_space<vmem>>, vector<16xf32>,
        %add3A_973 = arith.addf %add3A_933, %get3A_972 : vector<16xf32>
        %get3A_974 = arith.constant 18 : i32
        %get3A_975 = arith.index_cast %get3A_974 : i32 to index
        %get3A_976 = arith.constant 64 : index
        %get3A_977 = tpu.vector_load %arg7[%get3A_975, %get3A_976] {strides = array<i32>} : memref<48x128xf32, #tpu.memory_space<vmem>>, vector<16xf32>,
        %add3A_978 = arith.addf %add3A_938, %get3A_977 : vector<16xf32>
        %get3A_979 = arith.constant 18 : i32
        %get3A_980 = arith.index_cast %get3A_979 : i32 to index
        %get3A_981 = arith.constant 80 : index
        %get3A_982 = tpu.vector_load %arg7[%get3A_980, %get3A_981] {strides = array<i32>} : memref<48x128xf32, #tpu.memory_space<vmem>>, vector<16xf32>,
        %add3A_983 = arith.addf %add3A_943, %get3A_982 : vector<16xf32>
        %get3A_984 = arith.constant 18 : i32
        %get3A_985 = arith.index_cast %get3A_984 : i32 to index
        %get3A_986 = arith.constant 96 : index
        %get3A_987 = tpu.vector_load %arg7[%get3A_985, %get3A_986] {strides = array<i32>} : memref<48x128xf32, #tpu.memory_space<vmem>>, vector<16xf32>,
        %add3A_988 = arith.addf %add3A_948, %get3A_987 : vector<16xf32>
        %get3A_989 = arith.constant 18 : i32
        %get3A_990 = arith.index_cast %get3A_989 : i32 to index
        %get3A_991 = arith.constant 112 : index
        %get3A_992 = tpu.vector_load %arg7[%get3A_990, %get3A_991] {strides = array<i32>} : memref<48x128xf32, #tpu.memory_space<vmem>>, vector<16xf32>,
        %add3A_993 = arith.addf %add3A_953, %get3A_992 : vector<16xf32>
        %get3A_994 = arith.constant 19 : i32
        %get3A_995 = arith.index_cast %get3A_994 : i32 to index
        %get3A_996 = arith.constant 0 : index
        %get3A_997 = tpu.vector_load %arg7[%get3A_995, %get3A_996] {strides = array<i32>} : memref<48x128xf32, #tpu.memory_space<vmem>>, vector<16xf32>,
        %add3A_998 = arith.addf %add3A_958, %get3A_997 : vector<16xf32>
        %get3A_999 = arith.constant 19 : i32
        %get3A_1000 = arith.index_cast %get3A_999 : i32 to index
        %get3A_1001 = arith.constant 16 : index
        %get3A_1002 = tpu.vector_load %arg7[%get3A_1000, %get3A_1001] {strides = array<i32>} : memref<48x128xf32, #tpu.memory_space<vmem>>, vector<16xf32>,
        %add3A_1003 = arith.addf %add3A_963, %get3A_1002 : vector<16xf32>
        %get3A_1004 = arith.constant 19 : i32
        %get3A_1005 = arith.index_cast %get3A_1004 : i32 to index
        %get3A_1006 = arith.constant 32 : index
        %get3A_1007 = tpu.vector_load %arg7[%get3A_1005, %get3A_1006] {strides = array<i32>} : memref<48x128xf32, #tpu.memory_space<vmem>>, vector<16xf32>,
        %add3A_1008 = arith.addf %add3A_968, %get3A_1007 : vector<16xf32>
        %get3A_1009 = arith.constant 19 : i32
        %get3A_1010 = arith.index_cast %get3A_1009 : i32 to index
        %get3A_1011 = arith.constant 48 : index
        %get3A_1012 = tpu.vector_load %arg7[%get3A_1010, %get3A_1011] {strides = array<i32>} : memref<48x128xf32, #tpu.memory_space<vmem>>, vector<16xf32>,
        %add3A_1013 = arith.addf %add3A_973, %get3A_1012 : vector<16xf32>
        %get3A_1014 = arith.constant 19 : i32
        %get3A_1015 = arith.index_cast %get3A_1014 : i32 to index
        %get3A_1016 = arith.constant 64 : index
        %get3A_1017 = tpu.vector_load %arg7[%get3A_1015, %get3A_1016] {strides = array<i32>} : memref<48x128xf32, #tpu.memory_space<vmem>>, vector<16xf32>,
        %add3A_1018 = arith.addf %add3A_978, %get3A_1017 : vector<16xf32>
        %get3A_1019 = arith.constant 19 : i32
        %get3A_1020 = arith.index_cast %get3A_1019 : i32 to index
        %get3A_1021 = arith.constant 80 : index
        %get3A_1022 = tpu.vector_load %arg7[%get3A_1020, %get3A_1021] {strides = array<i32>} : memref<48x128xf32, #tpu.memory_space<vmem>>, vector<16xf32>,
        %add3A_1023 = arith.addf %add3A_983, %get3A_1022 : vector<16xf32>
        %get3A_1024 = arith.constant 19 : i32
        %get3A_1025 = arith.index_cast %get3A_1024 : i32 to index
        %get3A_1026 = arith.constant 96 : index
        %get3A_1027 = tpu.vector_load %arg7[%get3A_1025, %get3A_1026] {strides = array<i32>} : memref<48x128xf32, #tpu.memory_space<vmem>>, vector<16xf32>,
        %add3A_1028 = arith.addf %add3A_988, %get3A_1027 : vector<16xf32>
        %get3A_1029 = arith.constant 19 : i32
        %get3A_1030 = arith.index_cast %get3A_1029 : i32 to index
        %get3A_1031 = arith.constant 112 : index
        %get3A_1032 = tpu.vector_load %arg7[%get3A_1030, %get3A_1031] {strides = array<i32>} : memref<48x128xf32, #tpu.memory_space<vmem>>, vector<16xf32>,
        %add3A_1033 = arith.addf %add3A_993, %get3A_1032 : vector<16xf32>
        %get3A_1034 = arith.constant 20 : i32
        %get3A_1035 = arith.index_cast %get3A_1034 : i32 to index
        %get3A_1036 = arith.constant 0 : index
        %get3A_1037 = tpu.vector_load %arg7[%get3A_1035, %get3A_1036] {strides = array<i32>} : memref<48x128xf32, #tpu.memory_space<vmem>>, vector<16xf32>,
        %add3A_1038 = arith.addf %add3A_998, %get3A_1037 : vector<16xf32>
        %get3A_1039 = arith.constant 20 : i32
        %get3A_1040 = arith.index_cast %get3A_1039 : i32 to index
        %get3A_1041 = arith.constant 16 : index
        %get3A_1042 = tpu.vector_load %arg7[%get3A_1040, %get3A_1041] {strides = array<i32>} : memref<48x128xf32, #tpu.memory_space<vmem>>, vector<16xf32>,
        %add3A_1043 = arith.addf %add3A_1003, %get3A_1042 : vector<16xf32>
        %get3A_1044 = arith.constant 20 : i32
        %get3A_1045 = arith.index_cast %get3A_1044 : i32 to index
        %get3A_1046 = arith.constant 32 : index
        %get3A_1047 = tpu.vector_load %arg7[%get3A_1045, %get3A_1046] {strides = array<i32>} : memref<48x128xf32, #tpu.memory_space<vmem>>, vector<16xf32>,
        %add3A_1048 = arith.addf %add3A_1008, %get3A_1047 : vector<16xf32>
        %get3A_1049 = arith.constant 20 : i32
        %get3A_1050 = arith.index_cast %get3A_1049 : i32 to index
        %get3A_1051 = arith.constant 48 : index
        %get3A_1052 = tpu.vector_load %arg7[%get3A_1050, %get3A_1051] {strides = array<i32>} : memref<48x128xf32, #tpu.memory_space<vmem>>, vector<16xf32>,
        %add3A_1053 = arith.addf %add3A_1013, %get3A_1052 : vector<16xf32>
        %get3A_1054 = arith.constant 20 : i32
        %get3A_1055 = arith.index_cast %get3A_1054 : i32 to index
        %get3A_1056 = arith.constant 64 : index
        %get3A_1057 = tpu.vector_load %arg7[%get3A_1055, %get3A_1056] {strides = array<i32>} : memref<48x128xf32, #tpu.memory_space<vmem>>, vector<16xf32>,
        %add3A_1058 = arith.addf %add3A_1018, %get3A_1057 : vector<16xf32>
        %get3A_1059 = arith.constant 20 : i32
        %get3A_1060 = arith.index_cast %get3A_1059 : i32 to index
        %get3A_1061 = arith.constant 80 : index
        %get3A_1062 = tpu.vector_load %arg7[%get3A_1060, %get3A_1061] {strides = array<i32>} : memref<48x128xf32, #tpu.memory_space<vmem>>, vector<16xf32>,
        %add3A_1063 = arith.addf %add3A_1023, %get3A_1062 : vector<16xf32>
        %get3A_1064 = arith.constant 20 : i32
        %get3A_1065 = arith.index_cast %get3A_1064 : i32 to index
        %get3A_1066 = arith.constant 96 : index
        %get3A_1067 = tpu.vector_load %arg7[%get3A_1065, %get3A_1066] {strides = array<i32>} : memref<48x128xf32, #tpu.memory_space<vmem>>, vector<16xf32>,
        %add3A_1068 = arith.addf %add3A_1028, %get3A_1067 : vector<16xf32>
        %get3A_1069 = arith.constant 20 : i32
        %get3A_1070 = arith.index_cast %get3A_1069 : i32 to index
        %get3A_1071 = arith.constant 112 : index
        %get3A_1072 = tpu.vector_load %arg7[%get3A_1070, %get3A_1071] {strides = array<i32>} : memref<48x128xf32, #tpu.memory_space<vmem>>, vector<16xf32>,
        %add3A_1073 = arith.addf %add3A_1033, %get3A_1072 : vector<16xf32>
        %get3A_1074 = arith.constant 21 : i32
        %get3A_1075 = arith.index_cast %get3A_1074 : i32 to index
        %get3A_1076 = arith.constant 0 : index
        %get3A_1077 = tpu.vector_load %arg7[%get3A_1075, %get3A_1076] {strides = array<i32>} : memref<48x128xf32, #tpu.memory_space<vmem>>, vector<16xf32>,
        %add3A_1078 = arith.addf %add3A_1038, %get3A_1077 : vector<16xf32>
        %get3A_1079 = arith.constant 21 : i32
        %get3A_1080 = arith.index_cast %get3A_1079 : i32 to index
        %get3A_1081 = arith.constant 16 : index
        %get3A_1082 = tpu.vector_load %arg7[%get3A_1080, %get3A_1081] {strides = array<i32>} : memref<48x128xf32, #tpu.memory_space<vmem>>, vector<16xf32>,
        %add3A_1083 = arith.addf %add3A_1043, %get3A_1082 : vector<16xf32>
        %get3A_1084 = arith.constant 21 : i32
        %get3A_1085 = arith.index_cast %get3A_1084 : i32 to index
        %get3A_1086 = arith.constant 32 : index
        %get3A_1087 = tpu.vector_load %arg7[%get3A_1085, %get3A_1086] {strides = array<i32>} : memref<48x128xf32, #tpu.memory_space<vmem>>, vector<16xf32>,
        %add3A_1088 = arith.addf %add3A_1048, %get3A_1087 : vector<16xf32>
        %get3A_1089 = arith.constant 21 : i32
        %get3A_1090 = arith.index_cast %get3A_1089 : i32 to index
        %get3A_1091 = arith.constant 48 : index
        %get3A_1092 = tpu.vector_load %arg7[%get3A_1090, %get3A_1091] {strides = array<i32>} : memref<48x128xf32, #tpu.memory_space<vmem>>, vector<16xf32>,
        %add3A_1093 = arith.addf %add3A_1053, %get3A_1092 : vector<16xf32>
        %get3A_1094 = arith.constant 21 : i32
        %get3A_1095 = arith.index_cast %get3A_1094 : i32 to index
        %get3A_1096 = arith.constant 64 : index
        %get3A_1097 = tpu.vector_load %arg7[%get3A_1095, %get3A_1096] {strides = array<i32>} : memref<48x128xf32, #tpu.memory_space<vmem>>, vector<16xf32>,
        %add3A_1098 = arith.addf %add3A_1058, %get3A_1097 : vector<16xf32>
        %get3A_1099 = arith.constant 21 : i32
        %get3A_1100 = arith.index_cast %get3A_1099 : i32 to index
        %get3A_1101 = arith.constant 80 : index
        %get3A_1102 = tpu.vector_load %arg7[%get3A_1100, %get3A_1101] {strides = array<i32>} : memref<48x128xf32, #tpu.memory_space<vmem>>, vector<16xf32>,
        %add3A_1103 = arith.addf %add3A_1063, %get3A_1102 : vector<16xf32>
        %get3A_1104 = arith.constant 21 : i32
        %get3A_1105 = arith.index_cast %get3A_1104 : i32 to index
        %get3A_1106 = arith.constant 96 : index
        %get3A_1107 = tpu.vector_load %arg7[%get3A_1105, %get3A_1106] {strides = array<i32>} : memref<48x128xf32, #tpu.memory_space<vmem>>, vector<16xf32>,
        %add3A_1108 = arith.addf %add3A_1068, %get3A_1107 : vector<16xf32>
        %get3A_1109 = arith.constant 21 : i32
        %get3A_1110 = arith.index_cast %get3A_1109 : i32 to index
        %get3A_1111 = arith.constant 112 : index
        %get3A_1112 = tpu.vector_load %arg7[%get3A_1110, %get3A_1111] {strides = array<i32>} : memref<48x128xf32, #tpu.memory_space<vmem>>, vector<16xf32>,
        %add3A_1113 = arith.addf %add3A_1073, %get3A_1112 : vector<16xf32>
        %get3A_1114 = arith.constant 22 : i32
        %get3A_1115 = arith.index_cast %get3A_1114 : i32 to index
        %get3A_1116 = arith.constant 0 : index
        %get3A_1117 = tpu.vector_load %arg7[%get3A_1115, %get3A_1116] {strides = array<i32>} : memref<48x128xf32, #tpu.memory_space<vmem>>, vector<16xf32>,
        %add3A_1118 = arith.addf %add3A_1078, %get3A_1117 : vector<16xf32>
        %get3A_1119 = arith.constant 22 : i32
        %get3A_1120 = arith.index_cast %get3A_1119 : i32 to index
        %get3A_1121 = arith.constant 16 : index
        %get3A_1122 = tpu.vector_load %arg7[%get3A_1120, %get3A_1121] {strides = array<i32>} : memref<48x128xf32, #tpu.memory_space<vmem>>, vector<16xf32>,
        %add3A_1123 = arith.addf %add3A_1083, %get3A_1122 : vector<16xf32>
        %get3A_1124 = arith.constant 22 : i32
        %get3A_1125 = arith.index_cast %get3A_1124 : i32 to index
        %get3A_1126 = arith.constant 32 : index
        %get3A_1127 = tpu.vector_load %arg7[%get3A_1125, %get3A_1126] {strides = array<i32>} : memref<48x128xf32, #tpu.memory_space<vmem>>, vector<16xf32>,
        %add3A_1128 = arith.addf %add3A_1088, %get3A_1127 : vector<16xf32>
        %get3A_1129 = arith.constant 22 : i32
        %get3A_1130 = arith.index_cast %get3A_1129 : i32 to index
        %get3A_1131 = arith.constant 48 : index
        %get3A_1132 = tpu.vector_load %arg7[%get3A_1130, %get3A_1131] {strides = array<i32>} : memref<48x128xf32, #tpu.memory_space<vmem>>, vector<16xf32>,
        %add3A_1133 = arith.addf %add3A_1093, %get3A_1132 : vector<16xf32>
        %get3A_1134 = arith.constant 22 : i32
        %get3A_1135 = arith.index_cast %get3A_1134 : i32 to index
        %get3A_1136 = arith.constant 64 : index
        %get3A_1137 = tpu.vector_load %arg7[%get3A_1135, %get3A_1136] {strides = array<i32>} : memref<48x128xf32, #tpu.memory_space<vmem>>, vector<16xf32>,
        %add3A_1138 = arith.addf %add3A_1098, %get3A_1137 : vector<16xf32>
        %get3A_1139 = arith.constant 22 : i32
        %get3A_1140 = arith.index_cast %get3A_1139 : i32 to index
        %get3A_1141 = arith.constant 80 : index
        %get3A_1142 = tpu.vector_load %arg7[%get3A_1140, %get3A_1141] {strides = array<i32>} : memref<48x128xf32, #tpu.memory_space<vmem>>, vector<16xf32>,
        %add3A_1143 = arith.addf %add3A_1103, %get3A_1142 : vector<16xf32>
        %get3A_1144 = arith.constant 22 : i32
        %get3A_1145 = arith.index_cast %get3A_1144 : i32 to index
        %get3A_1146 = arith.constant 96 : index
        %get3A_1147 = tpu.vector_load %arg7[%get3A_1145, %get3A_1146] {strides = array<i32>} : memref<48x128xf32, #tpu.memory_space<vmem>>, vector<16xf32>,
        %add3A_1148 = arith.addf %add3A_1108, %get3A_1147 : vector<16xf32>
        %get3A_1149 = arith.constant 22 : i32
        %get3A_1150 = arith.index_cast %get3A_1149 : i32 to index
        %get3A_1151 = arith.constant 112 : index
        %get3A_1152 = tpu.vector_load %arg7[%get3A_1150, %get3A_1151] {strides = array<i32>} : memref<48x128xf32, #tpu.memory_space<vmem>>, vector<16xf32>,
        %add3A_1153 = arith.addf %add3A_1113, %get3A_1152 : vector<16xf32>
        %get3A_1154 = arith.constant 23 : i32
        %get3A_1155 = arith.index_cast %get3A_1154 : i32 to index
        %get3A_1156 = arith.constant 0 : index
        %get3A_1157 = tpu.vector_load %arg7[%get3A_1155, %get3A_1156] {strides = array<i32>} : memref<48x128xf32, #tpu.memory_space<vmem>>, vector<16xf32>,
        %add3A_1158 = arith.addf %add3A_1118, %get3A_1157 : vector<16xf32>
        %get3A_1159 = arith.constant 23 : i32
        %get3A_1160 = arith.index_cast %get3A_1159 : i32 to index
        %get3A_1161 = arith.constant 16 : index
        %get3A_1162 = tpu.vector_load %arg7[%get3A_1160, %get3A_1161] {strides = array<i32>} : memref<48x128xf32, #tpu.memory_space<vmem>>, vector<16xf32>,
        %add3A_1163 = arith.addf %add3A_1123, %get3A_1162 : vector<16xf32>
        %get3A_1164 = arith.constant 23 : i32
        %get3A_1165 = arith.index_cast %get3A_1164 : i32 to index
        %get3A_1166 = arith.constant 32 : index
        %get3A_1167 = tpu.vector_load %arg7[%get3A_1165, %get3A_1166] {strides = array<i32>} : memref<48x128xf32, #tpu.memory_space<vmem>>, vector<16xf32>,
        %add3A_1168 = arith.addf %add3A_1128, %get3A_1167 : vector<16xf32>
        %get3A_1169 = arith.constant 23 : i32
        %get3A_1170 = arith.index_cast %get3A_1169 : i32 to index
        %get3A_1171 = arith.constant 48 : index
        %get3A_1172 = tpu.vector_load %arg7[%get3A_1170, %get3A_1171] {strides = array<i32>} : memref<48x128xf32, #tpu.memory_space<vmem>>, vector<16xf32>,
        %add3A_1173 = arith.addf %add3A_1133, %get3A_1172 : vector<16xf32>
        %get3A_1174 = arith.constant 23 : i32
        %get3A_1175 = arith.index_cast %get3A_1174 : i32 to index
        %get3A_1176 = arith.constant 64 : index
        %get3A_1177 = tpu.vector_load %arg7[%get3A_1175, %get3A_1176] {strides = array<i32>} : memref<48x128xf32, #tpu.memory_space<vmem>>, vector<16xf32>,
        %add3A_1178 = arith.addf %add3A_1138, %get3A_1177 : vector<16xf32>
        %get3A_1179 = arith.constant 23 : i32
        %get3A_1180 = arith.index_cast %get3A_1179 : i32 to index
        %get3A_1181 = arith.constant 80 : index
        %get3A_1182 = tpu.vector_load %arg7[%get3A_1180, %get3A_1181] {strides = array<i32>} : memref<48x128xf32, #tpu.memory_space<vmem>>, vector<16xf32>,
        %add3A_1183 = arith.addf %add3A_1143, %get3A_1182 : vector<16xf32>
        %get3A_1184 = arith.constant 23 : i32
        %get3A_1185 = arith.index_cast %get3A_1184 : i32 to index
        %get3A_1186 = arith.constant 96 : index
        %get3A_1187 = tpu.vector_load %arg7[%get3A_1185, %get3A_1186] {strides = array<i32>} : memref<48x128xf32, #tpu.memory_space<vmem>>, vector<16xf32>,
        %add3A_1188 = arith.addf %add3A_1148, %get3A_1187 : vector<16xf32>
        %get3A_1189 = arith.constant 23 : i32
        %get3A_1190 = arith.index_cast %get3A_1189 : i32 to index
        %get3A_1191 = arith.constant 112 : index
        %get3A_1192 = tpu.vector_load %arg7[%get3A_1190, %get3A_1191] {strides = array<i32>} : memref<48x128xf32, #tpu.memory_space<vmem>>, vector<16xf32>,
        %add3A_1193 = arith.addf %add3A_1153, %get3A_1192 : vector<16xf32>
        %get3A_1194 = arith.constant 24 : i32
        %get3A_1195 = arith.index_cast %get3A_1194 : i32 to index
        %get3A_1196 = arith.constant 0 : index
        %get3A_1197 = tpu.vector_load %arg7[%get3A_1195, %get3A_1196] {strides = array<i32>} : memref<48x128xf32, #tpu.memory_space<vmem>>, vector<16xf32>,
        %add3A_1198 = arith.addf %add3A_1158, %get3A_1197 : vector<16xf32>
        %get3A_1199 = arith.constant 24 : i32
        %get3A_1200 = arith.index_cast %get3A_1199 : i32 to index
        %get3A_1201 = arith.constant 16 : index
        %get3A_1202 = tpu.vector_load %arg7[%get3A_1200, %get3A_1201] {strides = array<i32>} : memref<48x128xf32, #tpu.memory_space<vmem>>, vector<16xf32>,
        %add3A_1203 = arith.addf %add3A_1163, %get3A_1202 : vector<16xf32>
        %get3A_1204 = arith.constant 24 : i32
        %get3A_1205 = arith.index_cast %get3A_1204 : i32 to index
        %get3A_1206 = arith.constant 32 : index
        %get3A_1207 = tpu.vector_load %arg7[%get3A_1205, %get3A_1206] {strides = array<i32>} : memref<48x128xf32, #tpu.memory_space<vmem>>, vector<16xf32>,
        %add3A_1208 = arith.addf %add3A_1168, %get3A_1207 : vector<16xf32>
        %get3A_1209 = arith.constant 24 : i32
        %get3A_1210 = arith.index_cast %get3A_1209 : i32 to index
        %get3A_1211 = arith.constant 48 : index
        %get3A_1212 = tpu.vector_load %arg7[%get3A_1210, %get3A_1211] {strides = array<i32>} : memref<48x128xf32, #tpu.memory_space<vmem>>, vector<16xf32>,
        %add3A_1213 = arith.addf %add3A_1173, %get3A_1212 : vector<16xf32>
        %get3A_1214 = arith.constant 24 : i32
        %get3A_1215 = arith.index_cast %get3A_1214 : i32 to index
        %get3A_1216 = arith.constant 64 : index
        %get3A_1217 = tpu.vector_load %arg7[%get3A_1215, %get3A_1216] {strides = array<i32>} : memref<48x128xf32, #tpu.memory_space<vmem>>, vector<16xf32>,
        %add3A_1218 = arith.addf %add3A_1178, %get3A_1217 : vector<16xf32>
        %get3A_1219 = arith.constant 24 : i32
        %get3A_1220 = arith.index_cast %get3A_1219 : i32 to index
        %get3A_1221 = arith.constant 80 : index
        %get3A_1222 = tpu.vector_load %arg7[%get3A_1220, %get3A_1221] {strides = array<i32>} : memref<48x128xf32, #tpu.memory_space<vmem>>, vector<16xf32>,
        %add3A_1223 = arith.addf %add3A_1183, %get3A_1222 : vector<16xf32>
        %get3A_1224 = arith.constant 24 : i32
        %get3A_1225 = arith.index_cast %get3A_1224 : i32 to index
        %get3A_1226 = arith.constant 96 : index
        %get3A_1227 = tpu.vector_load %arg7[%get3A_1225, %get3A_1226] {strides = array<i32>} : memref<48x128xf32, #tpu.memory_space<vmem>>, vector<16xf32>,
        %add3A_1228 = arith.addf %add3A_1188, %get3A_1227 : vector<16xf32>
        %get3A_1229 = arith.constant 24 : i32
        %get3A_1230 = arith.index_cast %get3A_1229 : i32 to index
        %get3A_1231 = arith.constant 112 : index
        %get3A_1232 = tpu.vector_load %arg7[%get3A_1230, %get3A_1231] {strides = array<i32>} : memref<48x128xf32, #tpu.memory_space<vmem>>, vector<16xf32>,
        %add3A_1233 = arith.addf %add3A_1193, %get3A_1232 : vector<16xf32>
        %get3A_1234 = arith.constant 25 : i32
        %get3A_1235 = arith.index_cast %get3A_1234 : i32 to index
        %get3A_1236 = arith.constant 0 : index
        %get3A_1237 = tpu.vector_load %arg7[%get3A_1235, %get3A_1236] {strides = array<i32>} : memref<48x128xf32, #tpu.memory_space<vmem>>, vector<16xf32>,
        %add3A_1238 = arith.addf %add3A_1198, %get3A_1237 : vector<16xf32>
        %get3A_1239 = arith.constant 25 : i32
        %get3A_1240 = arith.index_cast %get3A_1239 : i32 to index
        %get3A_1241 = arith.constant 16 : index
        %get3A_1242 = tpu.vector_load %arg7[%get3A_1240, %get3A_1241] {strides = array<i32>} : memref<48x128xf32, #tpu.memory_space<vmem>>, vector<16xf32>,
        %add3A_1243 = arith.addf %add3A_1203, %get3A_1242 : vector<16xf32>
        %get3A_1244 = arith.constant 25 : i32
        %get3A_1245 = arith.index_cast %get3A_1244 : i32 to index
        %get3A_1246 = arith.constant 32 : index
        %get3A_1247 = tpu.vector_load %arg7[%get3A_1245, %get3A_1246] {strides = array<i32>} : memref<48x128xf32, #tpu.memory_space<vmem>>, vector<16xf32>,
        %add3A_1248 = arith.addf %add3A_1208, %get3A_1247 : vector<16xf32>
        %get3A_1249 = arith.constant 25 : i32
        %get3A_1250 = arith.index_cast %get3A_1249 : i32 to index
        %get3A_1251 = arith.constant 48 : index
        %get3A_1252 = tpu.vector_load %arg7[%get3A_1250, %get3A_1251] {strides = array<i32>} : memref<48x128xf32, #tpu.memory_space<vmem>>, vector<16xf32>,
        %add3A_1253 = arith.addf %add3A_1213, %get3A_1252 : vector<16xf32>
        %get3A_1254 = arith.constant 25 : i32
        %get3A_1255 = arith.index_cast %get3A_1254 : i32 to index
        %get3A_1256 = arith.constant 64 : index
        %get3A_1257 = tpu.vector_load %arg7[%get3A_1255, %get3A_1256] {strides = array<i32>} : memref<48x128xf32, #tpu.memory_space<vmem>>, vector<16xf32>,
        %add3A_1258 = arith.addf %add3A_1218, %get3A_1257 : vector<16xf32>
        %get3A_1259 = arith.constant 25 : i32
        %get3A_1260 = arith.index_cast %get3A_1259 : i32 to index
        %get3A_1261 = arith.constant 80 : index
        %get3A_1262 = tpu.vector_load %arg7[%get3A_1260, %get3A_1261] {strides = array<i32>} : memref<48x128xf32, #tpu.memory_space<vmem>>, vector<16xf32>,
        %add3A_1263 = arith.addf %add3A_1223, %get3A_1262 : vector<16xf32>
        %get3A_1264 = arith.constant 25 : i32
        %get3A_1265 = arith.index_cast %get3A_1264 : i32 to index
        %get3A_1266 = arith.constant 96 : index
        %get3A_1267 = tpu.vector_load %arg7[%get3A_1265, %get3A_1266] {strides = array<i32>} : memref<48x128xf32, #tpu.memory_space<vmem>>, vector<16xf32>,
        %add3A_1268 = arith.addf %add3A_1228, %get3A_1267 : vector<16xf32>
        %get3A_1269 = arith.constant 25 : i32
        %get3A_1270 = arith.index_cast %get3A_1269 : i32 to index
        %get3A_1271 = arith.constant 112 : index
        %get3A_1272 = tpu.vector_load %arg7[%get3A_1270, %get3A_1271] {strides = array<i32>} : memref<48x128xf32, #tpu.memory_space<vmem>>, vector<16xf32>,
        %add3A_1273 = arith.addf %add3A_1233, %get3A_1272 : vector<16xf32>
        %get3A_1274 = arith.constant 26 : i32
        %get3A_1275 = arith.index_cast %get3A_1274 : i32 to index
        %get3A_1276 = arith.constant 0 : index
        %get3A_1277 = tpu.vector_load %arg7[%get3A_1275, %get3A_1276] {strides = array<i32>} : memref<48x128xf32, #tpu.memory_space<vmem>>, vector<16xf32>,
        %add3A_1278 = arith.addf %add3A_1238, %get3A_1277 : vector<16xf32>
        %get3A_1279 = arith.constant 26 : i32
        %get3A_1280 = arith.index_cast %get3A_1279 : i32 to index
        %get3A_1281 = arith.constant 16 : index
        %get3A_1282 = tpu.vector_load %arg7[%get3A_1280, %get3A_1281] {strides = array<i32>} : memref<48x128xf32, #tpu.memory_space<vmem>>, vector<16xf32>,
        %add3A_1283 = arith.addf %add3A_1243, %get3A_1282 : vector<16xf32>
        %get3A_1284 = arith.constant 26 : i32
        %get3A_1285 = arith.index_cast %get3A_1284 : i32 to index
        %get3A_1286 = arith.constant 32 : index
        %get3A_1287 = tpu.vector_load %arg7[%get3A_1285, %get3A_1286] {strides = array<i32>} : memref<48x128xf32, #tpu.memory_space<vmem>>, vector<16xf32>,
        %add3A_1288 = arith.addf %add3A_1248, %get3A_1287 : vector<16xf32>
        %get3A_1289 = arith.constant 26 : i32
        %get3A_1290 = arith.index_cast %get3A_1289 : i32 to index
        %get3A_1291 = arith.constant 48 : index
        %get3A_1292 = tpu.vector_load %arg7[%get3A_1290, %get3A_1291] {strides = array<i32>} : memref<48x128xf32, #tpu.memory_space<vmem>>, vector<16xf32>,
        %add3A_1293 = arith.addf %add3A_1253, %get3A_1292 : vector<16xf32>
        %get3A_1294 = arith.constant 26 : i32
        %get3A_1295 = arith.index_cast %get3A_1294 : i32 to index
        %get3A_1296 = arith.constant 64 : index
        %get3A_1297 = tpu.vector_load %arg7[%get3A_1295, %get3A_1296] {strides = array<i32>} : memref<48x128xf32, #tpu.memory_space<vmem>>, vector<16xf32>,
        %add3A_1298 = arith.addf %add3A_1258, %get3A_1297 : vector<16xf32>
        %get3A_1299 = arith.constant 26 : i32
        %get3A_1300 = arith.index_cast %get3A_1299 : i32 to index
        %get3A_1301 = arith.constant 80 : index
        %get3A_1302 = tpu.vector_load %arg7[%get3A_1300, %get3A_1301] {strides = array<i32>} : memref<48x128xf32, #tpu.memory_space<vmem>>, vector<16xf32>,
        %add3A_1303 = arith.addf %add3A_1263, %get3A_1302 : vector<16xf32>
        %get3A_1304 = arith.constant 26 : i32
        %get3A_1305 = arith.index_cast %get3A_1304 : i32 to index
        %get3A_1306 = arith.constant 96 : index
        %get3A_1307 = tpu.vector_load %arg7[%get3A_1305, %get3A_1306] {strides = array<i32>} : memref<48x128xf32, #tpu.memory_space<vmem>>, vector<16xf32>,
        %add3A_1308 = arith.addf %add3A_1268, %get3A_1307 : vector<16xf32>
        %get3A_1309 = arith.constant 26 : i32
        %get3A_1310 = arith.index_cast %get3A_1309 : i32 to index
        %get3A_1311 = arith.constant 112 : index
        %get3A_1312 = tpu.vector_load %arg7[%get3A_1310, %get3A_1311] {strides = array<i32>} : memref<48x128xf32, #tpu.memory_space<vmem>>, vector<16xf32>,
        %add3A_1313 = arith.addf %add3A_1273, %get3A_1312 : vector<16xf32>
        %get3A_1314 = arith.constant 27 : i32
        %get3A_1315 = arith.index_cast %get3A_1314 : i32 to index
        %get3A_1316 = arith.constant 0 : index
        %get3A_1317 = tpu.vector_load %arg7[%get3A_1315, %get3A_1316] {strides = array<i32>} : memref<48x128xf32, #tpu.memory_space<vmem>>, vector<16xf32>,
        %add3A_1318 = arith.addf %add3A_1278, %get3A_1317 : vector<16xf32>
        %get3A_1319 = arith.constant 27 : i32
        %get3A_1320 = arith.index_cast %get3A_1319 : i32 to index
        %get3A_1321 = arith.constant 16 : index
        %get3A_1322 = tpu.vector_load %arg7[%get3A_1320, %get3A_1321] {strides = array<i32>} : memref<48x128xf32, #tpu.memory_space<vmem>>, vector<16xf32>,
        %add3A_1323 = arith.addf %add3A_1283, %get3A_1322 : vector<16xf32>
        %get3A_1324 = arith.constant 27 : i32
        %get3A_1325 = arith.index_cast %get3A_1324 : i32 to index
        %get3A_1326 = arith.constant 32 : index
        %get3A_1327 = tpu.vector_load %arg7[%get3A_1325, %get3A_1326] {strides = array<i32>} : memref<48x128xf32, #tpu.memory_space<vmem>>, vector<16xf32>,
        %add3A_1328 = arith.addf %add3A_1288, %get3A_1327 : vector<16xf32>
        %get3A_1329 = arith.constant 27 : i32
        %get3A_1330 = arith.index_cast %get3A_1329 : i32 to index
        %get3A_1331 = arith.constant 48 : index
        %get3A_1332 = tpu.vector_load %arg7[%get3A_1330, %get3A_1331] {strides = array<i32>} : memref<48x128xf32, #tpu.memory_space<vmem>>, vector<16xf32>,
        %add3A_1333 = arith.addf %add3A_1293, %get3A_1332 : vector<16xf32>
        %get3A_1334 = arith.constant 27 : i32
        %get3A_1335 = arith.index_cast %get3A_1334 : i32 to index
        %get3A_1336 = arith.constant 64 : index
        %get3A_1337 = tpu.vector_load %arg7[%get3A_1335, %get3A_1336] {strides = array<i32>} : memref<48x128xf32, #tpu.memory_space<vmem>>, vector<16xf32>,
        %add3A_1338 = arith.addf %add3A_1298, %get3A_1337 : vector<16xf32>
        %get3A_1339 = arith.constant 27 : i32
        %get3A_1340 = arith.index_cast %get3A_1339 : i32 to index
        %get3A_1341 = arith.constant 80 : index
        %get3A_1342 = tpu.vector_load %arg7[%get3A_1340, %get3A_1341] {strides = array<i32>} : memref<48x128xf32, #tpu.memory_space<vmem>>, vector<16xf32>,
        %add3A_1343 = arith.addf %add3A_1303, %get3A_1342 : vector<16xf32>
        %get3A_1344 = arith.constant 27 : i32
        %get3A_1345 = arith.index_cast %get3A_1344 : i32 to index
        %get3A_1346 = arith.constant 96 : index
        %get3A_1347 = tpu.vector_load %arg7[%get3A_1345, %get3A_1346] {strides = array<i32>} : memref<48x128xf32, #tpu.memory_space<vmem>>, vector<16xf32>,
        %add3A_1348 = arith.addf %add3A_1308, %get3A_1347 : vector<16xf32>
        %get3A_1349 = arith.constant 27 : i32
        %get3A_1350 = arith.index_cast %get3A_1349 : i32 to index
        %get3A_1351 = arith.constant 112 : index
        %get3A_1352 = tpu.vector_load %arg7[%get3A_1350, %get3A_1351] {strides = array<i32>} : memref<48x128xf32, #tpu.memory_space<vmem>>, vector<16xf32>,
        %add3A_1353 = arith.addf %add3A_1313, %get3A_1352 : vector<16xf32>
        %get3A_1354 = arith.constant 28 : i32
        %get3A_1355 = arith.index_cast %get3A_1354 : i32 to index
        %get3A_1356 = arith.constant 0 : index
        %get3A_1357 = tpu.vector_load %arg7[%get3A_1355, %get3A_1356] {strides = array<i32>} : memref<48x128xf32, #tpu.memory_space<vmem>>, vector<16xf32>,
        %add3A_1358 = arith.addf %add3A_1318, %get3A_1357 : vector<16xf32>
        %get3A_1359 = arith.constant 28 : i32
        %get3A_1360 = arith.index_cast %get3A_1359 : i32 to index
        %get3A_1361 = arith.constant 16 : index
        %get3A_1362 = tpu.vector_load %arg7[%get3A_1360, %get3A_1361] {strides = array<i32>} : memref<48x128xf32, #tpu.memory_space<vmem>>, vector<16xf32>,
        %add3A_1363 = arith.addf %add3A_1323, %get3A_1362 : vector<16xf32>
        %get3A_1364 = arith.constant 28 : i32
        %get3A_1365 = arith.index_cast %get3A_1364 : i32 to index
        %get3A_1366 = arith.constant 32 : index
        %get3A_1367 = tpu.vector_load %arg7[%get3A_1365, %get3A_1366] {strides = array<i32>} : memref<48x128xf32, #tpu.memory_space<vmem>>, vector<16xf32>,
        %add3A_1368 = arith.addf %add3A_1328, %get3A_1367 : vector<16xf32>
        %get3A_1369 = arith.constant 28 : i32
        %get3A_1370 = arith.index_cast %get3A_1369 : i32 to index
        %get3A_1371 = arith.constant 48 : index
        %get3A_1372 = tpu.vector_load %arg7[%get3A_1370, %get3A_1371] {strides = array<i32>} : memref<48x128xf32, #tpu.memory_space<vmem>>, vector<16xf32>,
        %add3A_1373 = arith.addf %add3A_1333, %get3A_1372 : vector<16xf32>
        %get3A_1374 = arith.constant 28 : i32
        %get3A_1375 = arith.index_cast %get3A_1374 : i32 to index
        %get3A_1376 = arith.constant 64 : index
        %get3A_1377 = tpu.vector_load %arg7[%get3A_1375, %get3A_1376] {strides = array<i32>} : memref<48x128xf32, #tpu.memory_space<vmem>>, vector<16xf32>,
        %add3A_1378 = arith.addf %add3A_1338, %get3A_1377 : vector<16xf32>
        %get3A_1379 = arith.constant 28 : i32
        %get3A_1380 = arith.index_cast %get3A_1379 : i32 to index
        %get3A_1381 = arith.constant 80 : index
        %get3A_1382 = tpu.vector_load %arg7[%get3A_1380, %get3A_1381] {strides = array<i32>} : memref<48x128xf32, #tpu.memory_space<vmem>>, vector<16xf32>,
        %add3A_1383 = arith.addf %add3A_1343, %get3A_1382 : vector<16xf32>
        %get3A_1384 = arith.constant 28 : i32
        %get3A_1385 = arith.index_cast %get3A_1384 : i32 to index
        %get3A_1386 = arith.constant 96 : index
        %get3A_1387 = tpu.vector_load %arg7[%get3A_1385, %get3A_1386] {strides = array<i32>} : memref<48x128xf32, #tpu.memory_space<vmem>>, vector<16xf32>,
        %add3A_1388 = arith.addf %add3A_1348, %get3A_1387 : vector<16xf32>
        %get3A_1389 = arith.constant 28 : i32
        %get3A_1390 = arith.index_cast %get3A_1389 : i32 to index
        %get3A_1391 = arith.constant 112 : index
        %get3A_1392 = tpu.vector_load %arg7[%get3A_1390, %get3A_1391] {strides = array<i32>} : memref<48x128xf32, #tpu.memory_space<vmem>>, vector<16xf32>,
        %add3A_1393 = arith.addf %add3A_1353, %get3A_1392 : vector<16xf32>
        %get3A_1394 = arith.constant 29 : i32
        %get3A_1395 = arith.index_cast %get3A_1394 : i32 to index
        %get3A_1396 = arith.constant 0 : index
        %get3A_1397 = tpu.vector_load %arg7[%get3A_1395, %get3A_1396] {strides = array<i32>} : memref<48x128xf32, #tpu.memory_space<vmem>>, vector<16xf32>,
        %add3A_1398 = arith.addf %add3A_1358, %get3A_1397 : vector<16xf32>
        %get3A_1399 = arith.constant 29 : i32
        %get3A_1400 = arith.index_cast %get3A_1399 : i32 to index
        %get3A_1401 = arith.constant 16 : index
        %get3A_1402 = tpu.vector_load %arg7[%get3A_1400, %get3A_1401] {strides = array<i32>} : memref<48x128xf32, #tpu.memory_space<vmem>>, vector<16xf32>,
        %add3A_1403 = arith.addf %add3A_1363, %get3A_1402 : vector<16xf32>
        %get3A_1404 = arith.constant 29 : i32
        %get3A_1405 = arith.index_cast %get3A_1404 : i32 to index
        %get3A_1406 = arith.constant 32 : index
        %get3A_1407 = tpu.vector_load %arg7[%get3A_1405, %get3A_1406] {strides = array<i32>} : memref<48x128xf32, #tpu.memory_space<vmem>>, vector<16xf32>,
        %add3A_1408 = arith.addf %add3A_1368, %get3A_1407 : vector<16xf32>
        %get3A_1409 = arith.constant 29 : i32
        %get3A_1410 = arith.index_cast %get3A_1409 : i32 to index
        %get3A_1411 = arith.constant 48 : index
        %get3A_1412 = tpu.vector_load %arg7[%get3A_1410, %get3A_1411] {strides = array<i32>} : memref<48x128xf32, #tpu.memory_space<vmem>>, vector<16xf32>,
        %add3A_1413 = arith.addf %add3A_1373, %get3A_1412 : vector<16xf32>
        %get3A_1414 = arith.constant 29 : i32
        %get3A_1415 = arith.index_cast %get3A_1414 : i32 to index
        %get3A_1416 = arith.constant 64 : index
        %get3A_1417 = tpu.vector_load %arg7[%get3A_1415, %get3A_1416] {strides = array<i32>} : memref<48x128xf32, #tpu.memory_space<vmem>>, vector<16xf32>,
        %add3A_1418 = arith.addf %add3A_1378, %get3A_1417 : vector<16xf32>
        %get3A_1419 = arith.constant 29 : i32
        %get3A_1420 = arith.index_cast %get3A_1419 : i32 to index
        %get3A_1421 = arith.constant 80 : index
        %get3A_1422 = tpu.vector_load %arg7[%get3A_1420, %get3A_1421] {strides = array<i32>} : memref<48x128xf32, #tpu.memory_space<vmem>>, vector<16xf32>,
        %add3A_1423 = arith.addf %add3A_1383, %get3A_1422 : vector<16xf32>
        %get3A_1424 = arith.constant 29 : i32
        %get3A_1425 = arith.index_cast %get3A_1424 : i32 to index
        %get3A_1426 = arith.constant 96 : index
        %get3A_1427 = tpu.vector_load %arg7[%get3A_1425, %get3A_1426] {strides = array<i32>} : memref<48x128xf32, #tpu.memory_space<vmem>>, vector<16xf32>,
        %add3A_1428 = arith.addf %add3A_1388, %get3A_1427 : vector<16xf32>
        %get3A_1429 = arith.constant 29 : i32
        %get3A_1430 = arith.index_cast %get3A_1429 : i32 to index
        %get3A_1431 = arith.constant 112 : index
        %get3A_1432 = tpu.vector_load %arg7[%get3A_1430, %get3A_1431] {strides = array<i32>} : memref<48x128xf32, #tpu.memory_space<vmem>>, vector<16xf32>,
        %add3A_1433 = arith.addf %add3A_1393, %get3A_1432 : vector<16xf32>
        %get3A_1434 = arith.constant 30 : i32
        %get3A_1435 = arith.index_cast %get3A_1434 : i32 to index
        %get3A_1436 = arith.constant 0 : index
        %get3A_1437 = tpu.vector_load %arg7[%get3A_1435, %get3A_1436] {strides = array<i32>} : memref<48x128xf32, #tpu.memory_space<vmem>>, vector<16xf32>,
        %add3A_1438 = arith.addf %add3A_1398, %get3A_1437 : vector<16xf32>
        %get3A_1439 = arith.constant 30 : i32
        %get3A_1440 = arith.index_cast %get3A_1439 : i32 to index
        %get3A_1441 = arith.constant 16 : index
        %get3A_1442 = tpu.vector_load %arg7[%get3A_1440, %get3A_1441] {strides = array<i32>} : memref<48x128xf32, #tpu.memory_space<vmem>>, vector<16xf32>,
        %add3A_1443 = arith.addf %add3A_1403, %get3A_1442 : vector<16xf32>
        %get3A_1444 = arith.constant 30 : i32
        %get3A_1445 = arith.index_cast %get3A_1444 : i32 to index
        %get3A_1446 = arith.constant 32 : index
        %get3A_1447 = tpu.vector_load %arg7[%get3A_1445, %get3A_1446] {strides = array<i32>} : memref<48x128xf32, #tpu.memory_space<vmem>>, vector<16xf32>,
        %add3A_1448 = arith.addf %add3A_1408, %get3A_1447 : vector<16xf32>
        %get3A_1449 = arith.constant 30 : i32
        %get3A_1450 = arith.index_cast %get3A_1449 : i32 to index
        %get3A_1451 = arith.constant 48 : index
        %get3A_1452 = tpu.vector_load %arg7[%get3A_1450, %get3A_1451] {strides = array<i32>} : memref<48x128xf32, #tpu.memory_space<vmem>>, vector<16xf32>,
        %add3A_1453 = arith.addf %add3A_1413, %get3A_1452 : vector<16xf32>
        %get3A_1454 = arith.constant 30 : i32
        %get3A_1455 = arith.index_cast %get3A_1454 : i32 to index
        %get3A_1456 = arith.constant 64 : index
        %get3A_1457 = tpu.vector_load %arg7[%get3A_1455, %get3A_1456] {strides = array<i32>} : memref<48x128xf32, #tpu.memory_space<vmem>>, vector<16xf32>,
        %add3A_1458 = arith.addf %add3A_1418, %get3A_1457 : vector<16xf32>
        %get3A_1459 = arith.constant 30 : i32
        %get3A_1460 = arith.index_cast %get3A_1459 : i32 to index
        %get3A_1461 = arith.constant 80 : index
        %get3A_1462 = tpu.vector_load %arg7[%get3A_1460, %get3A_1461] {strides = array<i32>} : memref<48x128xf32, #tpu.memory_space<vmem>>, vector<16xf32>,
        %add3A_1463 = arith.addf %add3A_1423, %get3A_1462 : vector<16xf32>
        %get3A_1464 = arith.constant 30 : i32
        %get3A_1465 = arith.index_cast %get3A_1464 : i32 to index
        %get3A_1466 = arith.constant 96 : index
        %get3A_1467 = tpu.vector_load %arg7[%get3A_1465, %get3A_1466] {strides = array<i32>} : memref<48x128xf32, #tpu.memory_space<vmem>>, vector<16xf32>,
        %add3A_1468 = arith.addf %add3A_1428, %get3A_1467 : vector<16xf32>
        %get3A_1469 = arith.constant 30 : i32
        %get3A_1470 = arith.index_cast %get3A_1469 : i32 to index
        %get3A_1471 = arith.constant 112 : index
        %get3A_1472 = tpu.vector_load %arg7[%get3A_1470, %get3A_1471] {strides = array<i32>} : memref<48x128xf32, #tpu.memory_space<vmem>>, vector<16xf32>,
        %add3A_1473 = arith.addf %add3A_1433, %get3A_1472 : vector<16xf32>
        %get3A_1474 = arith.constant 31 : i32
        %get3A_1475 = arith.index_cast %get3A_1474 : i32 to index
        %get3A_1476 = arith.constant 0 : index
        %get3A_1477 = tpu.vector_load %arg7[%get3A_1475, %get3A_1476] {strides = array<i32>} : memref<48x128xf32, #tpu.memory_space<vmem>>, vector<16xf32>,
        %add3A_1478 = arith.addf %add3A_1438, %get3A_1477 : vector<16xf32>
        %get3A_1479 = arith.constant 31 : i32
        %get3A_1480 = arith.index_cast %get3A_1479 : i32 to index
        %get3A_1481 = arith.constant 16 : index
        %get3A_1482 = tpu.vector_load %arg7[%get3A_1480, %get3A_1481] {strides = array<i32>} : memref<48x128xf32, #tpu.memory_space<vmem>>, vector<16xf32>,
        %add3A_1483 = arith.addf %add3A_1443, %get3A_1482 : vector<16xf32>
        %get3A_1484 = arith.constant 31 : i32
        %get3A_1485 = arith.index_cast %get3A_1484 : i32 to index
        %get3A_1486 = arith.constant 32 : index
        %get3A_1487 = tpu.vector_load %arg7[%get3A_1485, %get3A_1486] {strides = array<i32>} : memref<48x128xf32, #tpu.memory_space<vmem>>, vector<16xf32>,
        %add3A_1488 = arith.addf %add3A_1448, %get3A_1487 : vector<16xf32>
        %get3A_1489 = arith.constant 31 : i32
        %get3A_1490 = arith.index_cast %get3A_1489 : i32 to index
        %get3A_1491 = arith.constant 48 : index
        %get3A_1492 = tpu.vector_load %arg7[%get3A_1490, %get3A_1491] {strides = array<i32>} : memref<48x128xf32, #tpu.memory_space<vmem>>, vector<16xf32>,
        %add3A_1493 = arith.addf %add3A_1453, %get3A_1492 : vector<16xf32>
        %get3A_1494 = arith.constant 31 : i32
        %get3A_1495 = arith.index_cast %get3A_1494 : i32 to index
        %get3A_1496 = arith.constant 64 : index
        %get3A_1497 = tpu.vector_load %arg7[%get3A_1495, %get3A_1496] {strides = array<i32>} : memref<48x128xf32, #tpu.memory_space<vmem>>, vector<16xf32>,
        %add3A_1498 = arith.addf %add3A_1458, %get3A_1497 : vector<16xf32>
        %get3A_1499 = arith.constant 31 : i32
        %get3A_1500 = arith.index_cast %get3A_1499 : i32 to index
        %get3A_1501 = arith.constant 80 : index
        %get3A_1502 = tpu.vector_load %arg7[%get3A_1500, %get3A_1501] {strides = array<i32>} : memref<48x128xf32, #tpu.memory_space<vmem>>, vector<16xf32>,
        %add3A_1503 = arith.addf %add3A_1463, %get3A_1502 : vector<16xf32>
        %get3A_1504 = arith.constant 31 : i32
        %get3A_1505 = arith.index_cast %get3A_1504 : i32 to index
        %get3A_1506 = arith.constant 96 : index
        %get3A_1507 = tpu.vector_load %arg7[%get3A_1505, %get3A_1506] {strides = array<i32>} : memref<48x128xf32, #tpu.memory_space<vmem>>, vector<16xf32>,
        %add3A_1508 = arith.addf %add3A_1468, %get3A_1507 : vector<16xf32>
        %get3A_1509 = arith.constant 31 : i32
        %get3A_1510 = arith.index_cast %get3A_1509 : i32 to index
        %get3A_1511 = arith.constant 112 : index
        %get3A_1512 = tpu.vector_load %arg7[%get3A_1510, %get3A_1511] {strides = array<i32>} : memref<48x128xf32, #tpu.memory_space<vmem>>, vector<16xf32>,
        %add3A_1513 = arith.addf %add3A_1473, %get3A_1512 : vector<16xf32>
        %mul3A_1514 = arith.constant 13 : i32
        %mul3A_1515 = arith.muli %add3A_833, %mul3A_1514 : i32
        %add3A_1516 = arith.addi %mul3A_1515, %scan3A_64 : i32
        %get3A_1517 = arith.index_cast %add3A_1516 : i32 to index
        %get3A_1518 = memref.load %arg10[%get3A_1517] : memref<416xi32, #tpu.memory_space<smem>>
        %add3A_1519 = arith.constant 15 : i32
        %add3A_1520 = arith.addi %get3A_1518, %add3A_1519 : i32
        %shift_right_arithmetic3A_1521 = arith.constant 4 : i32
        %shift_right_arithmetic3A_1522 = arith.shrsi %add3A_1520, %shift_right_arithmetic3A_1521 : i32
        %mul3A_1523 = arith.constant 624 : i32
        %mul3A_1524 = arith.muli %add3A_833, %mul3A_1523 : i32
        %mul3A_1525 = arith.constant 48 : i32
        %mul3A_1526 = arith.muli %scan3A_64, %mul3A_1525 : i32
        %add3A_1527 = arith.addi %mul3A_1524, %mul3A_1526 : i32
        %while3A_1528 = arith.constant 1 : i32
        %while3A_1529 = arith.subi %shift_right_arithmetic3A_1522, %while3A_1528 : i32
        %while3A_1530 = arith.addi %while3A_1528, %while3A_1529 : i32
        %while3A_1531 = arith.constant 1 : i32
        %while3A_1532 = arith.divsi %while3A_1529, %while3A_1531 : i32
        %while3A_1533 = arith.muli %while3A_1532, %while3A_1531 : i32
        %while3A_1534 = arith.addi %while3A_1528, %while3A_1533 : i32
        %while3A_1535 = arith.constant 1 : i32
        %while3A_1536:8 = scf.for %while3A_1563 = %while3A_1528 to %while3A_1534 step %while3A_1535 iter_args(%while3A_1564 = %add3A_1478, %while3A_1565 = %add3A_1483, %while3A_1566 = %add3A_1488, %while3A_1567 = %add3A_1493, %while3A_1568 = %add3A_1498, %while3A_1569 = %add3A_1503, %while3A_1570 = %add3A_1508, %while3A_1571 = %add3A_1513) -> (vector<16xf32>, vector<16xf32>, vector<16xf32>, vector<16xf32>, vector<16xf32>, vector<16xf32>, vector<16xf32>, vector<16xf32>)  : i32 {
          %mul3A_1572 = arith.constant 16 : i32
          %mul3A_1573 = arith.muli %while3A_1563, %mul3A_1572 : i32
          %add3A_1574 = arith.addi %add3A_1527, %mul3A_1573 : i32
          %dma_start3A_1575 = arith.constant 32 : i32
          %dma_start3A_1576 = arith.constant 0 : i32
          %dma_start3A_1577 = tpu.memref_slice %arg7[%dma_start3A_1575, %dma_start3A_1576] : memref<48x128xf32, #tpu.memory_space<vmem>> -> memref<16x128xf32, #tpu.memory_space<vmem>>
          %dma_start3A_1578 = tpu.memref_slice %arg6[%add3A_1574] : memref<19968xi32, #tpu.memory_space<vmem>> -> memref<16xi32, #tpu.memory_space<vmem>>
          %dma_start3A_1579 = arith.constant 0 : i32
          %dma_start3A_1580 = arith.constant 0 : i32
          %dma_start3A_1581 = tpu.memref_slice %arg11[%dma_start3A_1579, %dma_start3A_1580] : memref<8193x128xf32, #tpu.memory_space<vmem_shared>> -> memref<8193x128xf32, #tpu.memory_space<vmem_shared>>
          tpu.enqueue_indirect_dma source(%dma_start3A_1581 : memref<8193x128xf32, #tpu.memory_space<vmem_shared>>) target(%dma_start3A_1577 : memref<16x128xf32, #tpu.memory_space<vmem>>) offsets(%dma_start3A_1578 : memref<16xi32, #tpu.memory_space<vmem>>) semaphore(%arg14 : memref<!tpu.dma_semaphore, #tpu.memory_space<semaphore_mem>>)
          %dma_wait3A_1582 = arith.constant 32 : i32
          %dma_wait3A_1583 = arith.constant 0 : i32
          %dma_wait3A_1584 = tpu.memref_slice %arg7[%dma_wait3A_1582, %dma_wait3A_1583] : memref<48x128xf32, #tpu.memory_space<vmem>> -> memref<16x128xf32, #tpu.memory_space<vmem>>
          %dma_wait3A_1585 = arith.constant 0 : i32
          %dma_wait3A_1586 = arith.constant 0 : i32
          %dma_wait3A_1587 = tpu.memref_slice %arg3[%dma_wait3A_1585, %dma_wait3A_1586] : memref<100000x128xf32, #tpu.memory_space<hbm>> -> memref<16x128xf32, #tpu.memory_space<hbm>>
          %dma_wait3A_1588 = arith.constant 32 : i32
          %dma_wait3A_1589 = arith.constant 0 : i32
          %dma_wait3A_1590 = tpu.memref_slice %arg7[%dma_wait3A_1588, %dma_wait3A_1589] : memref<48x128xf32, #tpu.memory_space<vmem>> -> memref<16x128xf32, #tpu.memory_space<vmem>>
          %dma_wait3A_1591 = arith.constant 0 : i32
          %dma_wait3A_1592 = arith.constant 0 : i32
          %dma_wait3A_1593 = tpu.memref_slice %arg3[%dma_wait3A_1591, %dma_wait3A_1592] : memref<100000x128xf32, #tpu.memory_space<hbm>> -> memref<16x128xf32, #tpu.memory_space<hbm>>
          tpu.wait_dma2 semaphore(%arg14 : memref<!tpu.dma_semaphore, #tpu.memory_space<semaphore_mem>>) src(%dma_wait3A_1593 : memref<16x128xf32, #tpu.memory_space<hbm>>) dst(%dma_wait3A_1590 : memref<16x128xf32, #tpu.memory_space<vmem>>)
          %get3A_1594 = arith.constant 32 : i32
          %get3A_1595 = arith.index_cast %get3A_1594 : i32 to index
          %get3A_1596 = arith.constant 0 : index
          %get3A_1597 = tpu.vector_load %arg7[%get3A_1595, %get3A_1596] {strides = array<i32>} : memref<48x128xf32, #tpu.memory_space<vmem>>, vector<16xf32>,
          %add3A_1598 = arith.addf %while3A_1564, %get3A_1597 : vector<16xf32>
          %get3A_1599 = arith.constant 32 : i32
          %get3A_1600 = arith.index_cast %get3A_1599 : i32 to index
          %get3A_1601 = arith.constant 16 : index
          %get3A_1602 = tpu.vector_load %arg7[%get3A_1600, %get3A_1601] {strides = array<i32>} : memref<48x128xf32, #tpu.memory_space<vmem>>, vector<16xf32>,
          %add3A_1603 = arith.addf %while3A_1565, %get3A_1602 : vector<16xf32>
          %get3A_1604 = arith.constant 32 : i32
          %get3A_1605 = arith.index_cast %get3A_1604 : i32 to index
          %get3A_1606 = arith.constant 32 : index
          %get3A_1607 = tpu.vector_load %arg7[%get3A_1605, %get3A_1606] {strides = array<i32>} : memref<48x128xf32, #tpu.memory_space<vmem>>, vector<16xf32>,
          %add3A_1608 = arith.addf %while3A_1566, %get3A_1607 : vector<16xf32>
          %get3A_1609 = arith.constant 32 : i32
          %get3A_1610 = arith.index_cast %get3A_1609 : i32 to index
          %get3A_1611 = arith.constant 48 : index
          %get3A_1612 = tpu.vector_load %arg7[%get3A_1610, %get3A_1611] {strides = array<i32>} : memref<48x128xf32, #tpu.memory_space<vmem>>, vector<16xf32>,
          %add3A_1613 = arith.addf %while3A_1567, %get3A_1612 : vector<16xf32>
          %get3A_1614 = arith.constant 32 : i32
          %get3A_1615 = arith.index_cast %get3A_1614 : i32 to index
          %get3A_1616 = arith.constant 64 : index
          %get3A_1617 = tpu.vector_load %arg7[%get3A_1615, %get3A_1616] {strides = array<i32>} : memref<48x128xf32, #tpu.memory_space<vmem>>, vector<16xf32>,
          %add3A_1618 = arith.addf %while3A_1568, %get3A_1617 : vector<16xf32>
          %get3A_1619 = arith.constant 32 : i32
          %get3A_1620 = arith.index_cast %get3A_1619 : i32 to index
          %get3A_1621 = arith.constant 80 : index
          %get3A_1622 = tpu.vector_load %arg7[%get3A_1620, %get3A_1621] {strides = array<i32>} : memref<48x128xf32, #tpu.memory_space<vmem>>, vector<16xf32>,
          %add3A_1623 = arith.addf %while3A_1569, %get3A_1622 : vector<16xf32>
          %get3A_1624 = arith.constant 32 : i32
          %get3A_1625 = arith.index_cast %get3A_1624 : i32 to index
          %get3A_1626 = arith.constant 96 : index
          %get3A_1627 = tpu.vector_load %arg7[%get3A_1625, %get3A_1626] {strides = array<i32>} : memref<48x128xf32, #tpu.memory_space<vmem>>, vector<16xf32>,
          %add3A_1628 = arith.addf %while3A_1570, %get3A_1627 : vector<16xf32>
          %get3A_1629 = arith.constant 32 : i32
          %get3A_1630 = arith.index_cast %get3A_1629 : i32 to index
          %get3A_1631 = arith.constant 112 : index
          %get3A_1632 = tpu.vector_load %arg7[%get3A_1630, %get3A_1631] {strides = array<i32>} : memref<48x128xf32, #tpu.memory_space<vmem>>, vector<16xf32>,
          %add3A_1633 = arith.addf %while3A_1571, %get3A_1632 : vector<16xf32>
          %get3A_1634 = arith.constant 33 : i32
          %get3A_1635 = arith.index_cast %get3A_1634 : i32 to index
          %get3A_1636 = arith.constant 0 : index
          %get3A_1637 = tpu.vector_load %arg7[%get3A_1635, %get3A_1636] {strides = array<i32>} : memref<48x128xf32, #tpu.memory_space<vmem>>, vector<16xf32>,
          %add3A_1638 = arith.addf %add3A_1598, %get3A_1637 : vector<16xf32>
          %get3A_1639 = arith.constant 33 : i32
          %get3A_1640 = arith.index_cast %get3A_1639 : i32 to index
          %get3A_1641 = arith.constant 16 : index
          %get3A_1642 = tpu.vector_load %arg7[%get3A_1640, %get3A_1641] {strides = array<i32>} : memref<48x128xf32, #tpu.memory_space<vmem>>, vector<16xf32>,
          %add3A_1643 = arith.addf %add3A_1603, %get3A_1642 : vector<16xf32>
          %get3A_1644 = arith.constant 33 : i32
          %get3A_1645 = arith.index_cast %get3A_1644 : i32 to index
          %get3A_1646 = arith.constant 32 : index
          %get3A_1647 = tpu.vector_load %arg7[%get3A_1645, %get3A_1646] {strides = array<i32>} : memref<48x128xf32, #tpu.memory_space<vmem>>, vector<16xf32>,
          %add3A_1648 = arith.addf %add3A_1608, %get3A_1647 : vector<16xf32>
          %get3A_1649 = arith.constant 33 : i32
          %get3A_1650 = arith.index_cast %get3A_1649 : i32 to index
          %get3A_1651 = arith.constant 48 : index
          %get3A_1652 = tpu.vector_load %arg7[%get3A_1650, %get3A_1651] {strides = array<i32>} : memref<48x128xf32, #tpu.memory_space<vmem>>, vector<16xf32>,
          %add3A_1653 = arith.addf %add3A_1613, %get3A_1652 : vector<16xf32>
          %get3A_1654 = arith.constant 33 : i32
          %get3A_1655 = arith.index_cast %get3A_1654 : i32 to index
          %get3A_1656 = arith.constant 64 : index
          %get3A_1657 = tpu.vector_load %arg7[%get3A_1655, %get3A_1656] {strides = array<i32>} : memref<48x128xf32, #tpu.memory_space<vmem>>, vector<16xf32>,
          %add3A_1658 = arith.addf %add3A_1618, %get3A_1657 : vector<16xf32>
          %get3A_1659 = arith.constant 33 : i32
          %get3A_1660 = arith.index_cast %get3A_1659 : i32 to index
          %get3A_1661 = arith.constant 80 : index
          %get3A_1662 = tpu.vector_load %arg7[%get3A_1660, %get3A_1661] {strides = array<i32>} : memref<48x128xf32, #tpu.memory_space<vmem>>, vector<16xf32>,
          %add3A_1663 = arith.addf %add3A_1623, %get3A_1662 : vector<16xf32>
          %get3A_1664 = arith.constant 33 : i32
          %get3A_1665 = arith.index_cast %get3A_1664 : i32 to index
          %get3A_1666 = arith.constant 96 : index
          %get3A_1667 = tpu.vector_load %arg7[%get3A_1665, %get3A_1666] {strides = array<i32>} : memref<48x128xf32, #tpu.memory_space<vmem>>, vector<16xf32>,
          %add3A_1668 = arith.addf %add3A_1628, %get3A_1667 : vector<16xf32>
          %get3A_1669 = arith.constant 33 : i32
          %get3A_1670 = arith.index_cast %get3A_1669 : i32 to index
          %get3A_1671 = arith.constant 112 : index
          %get3A_1672 = tpu.vector_load %arg7[%get3A_1670, %get3A_1671] {strides = array<i32>} : memref<48x128xf32, #tpu.memory_space<vmem>>, vector<16xf32>,
          %add3A_1673 = arith.addf %add3A_1633, %get3A_1672 : vector<16xf32>
          %get3A_1674 = arith.constant 34 : i32
          %get3A_1675 = arith.index_cast %get3A_1674 : i32 to index
          %get3A_1676 = arith.constant 0 : index
          %get3A_1677 = tpu.vector_load %arg7[%get3A_1675, %get3A_1676] {strides = array<i32>} : memref<48x128xf32, #tpu.memory_space<vmem>>, vector<16xf32>,
          %add3A_1678 = arith.addf %add3A_1638, %get3A_1677 : vector<16xf32>
          %get3A_1679 = arith.constant 34 : i32
          %get3A_1680 = arith.index_cast %get3A_1679 : i32 to index
          %get3A_1681 = arith.constant 16 : index
          %get3A_1682 = tpu.vector_load %arg7[%get3A_1680, %get3A_1681] {strides = array<i32>} : memref<48x128xf32, #tpu.memory_space<vmem>>, vector<16xf32>,
          %add3A_1683 = arith.addf %add3A_1643, %get3A_1682 : vector<16xf32>
          %get3A_1684 = arith.constant 34 : i32
          %get3A_1685 = arith.index_cast %get3A_1684 : i32 to index
          %get3A_1686 = arith.constant 32 : index
          %get3A_1687 = tpu.vector_load %arg7[%get3A_1685, %get3A_1686] {strides = array<i32>} : memref<48x128xf32, #tpu.memory_space<vmem>>, vector<16xf32>,
          %add3A_1688 = arith.addf %add3A_1648, %get3A_1687 : vector<16xf32>
          %get3A_1689 = arith.constant 34 : i32
          %get3A_1690 = arith.index_cast %get3A_1689 : i32 to index
          %get3A_1691 = arith.constant 48 : index
          %get3A_1692 = tpu.vector_load %arg7[%get3A_1690, %get3A_1691] {strides = array<i32>} : memref<48x128xf32, #tpu.memory_space<vmem>>, vector<16xf32>,
          %add3A_1693 = arith.addf %add3A_1653, %get3A_1692 : vector<16xf32>
          %get3A_1694 = arith.constant 34 : i32
          %get3A_1695 = arith.index_cast %get3A_1694 : i32 to index
          %get3A_1696 = arith.constant 64 : index
          %get3A_1697 = tpu.vector_load %arg7[%get3A_1695, %get3A_1696] {strides = array<i32>} : memref<48x128xf32, #tpu.memory_space<vmem>>, vector<16xf32>,
          %add3A_1698 = arith.addf %add3A_1658, %get3A_1697 : vector<16xf32>
          %get3A_1699 = arith.constant 34 : i32
          %get3A_1700 = arith.index_cast %get3A_1699 : i32 to index
          %get3A_1701 = arith.constant 80 : index
          %get3A_1702 = tpu.vector_load %arg7[%get3A_1700, %get3A_1701] {strides = array<i32>} : memref<48x128xf32, #tpu.memory_space<vmem>>, vector<16xf32>,
          %add3A_1703 = arith.addf %add3A_1663, %get3A_1702 : vector<16xf32>
          %get3A_1704 = arith.constant 34 : i32
          %get3A_1705 = arith.index_cast %get3A_1704 : i32 to index
          %get3A_1706 = arith.constant 96 : index
          %get3A_1707 = tpu.vector_load %arg7[%get3A_1705, %get3A_1706] {strides = array<i32>} : memref<48x128xf32, #tpu.memory_space<vmem>>, vector<16xf32>,
          %add3A_1708 = arith.addf %add3A_1668, %get3A_1707 : vector<16xf32>
          %get3A_1709 = arith.constant 34 : i32
          %get3A_1710 = arith.index_cast %get3A_1709 : i32 to index
          %get3A_1711 = arith.constant 112 : index
          %get3A_1712 = tpu.vector_load %arg7[%get3A_1710, %get3A_1711] {strides = array<i32>} : memref<48x128xf32, #tpu.memory_space<vmem>>, vector<16xf32>,
          %add3A_1713 = arith.addf %add3A_1673, %get3A_1712 : vector<16xf32>
          %get3A_1714 = arith.constant 35 : i32
          %get3A_1715 = arith.index_cast %get3A_1714 : i32 to index
          %get3A_1716 = arith.constant 0 : index
          %get3A_1717 = tpu.vector_load %arg7[%get3A_1715, %get3A_1716] {strides = array<i32>} : memref<48x128xf32, #tpu.memory_space<vmem>>, vector<16xf32>,
          %add3A_1718 = arith.addf %add3A_1678, %get3A_1717 : vector<16xf32>
          %get3A_1719 = arith.constant 35 : i32
          %get3A_1720 = arith.index_cast %get3A_1719 : i32 to index
          %get3A_1721 = arith.constant 16 : index
          %get3A_1722 = tpu.vector_load %arg7[%get3A_1720, %get3A_1721] {strides = array<i32>} : memref<48x128xf32, #tpu.memory_space<vmem>>, vector<16xf32>,
          %add3A_1723 = arith.addf %add3A_1683, %get3A_1722 : vector<16xf32>
          %get3A_1724 = arith.constant 35 : i32
          %get3A_1725 = arith.index_cast %get3A_1724 : i32 to index
          %get3A_1726 = arith.constant 32 : index
          %get3A_1727 = tpu.vector_load %arg7[%get3A_1725, %get3A_1726] {strides = array<i32>} : memref<48x128xf32, #tpu.memory_space<vmem>>, vector<16xf32>,
          %add3A_1728 = arith.addf %add3A_1688, %get3A_1727 : vector<16xf32>
          %get3A_1729 = arith.constant 35 : i32
          %get3A_1730 = arith.index_cast %get3A_1729 : i32 to index
          %get3A_1731 = arith.constant 48 : index
          %get3A_1732 = tpu.vector_load %arg7[%get3A_1730, %get3A_1731] {strides = array<i32>} : memref<48x128xf32, #tpu.memory_space<vmem>>, vector<16xf32>,
          %add3A_1733 = arith.addf %add3A_1693, %get3A_1732 : vector<16xf32>
          %get3A_1734 = arith.constant 35 : i32
          %get3A_1735 = arith.index_cast %get3A_1734 : i32 to index
          %get3A_1736 = arith.constant 64 : index
          %get3A_1737 = tpu.vector_load %arg7[%get3A_1735, %get3A_1736] {strides = array<i32>} : memref<48x128xf32, #tpu.memory_space<vmem>>, vector<16xf32>,
          %add3A_1738 = arith.addf %add3A_1698, %get3A_1737 : vector<16xf32>
          %get3A_1739 = arith.constant 35 : i32
          %get3A_1740 = arith.index_cast %get3A_1739 : i32 to index
          %get3A_1741 = arith.constant 80 : index
          %get3A_1742 = tpu.vector_load %arg7[%get3A_1740, %get3A_1741] {strides = array<i32>} : memref<48x128xf32, #tpu.memory_space<vmem>>, vector<16xf32>,
          %add3A_1743 = arith.addf %add3A_1703, %get3A_1742 : vector<16xf32>
          %get3A_1744 = arith.constant 35 : i32
          %get3A_1745 = arith.index_cast %get3A_1744 : i32 to index
          %get3A_1746 = arith.constant 96 : index
          %get3A_1747 = tpu.vector_load %arg7[%get3A_1745, %get3A_1746] {strides = array<i32>} : memref<48x128xf32, #tpu.memory_space<vmem>>, vector<16xf32>,
          %add3A_1748 = arith.addf %add3A_1708, %get3A_1747 : vector<16xf32>
          %get3A_1749 = arith.constant 35 : i32
          %get3A_1750 = arith.index_cast %get3A_1749 : i32 to index
          %get3A_1751 = arith.constant 112 : index
          %get3A_1752 = tpu.vector_load %arg7[%get3A_1750, %get3A_1751] {strides = array<i32>} : memref<48x128xf32, #tpu.memory_space<vmem>>, vector<16xf32>,
          %add3A_1753 = arith.addf %add3A_1713, %get3A_1752 : vector<16xf32>
          %get3A_1754 = arith.constant 36 : i32
          %get3A_1755 = arith.index_cast %get3A_1754 : i32 to index
          %get3A_1756 = arith.constant 0 : index
          %get3A_1757 = tpu.vector_load %arg7[%get3A_1755, %get3A_1756] {strides = array<i32>} : memref<48x128xf32, #tpu.memory_space<vmem>>, vector<16xf32>,
          %add3A_1758 = arith.addf %add3A_1718, %get3A_1757 : vector<16xf32>
          %get3A_1759 = arith.constant 36 : i32
          %get3A_1760 = arith.index_cast %get3A_1759 : i32 to index
          %get3A_1761 = arith.constant 16 : index
          %get3A_1762 = tpu.vector_load %arg7[%get3A_1760, %get3A_1761] {strides = array<i32>} : memref<48x128xf32, #tpu.memory_space<vmem>>, vector<16xf32>,
          %add3A_1763 = arith.addf %add3A_1723, %get3A_1762 : vector<16xf32>
          %get3A_1764 = arith.constant 36 : i32
          %get3A_1765 = arith.index_cast %get3A_1764 : i32 to index
          %get3A_1766 = arith.constant 32 : index
          %get3A_1767 = tpu.vector_load %arg7[%get3A_1765, %get3A_1766] {strides = array<i32>} : memref<48x128xf32, #tpu.memory_space<vmem>>, vector<16xf32>,
          %add3A_1768 = arith.addf %add3A_1728, %get3A_1767 : vector<16xf32>
          %get3A_1769 = arith.constant 36 : i32
          %get3A_1770 = arith.index_cast %get3A_1769 : i32 to index
          %get3A_1771 = arith.constant 48 : index
          %get3A_1772 = tpu.vector_load %arg7[%get3A_1770, %get3A_1771] {strides = array<i32>} : memref<48x128xf32, #tpu.memory_space<vmem>>, vector<16xf32>,
          %add3A_1773 = arith.addf %add3A_1733, %get3A_1772 : vector<16xf32>
          %get3A_1774 = arith.constant 36 : i32
          %get3A_1775 = arith.index_cast %get3A_1774 : i32 to index
          %get3A_1776 = arith.constant 64 : index
          %get3A_1777 = tpu.vector_load %arg7[%get3A_1775, %get3A_1776] {strides = array<i32>} : memref<48x128xf32, #tpu.memory_space<vmem>>, vector<16xf32>,
          %add3A_1778 = arith.addf %add3A_1738, %get3A_1777 : vector<16xf32>
          %get3A_1779 = arith.constant 36 : i32
          %get3A_1780 = arith.index_cast %get3A_1779 : i32 to index
          %get3A_1781 = arith.constant 80 : index
          %get3A_1782 = tpu.vector_load %arg7[%get3A_1780, %get3A_1781] {strides = array<i32>} : memref<48x128xf32, #tpu.memory_space<vmem>>, vector<16xf32>,
          %add3A_1783 = arith.addf %add3A_1743, %get3A_1782 : vector<16xf32>
          %get3A_1784 = arith.constant 36 : i32
          %get3A_1785 = arith.index_cast %get3A_1784 : i32 to index
          %get3A_1786 = arith.constant 96 : index
          %get3A_1787 = tpu.vector_load %arg7[%get3A_1785, %get3A_1786] {strides = array<i32>} : memref<48x128xf32, #tpu.memory_space<vmem>>, vector<16xf32>,
          %add3A_1788 = arith.addf %add3A_1748, %get3A_1787 : vector<16xf32>
          %get3A_1789 = arith.constant 36 : i32
          %get3A_1790 = arith.index_cast %get3A_1789 : i32 to index
          %get3A_1791 = arith.constant 112 : index
          %get3A_1792 = tpu.vector_load %arg7[%get3A_1790, %get3A_1791] {strides = array<i32>} : memref<48x128xf32, #tpu.memory_space<vmem>>, vector<16xf32>,
          %add3A_1793 = arith.addf %add3A_1753, %get3A_1792 : vector<16xf32>
          %get3A_1794 = arith.constant 37 : i32
          %get3A_1795 = arith.index_cast %get3A_1794 : i32 to index
          %get3A_1796 = arith.constant 0 : index
          %get3A_1797 = tpu.vector_load %arg7[%get3A_1795, %get3A_1796] {strides = array<i32>} : memref<48x128xf32, #tpu.memory_space<vmem>>, vector<16xf32>,
          %add3A_1798 = arith.addf %add3A_1758, %get3A_1797 : vector<16xf32>
          %get3A_1799 = arith.constant 37 : i32
          %get3A_1800 = arith.index_cast %get3A_1799 : i32 to index
          %get3A_1801 = arith.constant 16 : index
          %get3A_1802 = tpu.vector_load %arg7[%get3A_1800, %get3A_1801] {strides = array<i32>} : memref<48x128xf32, #tpu.memory_space<vmem>>, vector<16xf32>,
          %add3A_1803 = arith.addf %add3A_1763, %get3A_1802 : vector<16xf32>
          %get3A_1804 = arith.constant 37 : i32
          %get3A_1805 = arith.index_cast %get3A_1804 : i32 to index
          %get3A_1806 = arith.constant 32 : index
          %get3A_1807 = tpu.vector_load %arg7[%get3A_1805, %get3A_1806] {strides = array<i32>} : memref<48x128xf32, #tpu.memory_space<vmem>>, vector<16xf32>,
          %add3A_1808 = arith.addf %add3A_1768, %get3A_1807 : vector<16xf32>
          %get3A_1809 = arith.constant 37 : i32
          %get3A_1810 = arith.index_cast %get3A_1809 : i32 to index
          %get3A_1811 = arith.constant 48 : index
          %get3A_1812 = tpu.vector_load %arg7[%get3A_1810, %get3A_1811] {strides = array<i32>} : memref<48x128xf32, #tpu.memory_space<vmem>>, vector<16xf32>,
          %add3A_1813 = arith.addf %add3A_1773, %get3A_1812 : vector<16xf32>
          %get3A_1814 = arith.constant 37 : i32
          %get3A_1815 = arith.index_cast %get3A_1814 : i32 to index
          %get3A_1816 = arith.constant 64 : index
          %get3A_1817 = tpu.vector_load %arg7[%get3A_1815, %get3A_1816] {strides = array<i32>} : memref<48x128xf32, #tpu.memory_space<vmem>>, vector<16xf32>,
          %add3A_1818 = arith.addf %add3A_1778, %get3A_1817 : vector<16xf32>
          %get3A_1819 = arith.constant 37 : i32
          %get3A_1820 = arith.index_cast %get3A_1819 : i32 to index
          %get3A_1821 = arith.constant 80 : index
          %get3A_1822 = tpu.vector_load %arg7[%get3A_1820, %get3A_1821] {strides = array<i32>} : memref<48x128xf32, #tpu.memory_space<vmem>>, vector<16xf32>,
          %add3A_1823 = arith.addf %add3A_1783, %get3A_1822 : vector<16xf32>
          %get3A_1824 = arith.constant 37 : i32
          %get3A_1825 = arith.index_cast %get3A_1824 : i32 to index
          %get3A_1826 = arith.constant 96 : index
          %get3A_1827 = tpu.vector_load %arg7[%get3A_1825, %get3A_1826] {strides = array<i32>} : memref<48x128xf32, #tpu.memory_space<vmem>>, vector<16xf32>,
          %add3A_1828 = arith.addf %add3A_1788, %get3A_1827 : vector<16xf32>
          %get3A_1829 = arith.constant 37 : i32
          %get3A_1830 = arith.index_cast %get3A_1829 : i32 to index
          %get3A_1831 = arith.constant 112 : index
          %get3A_1832 = tpu.vector_load %arg7[%get3A_1830, %get3A_1831] {strides = array<i32>} : memref<48x128xf32, #tpu.memory_space<vmem>>, vector<16xf32>,
          %add3A_1833 = arith.addf %add3A_1793, %get3A_1832 : vector<16xf32>
          %get3A_1834 = arith.constant 38 : i32
          %get3A_1835 = arith.index_cast %get3A_1834 : i32 to index
          %get3A_1836 = arith.constant 0 : index
          %get3A_1837 = tpu.vector_load %arg7[%get3A_1835, %get3A_1836] {strides = array<i32>} : memref<48x128xf32, #tpu.memory_space<vmem>>, vector<16xf32>,
          %add3A_1838 = arith.addf %add3A_1798, %get3A_1837 : vector<16xf32>
          %get3A_1839 = arith.constant 38 : i32
          %get3A_1840 = arith.index_cast %get3A_1839 : i32 to index
          %get3A_1841 = arith.constant 16 : index
          %get3A_1842 = tpu.vector_load %arg7[%get3A_1840, %get3A_1841] {strides = array<i32>} : memref<48x128xf32, #tpu.memory_space<vmem>>, vector<16xf32>,
          %add3A_1843 = arith.addf %add3A_1803, %get3A_1842 : vector<16xf32>
          %get3A_1844 = arith.constant 38 : i32
          %get3A_1845 = arith.index_cast %get3A_1844 : i32 to index
          %get3A_1846 = arith.constant 32 : index
          %get3A_1847 = tpu.vector_load %arg7[%get3A_1845, %get3A_1846] {strides = array<i32>} : memref<48x128xf32, #tpu.memory_space<vmem>>, vector<16xf32>,
          %add3A_1848 = arith.addf %add3A_1808, %get3A_1847 : vector<16xf32>
          %get3A_1849 = arith.constant 38 : i32
          %get3A_1850 = arith.index_cast %get3A_1849 : i32 to index
          %get3A_1851 = arith.constant 48 : index
          %get3A_1852 = tpu.vector_load %arg7[%get3A_1850, %get3A_1851] {strides = array<i32>} : memref<48x128xf32, #tpu.memory_space<vmem>>, vector<16xf32>,
          %add3A_1853 = arith.addf %add3A_1813, %get3A_1852 : vector<16xf32>
          %get3A_1854 = arith.constant 38 : i32
          %get3A_1855 = arith.index_cast %get3A_1854 : i32 to index
          %get3A_1856 = arith.constant 64 : index
          %get3A_1857 = tpu.vector_load %arg7[%get3A_1855, %get3A_1856] {strides = array<i32>} : memref<48x128xf32, #tpu.memory_space<vmem>>, vector<16xf32>,
          %add3A_1858 = arith.addf %add3A_1818, %get3A_1857 : vector<16xf32>
          %get3A_1859 = arith.constant 38 : i32
          %get3A_1860 = arith.index_cast %get3A_1859 : i32 to index
          %get3A_1861 = arith.constant 80 : index
          %get3A_1862 = tpu.vector_load %arg7[%get3A_1860, %get3A_1861] {strides = array<i32>} : memref<48x128xf32, #tpu.memory_space<vmem>>, vector<16xf32>,
          %add3A_1863 = arith.addf %add3A_1823, %get3A_1862 : vector<16xf32>
          %get3A_1864 = arith.constant 38 : i32
          %get3A_1865 = arith.index_cast %get3A_1864 : i32 to index
          %get3A_1866 = arith.constant 96 : index
          %get3A_1867 = tpu.vector_load %arg7[%get3A_1865, %get3A_1866] {strides = array<i32>} : memref<48x128xf32, #tpu.memory_space<vmem>>, vector<16xf32>,
          %add3A_1868 = arith.addf %add3A_1828, %get3A_1867 : vector<16xf32>
          %get3A_1869 = arith.constant 38 : i32
          %get3A_1870 = arith.index_cast %get3A_1869 : i32 to index
          %get3A_1871 = arith.constant 112 : index
          %get3A_1872 = tpu.vector_load %arg7[%get3A_1870, %get3A_1871] {strides = array<i32>} : memref<48x128xf32, #tpu.memory_space<vmem>>, vector<16xf32>,
          %add3A_1873 = arith.addf %add3A_1833, %get3A_1872 : vector<16xf32>
          %get3A_1874 = arith.constant 39 : i32
          %get3A_1875 = arith.index_cast %get3A_1874 : i32 to index
          %get3A_1876 = arith.constant 0 : index
          %get3A_1877 = tpu.vector_load %arg7[%get3A_1875, %get3A_1876] {strides = array<i32>} : memref<48x128xf32, #tpu.memory_space<vmem>>, vector<16xf32>,
          %add3A_1878 = arith.addf %add3A_1838, %get3A_1877 : vector<16xf32>
          %get3A_1879 = arith.constant 39 : i32
          %get3A_1880 = arith.index_cast %get3A_1879 : i32 to index
          %get3A_1881 = arith.constant 16 : index
          %get3A_1882 = tpu.vector_load %arg7[%get3A_1880, %get3A_1881] {strides = array<i32>} : memref<48x128xf32, #tpu.memory_space<vmem>>, vector<16xf32>,
          %add3A_1883 = arith.addf %add3A_1843, %get3A_1882 : vector<16xf32>
          %get3A_1884 = arith.constant 39 : i32
          %get3A_1885 = arith.index_cast %get3A_1884 : i32 to index
          %get3A_1886 = arith.constant 32 : index
          %get3A_1887 = tpu.vector_load %arg7[%get3A_1885, %get3A_1886] {strides = array<i32>} : memref<48x128xf32, #tpu.memory_space<vmem>>, vector<16xf32>,
          %add3A_1888 = arith.addf %add3A_1848, %get3A_1887 : vector<16xf32>
          %get3A_1889 = arith.constant 39 : i32
          %get3A_1890 = arith.index_cast %get3A_1889 : i32 to index
          %get3A_1891 = arith.constant 48 : index
          %get3A_1892 = tpu.vector_load %arg7[%get3A_1890, %get3A_1891] {strides = array<i32>} : memref<48x128xf32, #tpu.memory_space<vmem>>, vector<16xf32>,
          %add3A_1893 = arith.addf %add3A_1853, %get3A_1892 : vector<16xf32>
          %get3A_1894 = arith.constant 39 : i32
          %get3A_1895 = arith.index_cast %get3A_1894 : i32 to index
          %get3A_1896 = arith.constant 64 : index
          %get3A_1897 = tpu.vector_load %arg7[%get3A_1895, %get3A_1896] {strides = array<i32>} : memref<48x128xf32, #tpu.memory_space<vmem>>, vector<16xf32>,
          %add3A_1898 = arith.addf %add3A_1858, %get3A_1897 : vector<16xf32>
          %get3A_1899 = arith.constant 39 : i32
          %get3A_1900 = arith.index_cast %get3A_1899 : i32 to index
          %get3A_1901 = arith.constant 80 : index
          %get3A_1902 = tpu.vector_load %arg7[%get3A_1900, %get3A_1901] {strides = array<i32>} : memref<48x128xf32, #tpu.memory_space<vmem>>, vector<16xf32>,
          %add3A_1903 = arith.addf %add3A_1863, %get3A_1902 : vector<16xf32>
          %get3A_1904 = arith.constant 39 : i32
          %get3A_1905 = arith.index_cast %get3A_1904 : i32 to index
          %get3A_1906 = arith.constant 96 : index
          %get3A_1907 = tpu.vector_load %arg7[%get3A_1905, %get3A_1906] {strides = array<i32>} : memref<48x128xf32, #tpu.memory_space<vmem>>, vector<16xf32>,
          %add3A_1908 = arith.addf %add3A_1868, %get3A_1907 : vector<16xf32>
          %get3A_1909 = arith.constant 39 : i32
          %get3A_1910 = arith.index_cast %get3A_1909 : i32 to index
          %get3A_1911 = arith.constant 112 : index
          %get3A_1912 = tpu.vector_load %arg7[%get3A_1910, %get3A_1911] {strides = array<i32>} : memref<48x128xf32, #tpu.memory_space<vmem>>, vector<16xf32>,
          %add3A_1913 = arith.addf %add3A_1873, %get3A_1912 : vector<16xf32>
          %get3A_1914 = arith.constant 40 : i32
          %get3A_1915 = arith.index_cast %get3A_1914 : i32 to index
          %get3A_1916 = arith.constant 0 : index
          %get3A_1917 = tpu.vector_load %arg7[%get3A_1915, %get3A_1916] {strides = array<i32>} : memref<48x128xf32, #tpu.memory_space<vmem>>, vector<16xf32>,
          %add3A_1918 = arith.addf %add3A_1878, %get3A_1917 : vector<16xf32>
          %get3A_1919 = arith.constant 40 : i32
          %get3A_1920 = arith.index_cast %get3A_1919 : i32 to index
          %get3A_1921 = arith.constant 16 : index
          %get3A_1922 = tpu.vector_load %arg7[%get3A_1920, %get3A_1921] {strides = array<i32>} : memref<48x128xf32, #tpu.memory_space<vmem>>, vector<16xf32>,
          %add3A_1923 = arith.addf %add3A_1883, %get3A_1922 : vector<16xf32>
          %get3A_1924 = arith.constant 40 : i32
          %get3A_1925 = arith.index_cast %get3A_1924 : i32 to index
          %get3A_1926 = arith.constant 32 : index
          %get3A_1927 = tpu.vector_load %arg7[%get3A_1925, %get3A_1926] {strides = array<i32>} : memref<48x128xf32, #tpu.memory_space<vmem>>, vector<16xf32>,
          %add3A_1928 = arith.addf %add3A_1888, %get3A_1927 : vector<16xf32>
          %get3A_1929 = arith.constant 40 : i32
          %get3A_1930 = arith.index_cast %get3A_1929 : i32 to index
          %get3A_1931 = arith.constant 48 : index
          %get3A_1932 = tpu.vector_load %arg7[%get3A_1930, %get3A_1931] {strides = array<i32>} : memref<48x128xf32, #tpu.memory_space<vmem>>, vector<16xf32>,
          %add3A_1933 = arith.addf %add3A_1893, %get3A_1932 : vector<16xf32>
          %get3A_1934 = arith.constant 40 : i32
          %get3A_1935 = arith.index_cast %get3A_1934 : i32 to index
          %get3A_1936 = arith.constant 64 : index
          %get3A_1937 = tpu.vector_load %arg7[%get3A_1935, %get3A_1936] {strides = array<i32>} : memref<48x128xf32, #tpu.memory_space<vmem>>, vector<16xf32>,
          %add3A_1938 = arith.addf %add3A_1898, %get3A_1937 : vector<16xf32>
          %get3A_1939 = arith.constant 40 : i32
          %get3A_1940 = arith.index_cast %get3A_1939 : i32 to index
          %get3A_1941 = arith.constant 80 : index
          %get3A_1942 = tpu.vector_load %arg7[%get3A_1940, %get3A_1941] {strides = array<i32>} : memref<48x128xf32, #tpu.memory_space<vmem>>, vector<16xf32>,
          %add3A_1943 = arith.addf %add3A_1903, %get3A_1942 : vector<16xf32>
          %get3A_1944 = arith.constant 40 : i32
          %get3A_1945 = arith.index_cast %get3A_1944 : i32 to index
          %get3A_1946 = arith.constant 96 : index
          %get3A_1947 = tpu.vector_load %arg7[%get3A_1945, %get3A_1946] {strides = array<i32>} : memref<48x128xf32, #tpu.memory_space<vmem>>, vector<16xf32>,
          %add3A_1948 = arith.addf %add3A_1908, %get3A_1947 : vector<16xf32>
          %get3A_1949 = arith.constant 40 : i32
          %get3A_1950 = arith.index_cast %get3A_1949 : i32 to index
          %get3A_1951 = arith.constant 112 : index
          %get3A_1952 = tpu.vector_load %arg7[%get3A_1950, %get3A_1951] {strides = array<i32>} : memref<48x128xf32, #tpu.memory_space<vmem>>, vector<16xf32>,
          %add3A_1953 = arith.addf %add3A_1913, %get3A_1952 : vector<16xf32>
          %get3A_1954 = arith.constant 41 : i32
          %get3A_1955 = arith.index_cast %get3A_1954 : i32 to index
          %get3A_1956 = arith.constant 0 : index
          %get3A_1957 = tpu.vector_load %arg7[%get3A_1955, %get3A_1956] {strides = array<i32>} : memref<48x128xf32, #tpu.memory_space<vmem>>, vector<16xf32>,
          %add3A_1958 = arith.addf %add3A_1918, %get3A_1957 : vector<16xf32>
          %get3A_1959 = arith.constant 41 : i32
          %get3A_1960 = arith.index_cast %get3A_1959 : i32 to index
          %get3A_1961 = arith.constant 16 : index
          %get3A_1962 = tpu.vector_load %arg7[%get3A_1960, %get3A_1961] {strides = array<i32>} : memref<48x128xf32, #tpu.memory_space<vmem>>, vector<16xf32>,
          %add3A_1963 = arith.addf %add3A_1923, %get3A_1962 : vector<16xf32>
          %get3A_1964 = arith.constant 41 : i32
          %get3A_1965 = arith.index_cast %get3A_1964 : i32 to index
          %get3A_1966 = arith.constant 32 : index
          %get3A_1967 = tpu.vector_load %arg7[%get3A_1965, %get3A_1966] {strides = array<i32>} : memref<48x128xf32, #tpu.memory_space<vmem>>, vector<16xf32>,
          %add3A_1968 = arith.addf %add3A_1928, %get3A_1967 : vector<16xf32>
          %get3A_1969 = arith.constant 41 : i32
          %get3A_1970 = arith.index_cast %get3A_1969 : i32 to index
          %get3A_1971 = arith.constant 48 : index
          %get3A_1972 = tpu.vector_load %arg7[%get3A_1970, %get3A_1971] {strides = array<i32>} : memref<48x128xf32, #tpu.memory_space<vmem>>, vector<16xf32>,
          %add3A_1973 = arith.addf %add3A_1933, %get3A_1972 : vector<16xf32>
          %get3A_1974 = arith.constant 41 : i32
          %get3A_1975 = arith.index_cast %get3A_1974 : i32 to index
          %get3A_1976 = arith.constant 64 : index
          %get3A_1977 = tpu.vector_load %arg7[%get3A_1975, %get3A_1976] {strides = array<i32>} : memref<48x128xf32, #tpu.memory_space<vmem>>, vector<16xf32>,
          %add3A_1978 = arith.addf %add3A_1938, %get3A_1977 : vector<16xf32>
          %get3A_1979 = arith.constant 41 : i32
          %get3A_1980 = arith.index_cast %get3A_1979 : i32 to index
          %get3A_1981 = arith.constant 80 : index
          %get3A_1982 = tpu.vector_load %arg7[%get3A_1980, %get3A_1981] {strides = array<i32>} : memref<48x128xf32, #tpu.memory_space<vmem>>, vector<16xf32>,
          %add3A_1983 = arith.addf %add3A_1943, %get3A_1982 : vector<16xf32>
          %get3A_1984 = arith.constant 41 : i32
          %get3A_1985 = arith.index_cast %get3A_1984 : i32 to index
          %get3A_1986 = arith.constant 96 : index
          %get3A_1987 = tpu.vector_load %arg7[%get3A_1985, %get3A_1986] {strides = array<i32>} : memref<48x128xf32, #tpu.memory_space<vmem>>, vector<16xf32>,
          %add3A_1988 = arith.addf %add3A_1948, %get3A_1987 : vector<16xf32>
          %get3A_1989 = arith.constant 41 : i32
          %get3A_1990 = arith.index_cast %get3A_1989 : i32 to index
          %get3A_1991 = arith.constant 112 : index
          %get3A_1992 = tpu.vector_load %arg7[%get3A_1990, %get3A_1991] {strides = array<i32>} : memref<48x128xf32, #tpu.memory_space<vmem>>, vector<16xf32>,
          %add3A_1993 = arith.addf %add3A_1953, %get3A_1992 : vector<16xf32>
          %get3A_1994 = arith.constant 42 : i32
          %get3A_1995 = arith.index_cast %get3A_1994 : i32 to index
          %get3A_1996 = arith.constant 0 : index
          %get3A_1997 = tpu.vector_load %arg7[%get3A_1995, %get3A_1996] {strides = array<i32>} : memref<48x128xf32, #tpu.memory_space<vmem>>, vector<16xf32>,
          %add3A_1998 = arith.addf %add3A_1958, %get3A_1997 : vector<16xf32>
          %get3A_1999 = arith.constant 42 : i32
          %get3A_2000 = arith.index_cast %get3A_1999 : i32 to index
          %get3A_2001 = arith.constant 16 : index
          %get3A_2002 = tpu.vector_load %arg7[%get3A_2000, %get3A_2001] {strides = array<i32>} : memref<48x128xf32, #tpu.memory_space<vmem>>, vector<16xf32>,
          %add3A_2003 = arith.addf %add3A_1963, %get3A_2002 : vector<16xf32>
          %get3A_2004 = arith.constant 42 : i32
          %get3A_2005 = arith.index_cast %get3A_2004 : i32 to index
          %get3A_2006 = arith.constant 32 : index
          %get3A_2007 = tpu.vector_load %arg7[%get3A_2005, %get3A_2006] {strides = array<i32>} : memref<48x128xf32, #tpu.memory_space<vmem>>, vector<16xf32>,
          %add3A_2008 = arith.addf %add3A_1968, %get3A_2007 : vector<16xf32>
          %get3A_2009 = arith.constant 42 : i32
          %get3A_2010 = arith.index_cast %get3A_2009 : i32 to index
          %get3A_2011 = arith.constant 48 : index
          %get3A_2012 = tpu.vector_load %arg7[%get3A_2010, %get3A_2011] {strides = array<i32>} : memref<48x128xf32, #tpu.memory_space<vmem>>, vector<16xf32>,
          %add3A_2013 = arith.addf %add3A_1973, %get3A_2012 : vector<16xf32>
          %get3A_2014 = arith.constant 42 : i32
          %get3A_2015 = arith.index_cast %get3A_2014 : i32 to index
          %get3A_2016 = arith.constant 64 : index
          %get3A_2017 = tpu.vector_load %arg7[%get3A_2015, %get3A_2016] {strides = array<i32>} : memref<48x128xf32, #tpu.memory_space<vmem>>, vector<16xf32>,
          %add3A_2018 = arith.addf %add3A_1978, %get3A_2017 : vector<16xf32>
          %get3A_2019 = arith.constant 42 : i32
          %get3A_2020 = arith.index_cast %get3A_2019 : i32 to index
          %get3A_2021 = arith.constant 80 : index
          %get3A_2022 = tpu.vector_load %arg7[%get3A_2020, %get3A_2021] {strides = array<i32>} : memref<48x128xf32, #tpu.memory_space<vmem>>, vector<16xf32>,
          %add3A_2023 = arith.addf %add3A_1983, %get3A_2022 : vector<16xf32>
          %get3A_2024 = arith.constant 42 : i32
          %get3A_2025 = arith.index_cast %get3A_2024 : i32 to index
          %get3A_2026 = arith.constant 96 : index
          %get3A_2027 = tpu.vector_load %arg7[%get3A_2025, %get3A_2026] {strides = array<i32>} : memref<48x128xf32, #tpu.memory_space<vmem>>, vector<16xf32>,
          %add3A_2028 = arith.addf %add3A_1988, %get3A_2027 : vector<16xf32>
          %get3A_2029 = arith.constant 42 : i32
          %get3A_2030 = arith.index_cast %get3A_2029 : i32 to index
          %get3A_2031 = arith.constant 112 : index
          %get3A_2032 = tpu.vector_load %arg7[%get3A_2030, %get3A_2031] {strides = array<i32>} : memref<48x128xf32, #tpu.memory_space<vmem>>, vector<16xf32>,
          %add3A_2033 = arith.addf %add3A_1993, %get3A_2032 : vector<16xf32>
          %get3A_2034 = arith.constant 43 : i32
          %get3A_2035 = arith.index_cast %get3A_2034 : i32 to index
          %get3A_2036 = arith.constant 0 : index
          %get3A_2037 = tpu.vector_load %arg7[%get3A_2035, %get3A_2036] {strides = array<i32>} : memref<48x128xf32, #tpu.memory_space<vmem>>, vector<16xf32>,
          %add3A_2038 = arith.addf %add3A_1998, %get3A_2037 : vector<16xf32>
          %get3A_2039 = arith.constant 43 : i32
          %get3A_2040 = arith.index_cast %get3A_2039 : i32 to index
          %get3A_2041 = arith.constant 16 : index
          %get3A_2042 = tpu.vector_load %arg7[%get3A_2040, %get3A_2041] {strides = array<i32>} : memref<48x128xf32, #tpu.memory_space<vmem>>, vector<16xf32>,
          %add3A_2043 = arith.addf %add3A_2003, %get3A_2042 : vector<16xf32>
          %get3A_2044 = arith.constant 43 : i32
          %get3A_2045 = arith.index_cast %get3A_2044 : i32 to index
          %get3A_2046 = arith.constant 32 : index
          %get3A_2047 = tpu.vector_load %arg7[%get3A_2045, %get3A_2046] {strides = array<i32>} : memref<48x128xf32, #tpu.memory_space<vmem>>, vector<16xf32>,
          %add3A_2048 = arith.addf %add3A_2008, %get3A_2047 : vector<16xf32>
          %get3A_2049 = arith.constant 43 : i32
          %get3A_2050 = arith.index_cast %get3A_2049 : i32 to index
          %get3A_2051 = arith.constant 48 : index
          %get3A_2052 = tpu.vector_load %arg7[%get3A_2050, %get3A_2051] {strides = array<i32>} : memref<48x128xf32, #tpu.memory_space<vmem>>, vector<16xf32>,
          %add3A_2053 = arith.addf %add3A_2013, %get3A_2052 : vector<16xf32>
          %get3A_2054 = arith.constant 43 : i32
          %get3A_2055 = arith.index_cast %get3A_2054 : i32 to index
          %get3A_2056 = arith.constant 64 : index
          %get3A_2057 = tpu.vector_load %arg7[%get3A_2055, %get3A_2056] {strides = array<i32>} : memref<48x128xf32, #tpu.memory_space<vmem>>, vector<16xf32>,
          %add3A_2058 = arith.addf %add3A_2018, %get3A_2057 : vector<16xf32>
          %get3A_2059 = arith.constant 43 : i32
          %get3A_2060 = arith.index_cast %get3A_2059 : i32 to index
          %get3A_2061 = arith.constant 80 : index
          %get3A_2062 = tpu.vector_load %arg7[%get3A_2060, %get3A_2061] {strides = array<i32>} : memref<48x128xf32, #tpu.memory_space<vmem>>, vector<16xf32>,
          %add3A_2063 = arith.addf %add3A_2023, %get3A_2062 : vector<16xf32>
          %get3A_2064 = arith.constant 43 : i32
          %get3A_2065 = arith.index_cast %get3A_2064 : i32 to index
          %get3A_2066 = arith.constant 96 : index
          %get3A_2067 = tpu.vector_load %arg7[%get3A_2065, %get3A_2066] {strides = array<i32>} : memref<48x128xf32, #tpu.memory_space<vmem>>, vector<16xf32>,
          %add3A_2068 = arith.addf %add3A_2028, %get3A_2067 : vector<16xf32>
          %get3A_2069 = arith.constant 43 : i32
          %get3A_2070 = arith.index_cast %get3A_2069 : i32 to index
          %get3A_2071 = arith.constant 112 : index
          %get3A_2072 = tpu.vector_load %arg7[%get3A_2070, %get3A_2071] {strides = array<i32>} : memref<48x128xf32, #tpu.memory_space<vmem>>, vector<16xf32>,
          %add3A_2073 = arith.addf %add3A_2033, %get3A_2072 : vector<16xf32>
          %get3A_2074 = arith.constant 44 : i32
          %get3A_2075 = arith.index_cast %get3A_2074 : i32 to index
          %get3A_2076 = arith.constant 0 : index
          %get3A_2077 = tpu.vector_load %arg7[%get3A_2075, %get3A_2076] {strides = array<i32>} : memref<48x128xf32, #tpu.memory_space<vmem>>, vector<16xf32>,
          %add3A_2078 = arith.addf %add3A_2038, %get3A_2077 : vector<16xf32>
          %get3A_2079 = arith.constant 44 : i32
          %get3A_2080 = arith.index_cast %get3A_2079 : i32 to index
          %get3A_2081 = arith.constant 16 : index
          %get3A_2082 = tpu.vector_load %arg7[%get3A_2080, %get3A_2081] {strides = array<i32>} : memref<48x128xf32, #tpu.memory_space<vmem>>, vector<16xf32>,
          %add3A_2083 = arith.addf %add3A_2043, %get3A_2082 : vector<16xf32>
          %get3A_2084 = arith.constant 44 : i32
          %get3A_2085 = arith.index_cast %get3A_2084 : i32 to index
          %get3A_2086 = arith.constant 32 : index
          %get3A_2087 = tpu.vector_load %arg7[%get3A_2085, %get3A_2086] {strides = array<i32>} : memref<48x128xf32, #tpu.memory_space<vmem>>, vector<16xf32>,
          %add3A_2088 = arith.addf %add3A_2048, %get3A_2087 : vector<16xf32>
          %get3A_2089 = arith.constant 44 : i32
          %get3A_2090 = arith.index_cast %get3A_2089 : i32 to index
          %get3A_2091 = arith.constant 48 : index
          %get3A_2092 = tpu.vector_load %arg7[%get3A_2090, %get3A_2091] {strides = array<i32>} : memref<48x128xf32, #tpu.memory_space<vmem>>, vector<16xf32>,
          %add3A_2093 = arith.addf %add3A_2053, %get3A_2092 : vector<16xf32>
          %get3A_2094 = arith.constant 44 : i32
          %get3A_2095 = arith.index_cast %get3A_2094 : i32 to index
          %get3A_2096 = arith.constant 64 : index
          %get3A_2097 = tpu.vector_load %arg7[%get3A_2095, %get3A_2096] {strides = array<i32>} : memref<48x128xf32, #tpu.memory_space<vmem>>, vector<16xf32>,
          %add3A_2098 = arith.addf %add3A_2058, %get3A_2097 : vector<16xf32>
          %get3A_2099 = arith.constant 44 : i32
          %get3A_2100 = arith.index_cast %get3A_2099 : i32 to index
          %get3A_2101 = arith.constant 80 : index
          %get3A_2102 = tpu.vector_load %arg7[%get3A_2100, %get3A_2101] {strides = array<i32>} : memref<48x128xf32, #tpu.memory_space<vmem>>, vector<16xf32>,
          %add3A_2103 = arith.addf %add3A_2063, %get3A_2102 : vector<16xf32>
          %get3A_2104 = arith.constant 44 : i32
          %get3A_2105 = arith.index_cast %get3A_2104 : i32 to index
          %get3A_2106 = arith.constant 96 : index
          %get3A_2107 = tpu.vector_load %arg7[%get3A_2105, %get3A_2106] {strides = array<i32>} : memref<48x128xf32, #tpu.memory_space<vmem>>, vector<16xf32>,
          %add3A_2108 = arith.addf %add3A_2068, %get3A_2107 : vector<16xf32>
          %get3A_2109 = arith.constant 44 : i32
          %get3A_2110 = arith.index_cast %get3A_2109 : i32 to index
          %get3A_2111 = arith.constant 112 : index
          %get3A_2112 = tpu.vector_load %arg7[%get3A_2110, %get3A_2111] {strides = array<i32>} : memref<48x128xf32, #tpu.memory_space<vmem>>, vector<16xf32>,
          %add3A_2113 = arith.addf %add3A_2073, %get3A_2112 : vector<16xf32>
          %get3A_2114 = arith.constant 45 : i32
          %get3A_2115 = arith.index_cast %get3A_2114 : i32 to index
          %get3A_2116 = arith.constant 0 : index
          %get3A_2117 = tpu.vector_load %arg7[%get3A_2115, %get3A_2116] {strides = array<i32>} : memref<48x128xf32, #tpu.memory_space<vmem>>, vector<16xf32>,
          %add3A_2118 = arith.addf %add3A_2078, %get3A_2117 : vector<16xf32>
          %get3A_2119 = arith.constant 45 : i32
          %get3A_2120 = arith.index_cast %get3A_2119 : i32 to index
          %get3A_2121 = arith.constant 16 : index
          %get3A_2122 = tpu.vector_load %arg7[%get3A_2120, %get3A_2121] {strides = array<i32>} : memref<48x128xf32, #tpu.memory_space<vmem>>, vector<16xf32>,
          %add3A_2123 = arith.addf %add3A_2083, %get3A_2122 : vector<16xf32>
          %get3A_2124 = arith.constant 45 : i32
          %get3A_2125 = arith.index_cast %get3A_2124 : i32 to index
          %get3A_2126 = arith.constant 32 : index
          %get3A_2127 = tpu.vector_load %arg7[%get3A_2125, %get3A_2126] {strides = array<i32>} : memref<48x128xf32, #tpu.memory_space<vmem>>, vector<16xf32>,
          %add3A_2128 = arith.addf %add3A_2088, %get3A_2127 : vector<16xf32>
          %get3A_2129 = arith.constant 45 : i32
          %get3A_2130 = arith.index_cast %get3A_2129 : i32 to index
          %get3A_2131 = arith.constant 48 : index
          %get3A_2132 = tpu.vector_load %arg7[%get3A_2130, %get3A_2131] {strides = array<i32>} : memref<48x128xf32, #tpu.memory_space<vmem>>, vector<16xf32>,
          %add3A_2133 = arith.addf %add3A_2093, %get3A_2132 : vector<16xf32>
          %get3A_2134 = arith.constant 45 : i32
          %get3A_2135 = arith.index_cast %get3A_2134 : i32 to index
          %get3A_2136 = arith.constant 64 : index
          %get3A_2137 = tpu.vector_load %arg7[%get3A_2135, %get3A_2136] {strides = array<i32>} : memref<48x128xf32, #tpu.memory_space<vmem>>, vector<16xf32>,
          %add3A_2138 = arith.addf %add3A_2098, %get3A_2137 : vector<16xf32>
          %get3A_2139 = arith.constant 45 : i32
          %get3A_2140 = arith.index_cast %get3A_2139 : i32 to index
          %get3A_2141 = arith.constant 80 : index
          %get3A_2142 = tpu.vector_load %arg7[%get3A_2140, %get3A_2141] {strides = array<i32>} : memref<48x128xf32, #tpu.memory_space<vmem>>, vector<16xf32>,
          %add3A_2143 = arith.addf %add3A_2103, %get3A_2142 : vector<16xf32>
          %get3A_2144 = arith.constant 45 : i32
          %get3A_2145 = arith.index_cast %get3A_2144 : i32 to index
          %get3A_2146 = arith.constant 96 : index
          %get3A_2147 = tpu.vector_load %arg7[%get3A_2145, %get3A_2146] {strides = array<i32>} : memref<48x128xf32, #tpu.memory_space<vmem>>, vector<16xf32>,
          %add3A_2148 = arith.addf %add3A_2108, %get3A_2147 : vector<16xf32>
          %get3A_2149 = arith.constant 45 : i32
          %get3A_2150 = arith.index_cast %get3A_2149 : i32 to index
          %get3A_2151 = arith.constant 112 : index
          %get3A_2152 = tpu.vector_load %arg7[%get3A_2150, %get3A_2151] {strides = array<i32>} : memref<48x128xf32, #tpu.memory_space<vmem>>, vector<16xf32>,
          %add3A_2153 = arith.addf %add3A_2113, %get3A_2152 : vector<16xf32>
          %get3A_2154 = arith.constant 46 : i32
          %get3A_2155 = arith.index_cast %get3A_2154 : i32 to index
          %get3A_2156 = arith.constant 0 : index
          %get3A_2157 = tpu.vector_load %arg7[%get3A_2155, %get3A_2156] {strides = array<i32>} : memref<48x128xf32, #tpu.memory_space<vmem>>, vector<16xf32>,
          %add3A_2158 = arith.addf %add3A_2118, %get3A_2157 : vector<16xf32>
          %get3A_2159 = arith.constant 46 : i32
          %get3A_2160 = arith.index_cast %get3A_2159 : i32 to index
          %get3A_2161 = arith.constant 16 : index
          %get3A_2162 = tpu.vector_load %arg7[%get3A_2160, %get3A_2161] {strides = array<i32>} : memref<48x128xf32, #tpu.memory_space<vmem>>, vector<16xf32>,
          %add3A_2163 = arith.addf %add3A_2123, %get3A_2162 : vector<16xf32>
          %get3A_2164 = arith.constant 46 : i32
          %get3A_2165 = arith.index_cast %get3A_2164 : i32 to index
          %get3A_2166 = arith.constant 32 : index
          %get3A_2167 = tpu.vector_load %arg7[%get3A_2165, %get3A_2166] {strides = array<i32>} : memref<48x128xf32, #tpu.memory_space<vmem>>, vector<16xf32>,
          %add3A_2168 = arith.addf %add3A_2128, %get3A_2167 : vector<16xf32>
          %get3A_2169 = arith.constant 46 : i32
          %get3A_2170 = arith.index_cast %get3A_2169 : i32 to index
          %get3A_2171 = arith.constant 48 : index
          %get3A_2172 = tpu.vector_load %arg7[%get3A_2170, %get3A_2171] {strides = array<i32>} : memref<48x128xf32, #tpu.memory_space<vmem>>, vector<16xf32>,
          %add3A_2173 = arith.addf %add3A_2133, %get3A_2172 : vector<16xf32>
          %get3A_2174 = arith.constant 46 : i32
          %get3A_2175 = arith.index_cast %get3A_2174 : i32 to index
          %get3A_2176 = arith.constant 64 : index
          %get3A_2177 = tpu.vector_load %arg7[%get3A_2175, %get3A_2176] {strides = array<i32>} : memref<48x128xf32, #tpu.memory_space<vmem>>, vector<16xf32>,
          %add3A_2178 = arith.addf %add3A_2138, %get3A_2177 : vector<16xf32>
          %get3A_2179 = arith.constant 46 : i32
          %get3A_2180 = arith.index_cast %get3A_2179 : i32 to index
          %get3A_2181 = arith.constant 80 : index
          %get3A_2182 = tpu.vector_load %arg7[%get3A_2180, %get3A_2181] {strides = array<i32>} : memref<48x128xf32, #tpu.memory_space<vmem>>, vector<16xf32>,
          %add3A_2183 = arith.addf %add3A_2143, %get3A_2182 : vector<16xf32>
          %get3A_2184 = arith.constant 46 : i32
          %get3A_2185 = arith.index_cast %get3A_2184 : i32 to index
          %get3A_2186 = arith.constant 96 : index
          %get3A_2187 = tpu.vector_load %arg7[%get3A_2185, %get3A_2186] {strides = array<i32>} : memref<48x128xf32, #tpu.memory_space<vmem>>, vector<16xf32>,
          %add3A_2188 = arith.addf %add3A_2148, %get3A_2187 : vector<16xf32>
          %get3A_2189 = arith.constant 46 : i32
          %get3A_2190 = arith.index_cast %get3A_2189 : i32 to index
          %get3A_2191 = arith.constant 112 : index
          %get3A_2192 = tpu.vector_load %arg7[%get3A_2190, %get3A_2191] {strides = array<i32>} : memref<48x128xf32, #tpu.memory_space<vmem>>, vector<16xf32>,
          %add3A_2193 = arith.addf %add3A_2153, %get3A_2192 : vector<16xf32>
          %get3A_2194 = arith.constant 47 : i32
          %get3A_2195 = arith.index_cast %get3A_2194 : i32 to index
          %get3A_2196 = arith.constant 0 : index
          %get3A_2197 = tpu.vector_load %arg7[%get3A_2195, %get3A_2196] {strides = array<i32>} : memref<48x128xf32, #tpu.memory_space<vmem>>, vector<16xf32>,
          %add3A_2198 = arith.addf %add3A_2158, %get3A_2197 : vector<16xf32>
          %get3A_2199 = arith.constant 47 : i32
          %get3A_2200 = arith.index_cast %get3A_2199 : i32 to index
          %get3A_2201 = arith.constant 16 : index
          %get3A_2202 = tpu.vector_load %arg7[%get3A_2200, %get3A_2201] {strides = array<i32>} : memref<48x128xf32, #tpu.memory_space<vmem>>, vector<16xf32>,
          %add3A_2203 = arith.addf %add3A_2163, %get3A_2202 : vector<16xf32>
          %get3A_2204 = arith.constant 47 : i32
          %get3A_2205 = arith.index_cast %get3A_2204 : i32 to index
          %get3A_2206 = arith.constant 32 : index
          %get3A_2207 = tpu.vector_load %arg7[%get3A_2205, %get3A_2206] {strides = array<i32>} : memref<48x128xf32, #tpu.memory_space<vmem>>, vector<16xf32>,
          %add3A_2208 = arith.addf %add3A_2168, %get3A_2207 : vector<16xf32>
          %get3A_2209 = arith.constant 47 : i32
          %get3A_2210 = arith.index_cast %get3A_2209 : i32 to index
          %get3A_2211 = arith.constant 48 : index
          %get3A_2212 = tpu.vector_load %arg7[%get3A_2210, %get3A_2211] {strides = array<i32>} : memref<48x128xf32, #tpu.memory_space<vmem>>, vector<16xf32>,
          %add3A_2213 = arith.addf %add3A_2173, %get3A_2212 : vector<16xf32>
          %get3A_2214 = arith.constant 47 : i32
          %get3A_2215 = arith.index_cast %get3A_2214 : i32 to index
          %get3A_2216 = arith.constant 64 : index
          %get3A_2217 = tpu.vector_load %arg7[%get3A_2215, %get3A_2216] {strides = array<i32>} : memref<48x128xf32, #tpu.memory_space<vmem>>, vector<16xf32>,
          %add3A_2218 = arith.addf %add3A_2178, %get3A_2217 : vector<16xf32>
          %get3A_2219 = arith.constant 47 : i32
          %get3A_2220 = arith.index_cast %get3A_2219 : i32 to index
          %get3A_2221 = arith.constant 80 : index
          %get3A_2222 = tpu.vector_load %arg7[%get3A_2220, %get3A_2221] {strides = array<i32>} : memref<48x128xf32, #tpu.memory_space<vmem>>, vector<16xf32>,
          %add3A_2223 = arith.addf %add3A_2183, %get3A_2222 : vector<16xf32>
          %get3A_2224 = arith.constant 47 : i32
          %get3A_2225 = arith.index_cast %get3A_2224 : i32 to index
          %get3A_2226 = arith.constant 96 : index
          %get3A_2227 = tpu.vector_load %arg7[%get3A_2225, %get3A_2226] {strides = array<i32>} : memref<48x128xf32, #tpu.memory_space<vmem>>, vector<16xf32>,
          %add3A_2228 = arith.addf %add3A_2188, %get3A_2227 : vector<16xf32>
          %get3A_2229 = arith.constant 47 : i32
          %get3A_2230 = arith.index_cast %get3A_2229 : i32 to index
          %get3A_2231 = arith.constant 112 : index
          %get3A_2232 = tpu.vector_load %arg7[%get3A_2230, %get3A_2231] {strides = array<i32>} : memref<48x128xf32, #tpu.memory_space<vmem>>, vector<16xf32>,
          %add3A_2233 = arith.addf %add3A_2193, %get3A_2232 : vector<16xf32>
          scf.yield %add3A_2198, %add3A_2203, %add3A_2208, %add3A_2213, %add3A_2218, %add3A_2223, %add3A_2228, %add3A_2233 : vector<16xf32>, vector<16xf32>, vector<16xf32>, vector<16xf32>, vector<16xf32>, vector<16xf32>, vector<16xf32>, vector<16xf32>
        }
        %while3A_1537 = arith.constant 1 : i32
        %while3A_1538:8 = scf.for %while3A_1563 = %while3A_1534 to %while3A_1530 step %while3A_1537 iter_args(%while3A_1564 = %while3A_1536#0, %while3A_1565 = %while3A_1536#1, %while3A_1566 = %while3A_1536#2, %while3A_1567 = %while3A_1536#3, %while3A_1568 = %while3A_1536#4, %while3A_1569 = %while3A_1536#5, %while3A_1570 = %while3A_1536#6, %while3A_1571 = %while3A_1536#7) -> (vector<16xf32>, vector<16xf32>, vector<16xf32>, vector<16xf32>, vector<16xf32>, vector<16xf32>, vector<16xf32>, vector<16xf32>)  : i32 {
          %mul3A_1572 = arith.constant 16 : i32
          %mul3A_1573 = arith.muli %while3A_1563, %mul3A_1572 : i32
          %add3A_1574 = arith.addi %add3A_1527, %mul3A_1573 : i32
          %dma_start3A_1575 = arith.constant 32 : i32
          %dma_start3A_1576 = arith.constant 0 : i32
          %dma_start3A_1577 = tpu.memref_slice %arg7[%dma_start3A_1575, %dma_start3A_1576] : memref<48x128xf32, #tpu.memory_space<vmem>> -> memref<16x128xf32, #tpu.memory_space<vmem>>
          %dma_start3A_1578 = tpu.memref_slice %arg6[%add3A_1574] : memref<19968xi32, #tpu.memory_space<vmem>> -> memref<16xi32, #tpu.memory_space<vmem>>
          %dma_start3A_1579 = arith.constant 0 : i32
          %dma_start3A_1580 = arith.constant 0 : i32
          %dma_start3A_1581 = tpu.memref_slice %arg11[%dma_start3A_1579, %dma_start3A_1580] : memref<8193x128xf32, #tpu.memory_space<vmem_shared>> -> memref<8193x128xf32, #tpu.memory_space<vmem_shared>>
          tpu.enqueue_indirect_dma source(%dma_start3A_1581 : memref<8193x128xf32, #tpu.memory_space<vmem_shared>>) target(%dma_start3A_1577 : memref<16x128xf32, #tpu.memory_space<vmem>>) offsets(%dma_start3A_1578 : memref<16xi32, #tpu.memory_space<vmem>>) semaphore(%arg14 : memref<!tpu.dma_semaphore, #tpu.memory_space<semaphore_mem>>)
          %dma_wait3A_1582 = arith.constant 32 : i32
          %dma_wait3A_1583 = arith.constant 0 : i32
          %dma_wait3A_1584 = tpu.memref_slice %arg7[%dma_wait3A_1582, %dma_wait3A_1583] : memref<48x128xf32, #tpu.memory_space<vmem>> -> memref<16x128xf32, #tpu.memory_space<vmem>>
          %dma_wait3A_1585 = arith.constant 0 : i32
          %dma_wait3A_1586 = arith.constant 0 : i32
          %dma_wait3A_1587 = tpu.memref_slice %arg3[%dma_wait3A_1585, %dma_wait3A_1586] : memref<100000x128xf32, #tpu.memory_space<hbm>> -> memref<16x128xf32, #tpu.memory_space<hbm>>
          %dma_wait3A_1588 = arith.constant 32 : i32
          %dma_wait3A_1589 = arith.constant 0 : i32
          %dma_wait3A_1590 = tpu.memref_slice %arg7[%dma_wait3A_1588, %dma_wait3A_1589] : memref<48x128xf32, #tpu.memory_space<vmem>> -> memref<16x128xf32, #tpu.memory_space<vmem>>
          %dma_wait3A_1591 = arith.constant 0 : i32
          %dma_wait3A_1592 = arith.constant 0 : i32
          %dma_wait3A_1593 = tpu.memref_slice %arg3[%dma_wait3A_1591, %dma_wait3A_1592] : memref<100000x128xf32, #tpu.memory_space<hbm>> -> memref<16x128xf32, #tpu.memory_space<hbm>>
          tpu.wait_dma2 semaphore(%arg14 : memref<!tpu.dma_semaphore, #tpu.memory_space<semaphore_mem>>) src(%dma_wait3A_1593 : memref<16x128xf32, #tpu.memory_space<hbm>>) dst(%dma_wait3A_1590 : memref<16x128xf32, #tpu.memory_space<vmem>>)
          %get3A_1594 = arith.constant 32 : i32
          %get3A_1595 = arith.index_cast %get3A_1594 : i32 to index
          %get3A_1596 = arith.constant 0 : index
          %get3A_1597 = tpu.vector_load %arg7[%get3A_1595, %get3A_1596] {strides = array<i32>} : memref<48x128xf32, #tpu.memory_space<vmem>>, vector<16xf32>,
          %add3A_1598 = arith.addf %while3A_1564, %get3A_1597 : vector<16xf32>
          %get3A_1599 = arith.constant 32 : i32
          %get3A_1600 = arith.index_cast %get3A_1599 : i32 to index
          %get3A_1601 = arith.constant 16 : index
          %get3A_1602 = tpu.vector_load %arg7[%get3A_1600, %get3A_1601] {strides = array<i32>} : memref<48x128xf32, #tpu.memory_space<vmem>>, vector<16xf32>,
          %add3A_1603 = arith.addf %while3A_1565, %get3A_1602 : vector<16xf32>
          %get3A_1604 = arith.constant 32 : i32
          %get3A_1605 = arith.index_cast %get3A_1604 : i32 to index
          %get3A_1606 = arith.constant 32 : index
          %get3A_1607 = tpu.vector_load %arg7[%get3A_1605, %get3A_1606] {strides = array<i32>} : memref<48x128xf32, #tpu.memory_space<vmem>>, vector<16xf32>,
          %add3A_1608 = arith.addf %while3A_1566, %get3A_1607 : vector<16xf32>
          %get3A_1609 = arith.constant 32 : i32
          %get3A_1610 = arith.index_cast %get3A_1609 : i32 to index
          %get3A_1611 = arith.constant 48 : index
          %get3A_1612 = tpu.vector_load %arg7[%get3A_1610, %get3A_1611] {strides = array<i32>} : memref<48x128xf32, #tpu.memory_space<vmem>>, vector<16xf32>,
          %add3A_1613 = arith.addf %while3A_1567, %get3A_1612 : vector<16xf32>
          %get3A_1614 = arith.constant 32 : i32
          %get3A_1615 = arith.index_cast %get3A_1614 : i32 to index
          %get3A_1616 = arith.constant 64 : index
          %get3A_1617 = tpu.vector_load %arg7[%get3A_1615, %get3A_1616] {strides = array<i32>} : memref<48x128xf32, #tpu.memory_space<vmem>>, vector<16xf32>,
          %add3A_1618 = arith.addf %while3A_1568, %get3A_1617 : vector<16xf32>
          %get3A_1619 = arith.constant 32 : i32
          %get3A_1620 = arith.index_cast %get3A_1619 : i32 to index
          %get3A_1621 = arith.constant 80 : index
          %get3A_1622 = tpu.vector_load %arg7[%get3A_1620, %get3A_1621] {strides = array<i32>} : memref<48x128xf32, #tpu.memory_space<vmem>>, vector<16xf32>,
          %add3A_1623 = arith.addf %while3A_1569, %get3A_1622 : vector<16xf32>
          %get3A_1624 = arith.constant 32 : i32
          %get3A_1625 = arith.index_cast %get3A_1624 : i32 to index
          %get3A_1626 = arith.constant 96 : index
          %get3A_1627 = tpu.vector_load %arg7[%get3A_1625, %get3A_1626] {strides = array<i32>} : memref<48x128xf32, #tpu.memory_space<vmem>>, vector<16xf32>,
          %add3A_1628 = arith.addf %while3A_1570, %get3A_1627 : vector<16xf32>
          %get3A_1629 = arith.constant 32 : i32
          %get3A_1630 = arith.index_cast %get3A_1629 : i32 to index
          %get3A_1631 = arith.constant 112 : index
          %get3A_1632 = tpu.vector_load %arg7[%get3A_1630, %get3A_1631] {strides = array<i32>} : memref<48x128xf32, #tpu.memory_space<vmem>>, vector<16xf32>,
          %add3A_1633 = arith.addf %while3A_1571, %get3A_1632 : vector<16xf32>
          %get3A_1634 = arith.constant 33 : i32
          %get3A_1635 = arith.index_cast %get3A_1634 : i32 to index
          %get3A_1636 = arith.constant 0 : index
          %get3A_1637 = tpu.vector_load %arg7[%get3A_1635, %get3A_1636] {strides = array<i32>} : memref<48x128xf32, #tpu.memory_space<vmem>>, vector<16xf32>,
          %add3A_1638 = arith.addf %add3A_1598, %get3A_1637 : vector<16xf32>
          %get3A_1639 = arith.constant 33 : i32
          %get3A_1640 = arith.index_cast %get3A_1639 : i32 to index
          %get3A_1641 = arith.constant 16 : index
          %get3A_1642 = tpu.vector_load %arg7[%get3A_1640, %get3A_1641] {strides = array<i32>} : memref<48x128xf32, #tpu.memory_space<vmem>>, vector<16xf32>,
          %add3A_1643 = arith.addf %add3A_1603, %get3A_1642 : vector<16xf32>
          %get3A_1644 = arith.constant 33 : i32
          %get3A_1645 = arith.index_cast %get3A_1644 : i32 to index
          %get3A_1646 = arith.constant 32 : index
          %get3A_1647 = tpu.vector_load %arg7[%get3A_1645, %get3A_1646] {strides = array<i32>} : memref<48x128xf32, #tpu.memory_space<vmem>>, vector<16xf32>,
          %add3A_1648 = arith.addf %add3A_1608, %get3A_1647 : vector<16xf32>
          %get3A_1649 = arith.constant 33 : i32
          %get3A_1650 = arith.index_cast %get3A_1649 : i32 to index
          %get3A_1651 = arith.constant 48 : index
          %get3A_1652 = tpu.vector_load %arg7[%get3A_1650, %get3A_1651] {strides = array<i32>} : memref<48x128xf32, #tpu.memory_space<vmem>>, vector<16xf32>,
          %add3A_1653 = arith.addf %add3A_1613, %get3A_1652 : vector<16xf32>
          %get3A_1654 = arith.constant 33 : i32
          %get3A_1655 = arith.index_cast %get3A_1654 : i32 to index
          %get3A_1656 = arith.constant 64 : index
          %get3A_1657 = tpu.vector_load %arg7[%get3A_1655, %get3A_1656] {strides = array<i32>} : memref<48x128xf32, #tpu.memory_space<vmem>>, vector<16xf32>,
          %add3A_1658 = arith.addf %add3A_1618, %get3A_1657 : vector<16xf32>
          %get3A_1659 = arith.constant 33 : i32
          %get3A_1660 = arith.index_cast %get3A_1659 : i32 to index
          %get3A_1661 = arith.constant 80 : index
          %get3A_1662 = tpu.vector_load %arg7[%get3A_1660, %get3A_1661] {strides = array<i32>} : memref<48x128xf32, #tpu.memory_space<vmem>>, vector<16xf32>,
          %add3A_1663 = arith.addf %add3A_1623, %get3A_1662 : vector<16xf32>
          %get3A_1664 = arith.constant 33 : i32
          %get3A_1665 = arith.index_cast %get3A_1664 : i32 to index
          %get3A_1666 = arith.constant 96 : index
          %get3A_1667 = tpu.vector_load %arg7[%get3A_1665, %get3A_1666] {strides = array<i32>} : memref<48x128xf32, #tpu.memory_space<vmem>>, vector<16xf32>,
          %add3A_1668 = arith.addf %add3A_1628, %get3A_1667 : vector<16xf32>
          %get3A_1669 = arith.constant 33 : i32
          %get3A_1670 = arith.index_cast %get3A_1669 : i32 to index
          %get3A_1671 = arith.constant 112 : index
          %get3A_1672 = tpu.vector_load %arg7[%get3A_1670, %get3A_1671] {strides = array<i32>} : memref<48x128xf32, #tpu.memory_space<vmem>>, vector<16xf32>,
          %add3A_1673 = arith.addf %add3A_1633, %get3A_1672 : vector<16xf32>
          %get3A_1674 = arith.constant 34 : i32
          %get3A_1675 = arith.index_cast %get3A_1674 : i32 to index
          %get3A_1676 = arith.constant 0 : index
          %get3A_1677 = tpu.vector_load %arg7[%get3A_1675, %get3A_1676] {strides = array<i32>} : memref<48x128xf32, #tpu.memory_space<vmem>>, vector<16xf32>,
          %add3A_1678 = arith.addf %add3A_1638, %get3A_1677 : vector<16xf32>
          %get3A_1679 = arith.constant 34 : i32
          %get3A_1680 = arith.index_cast %get3A_1679 : i32 to index
          %get3A_1681 = arith.constant 16 : index
          %get3A_1682 = tpu.vector_load %arg7[%get3A_1680, %get3A_1681] {strides = array<i32>} : memref<48x128xf32, #tpu.memory_space<vmem>>, vector<16xf32>,
          %add3A_1683 = arith.addf %add3A_1643, %get3A_1682 : vector<16xf32>
          %get3A_1684 = arith.constant 34 : i32
          %get3A_1685 = arith.index_cast %get3A_1684 : i32 to index
          %get3A_1686 = arith.constant 32 : index
          %get3A_1687 = tpu.vector_load %arg7[%get3A_1685, %get3A_1686] {strides = array<i32>} : memref<48x128xf32, #tpu.memory_space<vmem>>, vector<16xf32>,
          %add3A_1688 = arith.addf %add3A_1648, %get3A_1687 : vector<16xf32>
          %get3A_1689 = arith.constant 34 : i32
          %get3A_1690 = arith.index_cast %get3A_1689 : i32 to index
          %get3A_1691 = arith.constant 48 : index
          %get3A_1692 = tpu.vector_load %arg7[%get3A_1690, %get3A_1691] {strides = array<i32>} : memref<48x128xf32, #tpu.memory_space<vmem>>, vector<16xf32>,
          %add3A_1693 = arith.addf %add3A_1653, %get3A_1692 : vector<16xf32>
          %get3A_1694 = arith.constant 34 : i32
          %get3A_1695 = arith.index_cast %get3A_1694 : i32 to index
          %get3A_1696 = arith.constant 64 : index
          %get3A_1697 = tpu.vector_load %arg7[%get3A_1695, %get3A_1696] {strides = array<i32>} : memref<48x128xf32, #tpu.memory_space<vmem>>, vector<16xf32>,
          %add3A_1698 = arith.addf %add3A_1658, %get3A_1697 : vector<16xf32>
          %get3A_1699 = arith.constant 34 : i32
          %get3A_1700 = arith.index_cast %get3A_1699 : i32 to index
          %get3A_1701 = arith.constant 80 : index
          %get3A_1702 = tpu.vector_load %arg7[%get3A_1700, %get3A_1701] {strides = array<i32>} : memref<48x128xf32, #tpu.memory_space<vmem>>, vector<16xf32>,
          %add3A_1703 = arith.addf %add3A_1663, %get3A_1702 : vector<16xf32>
          %get3A_1704 = arith.constant 34 : i32
          %get3A_1705 = arith.index_cast %get3A_1704 : i32 to index
          %get3A_1706 = arith.constant 96 : index
          %get3A_1707 = tpu.vector_load %arg7[%get3A_1705, %get3A_1706] {strides = array<i32>} : memref<48x128xf32, #tpu.memory_space<vmem>>, vector<16xf32>,
          %add3A_1708 = arith.addf %add3A_1668, %get3A_1707 : vector<16xf32>
          %get3A_1709 = arith.constant 34 : i32
          %get3A_1710 = arith.index_cast %get3A_1709 : i32 to index
          %get3A_1711 = arith.constant 112 : index
          %get3A_1712 = tpu.vector_load %arg7[%get3A_1710, %get3A_1711] {strides = array<i32>} : memref<48x128xf32, #tpu.memory_space<vmem>>, vector<16xf32>,
          %add3A_1713 = arith.addf %add3A_1673, %get3A_1712 : vector<16xf32>
          %get3A_1714 = arith.constant 35 : i32
          %get3A_1715 = arith.index_cast %get3A_1714 : i32 to index
          %get3A_1716 = arith.constant 0 : index
          %get3A_1717 = tpu.vector_load %arg7[%get3A_1715, %get3A_1716] {strides = array<i32>} : memref<48x128xf32, #tpu.memory_space<vmem>>, vector<16xf32>,
          %add3A_1718 = arith.addf %add3A_1678, %get3A_1717 : vector<16xf32>
          %get3A_1719 = arith.constant 35 : i32
          %get3A_1720 = arith.index_cast %get3A_1719 : i32 to index
          %get3A_1721 = arith.constant 16 : index
          %get3A_1722 = tpu.vector_load %arg7[%get3A_1720, %get3A_1721] {strides = array<i32>} : memref<48x128xf32, #tpu.memory_space<vmem>>, vector<16xf32>,
          %add3A_1723 = arith.addf %add3A_1683, %get3A_1722 : vector<16xf32>
          %get3A_1724 = arith.constant 35 : i32
          %get3A_1725 = arith.index_cast %get3A_1724 : i32 to index
          %get3A_1726 = arith.constant 32 : index
          %get3A_1727 = tpu.vector_load %arg7[%get3A_1725, %get3A_1726] {strides = array<i32>} : memref<48x128xf32, #tpu.memory_space<vmem>>, vector<16xf32>,
          %add3A_1728 = arith.addf %add3A_1688, %get3A_1727 : vector<16xf32>
          %get3A_1729 = arith.constant 35 : i32
          %get3A_1730 = arith.index_cast %get3A_1729 : i32 to index
          %get3A_1731 = arith.constant 48 : index
          %get3A_1732 = tpu.vector_load %arg7[%get3A_1730, %get3A_1731] {strides = array<i32>} : memref<48x128xf32, #tpu.memory_space<vmem>>, vector<16xf32>,
          %add3A_1733 = arith.addf %add3A_1693, %get3A_1732 : vector<16xf32>
          %get3A_1734 = arith.constant 35 : i32
          %get3A_1735 = arith.index_cast %get3A_1734 : i32 to index
          %get3A_1736 = arith.constant 64 : index
          %get3A_1737 = tpu.vector_load %arg7[%get3A_1735, %get3A_1736] {strides = array<i32>} : memref<48x128xf32, #tpu.memory_space<vmem>>, vector<16xf32>,
          %add3A_1738 = arith.addf %add3A_1698, %get3A_1737 : vector<16xf32>
          %get3A_1739 = arith.constant 35 : i32
          %get3A_1740 = arith.index_cast %get3A_1739 : i32 to index
          %get3A_1741 = arith.constant 80 : index
          %get3A_1742 = tpu.vector_load %arg7[%get3A_1740, %get3A_1741] {strides = array<i32>} : memref<48x128xf32, #tpu.memory_space<vmem>>, vector<16xf32>,
          %add3A_1743 = arith.addf %add3A_1703, %get3A_1742 : vector<16xf32>
          %get3A_1744 = arith.constant 35 : i32
          %get3A_1745 = arith.index_cast %get3A_1744 : i32 to index
          %get3A_1746 = arith.constant 96 : index
          %get3A_1747 = tpu.vector_load %arg7[%get3A_1745, %get3A_1746] {strides = array<i32>} : memref<48x128xf32, #tpu.memory_space<vmem>>, vector<16xf32>,
          %add3A_1748 = arith.addf %add3A_1708, %get3A_1747 : vector<16xf32>
          %get3A_1749 = arith.constant 35 : i32
          %get3A_1750 = arith.index_cast %get3A_1749 : i32 to index
          %get3A_1751 = arith.constant 112 : index
          %get3A_1752 = tpu.vector_load %arg7[%get3A_1750, %get3A_1751] {strides = array<i32>} : memref<48x128xf32, #tpu.memory_space<vmem>>, vector<16xf32>,
          %add3A_1753 = arith.addf %add3A_1713, %get3A_1752 : vector<16xf32>
          %get3A_1754 = arith.constant 36 : i32
          %get3A_1755 = arith.index_cast %get3A_1754 : i32 to index
          %get3A_1756 = arith.constant 0 : index
          %get3A_1757 = tpu.vector_load %arg7[%get3A_1755, %get3A_1756] {strides = array<i32>} : memref<48x128xf32, #tpu.memory_space<vmem>>, vector<16xf32>,
          %add3A_1758 = arith.addf %add3A_1718, %get3A_1757 : vector<16xf32>
          %get3A_1759 = arith.constant 36 : i32
          %get3A_1760 = arith.index_cast %get3A_1759 : i32 to index
          %get3A_1761 = arith.constant 16 : index
          %get3A_1762 = tpu.vector_load %arg7[%get3A_1760, %get3A_1761] {strides = array<i32>} : memref<48x128xf32, #tpu.memory_space<vmem>>, vector<16xf32>,
          %add3A_1763 = arith.addf %add3A_1723, %get3A_1762 : vector<16xf32>
          %get3A_1764 = arith.constant 36 : i32
          %get3A_1765 = arith.index_cast %get3A_1764 : i32 to index
          %get3A_1766 = arith.constant 32 : index
          %get3A_1767 = tpu.vector_load %arg7[%get3A_1765, %get3A_1766] {strides = array<i32>} : memref<48x128xf32, #tpu.memory_space<vmem>>, vector<16xf32>,
          %add3A_1768 = arith.addf %add3A_1728, %get3A_1767 : vector<16xf32>
          %get3A_1769 = arith.constant 36 : i32
          %get3A_1770 = arith.index_cast %get3A_1769 : i32 to index
          %get3A_1771 = arith.constant 48 : index
          %get3A_1772 = tpu.vector_load %arg7[%get3A_1770, %get3A_1771] {strides = array<i32>} : memref<48x128xf32, #tpu.memory_space<vmem>>, vector<16xf32>,
          %add3A_1773 = arith.addf %add3A_1733, %get3A_1772 : vector<16xf32>
          %get3A_1774 = arith.constant 36 : i32
          %get3A_1775 = arith.index_cast %get3A_1774 : i32 to index
          %get3A_1776 = arith.constant 64 : index
          %get3A_1777 = tpu.vector_load %arg7[%get3A_1775, %get3A_1776] {strides = array<i32>} : memref<48x128xf32, #tpu.memory_space<vmem>>, vector<16xf32>,
          %add3A_1778 = arith.addf %add3A_1738, %get3A_1777 : vector<16xf32>
          %get3A_1779 = arith.constant 36 : i32
          %get3A_1780 = arith.index_cast %get3A_1779 : i32 to index
          %get3A_1781 = arith.constant 80 : index
          %get3A_1782 = tpu.vector_load %arg7[%get3A_1780, %get3A_1781] {strides = array<i32>} : memref<48x128xf32, #tpu.memory_space<vmem>>, vector<16xf32>,
          %add3A_1783 = arith.addf %add3A_1743, %get3A_1782 : vector<16xf32>
          %get3A_1784 = arith.constant 36 : i32
          %get3A_1785 = arith.index_cast %get3A_1784 : i32 to index
          %get3A_1786 = arith.constant 96 : index
          %get3A_1787 = tpu.vector_load %arg7[%get3A_1785, %get3A_1786] {strides = array<i32>} : memref<48x128xf32, #tpu.memory_space<vmem>>, vector<16xf32>,
          %add3A_1788 = arith.addf %add3A_1748, %get3A_1787 : vector<16xf32>
          %get3A_1789 = arith.constant 36 : i32
          %get3A_1790 = arith.index_cast %get3A_1789 : i32 to index
          %get3A_1791 = arith.constant 112 : index
          %get3A_1792 = tpu.vector_load %arg7[%get3A_1790, %get3A_1791] {strides = array<i32>} : memref<48x128xf32, #tpu.memory_space<vmem>>, vector<16xf32>,
          %add3A_1793 = arith.addf %add3A_1753, %get3A_1792 : vector<16xf32>
          %get3A_1794 = arith.constant 37 : i32
          %get3A_1795 = arith.index_cast %get3A_1794 : i32 to index
          %get3A_1796 = arith.constant 0 : index
          %get3A_1797 = tpu.vector_load %arg7[%get3A_1795, %get3A_1796] {strides = array<i32>} : memref<48x128xf32, #tpu.memory_space<vmem>>, vector<16xf32>,
          %add3A_1798 = arith.addf %add3A_1758, %get3A_1797 : vector<16xf32>
          %get3A_1799 = arith.constant 37 : i32
          %get3A_1800 = arith.index_cast %get3A_1799 : i32 to index
          %get3A_1801 = arith.constant 16 : index
          %get3A_1802 = tpu.vector_load %arg7[%get3A_1800, %get3A_1801] {strides = array<i32>} : memref<48x128xf32, #tpu.memory_space<vmem>>, vector<16xf32>,
          %add3A_1803 = arith.addf %add3A_1763, %get3A_1802 : vector<16xf32>
          %get3A_1804 = arith.constant 37 : i32
          %get3A_1805 = arith.index_cast %get3A_1804 : i32 to index
          %get3A_1806 = arith.constant 32 : index
          %get3A_1807 = tpu.vector_load %arg7[%get3A_1805, %get3A_1806] {strides = array<i32>} : memref<48x128xf32, #tpu.memory_space<vmem>>, vector<16xf32>,
          %add3A_1808 = arith.addf %add3A_1768, %get3A_1807 : vector<16xf32>
          %get3A_1809 = arith.constant 37 : i32
          %get3A_1810 = arith.index_cast %get3A_1809 : i32 to index
          %get3A_1811 = arith.constant 48 : index
          %get3A_1812 = tpu.vector_load %arg7[%get3A_1810, %get3A_1811] {strides = array<i32>} : memref<48x128xf32, #tpu.memory_space<vmem>>, vector<16xf32>,
          %add3A_1813 = arith.addf %add3A_1773, %get3A_1812 : vector<16xf32>
          %get3A_1814 = arith.constant 37 : i32
          %get3A_1815 = arith.index_cast %get3A_1814 : i32 to index
          %get3A_1816 = arith.constant 64 : index
          %get3A_1817 = tpu.vector_load %arg7[%get3A_1815, %get3A_1816] {strides = array<i32>} : memref<48x128xf32, #tpu.memory_space<vmem>>, vector<16xf32>,
          %add3A_1818 = arith.addf %add3A_1778, %get3A_1817 : vector<16xf32>
          %get3A_1819 = arith.constant 37 : i32
          %get3A_1820 = arith.index_cast %get3A_1819 : i32 to index
          %get3A_1821 = arith.constant 80 : index
          %get3A_1822 = tpu.vector_load %arg7[%get3A_1820, %get3A_1821] {strides = array<i32>} : memref<48x128xf32, #tpu.memory_space<vmem>>, vector<16xf32>,
          %add3A_1823 = arith.addf %add3A_1783, %get3A_1822 : vector<16xf32>
          %get3A_1824 = arith.constant 37 : i32
          %get3A_1825 = arith.index_cast %get3A_1824 : i32 to index
          %get3A_1826 = arith.constant 96 : index
          %get3A_1827 = tpu.vector_load %arg7[%get3A_1825, %get3A_1826] {strides = array<i32>} : memref<48x128xf32, #tpu.memory_space<vmem>>, vector<16xf32>,
          %add3A_1828 = arith.addf %add3A_1788, %get3A_1827 : vector<16xf32>
          %get3A_1829 = arith.constant 37 : i32
          %get3A_1830 = arith.index_cast %get3A_1829 : i32 to index
          %get3A_1831 = arith.constant 112 : index
          %get3A_1832 = tpu.vector_load %arg7[%get3A_1830, %get3A_1831] {strides = array<i32>} : memref<48x128xf32, #tpu.memory_space<vmem>>, vector<16xf32>,
          %add3A_1833 = arith.addf %add3A_1793, %get3A_1832 : vector<16xf32>
          %get3A_1834 = arith.constant 38 : i32
          %get3A_1835 = arith.index_cast %get3A_1834 : i32 to index
          %get3A_1836 = arith.constant 0 : index
          %get3A_1837 = tpu.vector_load %arg7[%get3A_1835, %get3A_1836] {strides = array<i32>} : memref<48x128xf32, #tpu.memory_space<vmem>>, vector<16xf32>,
          %add3A_1838 = arith.addf %add3A_1798, %get3A_1837 : vector<16xf32>
          %get3A_1839 = arith.constant 38 : i32
          %get3A_1840 = arith.index_cast %get3A_1839 : i32 to index
          %get3A_1841 = arith.constant 16 : index
          %get3A_1842 = tpu.vector_load %arg7[%get3A_1840, %get3A_1841] {strides = array<i32>} : memref<48x128xf32, #tpu.memory_space<vmem>>, vector<16xf32>,
          %add3A_1843 = arith.addf %add3A_1803, %get3A_1842 : vector<16xf32>
          %get3A_1844 = arith.constant 38 : i32
          %get3A_1845 = arith.index_cast %get3A_1844 : i32 to index
          %get3A_1846 = arith.constant 32 : index
          %get3A_1847 = tpu.vector_load %arg7[%get3A_1845, %get3A_1846] {strides = array<i32>} : memref<48x128xf32, #tpu.memory_space<vmem>>, vector<16xf32>,
          %add3A_1848 = arith.addf %add3A_1808, %get3A_1847 : vector<16xf32>
          %get3A_1849 = arith.constant 38 : i32
          %get3A_1850 = arith.index_cast %get3A_1849 : i32 to index
          %get3A_1851 = arith.constant 48 : index
          %get3A_1852 = tpu.vector_load %arg7[%get3A_1850, %get3A_1851] {strides = array<i32>} : memref<48x128xf32, #tpu.memory_space<vmem>>, vector<16xf32>,
          %add3A_1853 = arith.addf %add3A_1813, %get3A_1852 : vector<16xf32>
          %get3A_1854 = arith.constant 38 : i32
          %get3A_1855 = arith.index_cast %get3A_1854 : i32 to index
          %get3A_1856 = arith.constant 64 : index
          %get3A_1857 = tpu.vector_load %arg7[%get3A_1855, %get3A_1856] {strides = array<i32>} : memref<48x128xf32, #tpu.memory_space<vmem>>, vector<16xf32>,
          %add3A_1858 = arith.addf %add3A_1818, %get3A_1857 : vector<16xf32>
          %get3A_1859 = arith.constant 38 : i32
          %get3A_1860 = arith.index_cast %get3A_1859 : i32 to index
          %get3A_1861 = arith.constant 80 : index
          %get3A_1862 = tpu.vector_load %arg7[%get3A_1860, %get3A_1861] {strides = array<i32>} : memref<48x128xf32, #tpu.memory_space<vmem>>, vector<16xf32>,
          %add3A_1863 = arith.addf %add3A_1823, %get3A_1862 : vector<16xf32>
          %get3A_1864 = arith.constant 38 : i32
          %get3A_1865 = arith.index_cast %get3A_1864 : i32 to index
          %get3A_1866 = arith.constant 96 : index
          %get3A_1867 = tpu.vector_load %arg7[%get3A_1865, %get3A_1866] {strides = array<i32>} : memref<48x128xf32, #tpu.memory_space<vmem>>, vector<16xf32>,
          %add3A_1868 = arith.addf %add3A_1828, %get3A_1867 : vector<16xf32>
          %get3A_1869 = arith.constant 38 : i32
          %get3A_1870 = arith.index_cast %get3A_1869 : i32 to index
          %get3A_1871 = arith.constant 112 : index
          %get3A_1872 = tpu.vector_load %arg7[%get3A_1870, %get3A_1871] {strides = array<i32>} : memref<48x128xf32, #tpu.memory_space<vmem>>, vector<16xf32>,
          %add3A_1873 = arith.addf %add3A_1833, %get3A_1872 : vector<16xf32>
          %get3A_1874 = arith.constant 39 : i32
          %get3A_1875 = arith.index_cast %get3A_1874 : i32 to index
          %get3A_1876 = arith.constant 0 : index
          %get3A_1877 = tpu.vector_load %arg7[%get3A_1875, %get3A_1876] {strides = array<i32>} : memref<48x128xf32, #tpu.memory_space<vmem>>, vector<16xf32>,
          %add3A_1878 = arith.addf %add3A_1838, %get3A_1877 : vector<16xf32>
          %get3A_1879 = arith.constant 39 : i32
          %get3A_1880 = arith.index_cast %get3A_1879 : i32 to index
          %get3A_1881 = arith.constant 16 : index
          %get3A_1882 = tpu.vector_load %arg7[%get3A_1880, %get3A_1881] {strides = array<i32>} : memref<48x128xf32, #tpu.memory_space<vmem>>, vector<16xf32>,
          %add3A_1883 = arith.addf %add3A_1843, %get3A_1882 : vector<16xf32>
          %get3A_1884 = arith.constant 39 : i32
          %get3A_1885 = arith.index_cast %get3A_1884 : i32 to index
          %get3A_1886 = arith.constant 32 : index
          %get3A_1887 = tpu.vector_load %arg7[%get3A_1885, %get3A_1886] {strides = array<i32>} : memref<48x128xf32, #tpu.memory_space<vmem>>, vector<16xf32>,
          %add3A_1888 = arith.addf %add3A_1848, %get3A_1887 : vector<16xf32>
          %get3A_1889 = arith.constant 39 : i32
          %get3A_1890 = arith.index_cast %get3A_1889 : i32 to index
          %get3A_1891 = arith.constant 48 : index
          %get3A_1892 = tpu.vector_load %arg7[%get3A_1890, %get3A_1891] {strides = array<i32>} : memref<48x128xf32, #tpu.memory_space<vmem>>, vector<16xf32>,
          %add3A_1893 = arith.addf %add3A_1853, %get3A_1892 : vector<16xf32>
          %get3A_1894 = arith.constant 39 : i32
          %get3A_1895 = arith.index_cast %get3A_1894 : i32 to index
          %get3A_1896 = arith.constant 64 : index
          %get3A_1897 = tpu.vector_load %arg7[%get3A_1895, %get3A_1896] {strides = array<i32>} : memref<48x128xf32, #tpu.memory_space<vmem>>, vector<16xf32>,
          %add3A_1898 = arith.addf %add3A_1858, %get3A_1897 : vector<16xf32>
          %get3A_1899 = arith.constant 39 : i32
          %get3A_1900 = arith.index_cast %get3A_1899 : i32 to index
          %get3A_1901 = arith.constant 80 : index
          %get3A_1902 = tpu.vector_load %arg7[%get3A_1900, %get3A_1901] {strides = array<i32>} : memref<48x128xf32, #tpu.memory_space<vmem>>, vector<16xf32>,
          %add3A_1903 = arith.addf %add3A_1863, %get3A_1902 : vector<16xf32>
          %get3A_1904 = arith.constant 39 : i32
          %get3A_1905 = arith.index_cast %get3A_1904 : i32 to index
          %get3A_1906 = arith.constant 96 : index
          %get3A_1907 = tpu.vector_load %arg7[%get3A_1905, %get3A_1906] {strides = array<i32>} : memref<48x128xf32, #tpu.memory_space<vmem>>, vector<16xf32>,
          %add3A_1908 = arith.addf %add3A_1868, %get3A_1907 : vector<16xf32>
          %get3A_1909 = arith.constant 39 : i32
          %get3A_1910 = arith.index_cast %get3A_1909 : i32 to index
          %get3A_1911 = arith.constant 112 : index
          %get3A_1912 = tpu.vector_load %arg7[%get3A_1910, %get3A_1911] {strides = array<i32>} : memref<48x128xf32, #tpu.memory_space<vmem>>, vector<16xf32>,
          %add3A_1913 = arith.addf %add3A_1873, %get3A_1912 : vector<16xf32>
          %get3A_1914 = arith.constant 40 : i32
          %get3A_1915 = arith.index_cast %get3A_1914 : i32 to index
          %get3A_1916 = arith.constant 0 : index
          %get3A_1917 = tpu.vector_load %arg7[%get3A_1915, %get3A_1916] {strides = array<i32>} : memref<48x128xf32, #tpu.memory_space<vmem>>, vector<16xf32>,
          %add3A_1918 = arith.addf %add3A_1878, %get3A_1917 : vector<16xf32>
          %get3A_1919 = arith.constant 40 : i32
          %get3A_1920 = arith.index_cast %get3A_1919 : i32 to index
          %get3A_1921 = arith.constant 16 : index
          %get3A_1922 = tpu.vector_load %arg7[%get3A_1920, %get3A_1921] {strides = array<i32>} : memref<48x128xf32, #tpu.memory_space<vmem>>, vector<16xf32>,
          %add3A_1923 = arith.addf %add3A_1883, %get3A_1922 : vector<16xf32>
          %get3A_1924 = arith.constant 40 : i32
          %get3A_1925 = arith.index_cast %get3A_1924 : i32 to index
          %get3A_1926 = arith.constant 32 : index
          %get3A_1927 = tpu.vector_load %arg7[%get3A_1925, %get3A_1926] {strides = array<i32>} : memref<48x128xf32, #tpu.memory_space<vmem>>, vector<16xf32>,
          %add3A_1928 = arith.addf %add3A_1888, %get3A_1927 : vector<16xf32>
          %get3A_1929 = arith.constant 40 : i32
          %get3A_1930 = arith.index_cast %get3A_1929 : i32 to index
          %get3A_1931 = arith.constant 48 : index
          %get3A_1932 = tpu.vector_load %arg7[%get3A_1930, %get3A_1931] {strides = array<i32>} : memref<48x128xf32, #tpu.memory_space<vmem>>, vector<16xf32>,
          %add3A_1933 = arith.addf %add3A_1893, %get3A_1932 : vector<16xf32>
          %get3A_1934 = arith.constant 40 : i32
          %get3A_1935 = arith.index_cast %get3A_1934 : i32 to index
          %get3A_1936 = arith.constant 64 : index
          %get3A_1937 = tpu.vector_load %arg7[%get3A_1935, %get3A_1936] {strides = array<i32>} : memref<48x128xf32, #tpu.memory_space<vmem>>, vector<16xf32>,
          %add3A_1938 = arith.addf %add3A_1898, %get3A_1937 : vector<16xf32>
          %get3A_1939 = arith.constant 40 : i32
          %get3A_1940 = arith.index_cast %get3A_1939 : i32 to index
          %get3A_1941 = arith.constant 80 : index
          %get3A_1942 = tpu.vector_load %arg7[%get3A_1940, %get3A_1941] {strides = array<i32>} : memref<48x128xf32, #tpu.memory_space<vmem>>, vector<16xf32>,
          %add3A_1943 = arith.addf %add3A_1903, %get3A_1942 : vector<16xf32>
          %get3A_1944 = arith.constant 40 : i32
          %get3A_1945 = arith.index_cast %get3A_1944 : i32 to index
          %get3A_1946 = arith.constant 96 : index
          %get3A_1947 = tpu.vector_load %arg7[%get3A_1945, %get3A_1946] {strides = array<i32>} : memref<48x128xf32, #tpu.memory_space<vmem>>, vector<16xf32>,
          %add3A_1948 = arith.addf %add3A_1908, %get3A_1947 : vector<16xf32>
          %get3A_1949 = arith.constant 40 : i32
          %get3A_1950 = arith.index_cast %get3A_1949 : i32 to index
          %get3A_1951 = arith.constant 112 : index
          %get3A_1952 = tpu.vector_load %arg7[%get3A_1950, %get3A_1951] {strides = array<i32>} : memref<48x128xf32, #tpu.memory_space<vmem>>, vector<16xf32>,
          %add3A_1953 = arith.addf %add3A_1913, %get3A_1952 : vector<16xf32>
          %get3A_1954 = arith.constant 41 : i32
          %get3A_1955 = arith.index_cast %get3A_1954 : i32 to index
          %get3A_1956 = arith.constant 0 : index
          %get3A_1957 = tpu.vector_load %arg7[%get3A_1955, %get3A_1956] {strides = array<i32>} : memref<48x128xf32, #tpu.memory_space<vmem>>, vector<16xf32>,
          %add3A_1958 = arith.addf %add3A_1918, %get3A_1957 : vector<16xf32>
          %get3A_1959 = arith.constant 41 : i32
          %get3A_1960 = arith.index_cast %get3A_1959 : i32 to index
          %get3A_1961 = arith.constant 16 : index
          %get3A_1962 = tpu.vector_load %arg7[%get3A_1960, %get3A_1961] {strides = array<i32>} : memref<48x128xf32, #tpu.memory_space<vmem>>, vector<16xf32>,
          %add3A_1963 = arith.addf %add3A_1923, %get3A_1962 : vector<16xf32>
          %get3A_1964 = arith.constant 41 : i32
          %get3A_1965 = arith.index_cast %get3A_1964 : i32 to index
          %get3A_1966 = arith.constant 32 : index
          %get3A_1967 = tpu.vector_load %arg7[%get3A_1965, %get3A_1966] {strides = array<i32>} : memref<48x128xf32, #tpu.memory_space<vmem>>, vector<16xf32>,
          %add3A_1968 = arith.addf %add3A_1928, %get3A_1967 : vector<16xf32>
          %get3A_1969 = arith.constant 41 : i32
          %get3A_1970 = arith.index_cast %get3A_1969 : i32 to index
          %get3A_1971 = arith.constant 48 : index
          %get3A_1972 = tpu.vector_load %arg7[%get3A_1970, %get3A_1971] {strides = array<i32>} : memref<48x128xf32, #tpu.memory_space<vmem>>, vector<16xf32>,
          %add3A_1973 = arith.addf %add3A_1933, %get3A_1972 : vector<16xf32>
          %get3A_1974 = arith.constant 41 : i32
          %get3A_1975 = arith.index_cast %get3A_1974 : i32 to index
          %get3A_1976 = arith.constant 64 : index
          %get3A_1977 = tpu.vector_load %arg7[%get3A_1975, %get3A_1976] {strides = array<i32>} : memref<48x128xf32, #tpu.memory_space<vmem>>, vector<16xf32>,
          %add3A_1978 = arith.addf %add3A_1938, %get3A_1977 : vector<16xf32>
          %get3A_1979 = arith.constant 41 : i32
          %get3A_1980 = arith.index_cast %get3A_1979 : i32 to index
          %get3A_1981 = arith.constant 80 : index
          %get3A_1982 = tpu.vector_load %arg7[%get3A_1980, %get3A_1981] {strides = array<i32>} : memref<48x128xf32, #tpu.memory_space<vmem>>, vector<16xf32>,
          %add3A_1983 = arith.addf %add3A_1943, %get3A_1982 : vector<16xf32>
          %get3A_1984 = arith.constant 41 : i32
          %get3A_1985 = arith.index_cast %get3A_1984 : i32 to index
          %get3A_1986 = arith.constant 96 : index
          %get3A_1987 = tpu.vector_load %arg7[%get3A_1985, %get3A_1986] {strides = array<i32>} : memref<48x128xf32, #tpu.memory_space<vmem>>, vector<16xf32>,
          %add3A_1988 = arith.addf %add3A_1948, %get3A_1987 : vector<16xf32>
          %get3A_1989 = arith.constant 41 : i32
          %get3A_1990 = arith.index_cast %get3A_1989 : i32 to index
          %get3A_1991 = arith.constant 112 : index
          %get3A_1992 = tpu.vector_load %arg7[%get3A_1990, %get3A_1991] {strides = array<i32>} : memref<48x128xf32, #tpu.memory_space<vmem>>, vector<16xf32>,
          %add3A_1993 = arith.addf %add3A_1953, %get3A_1992 : vector<16xf32>
          %get3A_1994 = arith.constant 42 : i32
          %get3A_1995 = arith.index_cast %get3A_1994 : i32 to index
          %get3A_1996 = arith.constant 0 : index
          %get3A_1997 = tpu.vector_load %arg7[%get3A_1995, %get3A_1996] {strides = array<i32>} : memref<48x128xf32, #tpu.memory_space<vmem>>, vector<16xf32>,
          %add3A_1998 = arith.addf %add3A_1958, %get3A_1997 : vector<16xf32>
          %get3A_1999 = arith.constant 42 : i32
          %get3A_2000 = arith.index_cast %get3A_1999 : i32 to index
          %get3A_2001 = arith.constant 16 : index
          %get3A_2002 = tpu.vector_load %arg7[%get3A_2000, %get3A_2001] {strides = array<i32>} : memref<48x128xf32, #tpu.memory_space<vmem>>, vector<16xf32>,
          %add3A_2003 = arith.addf %add3A_1963, %get3A_2002 : vector<16xf32>
          %get3A_2004 = arith.constant 42 : i32
          %get3A_2005 = arith.index_cast %get3A_2004 : i32 to index
          %get3A_2006 = arith.constant 32 : index
          %get3A_2007 = tpu.vector_load %arg7[%get3A_2005, %get3A_2006] {strides = array<i32>} : memref<48x128xf32, #tpu.memory_space<vmem>>, vector<16xf32>,
          %add3A_2008 = arith.addf %add3A_1968, %get3A_2007 : vector<16xf32>
          %get3A_2009 = arith.constant 42 : i32
          %get3A_2010 = arith.index_cast %get3A_2009 : i32 to index
          %get3A_2011 = arith.constant 48 : index
          %get3A_2012 = tpu.vector_load %arg7[%get3A_2010, %get3A_2011] {strides = array<i32>} : memref<48x128xf32, #tpu.memory_space<vmem>>, vector<16xf32>,
          %add3A_2013 = arith.addf %add3A_1973, %get3A_2012 : vector<16xf32>
          %get3A_2014 = arith.constant 42 : i32
          %get3A_2015 = arith.index_cast %get3A_2014 : i32 to index
          %get3A_2016 = arith.constant 64 : index
          %get3A_2017 = tpu.vector_load %arg7[%get3A_2015, %get3A_2016] {strides = array<i32>} : memref<48x128xf32, #tpu.memory_space<vmem>>, vector<16xf32>,
          %add3A_2018 = arith.addf %add3A_1978, %get3A_2017 : vector<16xf32>
          %get3A_2019 = arith.constant 42 : i32
          %get3A_2020 = arith.index_cast %get3A_2019 : i32 to index
          %get3A_2021 = arith.constant 80 : index
          %get3A_2022 = tpu.vector_load %arg7[%get3A_2020, %get3A_2021] {strides = array<i32>} : memref<48x128xf32, #tpu.memory_space<vmem>>, vector<16xf32>,
          %add3A_2023 = arith.addf %add3A_1983, %get3A_2022 : vector<16xf32>
          %get3A_2024 = arith.constant 42 : i32
          %get3A_2025 = arith.index_cast %get3A_2024 : i32 to index
          %get3A_2026 = arith.constant 96 : index
          %get3A_2027 = tpu.vector_load %arg7[%get3A_2025, %get3A_2026] {strides = array<i32>} : memref<48x128xf32, #tpu.memory_space<vmem>>, vector<16xf32>,
          %add3A_2028 = arith.addf %add3A_1988, %get3A_2027 : vector<16xf32>
          %get3A_2029 = arith.constant 42 : i32
          %get3A_2030 = arith.index_cast %get3A_2029 : i32 to index
          %get3A_2031 = arith.constant 112 : index
          %get3A_2032 = tpu.vector_load %arg7[%get3A_2030, %get3A_2031] {strides = array<i32>} : memref<48x128xf32, #tpu.memory_space<vmem>>, vector<16xf32>,
          %add3A_2033 = arith.addf %add3A_1993, %get3A_2032 : vector<16xf32>
          %get3A_2034 = arith.constant 43 : i32
          %get3A_2035 = arith.index_cast %get3A_2034 : i32 to index
          %get3A_2036 = arith.constant 0 : index
          %get3A_2037 = tpu.vector_load %arg7[%get3A_2035, %get3A_2036] {strides = array<i32>} : memref<48x128xf32, #tpu.memory_space<vmem>>, vector<16xf32>,
          %add3A_2038 = arith.addf %add3A_1998, %get3A_2037 : vector<16xf32>
          %get3A_2039 = arith.constant 43 : i32
          %get3A_2040 = arith.index_cast %get3A_2039 : i32 to index
          %get3A_2041 = arith.constant 16 : index
          %get3A_2042 = tpu.vector_load %arg7[%get3A_2040, %get3A_2041] {strides = array<i32>} : memref<48x128xf32, #tpu.memory_space<vmem>>, vector<16xf32>,
          %add3A_2043 = arith.addf %add3A_2003, %get3A_2042 : vector<16xf32>
          %get3A_2044 = arith.constant 43 : i32
          %get3A_2045 = arith.index_cast %get3A_2044 : i32 to index
          %get3A_2046 = arith.constant 32 : index
          %get3A_2047 = tpu.vector_load %arg7[%get3A_2045, %get3A_2046] {strides = array<i32>} : memref<48x128xf32, #tpu.memory_space<vmem>>, vector<16xf32>,
          %add3A_2048 = arith.addf %add3A_2008, %get3A_2047 : vector<16xf32>
          %get3A_2049 = arith.constant 43 : i32
          %get3A_2050 = arith.index_cast %get3A_2049 : i32 to index
          %get3A_2051 = arith.constant 48 : index
          %get3A_2052 = tpu.vector_load %arg7[%get3A_2050, %get3A_2051] {strides = array<i32>} : memref<48x128xf32, #tpu.memory_space<vmem>>, vector<16xf32>,
          %add3A_2053 = arith.addf %add3A_2013, %get3A_2052 : vector<16xf32>
          %get3A_2054 = arith.constant 43 : i32
          %get3A_2055 = arith.index_cast %get3A_2054 : i32 to index
          %get3A_2056 = arith.constant 64 : index
          %get3A_2057 = tpu.vector_load %arg7[%get3A_2055, %get3A_2056] {strides = array<i32>} : memref<48x128xf32, #tpu.memory_space<vmem>>, vector<16xf32>,
          %add3A_2058 = arith.addf %add3A_2018, %get3A_2057 : vector<16xf32>
          %get3A_2059 = arith.constant 43 : i32
          %get3A_2060 = arith.index_cast %get3A_2059 : i32 to index
          %get3A_2061 = arith.constant 80 : index
          %get3A_2062 = tpu.vector_load %arg7[%get3A_2060, %get3A_2061] {strides = array<i32>} : memref<48x128xf32, #tpu.memory_space<vmem>>, vector<16xf32>,
          %add3A_2063 = arith.addf %add3A_2023, %get3A_2062 : vector<16xf32>
          %get3A_2064 = arith.constant 43 : i32
          %get3A_2065 = arith.index_cast %get3A_2064 : i32 to index
          %get3A_2066 = arith.constant 96 : index
          %get3A_2067 = tpu.vector_load %arg7[%get3A_2065, %get3A_2066] {strides = array<i32>} : memref<48x128xf32, #tpu.memory_space<vmem>>, vector<16xf32>,
          %add3A_2068 = arith.addf %add3A_2028, %get3A_2067 : vector<16xf32>
          %get3A_2069 = arith.constant 43 : i32
          %get3A_2070 = arith.index_cast %get3A_2069 : i32 to index
          %get3A_2071 = arith.constant 112 : index
          %get3A_2072 = tpu.vector_load %arg7[%get3A_2070, %get3A_2071] {strides = array<i32>} : memref<48x128xf32, #tpu.memory_space<vmem>>, vector<16xf32>,
          %add3A_2073 = arith.addf %add3A_2033, %get3A_2072 : vector<16xf32>
          %get3A_2074 = arith.constant 44 : i32
          %get3A_2075 = arith.index_cast %get3A_2074 : i32 to index
          %get3A_2076 = arith.constant 0 : index
          %get3A_2077 = tpu.vector_load %arg7[%get3A_2075, %get3A_2076] {strides = array<i32>} : memref<48x128xf32, #tpu.memory_space<vmem>>, vector<16xf32>,
          %add3A_2078 = arith.addf %add3A_2038, %get3A_2077 : vector<16xf32>
          %get3A_2079 = arith.constant 44 : i32
          %get3A_2080 = arith.index_cast %get3A_2079 : i32 to index
          %get3A_2081 = arith.constant 16 : index
          %get3A_2082 = tpu.vector_load %arg7[%get3A_2080, %get3A_2081] {strides = array<i32>} : memref<48x128xf32, #tpu.memory_space<vmem>>, vector<16xf32>,
          %add3A_2083 = arith.addf %add3A_2043, %get3A_2082 : vector<16xf32>
          %get3A_2084 = arith.constant 44 : i32
          %get3A_2085 = arith.index_cast %get3A_2084 : i32 to index
          %get3A_2086 = arith.constant 32 : index
          %get3A_2087 = tpu.vector_load %arg7[%get3A_2085, %get3A_2086] {strides = array<i32>} : memref<48x128xf32, #tpu.memory_space<vmem>>, vector<16xf32>,
          %add3A_2088 = arith.addf %add3A_2048, %get3A_2087 : vector<16xf32>
          %get3A_2089 = arith.constant 44 : i32
          %get3A_2090 = arith.index_cast %get3A_2089 : i32 to index
          %get3A_2091 = arith.constant 48 : index
          %get3A_2092 = tpu.vector_load %arg7[%get3A_2090, %get3A_2091] {strides = array<i32>} : memref<48x128xf32, #tpu.memory_space<vmem>>, vector<16xf32>,
          %add3A_2093 = arith.addf %add3A_2053, %get3A_2092 : vector<16xf32>
          %get3A_2094 = arith.constant 44 : i32
          %get3A_2095 = arith.index_cast %get3A_2094 : i32 to index
          %get3A_2096 = arith.constant 64 : index
          %get3A_2097 = tpu.vector_load %arg7[%get3A_2095, %get3A_2096] {strides = array<i32>} : memref<48x128xf32, #tpu.memory_space<vmem>>, vector<16xf32>,
          %add3A_2098 = arith.addf %add3A_2058, %get3A_2097 : vector<16xf32>
          %get3A_2099 = arith.constant 44 : i32
          %get3A_2100 = arith.index_cast %get3A_2099 : i32 to index
          %get3A_2101 = arith.constant 80 : index
          %get3A_2102 = tpu.vector_load %arg7[%get3A_2100, %get3A_2101] {strides = array<i32>} : memref<48x128xf32, #tpu.memory_space<vmem>>, vector<16xf32>,
          %add3A_2103 = arith.addf %add3A_2063, %get3A_2102 : vector<16xf32>
          %get3A_2104 = arith.constant 44 : i32
          %get3A_2105 = arith.index_cast %get3A_2104 : i32 to index
          %get3A_2106 = arith.constant 96 : index
          %get3A_2107 = tpu.vector_load %arg7[%get3A_2105, %get3A_2106] {strides = array<i32>} : memref<48x128xf32, #tpu.memory_space<vmem>>, vector<16xf32>,
          %add3A_2108 = arith.addf %add3A_2068, %get3A_2107 : vector<16xf32>
          %get3A_2109 = arith.constant 44 : i32
          %get3A_2110 = arith.index_cast %get3A_2109 : i32 to index
          %get3A_2111 = arith.constant 112 : index
          %get3A_2112 = tpu.vector_load %arg7[%get3A_2110, %get3A_2111] {strides = array<i32>} : memref<48x128xf32, #tpu.memory_space<vmem>>, vector<16xf32>,
          %add3A_2113 = arith.addf %add3A_2073, %get3A_2112 : vector<16xf32>
          %get3A_2114 = arith.constant 45 : i32
          %get3A_2115 = arith.index_cast %get3A_2114 : i32 to index
          %get3A_2116 = arith.constant 0 : index
          %get3A_2117 = tpu.vector_load %arg7[%get3A_2115, %get3A_2116] {strides = array<i32>} : memref<48x128xf32, #tpu.memory_space<vmem>>, vector<16xf32>,
          %add3A_2118 = arith.addf %add3A_2078, %get3A_2117 : vector<16xf32>
          %get3A_2119 = arith.constant 45 : i32
          %get3A_2120 = arith.index_cast %get3A_2119 : i32 to index
          %get3A_2121 = arith.constant 16 : index
          %get3A_2122 = tpu.vector_load %arg7[%get3A_2120, %get3A_2121] {strides = array<i32>} : memref<48x128xf32, #tpu.memory_space<vmem>>, vector<16xf32>,
          %add3A_2123 = arith.addf %add3A_2083, %get3A_2122 : vector<16xf32>
          %get3A_2124 = arith.constant 45 : i32
          %get3A_2125 = arith.index_cast %get3A_2124 : i32 to index
          %get3A_2126 = arith.constant 32 : index
          %get3A_2127 = tpu.vector_load %arg7[%get3A_2125, %get3A_2126] {strides = array<i32>} : memref<48x128xf32, #tpu.memory_space<vmem>>, vector<16xf32>,
          %add3A_2128 = arith.addf %add3A_2088, %get3A_2127 : vector<16xf32>
          %get3A_2129 = arith.constant 45 : i32
          %get3A_2130 = arith.index_cast %get3A_2129 : i32 to index
          %get3A_2131 = arith.constant 48 : index
          %get3A_2132 = tpu.vector_load %arg7[%get3A_2130, %get3A_2131] {strides = array<i32>} : memref<48x128xf32, #tpu.memory_space<vmem>>, vector<16xf32>,
          %add3A_2133 = arith.addf %add3A_2093, %get3A_2132 : vector<16xf32>
          %get3A_2134 = arith.constant 45 : i32
          %get3A_2135 = arith.index_cast %get3A_2134 : i32 to index
          %get3A_2136 = arith.constant 64 : index
          %get3A_2137 = tpu.vector_load %arg7[%get3A_2135, %get3A_2136] {strides = array<i32>} : memref<48x128xf32, #tpu.memory_space<vmem>>, vector<16xf32>,
          %add3A_2138 = arith.addf %add3A_2098, %get3A_2137 : vector<16xf32>
          %get3A_2139 = arith.constant 45 : i32
          %get3A_2140 = arith.index_cast %get3A_2139 : i32 to index
          %get3A_2141 = arith.constant 80 : index
          %get3A_2142 = tpu.vector_load %arg7[%get3A_2140, %get3A_2141] {strides = array<i32>} : memref<48x128xf32, #tpu.memory_space<vmem>>, vector<16xf32>,
          %add3A_2143 = arith.addf %add3A_2103, %get3A_2142 : vector<16xf32>
          %get3A_2144 = arith.constant 45 : i32
          %get3A_2145 = arith.index_cast %get3A_2144 : i32 to index
          %get3A_2146 = arith.constant 96 : index
          %get3A_2147 = tpu.vector_load %arg7[%get3A_2145, %get3A_2146] {strides = array<i32>} : memref<48x128xf32, #tpu.memory_space<vmem>>, vector<16xf32>,
          %add3A_2148 = arith.addf %add3A_2108, %get3A_2147 : vector<16xf32>
          %get3A_2149 = arith.constant 45 : i32
          %get3A_2150 = arith.index_cast %get3A_2149 : i32 to index
          %get3A_2151 = arith.constant 112 : index
          %get3A_2152 = tpu.vector_load %arg7[%get3A_2150, %get3A_2151] {strides = array<i32>} : memref<48x128xf32, #tpu.memory_space<vmem>>, vector<16xf32>,
          %add3A_2153 = arith.addf %add3A_2113, %get3A_2152 : vector<16xf32>
          %get3A_2154 = arith.constant 46 : i32
          %get3A_2155 = arith.index_cast %get3A_2154 : i32 to index
          %get3A_2156 = arith.constant 0 : index
          %get3A_2157 = tpu.vector_load %arg7[%get3A_2155, %get3A_2156] {strides = array<i32>} : memref<48x128xf32, #tpu.memory_space<vmem>>, vector<16xf32>,
          %add3A_2158 = arith.addf %add3A_2118, %get3A_2157 : vector<16xf32>
          %get3A_2159 = arith.constant 46 : i32
          %get3A_2160 = arith.index_cast %get3A_2159 : i32 to index
          %get3A_2161 = arith.constant 16 : index
          %get3A_2162 = tpu.vector_load %arg7[%get3A_2160, %get3A_2161] {strides = array<i32>} : memref<48x128xf32, #tpu.memory_space<vmem>>, vector<16xf32>,
          %add3A_2163 = arith.addf %add3A_2123, %get3A_2162 : vector<16xf32>
          %get3A_2164 = arith.constant 46 : i32
          %get3A_2165 = arith.index_cast %get3A_2164 : i32 to index
          %get3A_2166 = arith.constant 32 : index
          %get3A_2167 = tpu.vector_load %arg7[%get3A_2165, %get3A_2166] {strides = array<i32>} : memref<48x128xf32, #tpu.memory_space<vmem>>, vector<16xf32>,
          %add3A_2168 = arith.addf %add3A_2128, %get3A_2167 : vector<16xf32>
          %get3A_2169 = arith.constant 46 : i32
          %get3A_2170 = arith.index_cast %get3A_2169 : i32 to index
          %get3A_2171 = arith.constant 48 : index
          %get3A_2172 = tpu.vector_load %arg7[%get3A_2170, %get3A_2171] {strides = array<i32>} : memref<48x128xf32, #tpu.memory_space<vmem>>, vector<16xf32>,
          %add3A_2173 = arith.addf %add3A_2133, %get3A_2172 : vector<16xf32>
          %get3A_2174 = arith.constant 46 : i32
          %get3A_2175 = arith.index_cast %get3A_2174 : i32 to index
          %get3A_2176 = arith.constant 64 : index
          %get3A_2177 = tpu.vector_load %arg7[%get3A_2175, %get3A_2176] {strides = array<i32>} : memref<48x128xf32, #tpu.memory_space<vmem>>, vector<16xf32>,
          %add3A_2178 = arith.addf %add3A_2138, %get3A_2177 : vector<16xf32>
          %get3A_2179 = arith.constant 46 : i32
          %get3A_2180 = arith.index_cast %get3A_2179 : i32 to index
          %get3A_2181 = arith.constant 80 : index
          %get3A_2182 = tpu.vector_load %arg7[%get3A_2180, %get3A_2181] {strides = array<i32>} : memref<48x128xf32, #tpu.memory_space<vmem>>, vector<16xf32>,
          %add3A_2183 = arith.addf %add3A_2143, %get3A_2182 : vector<16xf32>
          %get3A_2184 = arith.constant 46 : i32
          %get3A_2185 = arith.index_cast %get3A_2184 : i32 to index
          %get3A_2186 = arith.constant 96 : index
          %get3A_2187 = tpu.vector_load %arg7[%get3A_2185, %get3A_2186] {strides = array<i32>} : memref<48x128xf32, #tpu.memory_space<vmem>>, vector<16xf32>,
          %add3A_2188 = arith.addf %add3A_2148, %get3A_2187 : vector<16xf32>
          %get3A_2189 = arith.constant 46 : i32
          %get3A_2190 = arith.index_cast %get3A_2189 : i32 to index
          %get3A_2191 = arith.constant 112 : index
          %get3A_2192 = tpu.vector_load %arg7[%get3A_2190, %get3A_2191] {strides = array<i32>} : memref<48x128xf32, #tpu.memory_space<vmem>>, vector<16xf32>,
          %add3A_2193 = arith.addf %add3A_2153, %get3A_2192 : vector<16xf32>
          %get3A_2194 = arith.constant 47 : i32
          %get3A_2195 = arith.index_cast %get3A_2194 : i32 to index
          %get3A_2196 = arith.constant 0 : index
          %get3A_2197 = tpu.vector_load %arg7[%get3A_2195, %get3A_2196] {strides = array<i32>} : memref<48x128xf32, #tpu.memory_space<vmem>>, vector<16xf32>,
          %add3A_2198 = arith.addf %add3A_2158, %get3A_2197 : vector<16xf32>
          %get3A_2199 = arith.constant 47 : i32
          %get3A_2200 = arith.index_cast %get3A_2199 : i32 to index
          %get3A_2201 = arith.constant 16 : index
          %get3A_2202 = tpu.vector_load %arg7[%get3A_2200, %get3A_2201] {strides = array<i32>} : memref<48x128xf32, #tpu.memory_space<vmem>>, vector<16xf32>,
          %add3A_2203 = arith.addf %add3A_2163, %get3A_2202 : vector<16xf32>
          %get3A_2204 = arith.constant 47 : i32
          %get3A_2205 = arith.index_cast %get3A_2204 : i32 to index
          %get3A_2206 = arith.constant 32 : index
          %get3A_2207 = tpu.vector_load %arg7[%get3A_2205, %get3A_2206] {strides = array<i32>} : memref<48x128xf32, #tpu.memory_space<vmem>>, vector<16xf32>,
          %add3A_2208 = arith.addf %add3A_2168, %get3A_2207 : vector<16xf32>
          %get3A_2209 = arith.constant 47 : i32
          %get3A_2210 = arith.index_cast %get3A_2209 : i32 to index
          %get3A_2211 = arith.constant 48 : index
          %get3A_2212 = tpu.vector_load %arg7[%get3A_2210, %get3A_2211] {strides = array<i32>} : memref<48x128xf32, #tpu.memory_space<vmem>>, vector<16xf32>,
          %add3A_2213 = arith.addf %add3A_2173, %get3A_2212 : vector<16xf32>
          %get3A_2214 = arith.constant 47 : i32
          %get3A_2215 = arith.index_cast %get3A_2214 : i32 to index
          %get3A_2216 = arith.constant 64 : index
          %get3A_2217 = tpu.vector_load %arg7[%get3A_2215, %get3A_2216] {strides = array<i32>} : memref<48x128xf32, #tpu.memory_space<vmem>>, vector<16xf32>,
          %add3A_2218 = arith.addf %add3A_2178, %get3A_2217 : vector<16xf32>
          %get3A_2219 = arith.constant 47 : i32
          %get3A_2220 = arith.index_cast %get3A_2219 : i32 to index
          %get3A_2221 = arith.constant 80 : index
          %get3A_2222 = tpu.vector_load %arg7[%get3A_2220, %get3A_2221] {strides = array<i32>} : memref<48x128xf32, #tpu.memory_space<vmem>>, vector<16xf32>,
          %add3A_2223 = arith.addf %add3A_2183, %get3A_2222 : vector<16xf32>
          %get3A_2224 = arith.constant 47 : i32
          %get3A_2225 = arith.index_cast %get3A_2224 : i32 to index
          %get3A_2226 = arith.constant 96 : index
          %get3A_2227 = tpu.vector_load %arg7[%get3A_2225, %get3A_2226] {strides = array<i32>} : memref<48x128xf32, #tpu.memory_space<vmem>>, vector<16xf32>,
          %add3A_2228 = arith.addf %add3A_2188, %get3A_2227 : vector<16xf32>
          %get3A_2229 = arith.constant 47 : i32
          %get3A_2230 = arith.index_cast %get3A_2229 : i32 to index
          %get3A_2231 = arith.constant 112 : index
          %get3A_2232 = tpu.vector_load %arg7[%get3A_2230, %get3A_2231] {strides = array<i32>} : memref<48x128xf32, #tpu.memory_space<vmem>>, vector<16xf32>,
          %add3A_2233 = arith.addf %add3A_2193, %get3A_2232 : vector<16xf32>
          scf.yield %add3A_2198, %add3A_2203, %add3A_2208, %add3A_2213, %add3A_2218, %add3A_2223, %add3A_2228, %add3A_2233 : vector<16xf32>, vector<16xf32>, vector<16xf32>, vector<16xf32>, vector<16xf32>, vector<16xf32>, vector<16xf32>, vector<16xf32>
        }
        %swap3A_1539 = arith.index_cast %add3A_833 : i32 to index
        %swap3A_1540 = arith.constant 0 : index
        %swap3A_1541 = tpu.vector_load %arg8[%swap3A_1539, %swap3A_1540] {strides = array<i32>} : memref<32x128xf32, #tpu.memory_space<vmem>>, vector<16xf32>,
        tpu.vector_store %arg8[%swap3A_1539, %swap3A_1540], %while3A_1538#0 {strides = array<i32>} : memref<32x128xf32, #tpu.memory_space<vmem>>, vector<16xf32>,
        %swap3A_1542 = arith.index_cast %add3A_833 : i32 to index
        %swap3A_1543 = arith.constant 16 : index
        %swap3A_1544 = tpu.vector_load %arg8[%swap3A_1542, %swap3A_1543] {strides = array<i32>} : memref<32x128xf32, #tpu.memory_space<vmem>>, vector<16xf32>,
        tpu.vector_store %arg8[%swap3A_1542, %swap3A_1543], %while3A_1538#1 {strides = array<i32>} : memref<32x128xf32, #tpu.memory_space<vmem>>, vector<16xf32>,
        %swap3A_1545 = arith.index_cast %add3A_833 : i32 to index
        %swap3A_1546 = arith.constant 32 : index
        %swap3A_1547 = tpu.vector_load %arg8[%swap3A_1545, %swap3A_1546] {strides = array<i32>} : memref<32x128xf32, #tpu.memory_space<vmem>>, vector<16xf32>,
        tpu.vector_store %arg8[%swap3A_1545, %swap3A_1546], %while3A_1538#2 {strides = array<i32>} : memref<32x128xf32, #tpu.memory_space<vmem>>, vector<16xf32>,
        %swap3A_1548 = arith.index_cast %add3A_833 : i32 to index
        %swap3A_1549 = arith.constant 48 : index
        %swap3A_1550 = tpu.vector_load %arg8[%swap3A_1548, %swap3A_1549] {strides = array<i32>} : memref<32x128xf32, #tpu.memory_space<vmem>>, vector<16xf32>,
        tpu.vector_store %arg8[%swap3A_1548, %swap3A_1549], %while3A_1538#3 {strides = array<i32>} : memref<32x128xf32, #tpu.memory_space<vmem>>, vector<16xf32>,
        %swap3A_1551 = arith.index_cast %add3A_833 : i32 to index
        %swap3A_1552 = arith.constant 64 : index
        %swap3A_1553 = tpu.vector_load %arg8[%swap3A_1551, %swap3A_1552] {strides = array<i32>} : memref<32x128xf32, #tpu.memory_space<vmem>>, vector<16xf32>,
        tpu.vector_store %arg8[%swap3A_1551, %swap3A_1552], %while3A_1538#4 {strides = array<i32>} : memref<32x128xf32, #tpu.memory_space<vmem>>, vector<16xf32>,
        %swap3A_1554 = arith.index_cast %add3A_833 : i32 to index
        %swap3A_1555 = arith.constant 80 : index
        %swap3A_1556 = tpu.vector_load %arg8[%swap3A_1554, %swap3A_1555] {strides = array<i32>} : memref<32x128xf32, #tpu.memory_space<vmem>>, vector<16xf32>,
        tpu.vector_store %arg8[%swap3A_1554, %swap3A_1555], %while3A_1538#5 {strides = array<i32>} : memref<32x128xf32, #tpu.memory_space<vmem>>, vector<16xf32>,
        %swap3A_1557 = arith.index_cast %add3A_833 : i32 to index
        %swap3A_1558 = arith.constant 96 : index
        %swap3A_1559 = tpu.vector_load %arg8[%swap3A_1557, %swap3A_1558] {strides = array<i32>} : memref<32x128xf32, #tpu.memory_space<vmem>>, vector<16xf32>,
        tpu.vector_store %arg8[%swap3A_1557, %swap3A_1558], %while3A_1538#6 {strides = array<i32>} : memref<32x128xf32, #tpu.memory_space<vmem>>, vector<16xf32>,
        %swap3A_1560 = arith.index_cast %add3A_833 : i32 to index
        %swap3A_1561 = arith.constant 112 : index
        %swap3A_1562 = tpu.vector_load %arg8[%swap3A_1560, %swap3A_1561] {strides = array<i32>} : memref<32x128xf32, #tpu.memory_space<vmem>>, vector<16xf32>,
        tpu.vector_store %arg8[%swap3A_1560, %swap3A_1561], %while3A_1538#7 {strides = array<i32>} : memref<32x128xf32, #tpu.memory_space<vmem>>, vector<16xf32>,
      }
      %scan3A_89 = arith.constant 16 : i32
    }
    %scan3A_63 = arith.constant 13 : i32
    "tpu.region"() ({
      %run_scoped3A = tpu.sem_alloc : memref<!tpu.dma_semaphore, #tpu.memory_space<semaphore_mem>>
      %dma_start3A = arith.constant 0 : i32
      %dma_start3A_64 = tpu.memref_slice %arg4[%mul3A_2, %dma_start3A] : memref<1024x128xf32, #tpu.memory_space<hbm>> -> memref<32x128xf32, #tpu.memory_space<hbm>>
      %dma_start3A_65 = arith.constant 0 : i32
      %dma_start3A_66 = tpu.memref_slice %arg4[%mul3A_2, %dma_start3A_65] : memref<1024x128xf32, #tpu.memory_space<hbm>> -> memref<32x128xf32, #tpu.memory_space<hbm>>
      tpu.enqueue_dma source(%arg8 : memref<32x128xf32, #tpu.memory_space<vmem>>) target(%dma_start3A_66 : memref<32x128xf32, #tpu.memory_space<hbm>>) target_semaphore(%run_scoped3A : memref<!tpu.dma_semaphore, #tpu.memory_space<semaphore_mem>>)
      %dma_wait3A = arith.constant 0 : i32
      %dma_wait3A_67 = tpu.memref_slice %arg4[%mul3A_2, %dma_wait3A] : memref<1024x128xf32, #tpu.memory_space<hbm>> -> memref<32x128xf32, #tpu.memory_space<hbm>>
      %dma_wait3A_68 = arith.constant 0 : i32
      %dma_wait3A_69 = tpu.memref_slice %arg4[%mul3A_2, %dma_wait3A_68] : memref<1024x128xf32, #tpu.memory_space<hbm>> -> memref<32x128xf32, #tpu.memory_space<hbm>>
      tpu.wait_dma2 semaphore(%run_scoped3A : memref<!tpu.dma_semaphore, #tpu.memory_space<semaphore_mem>>) src(%arg8 : memref<32x128xf32, #tpu.memory_space<vmem>>) dst(%dma_wait3A_69 : memref<32x128xf32, #tpu.memory_space<hbm>>)
      tpu.yield
    }) : () -> ()
    return
  }
}

module attributes {stable_mosaic.version = 14 : i64} {
  func.func @body(%arg0: memref<1024x200xi32, #tpu.memory_space<vmem>>, %arg1: memref<200x128xf32, #tpu.memory_space<vmem>>, %arg2: memref<1024x128xf32, #tpu.memory_space<vmem>>, %arg3: memref<1024x1xf32, #tpu.memory_space<vmem>>) attributes {dimension_semantics = [], scalar_prefetch = 0 : i64, scratch_operands = 0 : i64, tpu.core_type = #tpu.core_type<tc>} {
    %get3A = arith.constant 0 : index
    %get3A_0 = arith.constant 0 : index
    %get3A_1 = vector.load %arg0[%get3A, %get3A_0] : memref<1024x200xi32, #tpu.memory_space<vmem>>, vector<1024x200xi32>
    %convert_element_type3A = arith.sitofp %get3A_1 : vector<1024x200xi32> to vector<1024x200xf32>
    %reduce_sum3A = arith.constant dense<0.000000e+00> : vector<1024xf32>
    %reduce_sum3A_2 = vector.multi_reduction <add>, %convert_element_type3A, %reduce_sum3A [1] : vector<1024x200xf32> to vector<1024xf32>
    %broadcast_in_dim3A = vector.shape_cast %reduce_sum3A_2 : vector<1024xf32> to vector<1024x1xf32>
    %swap3A = arith.constant 0 : index
    %swap3A_3 = arith.constant 0 : index
    %swap3A_4 = vector.load %arg3[%swap3A, %swap3A_3] : memref<1024x1xf32, #tpu.memory_space<vmem>>, vector<1024x1xf32>
    tpu.vector_store %arg3[%swap3A, %swap3A_3], %broadcast_in_dim3A {strides = array<i32>} : memref<1024x1xf32, #tpu.memory_space<vmem>>, vector<1024x1xf32>,
    %get3A_5 = arith.constant 0 : index
    %get3A_6 = arith.constant 0 : index
    %get3A_7 = vector.load %arg1[%get3A_5, %get3A_6] : memref<200x128xf32, #tpu.memory_space<vmem>>, vector<200x128xf32>
    %dot_general3A = arith.constant dense<0.000000e+00> : vector<1024x128xf32>
    %dot_general3A_8 = tpu.matmul %convert_element_type3A, %get3A_7, %dot_general3A {dimension_numbers = #tpu.dot_dimension_numbers<[1], [0], [0], [1], [0, 0, 1, 1], [], []>, transpose_lhs_hint = false} : vector<1024x200xf32>, vector<200x128xf32>, vector<1024x128xf32> -> vector<1024x128xf32>
    %swap3A_9 = arith.constant 0 : index
    %swap3A_10 = arith.constant 0 : index
    %swap3A_11 = vector.load %arg2[%swap3A_9, %swap3A_10] : memref<1024x128xf32, #tpu.memory_space<vmem>>, vector<1024x128xf32>
    tpu.vector_store %arg2[%swap3A_9, %swap3A_10], %dot_general3A_8 {strides = array<i32>} : memref<1024x128xf32, #tpu.memory_space<vmem>>, vector<1024x128xf32>,
    return
  }
}

module attributes {stable_mosaic.version = 14 : i64} {
  func.func @body(%arg0: memref<1024x128xf32, #tpu.memory_space<vmem>>, %arg1: memref<1024x128xf32, #tpu.memory_space<vmem>>, %arg2: memref<1024x1xf32, #tpu.memory_space<vmem>>, %arg3: memref<1x128xf32, #tpu.memory_space<vmem>>, %arg4: memref<1x128xf32, #tpu.memory_space<vmem>>, %arg5: memref<100x128xf32, #tpu.memory_space<vmem>>, %arg6: memref<1x100xf32, #tpu.memory_space<vmem>>, %arg7: memref<1024x100xf32, #tpu.memory_space<vmem>>) attributes {dimension_semantics = [], scalar_prefetch = 0 : i64, scratch_operands = 0 : i64, tpu.core_type = #tpu.core_type<tc>} {
    %get3A = arith.constant 0 : index
    %get3A_0 = arith.constant 0 : index
    %get3A_1 = vector.load %arg2[%get3A, %get3A_0] : memref<1024x1xf32, #tpu.memory_space<vmem>>, vector<1024x1xf32>
    %get3A_2 = arith.constant 0 : index
    %get3A_3 = arith.constant 0 : index
    %get3A_4 = vector.load %arg0[%get3A_2, %get3A_3] : memref<1024x128xf32, #tpu.memory_space<vmem>>, vector<1024x128xf32>
    %get3A_5 = arith.constant 0 : index
    %get3A_6 = arith.constant 0 : index
    %get3A_7 = vector.load %arg1[%get3A_5, %get3A_6] : memref<1024x128xf32, #tpu.memory_space<vmem>>, vector<1024x128xf32>
    %add3A = arith.addf %get3A_4, %get3A_7 : vector<1024x128xf32>
    %max3A = arith.constant 1.000000e+00 : f32
    %max3A_8 = vector.broadcast %max3A : f32 to vector<1024x1xf32>
    %max3A_9 = arith.maximumf %get3A_1, %max3A_8 : vector<1024x1xf32>
    %div3A = vector.broadcast %max3A_9 : vector<1024x1xf32> to vector<1024x128xf32>
    %div3A_10 = arith.divf %add3A, %div3A : vector<1024x128xf32>
    %reduce_sum3A = arith.constant dense<0.000000e+00> : vector<1024xf32>
    %reduce_sum3A_11 = vector.multi_reduction <add>, %div3A_10, %reduce_sum3A [1] : vector<1024x128xf32> to vector<1024xf32>
    %broadcast_in_dim3A = vector.shape_cast %reduce_sum3A_11 : vector<1024xf32> to vector<1024x1xf32>
    %div3A_12 = arith.constant 1.280000e+02 : f32
    %div3A_13 = vector.broadcast %div3A_12 : f32 to vector<1024x1xf32>
    %div3A_14 = arith.divf %broadcast_in_dim3A, %div3A_13 : vector<1024x1xf32>
    %sub3A = vector.broadcast %div3A_14 : vector<1024x1xf32> to vector<1024x128xf32>
    %sub3A_15 = arith.subf %div3A_10, %sub3A : vector<1024x128xf32>
    %integer_pow3A = arith.mulf %sub3A_15, %sub3A_15 : vector<1024x128xf32>
    %reduce_sum3A_16 = arith.constant dense<0.000000e+00> : vector<1024xf32>
    %reduce_sum3A_17 = vector.multi_reduction <add>, %integer_pow3A, %reduce_sum3A_16 [1] : vector<1024x128xf32> to vector<1024xf32>
    %broadcast_in_dim3A_18 = vector.shape_cast %reduce_sum3A_17 : vector<1024xf32> to vector<1024x1xf32>
    %div3A_19 = arith.constant 1.280000e+02 : f32
    %div3A_20 = vector.broadcast %div3A_19 : f32 to vector<1024x1xf32>
    %div3A_21 = arith.divf %broadcast_in_dim3A_18, %div3A_20 : vector<1024x1xf32>
    %sub3A_22 = vector.broadcast %div3A_14 : vector<1024x1xf32> to vector<1024x128xf32>
    %sub3A_23 = arith.subf %div3A_10, %sub3A_22 : vector<1024x128xf32>
    %add3A_24 = arith.constant 9.99999974E-6 : f32
    %add3A_25 = vector.broadcast %add3A_24 : f32 to vector<1024x1xf32>
    %add3A_26 = arith.addf %div3A_21, %add3A_25 : vector<1024x1xf32>
    %rsqrt3A = math.rsqrt %add3A_26 : vector<1024x1xf32>
    %mul3A = vector.broadcast %rsqrt3A : vector<1024x1xf32> to vector<1024x128xf32>
    %mul3A_27 = arith.mulf %sub3A_23, %mul3A : vector<1024x128xf32>
    %get3A_28 = arith.constant 0 : index
    %get3A_29 = arith.constant 0 : index
    %get3A_30 = vector.load %arg3[%get3A_28, %get3A_29] : memref<1x128xf32, #tpu.memory_space<vmem>>, vector<1x128xf32>
    %mul3A_31 = vector.broadcast %get3A_30 : vector<1x128xf32> to vector<1024x128xf32>
    %mul3A_32 = arith.mulf %mul3A_27, %mul3A_31 : vector<1024x128xf32>
    %get3A_33 = arith.constant 0 : index
    %get3A_34 = arith.constant 0 : index
    %get3A_35 = vector.load %arg4[%get3A_33, %get3A_34] : memref<1x128xf32, #tpu.memory_space<vmem>>, vector<1x128xf32>
    %add3A_36 = vector.broadcast %get3A_35 : vector<1x128xf32> to vector<1024x128xf32>
    %add3A_37 = arith.addf %mul3A_32, %add3A_36 : vector<1024x128xf32>
    %get3A_38 = arith.constant 0 : index
    %get3A_39 = arith.constant 0 : index
    %get3A_40 = vector.load %arg5[%get3A_38, %get3A_39] : memref<100x128xf32, #tpu.memory_space<vmem>>, vector<100x128xf32>
    %dot_general3A = arith.constant dense<0.000000e+00> : vector<1024x100xf32>
    %dot_general3A_41 = tpu.matmul %add3A_37, %get3A_40, %dot_general3A {dimension_numbers = #tpu.dot_dimension_numbers<[1], [1], [0], [0], [0, 0, 1, 0], [], []>, transpose_lhs_hint = false} : vector<1024x128xf32>, vector<100x128xf32>, vector<1024x100xf32> -> vector<1024x100xf32>
    %get3A_42 = arith.constant 0 : index
    %get3A_43 = arith.constant 0 : index
    %get3A_44 = vector.load %arg6[%get3A_42, %get3A_43] : memref<1x100xf32, #tpu.memory_space<vmem>>, vector<1x100xf32>
    %add3A_45 = vector.broadcast %get3A_44 : vector<1x100xf32> to vector<1024x100xf32>
    %add3A_46 = arith.addf %dot_general3A_41, %add3A_45 : vector<1024x100xf32>
    %swap3A = arith.constant 0 : index
    %swap3A_47 = arith.constant 0 : index
    %swap3A_48 = vector.load %arg7[%swap3A, %swap3A_47] : memref<1024x100xf32, #tpu.memory_space<vmem>>, vector<1024x100xf32>
    tpu.vector_store %arg7[%swap3A, %swap3A_47], %add3A_46 {strides = array<i32>} : memref<1024x100xf32, #tpu.memory_space<vmem>>, vector<1024x100xf32>,
    return
  }
}

</mosaic_0001>

<sc_bundles>
// kernel: kernel.5.cloned.1.call-start
scs
__scs_entry_jumppad:
0x0: {  	(pc) =	sbr.rel $0x88, $3  }
0x1: {  	(tag) =	ssettag $0x0;
	lr =	simm.s32 $0x1  }
0x2: {  	[smem:$0x3F99] =	sst lr;
	_ =	strace $0xD0000000  }
0x3: {  	_ = 	snop  }
0x4: {  	_ = 	snop  }
0x5: {  	_ = 	snop  }
0x6: {  	_ = 	snop  }
0x7: {  	_ = 	snop  }
__scs_overlays_trampoline_lowered:
0x8: {  	[smem:$0x3FA8] =	sst s0  }
0x9: {  	[smem:$0x3FA9] =	sst s1  }
0xa: {  	[smem:$0x3FAA] =	sst s2  }
0xb: {  	[smem:$0x3FAB] =	sst s3  }
0xc: {  	[smem:$0x3FAC] =	sst s4  }
0xd: {  	[smem:$0x3FAD] =	sst s5  }
0xe: {  	[smem:$0x3FAE] =	sst s6  }
0xf: {  	[smem:$0x3FAF] =	sst s7  }
0x10: {  	[smem:$0x3FB0] =	sst s8  }
0x11: {  	[smem:$0x3FB1] =	sst s9;
	s0 =	simm.s32 @!p0 $0x0  }
0x12: {  	s1 =	sld [smem:$0x3F97];
	s0 =	simm.s32 @p0 $0x1  }
0x13: {  	[smem:$0x3FB2] =	sst s0;
	s0 =	simm.s32 @!p1 $0x0  }
0x14: {  	s2 =	sld [smem:$0x3F96];
	s0 =	simm.s32 @p1 $0x1  }
0x15: {  	[smem:$0x3FB3] =	sst s0;
	s0 =	simm.s32 @!p2 $0x0  }
0x16: {  	s3 =	sld [smem:$0x3FDB];
	s0 =	simm.s32 @p2 $0x1  }
0x17: {  	s4 =	simm.s32 $0x1BF5;
	[smem:$0x3FB5] =	sst s0  }
0x18: {  	s0 =	sld [smem:$0x3F98];
	_ =	swait.ge [sflag:s4], $0x0  }
0x19: {  	s7 =	sld [smem:$0x3F99]  }
0x1a: {  	s8 =	sadd.s32 $0xFFFFE003, lr  }
0x1b: {  	s9 =	sadd.s32 $0xFFFFFEF7, lr;
	s5 =	simm.s32 $0xFFFFFFFF;
	p2 =	slt.u32 s8, $0xFFFFF086  }
0x1c: {  	p1 =	slt.u32 s9, $0xF7A;
	s5 =	simm.s32 @!p2 $0x0  }
0x1d: {  	s5 =	simm.s32 @p1 $0x1;
	p0 =	seq.s32 s7, s2  }
0x1e: {  	s7 =	smul.u32 @!p0 $0xF7A, s2;
	p2 =	seq.s32 @!p0 s5, $0x0  }
0x1f: {  	s9 =	smul.u32 $0xF7A, s1;
	s8 =	simm.s32 @!p0 $0x1BF5;
	p2 =	por !p2, p0  }
0x20: {  	[sflag:s8] =	ssyncset.s32 @!p0 $0xFFFFF086;
	s6 =	sadd.s32 @!p0 s3, s7;
	s7 =	simm.s32 @!p0 $0x108  }
0x21: {  	s3 =	sadd.s32 s3, s9;
	s6 =	sadd.s32 @!p0 $0x88, s6;
	s7 =	simm.s32 @p2 $0x1082  }
0x22: {  	[simem:s7], [sflag:s8] =	dma.local @!p0 [hbm:s6], $0xF7A  }
0x23: {  	s9 =	sor.u32 $0xD0000000, s2;
	s6 =	simm.s32 $0x108;
	_ =	swait.ge @!p0 [sflag:s8], $0x0  }
0x24: {  	s3 =	sadd.s32 $0x88, s3;
	s6 =	simm.s32 @!p1 $0x1082;
	[sflag:s4] =	ssyncset.s32 $0xFFFFF086  }
0x25: {  	[simem:s6], [sflag:s4] =	dma.local [hbm:s3], $0xF7A  }
0x26: {  	[smem:$0x3F99] =	sst s1;
	(tag) =	ssettag s2;
	_ =	strace s9  }
0x27: {  	s1 =	sld [smem:$0x3FA9]  }
0x28: {  	s2 =	sld [smem:$0x3FAA]  }
0x29: {  	s4 =	sld [smem:$0x3FAC]  }
0x2a: {  	p0 =	seq.s32 s5, $0x0;
	s5 =	sld [smem:$0x3FAD]  }
0x2b: {  	s6 =	sld [smem:$0x3FAE]  }
0x2c: {  	s7 =	sld [smem:$0x3FAF]  }
0x2d: {  	s3 =	simm.s32 $0x108;
	s8 =	sld [smem:$0x3FB0]  }
0x2e: {  	s3 =	simm.s32 @!p0 $0x1082;
	s9 =	sld [smem:$0x3FB1]  }
0x2f: {  	lr =	sadd.s32 s0, s3;
	s0 =	sld [smem:$0x3FA8]  }
0x30: {  	s3 =	sld [smem:$0x3FAB]  }
0x31: {  	[smem:$0x3FB4] =	sst s10  }
0x32: {  	s10 =	sld [smem:$0x3FB2];
	_ =	sdelay $0x3  }
0x33: {  	p0 =	seq.s32 s10, $0x1;
	s10 =	sld [smem:$0x3FB4];
	_ =	sdelay $0x3  }
0x34: {  	[smem:$0x3FB4] =	sst s10  }
0x35: {  	s10 =	sld [smem:$0x3FB3];
	_ =	sdelay $0x3  }
0x36: {  	p1 =	seq.s32 s10, $0x1;
	s10 =	sld [smem:$0x3FB4];
	_ =	sdelay $0x3  }
0x37: {  	[smem:$0x3FB4] =	sst s10  }
0x38: {  	s10 =	sld [smem:$0x3FB5]  }
0x39: {  	_ = 	snop;
	(pc) =	sbr.ind lr, $3  }
0x3a: {  	_ = 	snop  }
0x3b: {  	_ = 	snop  }
0x3c: {  	p2 =	seq.s32 s10, $0x1;
	s10 =	sld [smem:$0x3FB4]  }
0x3d: {  	_ =	shalt  }
0x3e: {  	_ =	shalt  }
0x3f: {  	_ =	shalt  }
0x40: {  	_ =	shalt  }
0x41: {  	_ =	shalt  }
0x42: {  	_ =	shalt  }
0x43: {  	_ =	shalt  }
0x44: {  	_ =	shalt  }
0x45: {  	_ =	shalt  }
0x46: {  	_ =	shalt  }
0x47: {  	_ =	shalt  }
0x48: {  	_ =	shalt  }
0x49: {  	_ =	shalt  }
0x4a: {  	_ =	shalt  }
0x4b: {  	_ =	shalt  }
0x4c: {  	_ =	shalt  }
0x4d: {  	_ =	shalt  }
0x4e: {  	_ =	shalt  }
0x4f: {  	_ =	shalt  }
0x50: {  	_ =	shalt  }
0x51: {  	_ =	shalt  }
0x52: {  	_ =	shalt  }
0x53: {  	_ =	shalt  }
0x54: {  	_ =	shalt  }
0x55: {  	_ =	shalt  }
0x56: {  	_ =	shalt  }
0x57: {  	_ =	shalt  }
0x58: {  	_ =	shalt  }
0x59: {  	_ =	shalt  }
0x5a: {  	_ =	shalt  }
0x5b: {  	_ =	shalt  }
0x5c: {  	_ =	shalt  }
0x5d: {  	_ =	shalt  }
0x5e: {  	_ =	shalt  }
0x5f: {  	_ =	shalt  }
0x60: {  	_ =	shalt  }
0x61: {  	_ =	shalt  }
0x62: {  	_ =	shalt  }
0x63: {  	_ =	shalt  }
0x64: {  	_ =	shalt  }
0x65: {  	_ =	shalt  }
0x66: {  	_ =	shalt  }
0x67: {  	_ =	shalt  }
0x68: {  	_ =	shalt  }
0x69: {  	_ =	shalt  }
0x6a: {  	_ =	shalt  }
0x6b: {  	_ =	shalt  }
0x6c: {  	_ =	shalt  }
0x6d: {  	_ =	shalt  }
0x6e: {  	_ =	shalt  }
0x6f: {  	_ =	shalt  }
0x70: {  	_ =	shalt  }
0x71: {  	_ =	shalt  }
0x72: {  	_ =	shalt  }
0x73: {  	_ =	shalt  }
0x74: {  	_ =	shalt  }
0x75: {  	_ =	shalt  }
0x76: {  	_ =	shalt  }
0x77: {  	_ =	shalt  }
0x78: {  	_ =	shalt  }
0x79: {  	_ =	shalt  }
0x7a: {  	_ =	shalt  }
0x7b: {  	_ =	shalt  }
0x7c: {  	_ =	shalt  }
0x7d: {  	_ =	shalt  }
0x7e: {  	_ =	shalt  }
0x7f: {  	_ =	shalt  }
0x80: {  	_ =	shalt  }
0x81: {  	_ =	shalt  }
0x82: {  	_ =	shalt  }
0x83: {  	_ =	shalt  }
0x84: {  	_ =	shalt  }
0x85: {  	_ =	shalt  }
0x86: {  	_ =	shalt  }
0x87: {  	_ =	shalt  }
.Lfunc_end0:
.L_simem_size_0:
called_computation_lowered:
.L_overlay_start_0:
0x88: {  	s2 =	sld [smem:$0x3FD9]  }
0x89: {  	s3 =	sld [smem:$0x3FFE];
	_ =	sdelay $0x1  }
0x8a: {  	s1 =	srdreg.scid  }
0x8b: {  	s0 =	sand.u32 $0x1, s1  }
0x8c: {  	s17 =	sshll.u32 s0, $0xA;
	s2 =	sadd.s32 s3, s2  }
0x8d: {  	s2 =	sadd.s32 s2, s17  }
0x8e: {  	[smem:$0x3FC0] =	sst s2  }
0x8f: {  	_ = 	snop  }
0x90: {  	s2 =	sld [smem:$0x3FC7];
	(tm) =	ssettm $0x1  }
0x91: {  	s18 =	sld [smem:$0x3FFB];
	_ =	sdelay $0x3  }
0x92: {  	_ =	strace s18  }
0x93: {  	s3 =	sld [smem:$0x3FFC];
	_ =	sdelay $0x3  }
0x94: {  	_ =	strace s3  }
0x95: {  	s3 =	sld [smem:$0x3FFD];
	_ =	sdelay $0x3  }
0x96: {  	_ =	strace s3  }
0x97: {  	_ =	strace $0x8FFFFFFF  }
0x98: {  	s19 =	sld [smem:$0x3FDB];
	_ =	sdelay $0x1  }
0x99: {  	s4 =	simm.s32 $_scs_section_size  }
0x9a: {  	s5 =	simm.s32 $_size__tile_overlayer_lowered;
	s6 =	simm.s32 $_tile_overlayer_lowered  }
0x9b: {  	s22 =	simm.s32 $0x1BFF;
	s21 =	sshll.u32 s6, $0x1;
	s3 =	sadd.s32 s4, s19  }
0x9c: {  	s7 =	simm.s32 $0x0;
	s20 =	sshll.u32 s5, $0x1;
	s5 =	sadd.s32 s21, s3  }
0x9d: {  	[timem:s7], [sflag:s22] =	dma.local [hbm:s5], s20  }
0x9e: {  	_ =	swait.ge [sflag:s22], s20  }
0x9f: {  	s4 =	ssub.s32 $0x0, s20;
	[sflag:s22] =	ssyncset.done $0x0  }
0xa0: {  	[sflag:s22] =	ssyncadd.s32 s4;
	_ =	sdelay $0x1  }
0xa1: {  	s23 =	simm.s32 $0x1B8B  }
0xa2: {  	_ =	swait.ge [sflag:s23], $0x1  }
0xa3: {  	[sflag:s23] =	ssyncset.done $0x0  }
0xa4: {  	s25 =	simm.s32 $0x1B8E;
	s24 =	sld [smem:$0x3FFE];
	[sflag:s23] =	ssyncadd.s32 $0xFFFFFFFF  }
0xa5: {  	s26 =	simm.s32 $execute0_lowered;
	[smem:$0x3FD2] =	sst s25  }
0xa6: {  	s5 =	sshll.u32 s26, $0x1;
	_ =	strace $0x80000046;
	[dreg:$0x1] =	wrdreg $0xFFFFFFFF  }
0xa7: {  	s28 =	simm.s32 $_size_execute0_lowered;
	s3 =	sadd.s32 s3, s5;
	[dreg:$0x0] =	wrdreg $0x0  }
0xa8: {  	s5 =	sshll.u32 s28, $0x1;
	[dreg:$0x2] =	wrdreg s3  }
0xa9: {  	[dreg:$0x3] =	wrdreg s5  }
0xaa: {  	[dreg:$0x4] =	wrdreg $0xC0  }
0xab: {  	_ =	task [dreg:s7], $0x5FFFF  }
0xac: {  	[dreg:$0x1] =	wrdreg $0xFFFFFFFF  }
0xad: {  	[dreg:$0x0] =	wrdreg $0x60  }
0xae: {  	[dreg:$0x2] =	wrdreg s24  }
0xaf: {  	[dreg:$0x3] =	wrdreg s2  }
0xb0: {  	[dreg:$0x4] =	wrdreg $0x96800  }
0xb1: {  	[dreg:$0x5] =	wrdreg $0x9  }
0xb2: {  	_ =	task.clear_ibuf [dreg:s7], $0x6FFFF;
	_ =	strace $0x90000046  }
0xb3: {  	s29 =	simm.s32 $0x9;
	_ =	strace $0x80000048  }
0xb4: {  	_ =	swait.ge [sflag:s29], $0x1  }
0xb5: {  	[sflag:s29] =	ssyncadd.s32 $0xFFFFFFFF  }
0xb6: {  	_ =	strace $0x90000048  }
0xb7: {  	_ =	sfence  }
0xb8: {  	s30 =	sld [smem:$0x0];
	_ =	sdelay $0x2  }
0xb9: {  	s31 =	sshll.u32 s1, $0xD;
	s1 =	sshrl.u32 s1, $0x2  }
0xba: {  	s3 =	sand.u32 $0x4000, s31;
	s1 =	sadd.s32 s1, s30  }
0xbb: {  	s0 =	sor.u32 s3, s0;
	s1 =	sshll.u32 s1, $0x11  }
0xbc: {  	s0 =	sor.u32 s1, s0  }
0xbd: {  	s0 =	sadd.s32 $0x8F2B, s0  }
0xbe: {  	[sflag:s0] =	ssyncadd.remote.s32 $0x1  }
0xbf: {  	_ =	sfence.sel $0xFFFF  }
0xc0: {  	[dreg:$0x0] =	wrdreg $0xFFFFFFFF;
	(pc) =	sbr.abs _section_cstart, $3  }
0xc1: {  	[dreg:$0x1] =	wrdreg $0xFFFFFFFF  }
0xc2: {  	_ =	task.clear_ibuf [dreg:s7], $0x2FFFF;
	_ =	strace $0x9FFFFFFF  }
0xc3: {  	(tm) =	ssettm $0x7FFFFFFF  }
tec
execute0_lowered:
.L_overlay_start_1:
0x0: {  	(tag) =	ssettag $0x1  }
0x1: {  	s0 =	rddreg [dreg:$0x0]  }
0x2: {  	s2 =	rddreg [dreg:$0x1]  }
0x3: {  	s1 =	rddreg [dreg:$0x2]  }
0x4: {  	s3 =	srdreg.scid;
	s10 =	stileid.u32  }
0x5: {  	s20 =	simm.s32 $0x0;
	s9 =	simm.s32 $0x4;
	s11 =	simm.s32 $0x9600  }
0x6: {  	s13 =	simm.s32 $0x10;
	s14 =	simm.s32 $0x6E00;
	s15 =	simm.s32 $0x7600  }
0x7: {  	s16 =	simm.s32 $0x1;
	s17 =	simm.s32 $0x7E00;
	s18 =	simm.s32 $0x3  }
0x8: {  	s19 =	simm.s32 $0x2;
	s21 =	simm.s32 $0x0;
	s4 =	sand.u32 $0x1, s3  }
0x9: {  	s3 =	sshll.u32 s10, $0x6;
	[smem:$0x7FF] =	sst s20;
	s30 =	sshll.u32 s10, $0xD  }
0xa: {  	s31 =	sshll.u32 s10, $0x10;
	p0 =	sne.s32 s10, $0x0;
	s10 =	simm.s32 $0x2000  }
0xb: {  	s5 =	sshll.u32 s4, $0x5;
	_ =	strace $0x80000047;
	s4 =	ssub.s32 $0x2, s4  }
.Ltmp0:
0xc: {  	s12 =	sadd.s32 s31, s1;
	s5 =	sor.u32 s5, s3;
	(pc) =	sbr.rel .LBB2_1-.Ltmp0, $4  }
0xd: {  	s7 =	sshrl.u32 s4, $0x1;
	s12 =	sshrl.u32 s12, $0x3;
	s6 =	sshll.u32 s5, $0x5  }
0xe: {  	s5 =	sshll.u32 s5, $0x4;
	s8 =	ssub.s32 s4, s7;
	s6 =	sadd.s32 s6, s0  }
0xf: {  	v0 =	vimm.s32 $0x2000;
	s0 =	sadd.s32 s5, s0;
	s5 =	sadd.s32 $0x100000, s1;
	s8 =	smax.u32 s8, $0x1  }
0x10: {  	v1 =	vimm.f32 $0.0e+00;
	v2 =	vimm.s32 $0x0;
	v3 =	vimm.s32 $0x1;
	s4 =	sadd.s32 $0x1000, s6;
	s6 =	sadd.s32 s2, s30;
	s7 =	sadd.s32 $0x9000, s0  }
.LBB2_19:
0x11: {  	s21 =	sadd.s32 $0x1, s21  }
0x12: {  	p1 =	sne.s32 s21, s8  }
.Ltmp1:
0x13: {  	s20 =	simm.s32 $0x0;
	s0 =	simm.s32 $0x8600;
	(pc) =	sbr.rel @!p1 .LBB2_20-.Ltmp1, $4  }
0x14: {  	[hbm4b:s7+s20] =	stream.linear.scatter [tilespmem:s0], [sflag:$0x4], $0x1000, $0x38;
	[tilespmem:$0x19688] =	vst v63  }
0x15: {  	_ =	swait.ge [sflag:s9], $0x1000  }
0x16: {  	v0 =	vimm.s32 $0x2000;
	[sflag:s9] =	ssyncset.done $0x0  }
0x17: {  	v1 =	vimm.f32 $0.0e+00;
	v2 =	vimm.s32 $0x0;
	v3 =	vimm.s32 $0x1;
	[sflag:s9] =	ssyncadd.s32 $0xFFFFF000  }
.LBB2_1:
0x18: {  	[tilespmem:s20], [sflag:$0x4] =	stream.linear.gather [hbm4b:s4+s20], $0x2000, $0x38;
	[tilespmem:$0x19688] =	vst v63  }
0x19: {  	_ =	swait.ge [sflag:s9], $0x2000  }
0x1a: {  	[sflag:s9] =	ssyncset.done $0x0  }
0x1b: {  	s0 =	simm.s32 $0x0;
	[sflag:s9] =	ssyncadd.s32 $0xFFFFE000  }
.LBB2_2:
0x1c: {  	p1 =	sne.s32 s0, $0x137C0  }
.Ltmp2:
0x1d: {  	_ = 	snop;
	(pc) =	sbr.rel @p1 .LBB2_2-.Ltmp2, $3  }
0x1e: {  	_ =	sdelay $0x1  }
0x1f: {  	s2 =	sshra.s32 s0, $0x2  }
0x20: {  	s0 =	sadd.s32 $0x40, s0;
	[tilespmem:s2+$0x2000] =	vst v0  }
0x21: {  	s0 =	simm.s32 $0x0;
	s2 =	simm.s32 $0x200  }
.LBB2_4:
0x22: {  	p1 =	sne.s32 s2, $0x3E00;
	[tilespmem:s0+$0x8670] =	vst v1  }
0x23: {  	[tilespmem:s0+$0x8600] =	vst v1  }
0x24: {  	[tilespmem:s0+$0x8610] =	vst v1  }
.Ltmp3:
0x25: {  	[tilespmem:s0+$0x8620] =	vst v1;
	(pc) =	sbr.rel @p1 .LBB2_4-.Ltmp3, $4  }
0x26: {  	[tilespmem:s0+$0x8630] =	vst v1  }
0x27: {  	[tilespmem:s0+$0x8640] =	vst v1  }
0x28: {  	[tilespmem:s0+$0x8650] =	vst v1  }
0x29: {  	[tilespmem:s0+$0x8660] =	vst v1;
	s0 =	sshra.s32 s2, $0x2;
	s2 =	sadd.s32 $0x200, s2  }
0x2a: {  	[tilespmem:s0+$0x8670] =	vst v1  }
0x2b: {  	[tilespmem:s0+$0x8600] =	vst v1  }
0x2c: {  	[tilespmem:s0+$0x8610] =	vst v1  }
0x2d: {  	[tilespmem:s0+$0x8620] =	vst v1  }
0x2e: {  	[tilespmem:s0+$0x8630] =	vst v1  }
0x2f: {  	[tilespmem:s0+$0x8640] =	vst v1  }
0x30: {  	[tilespmem:s0+$0x8650] =	vst v1  }
0x31: {  	[tilespmem:s0+$0x8660] =	vst v1  }
0x32: {  	[tilespmem:$0x6E00] =	vst v1  }
0x33: {  	[tilespmem:$0x6E10] =	vst v1  }
0x34: {  	[tilespmem:$0x6E20] =	vst v1  }
0x35: {  	[tilespmem:$0x6E30] =	vst v1  }
0x36: {  	[tilespmem:$0x6E40] =	vst v1  }
0x37: {  	[tilespmem:$0x6E50] =	vst v1  }
0x38: {  	[tilespmem:$0x6E60] =	vst v1  }
0x39: {  	s0 =	simm.s32 @!p0 $0x6E00;
	[tilespmem:$0x6E70] =	vst v1  }
0x3a: {  	[spmem:s5] =	stream.linear.scatter @!p0 [tilespmem:s0], [sflag:$0x4], $0x80, $0x38;
	[tilespmem:$0x19688] =	vst v63  }
0x3b: {  	s0 =	simm.s32 @!p0 $0x4  }
0x3c: {  	_ =	swait.ge @!p0 [sflag:s0], $0x80  }
0x3d: {  	[sflag:s0] =	ssyncset.done @!p0 $0x0  }
0x3e: {  	s2 =	simm.s32 $0x0;
	[sflag:s0] =	ssyncadd.s32 @!p0 $0xFFFFFF80;
	s0 =	simm.s32 $0x0  }
.LBB2_6:
0x3f: {  	s20 =	sshll.u32 s2, $0x8;
	s22 =	sshll.u32 s2, $0x7  }
0x40: {  	s20 =	sand.u32 $0x1800, s20;
	s22 =	sand.u32 $0x380, s22  }
0x41: {  	s29 =	sand.u32 $0x400, s0;
	s20 =	sor.u32 s22, s20  }
0x42: {  	s23 =	sand.u32 $0x70, s0;
	s22 =	sadd.s32 s29, s20  }
0x43: {  	[tilespmem:$0x9600] =	vst v2;
	s22 =	sadd.s32 s23, s22  }
0x44: {  	v7 =	vld [tilespmem:s22+$0x0];
	_ =	sdelay $0x4  }
0x45: {  	vm0 =	vgt.s32 v7, $0xFFFFFFFF;
	v4 =	vshra.s32 v7, $0xD  }
0x46: {  	v6 =	vnsel vm0, $0xD, v4  }
0x47: {  	(xrf1) =	vunique.msk.u32 vm0, v6;
	_ =	sdelay $0x6  }
0x48: {  	v5 =	vld [tilespmem:$0x9600];
	_ =	sdelay $0x2  }
0x49: {  	s30 =	smul.u32 $0x270, s2  }
0x4a: {  	v8 =	vmul.u32 $0x30, v6  }
0x4b: {  	v4 =	vmov s30;
	v5 =	vperm.xlane v5, v6  }
0x4c: {  	v9 =	vadd.s32 v4, v8  }
0x4d: {  	v9 =	vadd.s32 v9, v5;
	_, v10, _ =	vpop (xrf1)  }
0x4e: {  	v5 =	vadd.s32 $0x2F, v4;
	v9 =	vadd.s32 v10, v9  }
0x4f: {  	v8 =	vadd.s32 v5, v8;
	v9 =	vadd.s32 $0xFFFFFFFF, v9  }
0x50: {  	vm1 =	vlt.s32 v9, v8  }
0x51: {  	v8 =	vsel vm1, v9, v8  }
0x52: {  	v63 =	vshll.u32 v6, $0xD  }
0x53: {  	vm1 =	vlt.s32 v63, $0x166A0  }
0x54: {  	s22 =	simm.s32 $0x80;
	v9 =	vnsel vm1, $0x166A0, v63  }
0x55: {  	s31 =	simm.s32 $0x10;
	s25 =	sand.u32 $0x400, s22;
	v7 =	vsub.s32 v7, v9  }
0x56: {  	s24 =	sand.u32 $0x70, s31;
	s23 =	simm.s32 $0x20;
	s25 =	sadd.s32 s25, s20;
	[tilespmem:v8+s10+$0x0] =	vst.idx.msk vm0, v7  }
.LBB2_7:
0x57: {  	p1 =	sne.s32 s23, $0xC0;
	s24 =	sadd.s32 s24, s25;
	[tilespmem:v6+s11+$0x0] =	vst.idx.add.s32.msk vm0, v3  }
0x58: {  	v7 =	vld [tilespmem:s24+$0x0];
	_ =	sdelay $0x4  }
0x59: {  	vm0 =	vgt.s32 v7, $0xFFFFFFFF;
	v6 =	vshra.s32 v7, $0xD  }
0x5a: {  	v6 =	vnsel vm0, $0xD, v6  }
0x5b: {  	(xrf1) =	vunique.msk.u32 vm0, v6;
	_ =	sdelay $0x6  }
0x5c: {  	v8 =	vld [tilespmem:$0x9600];
	_ =	sdelay $0x3  }
0x5d: {  	v9 =	vmul.u32 $0x30, v6  }
0x5e: {  	v8 =	vperm.xlane v8, v6  }
0x5f: {  	v0 =	vadd.s32 v4, v9  }
0x60: {  	v8 =	vadd.s32 v0, v8;
	_, v10, _ =	vpop (xrf1)  }
0x61: {  	v8 =	vadd.s32 v10, v8  }
0x62: {  	v9 =	vadd.s32 v5, v9;
	v8 =	vadd.s32 $0xFFFFFFFF, v8  }
0x63: {  	vm1 =	vlt.s32 v8, v9  }
0x64: {  	v8 =	vsel vm1, v8, v9  }
.Ltmp4:
0x65: {  	v9 =	vshll.u32 v6, $0xD;
	(pc) =	sbr.rel @p1 .LBB2_7-.Ltmp4, $4  }
0x66: {  	vm1 =	vlt.s32 v9, $0x166A0  }
0x67: {  	s22 =	sadd.s32 $0x80, s22;
	v9 =	vnsel vm1, $0x166A0, v9  }
0x68: {  	s25 =	sand.u32 $0x400, s22;
	v7 =	vsub.s32 v7, v9  }
0x69: {  	s24 =	sand.u32 $0x70, s23;
	s23 =	sadd.s32 $0x10, s23;
	s25 =	sadd.s32 s25, s20;
	[tilespmem:v8+s10+$0x0] =	vst.idx.msk vm0, v7  }
0x6a: {  	_ =	sdelay $0x4  }
0x6b: {  	s20 =	sadd.s32 s24, s25;
	[tilespmem:v6+s11+$0x0] =	vst.idx.add.s32.msk vm0, v3  }
0x6c: {  	v6 =	vld [tilespmem:s20+$0x0];
	_ =	sdelay $0x4  }
0x6d: {  	vm14 =	vgt.s32 v6, $0xFFFFFFFF;
	v7 =	vshra.s32 v6, $0xD  }
0x6e: {  	v7 =	vnsel vm14, $0xD, v7  }
0x6f: {  	(xrf1) =	vunique.msk.u32 vm14, v7;
	_ =	sdelay $0x6  }
0x70: {  	v8 =	vld [tilespmem:$0x9600];
	_ =	sdelay $0x3  }
0x71: {  	v9 =	vmul.u32 $0x30, v7  }
0x72: {  	v8 =	vperm.xlane v8, v7  }
0x73: {  	v4 =	vadd.s32 v4, v9  }
0x74: {  	v4 =	vadd.s32 v4, v8;
	_, v63, _ =	vpop (xrf1)  }
0x75: {  	v4 =	vadd.s32 v63, v4  }
0x76: {  	v5 =	vadd.s32 v5, v9;
	v4 =	vadd.s32 $0xFFFFFFFF, v4  }
0x77: {  	vm1 =	vlt.s32 v4, v5  }
0x78: {  	v4 =	vsel vm1, v4, v5  }
0x79: {  	v5 =	vshll.u32 v7, $0xD  }
0x7a: {  	vm15 =	vlt.s32 v5, $0x166A0  }
0x7b: {  	v5 =	vnsel vm15, $0x166A0, v5  }
0x7c: {  	v5 =	vsub.s32 v6, v5  }
0x7d: {  	[tilespmem:v4+s10+$0x0] =	vst.idx.msk vm14, v5  }
0x7e: {  	[tilespmem:v7+s11+$0x0] =	vst.idx.add.s32.msk vm14, v3  }
0x7f: {  	v4 =	vld [tilespmem:$0x9600];
	_ =	sdelay $0x4  }
0x80: {  	(v2sf) =	vpush v4, $0x0  }
0x81: {  	(v2sf) =	vpush v4, $0x1  }
0x82: {  	(v2sf) =	vpush v4, $0x2  }
0x83: {  	(v2sf) =	vpush v4, $0x3  }
0x84: {  	(v2sf) =	vpush v4, $0x4  }
0x85: {  	(v2sf) =	vpush v4, $0x5  }
0x86: {  	(v2sf) =	vpush v4, $0x6  }
0x87: {  	(v2sf) =	vpush v4, $0x7  }
0x88: {  	(v2sf) =	vpush v4, $0x8;
	_ =	sdelay $0x1  }
0x89: {  	(v2sf) =	vpush v4, $0x9  }
0x8a: {  	(v2sf) =	vpush v4, $0xA  }
0x8b: {  	(v2sf) =	vpush v4, $0xB  }
0x8c: {  	s26 =	smul.u32 $0x34, s2;
	(v2sf) =	vpush v4, $0xC;
	_ =	sdelay $0x1  }
0x8d: {  	s20 =	sshra.s32 s26, $0x2;
	s22 =	spop (v2sf)  }
0x8e: {  	[smem:s20] =	sst s22;
	s28 =	spop (v2sf)  }
0x8f: {  	[smem:s20+$0x1] =	sst s28;
	s29 =	spop (v2sf)  }
0x90: {  	[smem:s20+$0x2] =	sst s29;
	s30 =	spop (v2sf)  }
0x91: {  	[smem:s20+$0x3] =	sst s30;
	s31 =	spop (v2sf)  }
0x92: {  	[smem:s20+$0x4] =	sst s31;
	s23 =	spop (v2sf)  }
0x93: {  	[smem:s20+$0x5] =	sst s23;
	s24 =	spop (v2sf)  }
0x94: {  	[smem:s20+$0x6] =	sst s24;
	s25 =	spop (v2sf)  }
0x95: {  	s2 =	sadd.s32 $0x1, s2;
	[smem:s20+$0x7] =	sst s25;
	s26 =	spop (v2sf)  }
0x96: {  	p1 =	sne.s32 s2, $0x20;
	[smem:s20+$0x8] =	sst s26  }
.Ltmp5:
0x97: {  	s28 =	spop (v2sf);
	(pc) =	sbr.rel @p1 .LBB2_6-.Ltmp5, $4  }
0x98: {  	[smem:s20+$0x9] =	sst s28;
	s29 =	spop (v2sf)  }
0x99: {  	[smem:s20+$0xA] =	sst s29;
	s30 =	spop (v2sf)  }
0x9a: {  	[smem:s20+$0xB] =	sst s30;
	s31 =	spop (v2sf)  }
0x9b: {  	[smem:s20+$0xC] =	sst s31  }
.Ltmp6:
0x9c: {  	(pc) =	sbr.rel .LBB2_10-.Ltmp6, $2  }
0x9d: {  	_ =	sdelay $0x2  }
0x9e: {  	s22 =	simm.s32 $0x0;
	s2 =	simm.s32 $0x2010;
	s24 =	simm.s32 $0x2280  }
.LBB2_18:
0x9f: {  	s22 =	sadd.s32 $0x1, s22  }
0xa0: {  	p1 =	sne.s32 s22, $0xD  }
.Ltmp7:
0xa1: {  	_ = 	snop;
	(pc) =	sbr.rel @!p1 .LBB2_19-.Ltmp7, $2  }
0xa2: {  	_ =	sdelay $0x2  }
0xa3: {  	s2 =	sadd.s32 $0x30, s2;
	s24 =	sadd.s32 $0x30, s24  }
.LBB2_10:
0xa4: {  	s0 =	sshll.u32 s22, $0xD  }
0xa5: {  	s0 =	smin.u32 s0, $0x166A0  }
0xa6: {  	s0 =	sshll.u32 s0, $0x4  }
0xa7: {  	[bflag:$0x0] =	sbarrier.arrive $0xFFFF;
	s20 =	sor.u32 $0x1C04, s3;
	s0 =	sadd.s32 s0, s6  }
0xa8: {  	[spmem:s12], [sflag:s20] =	dma.local [hbm:s0], $0x2000  }
.Ltmp8:
0xa9: {  	_ =	swait.ge [sflag:s9], $0x2000;
	(pc) =	sbr.rel .LBB2_11-.Ltmp8, $4  }
0xaa: {  	s25 =	smul.u32 $0x30, s22;
	[sflag:s9] =	ssyncset.done $0x0  }
0xab: {  	s28 =	smov.u32 s24;
	s23 =	smov.u32 s2;
	[sflag:s9] =	ssyncadd.s32 $0xFFFFE000  }
0xac: {  	s30 =	simm.s32 $0x0;
	s26 =	sadd.s32 $0x2000, s25;
	[bflag:$0x0] =	sbarrier.arrive $0xFFFF  }
0xad: {  	[tilespmem:s14], [sflag:$0x1] =	stream.indirect.gather [spmem:s1], $0x80, s26, s13, $0xb8;
	[tilespmem:$0x19688] =	vst v63  }
.LBB2_17:
0xae: {  	[tilespmem:s0+$0x8600] =	vst v5  }
0xaf: {  	[tilespmem:s0+$0x8610] =	vst v6;
	s30 =	sadd.s32 $0x1, s30  }
0xb0: {  	[tilespmem:s0+$0x8620] =	vst v7;
	p1 =	sne.s32 s30, $0x10  }
.Ltmp9:
0xb1: {  	[tilespmem:s0+$0x8630] =	vst v8;
	(pc) =	sbr.rel @!p1 .LBB2_18-.Ltmp9, $4  }
0xb2: {  	[tilespmem:s0+$0x8640] =	vst v9  }
0xb3: {  	[tilespmem:s0+$0x8650] =	vst v10  }
0xb4: {  	[tilespmem:s0+$0x8660] =	vst v11  }
0xb5: {  	[tilespmem:s0+$0x8670] =	vst v4;
	s23 =	sadd.s32 $0x4E0, s23;
	s28 =	sadd.s32 $0x4E0, s28  }
.LBB2_11:
0xb6: {  	s31 =	sshllo.u32 s30, $0x1  }
0xb7: {  	s0 =	smul.u32 $0x9C0, s31;
	_ =	sdelay $0x1  }
0xb8: {  	s0 =	sshra.s32 s0, $0x2  }
0xb9: {  	s0 =	sadd.s32 s0, s26  }
0xba: {  	[tilespmem:s15], [sflag:$0x2] =	stream.indirect.gather [spmem:s1], $0x80, s0, s13, $0xb8;
	[tilespmem:$0x19688] =	vst v63  }
0xbb: {  	_ =	swait.ge [sflag:s16], $0x800  }
0xbc: {  	s29 =	sshll.u32 s30, $0x8;
	[sflag:s16] =	ssyncset.done $0x0  }
0xbd: {  	s0 =	sand.u32 $0x3FFFFF00, s29;
	[sflag:s16] =	ssyncadd.s32 $0xFFFFF800  }
0xbe: {  	v4 =	vld [tilespmem:s0+$0x8600]  }
0xbf: {  	v5 =	vld [tilespmem:s0+$0x8610]  }
0xc0: {  	v6 =	vld [tilespmem:s0+$0x8620]  }
0xc1: {  	v7 =	vld [tilespmem:s0+$0x8630]  }
0xc2: {  	v8 =	vld [tilespmem:s0+$0x8640]  }
0xc3: {  	v9 =	vld [tilespmem:s0+$0x8650]  }
0xc4: {  	v10 =	vld [tilespmem:s0+$0x8660]  }
0xc5: {  	v11 =	vld [tilespmem:s0+$0x8670]  }
0xc6: {  	v12 =	vld [tilespmem:$0x6E00]  }
0xc7: {  	v13 =	vld [tilespmem:$0x6E10]  }
0xc8: {  	v14 =	vld [tilespmem:$0x6E20]  }
0xc9: {  	v15 =	vld [tilespmem:$0x6E30]  }
0xca: {  	v16 =	vld [tilespmem:$0x6E40]  }
0xcb: {  	v17 =	vld [tilespmem:$0x6E50]  }
0xcc: {  	v18 =	vld [tilespmem:$0x6E60]  }
0xcd: {  	v19 =	vld [tilespmem:$0x6E70]  }
0xce: {  	v20 =	vld [tilespmem:$0x6E80]  }
0xcf: {  	v21 =	vld [tilespmem:$0x6E90]  }
0xd0: {  	v22 =	vld [tilespmem:$0x6EA0]  }
0xd1: {  	v23 =	vld [tilespmem:$0x6EB0]  }
0xd2: {  	v24 =	vld [tilespmem:$0x6EC0]  }
0xd3: {  	v25 =	vld [tilespmem:$0x6ED0]  }
0xd4: {  	v26 =	vld [tilespmem:$0x6EE0]  }
0xd5: {  	v27 =	vld [tilespmem:$0x6EF0]  }
0xd6: {  	v28 =	vld [tilespmem:$0x6F00]  }
0xd7: {  	v29 =	vld [tilespmem:$0x6F10]  }
0xd8: {  	v30 =	vld [tilespmem:$0x6F20]  }
0xd9: {  	v31 =	vld [tilespmem:$0x6F30]  }
0xda: {  	v32 =	vld [tilespmem:$0x6F40]  }
0xdb: {  	v33 =	vld [tilespmem:$0x6F50]  }
0xdc: {  	v34 =	vld [tilespmem:$0x6F60]  }
0xdd: {  	v35 =	vld [tilespmem:$0x6F70]  }
0xde: {  	v36 =	vld [tilespmem:$0x6F80]  }
0xdf: {  	v37 =	vld [tilespmem:$0x6F90]  }
0xe0: {  	v38 =	vld [tilespmem:$0x6FA0]  }
0xe1: {  	v39 =	vld [tilespmem:$0x6FB0]  }
0xe2: {  	v40 =	vld [tilespmem:$0x6FC0]  }
0xe3: {  	v41 =	vld [tilespmem:$0x6FD0]  }
0xe4: {  	v42 =	vld [tilespmem:$0x6FE0]  }
0xe5: {  	v43 =	vld [tilespmem:$0x6FF0]  }
0xe6: {  	v44 =	vld [tilespmem:$0x7000]  }
0xe7: {  	v45 =	vld [tilespmem:$0x7010]  }
0xe8: {  	v46 =	vld [tilespmem:$0x7020]  }
0xe9: {  	v47 =	vld [tilespmem:$0x7030]  }
0xea: {  	v48 =	vld [tilespmem:$0x7040]  }
0xeb: {  	v49 =	vld [tilespmem:$0x7050]  }
0xec: {  	v50 =	vld [tilespmem:$0x7060]  }
0xed: {  	v51 =	vld [tilespmem:$0x7070]  }
0xee: {  	v52 =	vld [tilespmem:$0x7080]  }
0xef: {  	v53 =	vld [tilespmem:$0x7090]  }
0xf0: {  	v54 =	vld [tilespmem:$0x70A0]  }
0xf1: {  	v55 =	vld [tilespmem:$0x70B0]  }
0xf2: {  	v56 =	vld [tilespmem:$0x70C0]  }
0xf3: {  	v57 =	vld [tilespmem:$0x70D0]  }
0xf4: {  	v58 =	vld [tilespmem:$0x70E0]  }
0xf5: {  	v59 =	vld [tilespmem:$0x70F0]  }
0xf6: {  	v1 =	vld [tilespmem:$0x7160]  }
0xf7: {  	v60 =	vld [tilespmem:$0x7100]  }
0xf8: {  	v61 =	vld [tilespmem:$0x7110]  }
0xf9: {  	v62 =	vld [tilespmem:$0x7120]  }
0xfa: {  	v63 =	vld [tilespmem:$0x7130]  }
0xfb: {  	[tilespmem:$0x1FF20] =	vst v1;
	v1 =	vld [tilespmem:$0x7180]  }
0xfc: {  	v0 =	vld [tilespmem:$0x7140]  }
0xfd: {  	v2 =	vld [tilespmem:$0x7150]  }
0xfe: {  	v3 =	vld [tilespmem:$0x7170]  }
0xff: {  	v4 =	vadd.f32 v12, v4;
	v12 =	vld [tilespmem:$0x7250]  }
0x100: {  	[tilespmem:$0x1FF30] =	vst v1;
	v1 =	vld [tilespmem:$0x7190]  }
0x101: {  	v5 =	vadd.f32 v13, v5;
	v13 =	vld [tilespmem:$0x7260]  }
0x102: {  	v6 =	vadd.f32 v14, v6;
	v14 =	vld [tilespmem:$0x7270]  }
0x103: {  	v7 =	vadd.f32 v15, v7;
	v15 =	vld [tilespmem:$0x7280]  }
0x104: {  	v8 =	vadd.f32 v16, v8;
	v16 =	vld [tilespmem:$0x7290]  }
0x105: {  	[tilespmem:$0x1FF40] =	vst v1;
	v1 =	vld [tilespmem:$0x71A0]  }
0x106: {  	v9 =	vadd.f32 v17, v9;
	v17 =	vld [tilespmem:$0x72A0]  }
0x107: {  	v10 =	vadd.f32 v18, v10;
	v18 =	vld [tilespmem:$0x72B0]  }
0x108: {  	v11 =	vadd.f32 v19, v11;
	v19 =	vld [tilespmem:$0x72C0]  }
0x109: {  	v4 =	vadd.f32 v20, v4;
	v20 =	vld [tilespmem:$0x72D0]  }
0x10a: {  	[tilespmem:$0x1FF50] =	vst v1;
	v1 =	vld [tilespmem:$0x71B0]  }
0x10b: {  	v5 =	vadd.f32 v21, v5;
	v21 =	vld [tilespmem:$0x72E0]  }
0x10c: {  	v6 =	vadd.f32 v22, v6;
	v22 =	vld [tilespmem:$0x72F0]  }
0x10d: {  	v7 =	vadd.f32 v23, v7;
	v23 =	vld [tilespmem:$0x7300]  }
0x10e: {  	v8 =	vadd.f32 v24, v8;
	v24 =	vld [tilespmem:$0x7310]  }
0x10f: {  	[tilespmem:$0x1FF60] =	vst v1;
	v1 =	vld [tilespmem:$0x71C0]  }
0x110: {  	v9 =	vadd.f32 v25, v9;
	v25 =	vld [tilespmem:$0x7320]  }
0x111: {  	v10 =	vadd.f32 v26, v10;
	v26 =	vld [tilespmem:$0x7330]  }
0x112: {  	v11 =	vadd.f32 v27, v11;
	v27 =	vld [tilespmem:$0x7340]  }
0x113: {  	v4 =	vadd.f32 v28, v4;
	v28 =	vld [tilespmem:$0x7350]  }
0x114: {  	[tilespmem:$0x1FF70] =	vst v1;
	v1 =	vld [tilespmem:$0x71D0]  }
0x115: {  	v5 =	vadd.f32 v29, v5;
	v29 =	vld [tilespmem:$0x7360]  }
0x116: {  	v6 =	vadd.f32 v30, v6;
	v30 =	vld [tilespmem:$0x7370]  }
0x117: {  	v7 =	vadd.f32 v31, v7;
	v31 =	vld [tilespmem:$0x7380]  }
0x118: {  	v8 =	vadd.f32 v32, v8;
	v32 =	vld [tilespmem:$0x7390]  }
0x119: {  	[tilespmem:$0x1FF80] =	vst v1;
	v1 =	vld [tilespmem:$0x71E0]  }
0x11a: {  	v9 =	vadd.f32 v33, v9;
	v33 =	vld [tilespmem:$0x73A0]  }
0x11b: {  	v10 =	vadd.f32 v34, v10;
	v34 =	vld [tilespmem:$0x73B0]  }
0x11c: {  	v11 =	vadd.f32 v35, v11;
	v35 =	vld [tilespmem:$0x73C0]  }
0x11d: {  	v4 =	vadd.f32 v36, v4;
	v36 =	vld [tilespmem:$0x73D0]  }
0x11e: {  	[tilespmem:$0x1FF90] =	vst v1;
	v1 =	vld [tilespmem:$0x71F0]  }
0x11f: {  	v5 =	vadd.f32 v37, v5;
	v37 =	vld [tilespmem:$0x73E0]  }
0x120: {  	v6 =	vadd.f32 v38, v6;
	v11 =	vadd.f32 v43, v11;
	v38 =	vld [tilespmem:$0x7430]  }
0x121: {  	v43 =	vld [tilespmem:$0x7470]  }
0x122: {  	v11 =	vadd.f32 v51, v11;
	v51 =	vld [tilespmem:$0x1FF20]  }
0x123: {  	[tilespmem:$0x1FFA0] =	vst v1;
	v1 =	vld [tilespmem:$0x7200]  }
0x124: {  	v4 =	vadd.f32 v44, v4;
	v44 =	vld [tilespmem:$0x7480]  }
0x125: {  	v7 =	vadd.f32 v39, v7;
	v5 =	vadd.f32 v45, v5;
	v45 =	vld [tilespmem:$0x7490]  }
0x126: {  	v6 =	vadd.f32 v46, v6;
	v46 =	vld [tilespmem:$0x74A0]  }
0x127: {  	v8 =	vadd.f32 v40, v8;
	v7 =	vadd.f32 v47, v7;
	v47 =	vld [tilespmem:$0x74B0]  }
0x128: {  	v9 =	vadd.f32 v41, v9;
	[tilespmem:$0x1FFB0] =	vst v1;
	v1 =	vld [tilespmem:$0x7210]  }
0x129: {  	v10 =	vadd.f32 v42, v10;
	v8 =	vadd.f32 v48, v8;
	v48 =	vld [tilespmem:$0x74C0]  }
0x12a: {  	v9 =	vadd.f32 v49, v9;
	v49 =	vld [tilespmem:$0x74D0]  }
0x12b: {  	v10 =	vadd.f32 v50, v10;
	v5 =	vadd.f32 v53, v5;
	v53 =	vld [tilespmem:$0x1FF80]  }
0x12c: {  	v50 =	vld [tilespmem:$0x74E0];
	v9 =	vadd.f32 v57, v9;
	v11 =	vadd.f32 v59, v11  }
0x12d: {  	[tilespmem:$0x1FFC0] =	vst v1;
	v1 =	vld [tilespmem:$0x7220]  }
0x12e: {  	v2 =	vadd.f32 v2, v9;
	v3 =	vadd.f32 v3, v11;
	v11 =	vld [tilespmem:$0x1FF50]  }
0x12f: {  	v6 =	vadd.f32 v54, v6;
	v8 =	vadd.f32 v56, v8;
	v56 =	vld [tilespmem:$0x7440]  }
0x130: {  	v7 =	vadd.f32 v55, v7;
	v2 =	vadd.f32 v53, v2;
	v55 =	vld [tilespmem:$0x1FFA0]  }
0x131: {  	v59 =	vld [tilespmem:$0x7450];
	v6 =	vadd.f32 v62, v6  }
0x132: {  	v4 =	vadd.f32 v52, v4;
	v2 =	vadd.f32 v12, v2;
	[tilespmem:$0x1FFD0] =	vst v1;
	v1 =	vld [tilespmem:$0x7230]  }
0x133: {  	v10 =	vadd.f32 v58, v10;
	v6 =	vadd.f32 v11, v6;
	v11 =	vld [tilespmem:$0x1FF60]  }
0x134: {  	v4 =	vadd.f32 v60, v4;
	v2 =	vadd.f32 v20, v2;
	v60 =	vld [tilespmem:$0x1FFD0]  }
0x135: {  	v7 =	vadd.f32 v63, v7;
	v52 =	vld [tilespmem:$0x1FF70];
	v3 =	vadd.f32 v55, v3  }
0x136: {  	v0 =	vadd.f32 v0, v8;
	v8 =	vld [tilespmem:$0x73F0];
	v2 =	vadd.f32 v28, v2  }
0x137: {  	v5 =	vadd.f32 v61, v5;
	v3 =	vadd.f32 v14, v3;
	[tilespmem:$0x1FFE0] =	vst v1;
	v1 =	vld [tilespmem:$0x7240]  }
0x138: {  	v7 =	vadd.f32 v11, v7;
	v54 =	vld [tilespmem:$0x1FF90];
	v2 =	vadd.f32 v36, v2  }
0x139: {  	v3 =	vadd.f32 v22, v3;
	v6 =	vadd.f32 v60, v6;
	v61 =	vld [tilespmem:$0x1FFE0]  }
0x13a: {  	v9 =	vld [tilespmem:$0x7400];
	v0 =	vadd.f32 v52, v0;
	v2 =	vadd.f32 v59, v2  }
0x13b: {  	v11 =	vld [tilespmem:$0x7420];
	v3 =	vadd.f32 v30, v3;
	v6 =	vadd.f32 v17, v6  }
0x13c: {  	v2 =	vadd.f32 v49, v2;
	[tilespmem:$0x1FFF0] =	vst v1;
	v1 =	vadd.f32 v51, v10;
	v10 =	vld [tilespmem:$0x1FF30]  }
0x13d: {  	v3 =	vadd.f32 v8, v3;
	v6 =	vadd.f32 v25, v6;
	v51 =	vld [tilespmem:$0x74F0]  }
0x13e: {  	v7 =	vadd.f32 v61, v7;
	v63 =	vld [tilespmem:$0x1FFF0];
	v1 =	vadd.f32 v54, v1  }
0x13f: {  	v57 =	vld [tilespmem:$0x1FFB0];
	v3 =	vadd.f32 v43, v3;
	v6 =	vadd.f32 v33, v6  }
0x140: {  	v62 =	vld [tilespmem:$0x7460];
	v7 =	vadd.f32 v18, v7;
	v1 =	vadd.f32 v13, v1  }
0x141: {  	v54 =	vld [tilespmem:$0x7520];
	v6 =	vadd.f32 v11, v6;
	v4 =	vadd.f32 v10, v4  }
0x142: {  	v10 =	vld [tilespmem:$0x1FF40];
	v7 =	vadd.f32 v26, v7;
	v3 =	vadd.f32 v51, v3  }
0x143: {  	v11 =	vld [tilespmem:$0x7570];
	v0 =	vadd.f32 v63, v0;
	v1 =	vadd.f32 v21, v1  }
0x144: {  	v58 =	vld [tilespmem:$0x1FFC0];
	v6 =	vadd.f32 v46, v6;
	v4 =	vadd.f32 v57, v4  }
0x145: {  	v52 =	vld [tilespmem:$0x7500];
	v7 =	vadd.f32 v34, v7;
	v0 =	vadd.f32 v19, v0  }
0x146: {  	v53 =	vld [tilespmem:$0x7510];
	v1 =	vadd.f32 v29, v1;
	v6 =	vadd.f32 v54, v6  }
0x147: {  	v55 =	vld [tilespmem:$0x7530];
	v4 =	vadd.f32 v15, v4;
	v5 =	vadd.f32 v10, v5  }
0x148: {  	v59 =	vld [tilespmem:$0x75B0];
	v7 =	vadd.f32 v38, v7;
	v3 =	vadd.f32 v11, v3  }
0x149: {  	v8 =	vld [tilespmem:$0x7540];
	v0 =	vadd.f32 v27, v0;
	v5 =	vadd.f32 v58, v5  }
0x14a: {  	v60 =	vld [tilespmem:$0x75C0];
	v1 =	vadd.f32 v37, v1;
	v4 =	vadd.f32 v23, v4  }
0x14b: {  	s20 =	smul.u32 $0x68, s30;
	v61 =	vld [tilespmem:$0x75D0];
	v7 =	vadd.f32 v47, v7;
	v5 =	vadd.f32 v16, v5  }
0x14c: {  	v10 =	vld [tilespmem:$0x7410];
	v0 =	vadd.f32 v35, v0;
	v1 =	vadd.f32 v62, v1  }
0x14d: {  	s20 =	sshra.s32 s20, $0x2;
	v58 =	vld [tilespmem:$0x75A0];
	v4 =	vadd.f32 v31, v4;
	v5 =	vadd.f32 v24, v5  }
0x14e: {  	s20 =	sld [smem:s22+s20];
	v63 =	vld [tilespmem:$0x75F0];
	v7 =	vadd.f32 v55, v7;
	v0 =	vadd.f32 v56, v0  }
0x14f: {  	v4 =	vadd.f32 v9, v4;
	v9 =	vld [tilespmem:$0x7550];
	v5 =	vadd.f32 v32, v5  }
0x150: {  	v56 =	vld [tilespmem:$0x7580];
	v1 =	vadd.f32 v50, v1;
	v0 =	vadd.f32 v48, v0  }
0x151: {  	s20 =	sadd.s32 $0xF, s20;
	v4 =	vadd.f32 v44, v4;
	v5 =	vadd.f32 v10, v5;
	v10 =	vld [tilespmem:$0x7560]  }
0x152: {  	s20 =	sshra.s32 s20, $0x4;
	v57 =	vld [tilespmem:$0x7590];
	v11 =	vadd.f32 v58, v6;
	v0 =	vadd.f32 v8, v0  }
0x153: {  	p1 =	slt.s32 s20, $0x2;
	v62 =	vld [tilespmem:$0x75E0];
	v4 =	vadd.f32 v52, v4;
	v5 =	vadd.f32 v45, v5  }
.Ltmp10:
0x154: {  	v8 =	vadd.f32 v59, v7;
	v2 =	vadd.f32 v9, v2;
	(pc) =	sbr.rel @p1 .LBB2_14-.Ltmp10, $4  }
0x155: {  	v9 =	vadd.f32 v56, v4;
	v5 =	vadd.f32 v53, v5  }
0x156: {  	v4 =	vadd.f32 v63, v3;
	v1 =	vadd.f32 v10, v1  }
0x157: {  	v6 =	vadd.f32 v61, v2;
	v10 =	vadd.f32 v57, v5  }
0x158: {  	v5 =	vadd.f32 v60, v0;
	v7 =	vadd.f32 v62, v1  }
0x159: {  	s20 =	sadd.s32 $0xFFFFFFFF, s20;
	s29 =	smov.u32 s23  }
.LBB2_13:
0x15a: {  	[tilespmem:s17], [sflag:$0x3] =	stream.indirect.gather [spmem:s1], $0x80, s29, s13, $0xb8;
	[tilespmem:$0x19688] =	vst v63  }
0x15b: {  	_ =	swait.ge [sflag:s18], $0x800  }
0x15c: {  	[sflag:s18] =	ssyncset.done $0x0  }
0x15d: {  	[sflag:s18] =	ssyncadd.s32 $0xFFFFF800  }
0x15e: {  	v0 =	vld [tilespmem:$0x7E00]  }
0x15f: {  	v1 =	vld [tilespmem:$0x7E10]  }
0x160: {  	v2 =	vld [tilespmem:$0x7E20]  }
0x161: {  	v3 =	vld [tilespmem:$0x7E30]  }
0x162: {  	v12 =	vld [tilespmem:$0x7E40]  }
0x163: {  	v13 =	vld [tilespmem:$0x7E50]  }
0x164: {  	v14 =	vld [tilespmem:$0x7E60]  }
0x165: {  	v15 =	vld [tilespmem:$0x7E70]  }
0x166: {  	v16 =	vld [tilespmem:$0x7E80]  }
0x167: {  	v17 =	vld [tilespmem:$0x7E90]  }
0x168: {  	v18 =	vld [tilespmem:$0x7EA0]  }
0x169: {  	v19 =	vld [tilespmem:$0x7EB0]  }
0x16a: {  	v20 =	vld [tilespmem:$0x7EC0]  }
0x16b: {  	v21 =	vld [tilespmem:$0x7ED0]  }
0x16c: {  	v22 =	vld [tilespmem:$0x7EE0]  }
0x16d: {  	v23 =	vld [tilespmem:$0x7EF0]  }
0x16e: {  	v24 =	vld [tilespmem:$0x7F00]  }
0x16f: {  	v25 =	vld [tilespmem:$0x7F10]  }
0x170: {  	v26 =	vld [tilespmem:$0x7F20]  }
0x171: {  	v27 =	vld [tilespmem:$0x7F30]  }
0x172: {  	v28 =	vld [tilespmem:$0x7F40]  }
0x173: {  	v29 =	vld [tilespmem:$0x7F50]  }
0x174: {  	v30 =	vld [tilespmem:$0x7F60]  }
0x175: {  	v31 =	vld [tilespmem:$0x7F70]  }
0x176: {  	v32 =	vld [tilespmem:$0x7F80]  }
0x177: {  	v33 =	vld [tilespmem:$0x7F90]  }
0x178: {  	v34 =	vld [tilespmem:$0x7FA0]  }
0x179: {  	v35 =	vld [tilespmem:$0x7FB0]  }
0x17a: {  	v36 =	vld [tilespmem:$0x7FC0]  }
0x17b: {  	v37 =	vld [tilespmem:$0x7FD0]  }
0x17c: {  	v38 =	vld [tilespmem:$0x7FE0]  }
0x17d: {  	v39 =	vld [tilespmem:$0x7FF0]  }
0x17e: {  	v40 =	vld [tilespmem:$0x8000]  }
0x17f: {  	v41 =	vld [tilespmem:$0x8010]  }
0x180: {  	v42 =	vld [tilespmem:$0x8020]  }
0x181: {  	v43 =	vld [tilespmem:$0x8030]  }
0x182: {  	v44 =	vld [tilespmem:$0x8040]  }
0x183: {  	v45 =	vld [tilespmem:$0x8050]  }
0x184: {  	v46 =	vld [tilespmem:$0x8060]  }
0x185: {  	v47 =	vld [tilespmem:$0x8070]  }
0x186: {  	v48 =	vld [tilespmem:$0x8080]  }
0x187: {  	v49 =	vld [tilespmem:$0x8090]  }
0x188: {  	v50 =	vld [tilespmem:$0x80A0]  }
0x189: {  	v51 =	vld [tilespmem:$0x80B0]  }
0x18a: {  	v52 =	vld [tilespmem:$0x80C0]  }
0x18b: {  	v53 =	vld [tilespmem:$0x80D0]  }
0x18c: {  	v54 =	vld [tilespmem:$0x80E0]  }
0x18d: {  	v55 =	vld [tilespmem:$0x80F0]  }
0x18e: {  	v56 =	vld [tilespmem:$0x8100]  }
0x18f: {  	v57 =	vld [tilespmem:$0x8110]  }
0x190: {  	v58 =	vld [tilespmem:$0x8120]  }
0x191: {  	v62 =	vld [tilespmem:$0x8160]  }
0x192: {  	v59 =	vld [tilespmem:$0x8130]  }
0x193: {  	v60 =	vld [tilespmem:$0x8140]  }
0x194: {  	v61 =	vld [tilespmem:$0x8150]  }
0x195: {  	v63 =	vld [tilespmem:$0x8170]  }
0x196: {  	[tilespmem:$0x1FE40] =	vst v62;
	v62 =	vld [tilespmem:$0x8180]  }
0x197: {  	v0 =	vadd.f32 v0, v9;
	v9 =	vld [tilespmem:$0x8250]  }
0x198: {  	v3 =	vadd.f32 v3, v8;
	v8 =	vld [tilespmem:$0x8260]  }
0x199: {  	v1 =	vadd.f32 v1, v10;
	v10 =	vld [tilespmem:$0x8270]  }
0x19a: {  	v2 =	vadd.f32 v2, v11;
	v11 =	vld [tilespmem:$0x8280]  }
0x19b: {  	v5 =	vadd.f32 v12, v5;
	v12 =	vld [tilespmem:$0x8290]  }
0x19c: {  	v6 =	vadd.f32 v13, v6;
	v13 =	vld [tilespmem:$0x82A0]  }
0x19d: {  	v7 =	vadd.f32 v14, v7;
	v14 =	vld [tilespmem:$0x82B0]  }
0x19e: {  	v4 =	vadd.f32 v15, v4;
	v15 =	vld [tilespmem:$0x82C0]  }
0x19f: {  	v0 =	vadd.f32 v16, v0;
	v16 =	vld [tilespmem:$0x82D0]  }
0x1a0: {  	[tilespmem:$0x1FE50] =	vst v62;
	v62 =	vld [tilespmem:$0x8190]  }
0x1a1: {  	v1 =	vadd.f32 v17, v1;
	v17 =	vld [tilespmem:$0x82E0]  }
0x1a2: {  	v2 =	vadd.f32 v18, v2;
	v18 =	vld [tilespmem:$0x82F0]  }
0x1a3: {  	v3 =	vadd.f32 v19, v3;
	v19 =	vld [tilespmem:$0x8300]  }
0x1a4: {  	v5 =	vadd.f32 v20, v5;
	v20 =	vld [tilespmem:$0x8310]  }
0x1a5: {  	[tilespmem:$0x1FE60] =	vst v62;
	v62 =	vld [tilespmem:$0x81A0]  }
0x1a6: {  	v6 =	vadd.f32 v21, v6;
	v21 =	vld [tilespmem:$0x8320]  }
0x1a7: {  	v7 =	vadd.f32 v22, v7;
	v22 =	vld [tilespmem:$0x8330]  }
0x1a8: {  	v4 =	vadd.f32 v23, v4;
	v23 =	vld [tilespmem:$0x8340]  }
0x1a9: {  	v0 =	vadd.f32 v24, v0;
	v24 =	vld [tilespmem:$0x8350]  }
0x1aa: {  	[tilespmem:$0x1FE70] =	vst v62;
	v62 =	vld [tilespmem:$0x81B0]  }
0x1ab: {  	v1 =	vadd.f32 v25, v1;
	v25 =	vld [tilespmem:$0x8360]  }
0x1ac: {  	v2 =	vadd.f32 v26, v2;
	v26 =	vld [tilespmem:$0x8370]  }
0x1ad: {  	v3 =	vadd.f32 v27, v3;
	v27 =	vld [tilespmem:$0x8380]  }
0x1ae: {  	v5 =	vadd.f32 v28, v5;
	v28 =	vld [tilespmem:$0x8390]  }
0x1af: {  	[tilespmem:$0x1FE80] =	vst v62;
	v62 =	vld [tilespmem:$0x81C0]  }
0x1b0: {  	v6 =	vadd.f32 v29, v6;
	v29 =	vld [tilespmem:$0x83A0]  }
0x1b1: {  	v7 =	vadd.f32 v30, v7;
	v30 =	vld [tilespmem:$0x83B0]  }
0x1b2: {  	v4 =	vadd.f32 v31, v4;
	v31 =	vld [tilespmem:$0x83C0]  }
0x1b3: {  	v0 =	vadd.f32 v32, v0;
	v32 =	vld [tilespmem:$0x83D0]  }
0x1b4: {  	[tilespmem:$0x1FE90] =	vst v62;
	v62 =	vld [tilespmem:$0x81D0]  }
0x1b5: {  	v1 =	vadd.f32 v33, v1;
	v33 =	vld [tilespmem:$0x83E0]  }
0x1b6: {  	v2 =	vadd.f32 v34, v2;
	v34 =	vld [tilespmem:$0x83F0]  }
0x1b7: {  	v3 =	vadd.f32 v35, v3;
	v35 =	vld [tilespmem:$0x8400]  }
0x1b8: {  	v5 =	vadd.f32 v36, v5;
	v36 =	vld [tilespmem:$0x8410]  }
0x1b9: {  	[tilespmem:$0x1FEA0] =	vst v62;
	v62 =	vld [tilespmem:$0x81E0]  }
0x1ba: {  	v6 =	vadd.f32 v37, v6;
	v37 =	vld [tilespmem:$0x8420]  }
0x1bb: {  	v7 =	vadd.f32 v38, v7;
	v38 =	vld [tilespmem:$0x8430]  }
0x1bc: {  	v4 =	vadd.f32 v39, v4;
	v39 =	vld [tilespmem:$0x8440]  }
0x1bd: {  	v7 =	vadd.f32 v46, v7;
	v46 =	vld [tilespmem:$0x84B0]  }
0x1be: {  	v1 =	vadd.f32 v41, v1;
	[tilespmem:$0x1FEB0] =	vst v62;
	v62 =	vld [tilespmem:$0x81F0]  }
0x1bf: {  	v2 =	vadd.f32 v42, v2;
	v4 =	vadd.f32 v47, v4;
	v47 =	vld [tilespmem:$0x84C0]  }
0x1c0: {  	v0 =	vadd.f32 v40, v0;
	v1 =	vadd.f32 v49, v1;
	v49 =	vld [tilespmem:$0x1FE40]  }
0x1c1: {  	v3 =	vadd.f32 v43, v3;
	v2 =	vadd.f32 v50, v2;
	v50 =	vld [tilespmem:$0x1FE50]  }
0x1c2: {  	v5 =	vadd.f32 v44, v5;
	v0 =	vadd.f32 v48, v0;
	v48 =	vld [tilespmem:$0x84D0]  }
0x1c3: {  	v6 =	vadd.f32 v45, v6;
	[tilespmem:$0x1FEC0] =	vst v62;
	v62 =	vld [tilespmem:$0x8200]  }
0x1c4: {  	v3 =	vadd.f32 v51, v3;
	v5 =	vadd.f32 v52, v5;
	v51 =	vld [tilespmem:$0x1FE60]  }
0x1c5: {  	v4 =	vadd.f32 v55, v4;
	v55 =	vld [tilespmem:$0x1FEA0]  }
0x1c6: {  	v6 =	vadd.f32 v53, v6;
	v5 =	vadd.f32 v60, v5;
	v60 =	vld [tilespmem:$0x8450]  }
0x1c7: {  	v4 =	vadd.f32 v63, v4;
	v63 =	vld [tilespmem:$0x8460]  }
0x1c8: {  	v6 =	vadd.f32 v61, v6;
	[tilespmem:$0x1FED0] =	vst v62;
	v62 =	vld [tilespmem:$0x8210]  }
0x1c9: {  	v52 =	vld [tilespmem:$0x1FE70]  }
0x1ca: {  	v0 =	vadd.f32 v56, v0;
	v6 =	vadd.f32 v55, v6;
	v56 =	vld [tilespmem:$0x1FEB0]  }
0x1cb: {  	v7 =	vadd.f32 v54, v7;
	v1 =	vadd.f32 v57, v1;
	v53 =	vld [tilespmem:$0x1FE80]  }
0x1cc: {  	v2 =	vadd.f32 v58, v2;
	v6 =	vadd.f32 v9, v6;
	v57 =	vld [tilespmem:$0x1FEC0]  }
0x1cd: {  	v3 =	vadd.f32 v59, v3;
	v7 =	vadd.f32 v49, v7;
	[tilespmem:$0x1FEE0] =	vst v62;
	v62 =	vld [tilespmem:$0x8220]  }
0x1ce: {  	v0 =	vadd.f32 v50, v0;
	v49 =	vld [tilespmem:$0x84E0];
	v6 =	vadd.f32 v16, v6  }
0x1cf: {  	v1 =	vadd.f32 v51, v1;
	v54 =	vld [tilespmem:$0x1FE90];
	v7 =	vadd.f32 v56, v7  }
0x1d0: {  	v50 =	vld [tilespmem:$0x84F0];
	v2 =	vadd.f32 v52, v2;
	v6 =	vadd.f32 v24, v6  }
0x1d1: {  	v7 =	vadd.f32 v8, v7;
	v4 =	vadd.f32 v57, v4;
	v58 =	vld [tilespmem:$0x1FED0]  }
0x1d2: {  	v3 =	vadd.f32 v53, v3;
	v6 =	vadd.f32 v32, v6;
	[tilespmem:$0x1FEF0] =	vst v62;
	v62 =	vld [tilespmem:$0x8230]  }
0x1d3: {  	v56 =	vld [tilespmem:$0x8550];
	v7 =	vadd.f32 v17, v7;
	v4 =	vadd.f32 v10, v4  }
0x1d4: {  	v5 =	vadd.f32 v54, v5;
	v9 =	vld [tilespmem:$0x8470];
	v6 =	vadd.f32 v60, v6  }
0x1d5: {  	v7 =	vadd.f32 v25, v7;
	v4 =	vadd.f32 v18, v4;
	v59 =	vld [tilespmem:$0x1FEE0]  }
0x1d6: {  	v8 =	vld [tilespmem:$0x8480];
	v6 =	vadd.f32 v48, v6;
	v0 =	vadd.f32 v58, v0  }
0x1d7: {  	v7 =	vadd.f32 v33, v7;
	v4 =	vadd.f32 v26, v4;
	[tilespmem:$0x1FF00] =	vst v62;
	v62 =	vld [tilespmem:$0x8240]  }
0x1d8: {  	v57 =	vld [tilespmem:$0x8560];
	v6 =	vadd.f32 v56, v6;
	v0 =	vadd.f32 v11, v0  }
0x1d9: {  	v58 =	vld [tilespmem:$0x8570];
	v7 =	vadd.f32 v63, v7;
	v4 =	vadd.f32 v34, v4  }
0x1da: {  	v0 =	vadd.f32 v19, v0;
	v1 =	vadd.f32 v59, v1;
	v61 =	vld [tilespmem:$0x1FEF0]  }
0x1db: {  	v63 =	vld [tilespmem:$0x85F0];
	v7 =	vadd.f32 v49, v7;
	v4 =	vadd.f32 v9, v4  }
0x1dc: {  	v0 =	vadd.f32 v27, v0;
	v1 =	vadd.f32 v12, v1;
	[tilespmem:$0x1FF10] =	vst v62;
	v62 =	vld [tilespmem:$0x1FF00]  }
0x1dd: {  	v7 =	vadd.f32 v57, v7;
	v4 =	vadd.f32 v50, v4;
	v45 =	vld [tilespmem:$0x1FF10]  }
0x1de: {  	v51 =	vld [tilespmem:$0x8500];
	v0 =	vadd.f32 v35, v0;
	v1 =	vadd.f32 v20, v1  }
0x1df: {  	v52 =	vld [tilespmem:$0x8510];
	v4 =	vadd.f32 v58, v4;
	v2 =	vadd.f32 v61, v2  }
0x1e0: {  	v53 =	vld [tilespmem:$0x8520];
	v0 =	vadd.f32 v8, v0;
	v1 =	vadd.f32 v28, v1  }
0x1e1: {  	v54 =	vld [tilespmem:$0x8530];
	v4 =	vadd.f32 v63, v4;
	v2 =	vadd.f32 v13, v2  }
0x1e2: {  	v9 =	vld [tilespmem:$0x8580];
	v3 =	vadd.f32 v62, v3;
	v5 =	vadd.f32 v45, v5  }
0x1e3: {  	v10 =	vld [tilespmem:$0x8490];
	v0 =	vadd.f32 v51, v0;
	v2 =	vadd.f32 v21, v2  }
0x1e4: {  	v11 =	vld [tilespmem:$0x84A0];
	v3 =	vadd.f32 v14, v3;
	v5 =	vadd.f32 v15, v5  }
0x1e5: {  	v55 =	vld [tilespmem:$0x8540];
	v1 =	vadd.f32 v36, v1;
	v2 =	vadd.f32 v29, v2  }
0x1e6: {  	v61 =	vld [tilespmem:$0x85D0];
	v3 =	vadd.f32 v22, v3;
	v5 =	vadd.f32 v23, v5  }
0x1e7: {  	v60 =	vld [tilespmem:$0x85C0];
	v9 =	vadd.f32 v9, v0;
	v2 =	vadd.f32 v37, v2  }
0x1e8: {  	v8 =	vld [tilespmem:$0x8590];
	v3 =	vadd.f32 v30, v3;
	v5 =	vadd.f32 v31, v5  }
0x1e9: {  	v1 =	vadd.f32 v10, v1;
	v62 =	vld [tilespmem:$0x85E0];
	v2 =	vadd.f32 v11, v2  }
0x1ea: {  	v11 =	vld [tilespmem:$0x85A0];
	v3 =	vadd.f32 v38, v3;
	v5 =	vadd.f32 v39, v5  }
0x1eb: {  	p1 =	sne.s32 s20, $0x1;
	v59 =	vld [tilespmem:$0x85B0];
	v6 =	vadd.f32 v61, v6;
	v1 =	vadd.f32 v52, v1  }
.Ltmp11:
0x1ec: {  	v3 =	vadd.f32 v46, v3;
	v5 =	vadd.f32 v47, v5;
	(pc) =	sbr.rel @p1 .LBB2_13-.Ltmp11, $4  }
0x1ed: {  	v10 =	vadd.f32 v8, v1;
	v2 =	vadd.f32 v53, v2  }
0x1ee: {  	v3 =	vadd.f32 v54, v3;
	v5 =	vadd.f32 v55, v5  }
0x1ef: {  	v7 =	vadd.f32 v62, v7;
	v11 =	vadd.f32 v11, v2  }
0x1f0: {  	s29 =	sadd.s32 $0x10, s29;
	s20 =	sadd.s32 $0xFFFFFFFF, s20;
	v8 =	vadd.f32 v59, v3;
	v5 =	vadd.f32 v60, v5  }
.LBB2_14:
0x1f1: {  	[tilespmem:s0+$0x8600] =	vst v9  }
0x1f2: {  	[tilespmem:s0+$0x8610] =	vst v10  }
0x1f3: {  	[tilespmem:s0+$0x8620] =	vst v11;
	p1 =	seq.s32 s30, $0xF  }
0x1f4: {  	[tilespmem:s0+$0x8650] =	vst v6;
	s20 =	smul.u32 @!p1 $0x1380, s30  }
0x1f5: {  	[tilespmem:s0+$0x8670] =	vst v4  }
0x1f6: {  	[tilespmem:s0+$0x8630] =	vst v8;
	s20 =	sshra.s32 @!p1 s20, $0x2  }
0x1f7: {  	[tilespmem:s0+$0x8640] =	vst v5;
	s20 =	sadd.s32 @!p1 s25, s20  }
0x1f8: {  	[tilespmem:s0+$0x8660] =	vst v7;
	s29 =	simm.s32 @!p1 $0x6E00;
	s0 =	sadd.s32 @!p1 $0x24E0, s20;
	s20 =	simm.s32 @!p1 $0x10  }
0x1f9: {  	[tilespmem:s29], [sflag:$0x1] =	stream.indirect.gather @!p1 [spmem:s1], $0x80, s0, s20, $0xb8;
	[tilespmem:$0x19688] =	vst v63  }
0x1fa: {  	_ =	swait.ge [sflag:s19], $0x800  }
0x1fb: {  	s29 =	sshll.u32 s31, $0x7;
	[sflag:s19] =	ssyncset.done $0x0  }
0x1fc: {  	s0 =	sand.u32 $0x3FFFFF80, s29;
	[sflag:s19] =	ssyncadd.s32 $0xFFFFF800  }
0x1fd: {  	v0 =	vld [tilespmem:s0+$0x8600]  }
0x1fe: {  	v1 =	vld [tilespmem:s0+$0x8610]  }
0x1ff: {  	v2 =	vld [tilespmem:s0+$0x8620]  }
0x200: {  	v3 =	vld [tilespmem:s0+$0x8630]  }
0x201: {  	v4 =	vld [tilespmem:s0+$0x8640]  }
0x202: {  	v5 =	vld [tilespmem:s0+$0x8650]  }
0x203: {  	v6 =	vld [tilespmem:s0+$0x8660]  }
0x204: {  	v7 =	vld [tilespmem:s0+$0x8670]  }
0x205: {  	v8 =	vld [tilespmem:$0x7600]  }
0x206: {  	v9 =	vld [tilespmem:$0x7610]  }
0x207: {  	v10 =	vld [tilespmem:$0x7620]  }
0x208: {  	v11 =	vld [tilespmem:$0x7630]  }
0x209: {  	v12 =	vld [tilespmem:$0x7640]  }
0x20a: {  	v13 =	vld [tilespmem:$0x7650]  }
0x20b: {  	v14 =	vld [tilespmem:$0x7660]  }
0x20c: {  	v15 =	vld [tilespmem:$0x7670]  }
0x20d: {  	v16 =	vld [tilespmem:$0x7680]  }
0x20e: {  	v17 =	vld [tilespmem:$0x7690]  }
0x20f: {  	v18 =	vld [tilespmem:$0x76A0]  }
0x210: {  	v19 =	vld [tilespmem:$0x76B0]  }
0x211: {  	v20 =	vld [tilespmem:$0x76C0]  }
0x212: {  	v21 =	vld [tilespmem:$0x76D0]  }
0x213: {  	v22 =	vld [tilespmem:$0x76E0]  }
0x214: {  	v23 =	vld [tilespmem:$0x76F0]  }
0x215: {  	v24 =	vld [tilespmem:$0x7700]  }
0x216: {  	v25 =	vld [tilespmem:$0x7710]  }
0x217: {  	v26 =	vld [tilespmem:$0x7720]  }
0x218: {  	v27 =	vld [tilespmem:$0x7730]  }
0x219: {  	v28 =	vld [tilespmem:$0x7740]  }
0x21a: {  	v29 =	vld [tilespmem:$0x7750]  }
0x21b: {  	v30 =	vld [tilespmem:$0x7760]  }
0x21c: {  	v31 =	vld [tilespmem:$0x7770]  }
0x21d: {  	v32 =	vld [tilespmem:$0x7780]  }
0x21e: {  	v33 =	vld [tilespmem:$0x7790]  }
0x21f: {  	v34 =	vld [tilespmem:$0x77A0]  }
0x220: {  	v35 =	vld [tilespmem:$0x77B0]  }
0x221: {  	v36 =	vld [tilespmem:$0x77C0]  }
0x222: {  	v37 =	vld [tilespmem:$0x77D0]  }
0x223: {  	v38 =	vld [tilespmem:$0x77E0]  }
0x224: {  	v39 =	vld [tilespmem:$0x77F0]  }
0x225: {  	v40 =	vld [tilespmem:$0x7800]  }
0x226: {  	v41 =	vld [tilespmem:$0x7810]  }
0x227: {  	v42 =	vld [tilespmem:$0x7820]  }
0x228: {  	v43 =	vld [tilespmem:$0x7830]  }
0x229: {  	v44 =	vld [tilespmem:$0x7840]  }
0x22a: {  	v45 =	vld [tilespmem:$0x7850]  }
0x22b: {  	v46 =	vld [tilespmem:$0x7860]  }
0x22c: {  	v47 =	vld [tilespmem:$0x7870]  }
0x22d: {  	v48 =	vld [tilespmem:$0x7880]  }
0x22e: {  	v49 =	vld [tilespmem:$0x7890]  }
0x22f: {  	v50 =	vld [tilespmem:$0x78A0]  }
0x230: {  	v51 =	vld [tilespmem:$0x78B0]  }
0x231: {  	v52 =	vld [tilespmem:$0x78C0]  }
0x232: {  	v53 =	vld [tilespmem:$0x78D0]  }
0x233: {  	v54 =	vld [tilespmem:$0x78E0]  }
0x234: {  	v55 =	vld [tilespmem:$0x78F0]  }
0x235: {  	v56 =	vld [tilespmem:$0x7900]  }
0x236: {  	v57 =	vld [tilespmem:$0x7910]  }
0x237: {  	v58 =	vld [tilespmem:$0x7920]  }
0x238: {  	v62 =	vld [tilespmem:$0x7960]  }
0x239: {  	v59 =	vld [tilespmem:$0x7930]  }
0x23a: {  	v60 =	vld [tilespmem:$0x7940]  }
0x23b: {  	v61 =	vld [tilespmem:$0x7950]  }
0x23c: {  	v63 =	vld [tilespmem:$0x7970]  }
0x23d: {  	[tilespmem:$0x1FD60] =	vst v62;
	v62 =	vld [tilespmem:$0x7980]  }
0x23e: {  	v0 =	vadd.f32 v8, v0;
	v8 =	vld [tilespmem:$0x7A50]  }
0x23f: {  	v1 =	vadd.f32 v9, v1;
	v9 =	vld [tilespmem:$0x7A60]  }
0x240: {  	v2 =	vadd.f32 v10, v2;
	v10 =	vld [tilespmem:$0x7A70]  }
0x241: {  	v3 =	vadd.f32 v11, v3;
	v11 =	vld [tilespmem:$0x7A80]  }
0x242: {  	v4 =	vadd.f32 v12, v4;
	v12 =	vld [tilespmem:$0x7A90]  }
0x243: {  	v5 =	vadd.f32 v13, v5;
	v13 =	vld [tilespmem:$0x7AA0]  }
0x244: {  	v6 =	vadd.f32 v14, v6;
	v14 =	vld [tilespmem:$0x7AB0]  }
0x245: {  	v7 =	vadd.f32 v15, v7;
	v15 =	vld [tilespmem:$0x7AC0]  }
0x246: {  	[tilespmem:$0x1FD70] =	vst v62;
	v62 =	vld [tilespmem:$0x7990]  }
0x247: {  	v0 =	vadd.f32 v16, v0;
	v16 =	vld [tilespmem:$0x7AD0]  }
0x248: {  	v1 =	vadd.f32 v17, v1;
	v17 =	vld [tilespmem:$0x7AE0]  }
0x249: {  	v2 =	vadd.f32 v18, v2;
	v18 =	vld [tilespmem:$0x7AF0]  }
0x24a: {  	v3 =	vadd.f32 v19, v3;
	v19 =	vld [tilespmem:$0x7B00]  }
0x24b: {  	[tilespmem:$0x1FD80] =	vst v62;
	v62 =	vld [tilespmem:$0x79A0]  }
0x24c: {  	v4 =	vadd.f32 v20, v4;
	v20 =	vld [tilespmem:$0x7B10]  }
0x24d: {  	v5 =	vadd.f32 v21, v5;
	v21 =	vld [tilespmem:$0x7B20]  }
0x24e: {  	v6 =	vadd.f32 v22, v6;
	v22 =	vld [tilespmem:$0x7B30]  }
0x24f: {  	v7 =	vadd.f32 v23, v7;
	v23 =	vld [tilespmem:$0x7B40]  }
0x250: {  	[tilespmem:$0x1FD90] =	vst v62;
	v62 =	vld [tilespmem:$0x79B0]  }
0x251: {  	v0 =	vadd.f32 v24, v0;
	v24 =	vld [tilespmem:$0x7B50]  }
0x252: {  	v1 =	vadd.f32 v25, v1;
	v25 =	vld [tilespmem:$0x7B60]  }
0x253: {  	v2 =	vadd.f32 v26, v2;
	v26 =	vld [tilespmem:$0x7B70]  }
0x254: {  	v3 =	vadd.f32 v27, v3;
	v27 =	vld [tilespmem:$0x7B80]  }
0x255: {  	[tilespmem:$0x1FDA0] =	vst v62;
	v62 =	vld [tilespmem:$0x79C0]  }
0x256: {  	v4 =	vadd.f32 v28, v4;
	v28 =	vld [tilespmem:$0x7B90]  }
0x257: {  	v5 =	vadd.f32 v29, v5;
	v29 =	vld [tilespmem:$0x7BA0]  }
0x258: {  	v6 =	vadd.f32 v30, v6;
	v30 =	vld [tilespmem:$0x7BB0]  }
0x259: {  	v7 =	vadd.f32 v31, v7;
	v31 =	vld [tilespmem:$0x7BC0]  }
0x25a: {  	[tilespmem:$0x1FDB0] =	vst v62;
	v62 =	vld [tilespmem:$0x79D0]  }
0x25b: {  	v0 =	vadd.f32 v32, v0;
	v32 =	vld [tilespmem:$0x7BD0]  }
0x25c: {  	v1 =	vadd.f32 v33, v1;
	v33 =	vld [tilespmem:$0x7BE0]  }
0x25d: {  	v2 =	vadd.f32 v34, v2;
	v34 =	vld [tilespmem:$0x7BF0]  }
0x25e: {  	v3 =	vadd.f32 v35, v3;
	v35 =	vld [tilespmem:$0x7C00]  }
0x25f: {  	[tilespmem:$0x1FDC0] =	vst v62;
	v62 =	vld [tilespmem:$0x79E0]  }
0x260: {  	v4 =	vadd.f32 v36, v4;
	v36 =	vld [tilespmem:$0x7C10]  }
0x261: {  	v5 =	vadd.f32 v37, v5;
	v7 =	vadd.f32 v39, v7;
	v37 =	vld [tilespmem:$0x7C20]  }
0x262: {  	v6 =	vadd.f32 v38, v6;
	v38 =	vld [tilespmem:$0x7C30]  }
0x263: {  	v7 =	vadd.f32 v47, v7;
	v47 =	vld [tilespmem:$0x1FD60]  }
0x264: {  	[tilespmem:$0x1FDD0] =	vst v62;
	v62 =	vld [tilespmem:$0x79F0]  }
0x265: {  	v4 =	vadd.f32 v44, v4;
	v44 =	vld [tilespmem:$0x7CB0]  }
0x266: {  	v0 =	vadd.f32 v40, v0;
	v5 =	vadd.f32 v45, v5;
	v45 =	vld [tilespmem:$0x7CC0]  }
0x267: {  	v6 =	vadd.f32 v46, v6;
	v46 =	vld [tilespmem:$0x7CD0]  }
0x268: {  	v1 =	vadd.f32 v41, v1;
	v0 =	vadd.f32 v48, v0;
	v48 =	vld [tilespmem:$0x1FD70]  }
0x269: {  	[tilespmem:$0x1FDE0] =	vst v62;
	v62 =	vld [tilespmem:$0x7A00]  }
0x26a: {  	v2 =	vadd.f32 v42, v2;
	v1 =	vadd.f32 v49, v1;
	v49 =	vld [tilespmem:$0x1FD80]  }
0x26b: {  	v0 =	vadd.f32 v56, v0;
	v56 =	vld [tilespmem:$0x7C40]  }
0x26c: {  	v3 =	vadd.f32 v43, v3;
	v2 =	vadd.f32 v50, v2;
	v50 =	vld [tilespmem:$0x1FD90]  }
0x26d: {  	v5 =	vadd.f32 v53, v5;
	v53 =	vld [tilespmem:$0x1FDC0]  }
0x26e: {  	v3 =	vadd.f32 v51, v3;
	[tilespmem:$0x1FDF0] =	vst v62;
	v62 =	vld [tilespmem:$0x7A10]  }
0x26f: {  	v4 =	vadd.f32 v52, v4;
	v6 =	vadd.f32 v54, v6;
	v51 =	vld [tilespmem:$0x1FDA0]  }
0x270: {  	v7 =	vadd.f32 v55, v7;
	v1 =	vadd.f32 v57, v1;
	v52 =	vld [tilespmem:$0x1FDB0]  }
0x271: {  	v2 =	vadd.f32 v58, v2;
	v5 =	vadd.f32 v61, v5;
	v54 =	vld [tilespmem:$0x1FDD0]  }
0x272: {  	v3 =	vadd.f32 v59, v3;
	v4 =	vadd.f32 v60, v4;
	v55 =	vld [tilespmem:$0x1FDE0]  }
0x273: {  	v7 =	vadd.f32 v63, v7;
	v5 =	vadd.f32 v53, v5;
	[tilespmem:$0x1FE00] =	vst v62;
	v62 =	vld [tilespmem:$0x7A20]  }
0x274: {  	v59 =	vld [tilespmem:$0x7C50];
	v6 =	vadd.f32 v47, v6;
	v0 =	vadd.f32 v48, v0  }
0x275: {  	v1 =	vadd.f32 v49, v1;
	v5 =	vadd.f32 v8, v5;
	v57 =	vld [tilespmem:$0x1FDF0]  }
0x276: {  	v47 =	vld [tilespmem:$0x7CE0];
	v2 =	vadd.f32 v50, v2;
	v3 =	vadd.f32 v51, v3  }
0x277: {  	v48 =	vld [tilespmem:$0x7CF0];
	v5 =	vadd.f32 v16, v5;
	v7 =	vadd.f32 v55, v7  }
0x278: {  	v4 =	vadd.f32 v52, v4;
	v6 =	vadd.f32 v54, v6;
	[tilespmem:$0x1FE10] =	vst v62;
	v62 =	vld [tilespmem:$0x7A30]  }
0x279: {  	v49 =	vld [tilespmem:$0x7D00];
	v5 =	vadd.f32 v24, v5;
	v7 =	vadd.f32 v10, v7  }
0x27a: {  	v6 =	vadd.f32 v9, v6;
	v0 =	vadd.f32 v57, v0;
	v58 =	vld [tilespmem:$0x1FE00]  }
0x27b: {  	v50 =	vld [tilespmem:$0x7D10];
	v5 =	vadd.f32 v32, v5;
	v7 =	vadd.f32 v18, v7  }
0x27c: {  	v8 =	vld [tilespmem:$0x7C70];
	v6 =	vadd.f32 v17, v6;
	v0 =	vadd.f32 v11, v0  }
0x27d: {  	v5 =	vadd.f32 v59, v5;
	v7 =	vadd.f32 v26, v7;
	[tilespmem:$0x1FE20] =	vst v62;
	v62 =	vld [tilespmem:$0x7A40]  }
0x27e: {  	v9 =	vld [tilespmem:$0x7C80];
	v6 =	vadd.f32 v25, v6;
	v0 =	vadd.f32 v19, v0  }
0x27f: {  	v7 =	vadd.f32 v34, v7;
	v1 =	vadd.f32 v58, v1;
	v60 =	vld [tilespmem:$0x1FE10]  }
0x280: {  	v54 =	vld [tilespmem:$0x7D50];
	v5 =	vadd.f32 v46, v5;
	v0 =	vadd.f32 v27, v0  }
0x281: {  	v7 =	vadd.f32 v8, v7;
	v1 =	vadd.f32 v12, v1;
	v61 =	vld [tilespmem:$0x1FE20]  }
0x282: {  	v51 =	vld [tilespmem:$0x7D20];
	v6 =	vadd.f32 v33, v6;
	v0 =	vadd.f32 v35, v0;
	[tilespmem:$0x1FE30] =	vst v62  }
0x283: {  	v7 =	vadd.f32 v48, v7;
	v1 =	vadd.f32 v20, v1;
	v63 =	vld [tilespmem:$0x1FE30]  }
0x284: {  	v8 =	vld [tilespmem:$0x7D80];
	v2 =	vadd.f32 v60, v2;
	v0 =	vadd.f32 v9, v0  }
0x285: {  	v52 =	vld [tilespmem:$0x7D30];
	v60 =	vadd.f32 v54, v5;
	v1 =	vadd.f32 v28, v1  }
0x286: {  	v10 =	vld [tilespmem:$0x7C90];
	v2 =	vadd.f32 v13, v2;
	v3 =	vadd.f32 v61, v3  }
0x287: {  	v53 =	vld [tilespmem:$0x7D40];
	v0 =	vadd.f32 v49, v0;
	v1 =	vadd.f32 v36, v1  }
0x288: {  	v62 =	vld [tilespmem:$0x7C60];
	v3 =	vadd.f32 v14, v3;
	v4 =	vadd.f32 v63, v4  }
0x289: {  	v55 =	vld [tilespmem:$0x7D60];
	v2 =	vadd.f32 v21, v2;
	v5 =	vadd.f32 v8, v0  }
0x28a: {  	s31 =	smul.u32 $0x34, s31;
	v11 =	vld [tilespmem:$0x7CA0];
	v3 =	vadd.f32 v22, v3;
	v4 =	vadd.f32 v15, v4  }
0x28b: {  	v59 =	vld [tilespmem:$0x7DE0];
	v1 =	vadd.f32 v10, v1;
	v2 =	vadd.f32 v29, v2  }
0x28c: {  	s20 =	sshra.s32 s31, $0x2;
	v57 =	vld [tilespmem:$0x7DC0];
	v3 =	vadd.f32 v30, v3;
	v4 =	vadd.f32 v23, v4  }
0x28d: {  	s20 =	sld [smem:s22+s20];
	v58 =	vld [tilespmem:$0x7DD0];
	v2 =	vadd.f32 v37, v2;
	v6 =	vadd.f32 v62, v6  }
0x28e: {  	v9 =	vld [tilespmem:$0x7D90];
	v3 =	vadd.f32 v38, v3;
	v4 =	vadd.f32 v31, v4  }
0x28f: {  	v2 =	vadd.f32 v11, v2;
	v11 =	vld [tilespmem:$0x7DB0];
	v6 =	vadd.f32 v47, v6  }
0x290: {  	s20 =	sadd.s32 $0xF, s20;
	v3 =	vadd.f32 v44, v3;
	v4 =	vadd.f32 v56, v4;
	v56 =	vld [tilespmem:$0x7D70]  }
0x291: {  	s20 =	sshra.s32 s20, $0x4;
	v10 =	vld [tilespmem:$0x7DA0];
	v1 =	vadd.f32 v50, v1;
	v2 =	vadd.f32 v51, v2  }
0x292: {  	p1 =	slt.s32 s20, $0x2;
	v61 =	vld [tilespmem:$0x7DF0];
	v62 =	vadd.f32 v55, v6;
	v3 =	vadd.f32 v52, v3  }
.Ltmp12:
0x293: {  	v6 =	vadd.f32 v9, v1;
	v4 =	vadd.f32 v45, v4;
	(pc) =	sbr.rel @p1 .LBB2_17-.Ltmp12, $4  }
0x294: {  	v8 =	vadd.f32 v11, v3;
	v11 =	vadd.f32 v59, v62  }
0x295: {  	v4 =	vadd.f32 v53, v4;
	v63 =	vadd.f32 v56, v7  }
0x296: {  	v7 =	vadd.f32 v10, v2;
	v10 =	vadd.f32 v58, v60  }
0x297: {  	v9 =	vadd.f32 v57, v4;
	v4 =	vadd.f32 v61, v63  }
0x298: {  	s20 =	sadd.s32 $0xFFFFFFFF, s20;
	s29 =	smov.u32 s28  }
.LBB2_16:
0x299: {  	[tilespmem:s17], [sflag:$0x3] =	stream.indirect.gather [spmem:s1], $0x80, s29, s13, $0xb8;
	[tilespmem:$0x19688] =	vst v63  }
0x29a: {  	_ =	swait.ge [sflag:s18], $0x800  }
0x29b: {  	[sflag:s18] =	ssyncset.done $0x0  }
0x29c: {  	[sflag:s18] =	ssyncadd.s32 $0xFFFFF800  }
0x29d: {  	v0 =	vld [tilespmem:$0x7E00]  }
0x29e: {  	v1 =	vld [tilespmem:$0x7E10]  }
0x29f: {  	v2 =	vld [tilespmem:$0x7E20]  }
0x2a0: {  	v3 =	vld [tilespmem:$0x7E30]  }
0x2a1: {  	v12 =	vld [tilespmem:$0x7E40]  }
0x2a2: {  	v13 =	vld [tilespmem:$0x7E50]  }
0x2a3: {  	v14 =	vld [tilespmem:$0x7E60]  }
0x2a4: {  	v15 =	vld [tilespmem:$0x7E70]  }
0x2a5: {  	v16 =	vld [tilespmem:$0x7E80]  }
0x2a6: {  	v17 =	vld [tilespmem:$0x7E90]  }
0x2a7: {  	v18 =	vld [tilespmem:$0x7EA0]  }
0x2a8: {  	v19 =	vld [tilespmem:$0x7EB0]  }
0x2a9: {  	v20 =	vld [tilespmem:$0x7EC0]  }
0x2aa: {  	v21 =	vld [tilespmem:$0x7ED0]  }
0x2ab: {  	v22 =	vld [tilespmem:$0x7EE0]  }
0x2ac: {  	v23 =	vld [tilespmem:$0x7EF0]  }
0x2ad: {  	v24 =	vld [tilespmem:$0x7F00]  }
0x2ae: {  	v25 =	vld [tilespmem:$0x7F10]  }
0x2af: {  	v26 =	vld [tilespmem:$0x7F20]  }
0x2b0: {  	v27 =	vld [tilespmem:$0x7F30]  }
0x2b1: {  	v28 =	vld [tilespmem:$0x7F40]  }
0x2b2: {  	v29 =	vld [tilespmem:$0x7F50]  }
0x2b3: {  	v30 =	vld [tilespmem:$0x7F60]  }
0x2b4: {  	v31 =	vld [tilespmem:$0x7F70]  }
0x2b5: {  	v32 =	vld [tilespmem:$0x7F80]  }
0x2b6: {  	v33 =	vld [tilespmem:$0x7F90]  }
0x2b7: {  	v34 =	vld [tilespmem:$0x7FA0]  }
0x2b8: {  	v35 =	vld [tilespmem:$0x7FB0]  }
0x2b9: {  	v36 =	vld [tilespmem:$0x7FC0]  }
0x2ba: {  	v37 =	vld [tilespmem:$0x7FD0]  }
0x2bb: {  	v38 =	vld [tilespmem:$0x7FE0]  }
0x2bc: {  	v39 =	vld [tilespmem:$0x7FF0]  }
0x2bd: {  	v40 =	vld [tilespmem:$0x8000]  }
0x2be: {  	v41 =	vld [tilespmem:$0x8010]  }
0x2bf: {  	v42 =	vld [tilespmem:$0x8020]  }
0x2c0: {  	v43 =	vld [tilespmem:$0x8030]  }
0x2c1: {  	v44 =	vld [tilespmem:$0x8040]  }
0x2c2: {  	v45 =	vld [tilespmem:$0x8050]  }
0x2c3: {  	v46 =	vld [tilespmem:$0x8060]  }
0x2c4: {  	v47 =	vld [tilespmem:$0x8070]  }
0x2c5: {  	v48 =	vld [tilespmem:$0x8080]  }
0x2c6: {  	v49 =	vld [tilespmem:$0x8090]  }
0x2c7: {  	v50 =	vld [tilespmem:$0x80A0]  }
0x2c8: {  	v51 =	vld [tilespmem:$0x80B0]  }
0x2c9: {  	v52 =	vld [tilespmem:$0x80C0]  }
0x2ca: {  	v53 =	vld [tilespmem:$0x80D0]  }
0x2cb: {  	v54 =	vld [tilespmem:$0x80E0]  }
0x2cc: {  	v55 =	vld [tilespmem:$0x80F0]  }
0x2cd: {  	v56 =	vld [tilespmem:$0x8100]  }
0x2ce: {  	v57 =	vld [tilespmem:$0x8110]  }
0x2cf: {  	v58 =	vld [tilespmem:$0x8120]  }
0x2d0: {  	v62 =	vld [tilespmem:$0x8160]  }
0x2d1: {  	v59 =	vld [tilespmem:$0x8130]  }
0x2d2: {  	v60 =	vld [tilespmem:$0x8140]  }
0x2d3: {  	v61 =	vld [tilespmem:$0x8150]  }
0x2d4: {  	v63 =	vld [tilespmem:$0x8170]  }
0x2d5: {  	[tilespmem:$0x1FC80] =	vst v62;
	v62 =	vld [tilespmem:$0x8180]  }
0x2d6: {  	v0 =	vadd.f32 v0, v5;
	v5 =	vld [tilespmem:$0x8250]  }
0x2d7: {  	v1 =	vadd.f32 v1, v6;
	v2 =	vadd.f32 v2, v7;
	v6 =	vld [tilespmem:$0x8260]  }
0x2d8: {  	v3 =	vadd.f32 v3, v8;
	v7 =	vadd.f32 v12, v9;
	v9 =	vld [tilespmem:$0x8270]  }
0x2d9: {  	v8 =	vadd.f32 v13, v10;
	v10 =	vadd.f32 v14, v11;
	v11 =	vld [tilespmem:$0x8280]  }
0x2da: {  	v12 =	vld [tilespmem:$0x8290]  }
0x2db: {  	v13 =	vld [tilespmem:$0x82A0]  }
0x2dc: {  	v14 =	vld [tilespmem:$0x82B0]  }
0x2dd: {  	v4 =	vadd.f32 v15, v4;
	v15 =	vld [tilespmem:$0x82C0]  }
0x2de: {  	[tilespmem:$0x1FC90] =	vst v62;
	v62 =	vld [tilespmem:$0x8190]  }
0x2df: {  	v0 =	vadd.f32 v16, v0;
	v16 =	vld [tilespmem:$0x82D0]  }
0x2e0: {  	v1 =	vadd.f32 v17, v1;
	v17 =	vld [tilespmem:$0x82E0]  }
0x2e1: {  	v2 =	vadd.f32 v18, v2;
	v18 =	vld [tilespmem:$0x82F0]  }
0x2e2: {  	v3 =	vadd.f32 v19, v3;
	v19 =	vld [tilespmem:$0x8300]  }
0x2e3: {  	[tilespmem:$0x1FCA0] =	vst v62;
	v62 =	vld [tilespmem:$0x81A0]  }
0x2e4: {  	v7 =	vadd.f32 v20, v7;
	v20 =	vld [tilespmem:$0x8310]  }
0x2e5: {  	v8 =	vadd.f32 v21, v8;
	v21 =	vld [tilespmem:$0x8320]  }
0x2e6: {  	v10 =	vadd.f32 v22, v10;
	v22 =	vld [tilespmem:$0x8330]  }
0x2e7: {  	v4 =	vadd.f32 v23, v4;
	v23 =	vld [tilespmem:$0x8340]  }
0x2e8: {  	[tilespmem:$0x1FCB0] =	vst v62;
	v62 =	vld [tilespmem:$0x81B0]  }
0x2e9: {  	v0 =	vadd.f32 v24, v0;
	v24 =	vld [tilespmem:$0x8350]  }
0x2ea: {  	v1 =	vadd.f32 v25, v1;
	v25 =	vld [tilespmem:$0x8360]  }
0x2eb: {  	v2 =	vadd.f32 v26, v2;
	v26 =	vld [tilespmem:$0x8370]  }
0x2ec: {  	v3 =	vadd.f32 v27, v3;
	v27 =	vld [tilespmem:$0x8380]  }
0x2ed: {  	[tilespmem:$0x1FCC0] =	vst v62;
	v62 =	vld [tilespmem:$0x81C0]  }
0x2ee: {  	v7 =	vadd.f32 v28, v7;
	v28 =	vld [tilespmem:$0x8390]  }
0x2ef: {  	v8 =	vadd.f32 v29, v8;
	v29 =	vld [tilespmem:$0x83A0]  }
0x2f0: {  	v10 =	vadd.f32 v30, v10;
	v30 =	vld [tilespmem:$0x83B0]  }
0x2f1: {  	v4 =	vadd.f32 v31, v4;
	v31 =	vld [tilespmem:$0x83C0]  }
0x2f2: {  	[tilespmem:$0x1FCD0] =	vst v62;
	v62 =	vld [tilespmem:$0x81D0]  }
0x2f3: {  	v0 =	vadd.f32 v32, v0;
	v32 =	vld [tilespmem:$0x83D0]  }
0x2f4: {  	v1 =	vadd.f32 v33, v1;
	v33 =	vld [tilespmem:$0x83E0]  }
0x2f5: {  	v2 =	vadd.f32 v34, v2;
	v34 =	vld [tilespmem:$0x83F0]  }
0x2f6: {  	v3 =	vadd.f32 v35, v3;
	v35 =	vld [tilespmem:$0x8400]  }
0x2f7: {  	[tilespmem:$0x1FCE0] =	vst v62;
	v62 =	vld [tilespmem:$0x81E0]  }
0x2f8: {  	v7 =	vadd.f32 v36, v7;
	v36 =	vld [tilespmem:$0x8410]  }
0x2f9: {  	v8 =	vadd.f32 v37, v8;
	v4 =	vadd.f32 v39, v4;
	v37 =	vld [tilespmem:$0x8420]  }
0x2fa: {  	v10 =	vadd.f32 v38, v10;
	v38 =	vld [tilespmem:$0x8430]  }
0x2fb: {  	v4 =	vadd.f32 v47, v4;
	v47 =	vld [tilespmem:$0x1FC80]  }
0x2fc: {  	[tilespmem:$0x1FCF0] =	vst v62;
	v62 =	vld [tilespmem:$0x81F0]  }
0x2fd: {  	v7 =	vadd.f32 v44, v7;
	v44 =	vld [tilespmem:$0x84B0]  }
0x2fe: {  	v0 =	vadd.f32 v40, v0;
	v8 =	vadd.f32 v45, v8;
	v45 =	vld [tilespmem:$0x84C0]  }
0x2ff: {  	v10 =	vadd.f32 v46, v10;
	v46 =	vld [tilespmem:$0x84D0]  }
0x300: {  	v1 =	vadd.f32 v41, v1;
	v0 =	vadd.f32 v48, v0;
	v48 =	vld [tilespmem:$0x1FC90]  }
0x301: {  	[tilespmem:$0x1FD00] =	vst v62;
	v62 =	vld [tilespmem:$0x8200]  }
0x302: {  	v2 =	vadd.f32 v42, v2;
	v1 =	vadd.f32 v49, v1;
	v49 =	vld [tilespmem:$0x1FCA0]  }
0x303: {  	v0 =	vadd.f32 v56, v0;
	v56 =	vld [tilespmem:$0x8440]  }
0x304: {  	v3 =	vadd.f32 v43, v3;
	v2 =	vadd.f32 v50, v2;
	v50 =	vld [tilespmem:$0x1FCB0]  }
0x305: {  	v8 =	vadd.f32 v53, v8;
	v53 =	vld [tilespmem:$0x1FCE0]  }
0x306: {  	v3 =	vadd.f32 v51, v3;
	[tilespmem:$0x1FD10] =	vst v62;
	v62 =	vld [tilespmem:$0x8210]  }
0x307: {  	v7 =	vadd.f32 v52, v7;
	v10 =	vadd.f32 v54, v10;
	v51 =	vld [tilespmem:$0x1FCC0]  }
0x308: {  	v4 =	vadd.f32 v55, v4;
	v1 =	vadd.f32 v57, v1;
	v52 =	vld [tilespmem:$0x1FCD0]  }
0x309: {  	v2 =	vadd.f32 v58, v2;
	v8 =	vadd.f32 v61, v8;
	v54 =	vld [tilespmem:$0x1FCF0]  }
0x30a: {  	v3 =	vadd.f32 v59, v3;
	v7 =	vadd.f32 v60, v7;
	v55 =	vld [tilespmem:$0x1FD00]  }
0x30b: {  	v4 =	vadd.f32 v63, v4;
	v8 =	vadd.f32 v53, v8;
	[tilespmem:$0x1FD20] =	vst v62;
	v62 =	vld [tilespmem:$0x8220]  }
0x30c: {  	v59 =	vld [tilespmem:$0x8450];
	v10 =	vadd.f32 v47, v10;
	v0 =	vadd.f32 v48, v0  }
0x30d: {  	v1 =	vadd.f32 v49, v1;
	v5 =	vadd.f32 v5, v8;
	v57 =	vld [tilespmem:$0x1FD10]  }
0x30e: {  	v47 =	vld [tilespmem:$0x84E0];
	v2 =	vadd.f32 v50, v2;
	v3 =	vadd.f32 v51, v3  }
0x30f: {  	v48 =	vld [tilespmem:$0x84F0];
	v5 =	vadd.f32 v16, v5;
	v10 =	vadd.f32 v54, v10  }
0x310: {  	v7 =	vadd.f32 v52, v7;
	v4 =	vadd.f32 v55, v4;
	[tilespmem:$0x1FD30] =	vst v62;
	v62 =	vld [tilespmem:$0x8230]  }
0x311: {  	v49 =	vld [tilespmem:$0x8500];
	v5 =	vadd.f32 v24, v5;
	v6 =	vadd.f32 v6, v10  }
0x312: {  	v4 =	vadd.f32 v9, v4;
	v0 =	vadd.f32 v57, v0;
	v58 =	vld [tilespmem:$0x1FD20]  }
0x313: {  	v50 =	vld [tilespmem:$0x8510];
	v5 =	vadd.f32 v32, v5;
	v6 =	vadd.f32 v17, v6  }
0x314: {  	v8 =	vld [tilespmem:$0x8470];
	v4 =	vadd.f32 v18, v4;
	v0 =	vadd.f32 v11, v0  }
0x315: {  	v5 =	vadd.f32 v59, v5;
	v6 =	vadd.f32 v25, v6;
	[tilespmem:$0x1FD40] =	vst v62;
	v62 =	vld [tilespmem:$0x8240]  }
0x316: {  	v4 =	vadd.f32 v26, v4;
	v0 =	vadd.f32 v19, v0;
	v60 =	vld [tilespmem:$0x1FD30]  }
0x317: {  	v9 =	vld [tilespmem:$0x8480];
	v5 =	vadd.f32 v46, v5;
	v1 =	vadd.f32 v58, v1  }
0x318: {  	v51 =	vld [tilespmem:$0x8520];
	v4 =	vadd.f32 v34, v4;
	v0 =	vadd.f32 v27, v0  }
0x319: {  	v6 =	vadd.f32 v33, v6;
	v1 =	vadd.f32 v12, v1;
	v61 =	vld [tilespmem:$0x1FD40]  }
0x31a: {  	v54 =	vld [tilespmem:$0x8550];
	v4 =	vadd.f32 v8, v4;
	v0 =	vadd.f32 v35, v0;
	[tilespmem:$0x1FD50] =	vst v62  }
0x31b: {  	v1 =	vadd.f32 v20, v1;
	v2 =	vadd.f32 v60, v2;
	v63 =	vld [tilespmem:$0x1FD50]  }
0x31c: {  	v10 =	vld [tilespmem:$0x8490];
	v4 =	vadd.f32 v48, v4;
	v0 =	vadd.f32 v9, v0  }
0x31d: {  	v52 =	vld [tilespmem:$0x8530];
	v1 =	vadd.f32 v28, v1;
	v2 =	vadd.f32 v13, v2  }
0x31e: {  	v8 =	vld [tilespmem:$0x8580];
	v0 =	vadd.f32 v49, v0;
	v3 =	vadd.f32 v61, v3  }
0x31f: {  	v53 =	vld [tilespmem:$0x8540];
	v1 =	vadd.f32 v36, v1;
	v2 =	vadd.f32 v21, v2  }
0x320: {  	v62 =	vld [tilespmem:$0x8460];
	v3 =	vadd.f32 v14, v3;
	v7 =	vadd.f32 v63, v7  }
0x321: {  	v55 =	vld [tilespmem:$0x8560];
	v1 =	vadd.f32 v10, v1;
	v61 =	vadd.f32 v54, v5  }
0x322: {  	v11 =	vld [tilespmem:$0x84A0];
	v3 =	vadd.f32 v22, v3;
	v7 =	vadd.f32 v15, v7  }
0x323: {  	v59 =	vld [tilespmem:$0x85E0];
	v5 =	vadd.f32 v8, v0;
	v2 =	vadd.f32 v29, v2  }
0x324: {  	v57 =	vld [tilespmem:$0x85C0];
	v3 =	vadd.f32 v30, v3;
	v7 =	vadd.f32 v23, v7  }
0x325: {  	v58 =	vld [tilespmem:$0x85D0];
	v2 =	vadd.f32 v37, v2;
	v6 =	vadd.f32 v62, v6  }
0x326: {  	v9 =	vld [tilespmem:$0x8590];
	v3 =	vadd.f32 v38, v3;
	v7 =	vadd.f32 v31, v7  }
0x327: {  	v2 =	vadd.f32 v11, v2;
	v11 =	vld [tilespmem:$0x85B0];
	v6 =	vadd.f32 v47, v6  }
0x328: {  	v3 =	vadd.f32 v44, v3;
	v7 =	vadd.f32 v56, v7;
	v56 =	vld [tilespmem:$0x8570]  }
0x329: {  	v10 =	vld [tilespmem:$0x85A0];
	v1 =	vadd.f32 v50, v1;
	v2 =	vadd.f32 v51, v2  }
0x32a: {  	p1 =	sne.s32 s20, $0x1;
	v62 =	vld [tilespmem:$0x85F0];
	v63 =	vadd.f32 v55, v6;
	v3 =	vadd.f32 v52, v3  }
.Ltmp13:
0x32b: {  	v6 =	vadd.f32 v9, v1;
	v7 =	vadd.f32 v45, v7;
	(pc) =	sbr.rel @p1 .LBB2_16-.Ltmp13, $4  }
0x32c: {  	v8 =	vadd.f32 v11, v3;
	v11 =	vadd.f32 v59, v63  }
0x32d: {  	v60 =	vadd.f32 v53, v7;
	v4 =	vadd.f32 v56, v4  }
0x32e: {  	v7 =	vadd.f32 v10, v2;
	v10 =	vadd.f32 v58, v61  }
0x32f: {  	s29 =	sadd.s32 $0x10, s29;
	s20 =	sadd.s32 $0xFFFFFFFF, s20;
	v9 =	vadd.f32 v57, v60;
	v4 =	vadd.f32 v62, v4  }
.Ltmp14:
0x330: {  	_ = 	snop;
	(pc) =	sbr.rel .LBB2_17-.Ltmp14, $1  }
0x331: {  	_ =	sdelay $0x3  }
.LBB2_20:
0x332: {  	_ =	sfence.sel $0x180000  }
0x333: {  	[bflag:$0x0] =	sbarrier.arrive $0xFFFF  }
0x334: {  	_ =	strace $0x90000047  }
0x335: {  	[bflag:$0x2] =	sbarrier.arrive $0xFFFF  }
0x336: {  	s0 =	rddreg [dreg:$0x3]  }
0x337: {  	s0 =	sadd.s32 @!p0 $0x100000, s0  }
0x338: {  	[sflag:s0] =	ssyncadd.tile.s32 @!p0 $0x1;
	_ =	shalt  }
.Lfunc_end2:
_tile_overlayer_lowered:
.L_overlay_start_2:
0x339: {  	(tag) =	ssettag $0x2  }
0x33a: {  	s0 =	rddreg [dreg:$0x0];
	s2 =	stileid.u32  }
0x33b: {  	s1 =	rddreg [dreg:$0x1];
	p0 =	sne.s32 s2, $0x0  }
0x33c: {  	s3 =	rddreg [dreg:$0x2];
	[bflag:$0x3] =	sbarrier.arrive $0xFFFF;
	s2 =	simm.s32 @!p0 $0x1C04  }
0x33d: {  	[timem:s3], [sflag:s2] =	dma.local @!p0 [hbm:s0], s1  }
0x33e: {  	s0 =	simm.s32 @!p0 $0x4  }
0x33f: {  	_ =	swait.ge @!p0 [sflag:s0], s1  }
0x340: {  	s1 =	ssub.s32 @!p0 $0x0, s1;
	[sflag:s0] =	ssyncset.done @!p0 $0x0  }
0x341: {  	[sflag:s0] =	ssyncadd.s32 @!p0 s1  }
0x342: {  	[bflag:$0x3] =	sbarrier.arrive $0xFFFF  }
0x343: {  	_ =	shalt  }

</sc_bundles>
